<compile_context>
chip_gen: v7x
topology: tpu7x:2x2x1
jax: 0.10.2.dev20260603
libtpu: 0.0.44.dev20260713+nightly
codegen_flags: <defaults>
</compile_context>

<pallas_src>
import jax
import jax.numpy as jnp
from jax.experimental import pallas as pl
from jax.experimental.pallas import tpu as pltpu

B = 16
H = 32
W = 32
C = 768
HEADS = 8
HD = C // HEADS
HDP = 128
CP = HEADS * HDP
WIN = 8
NH = H // WIN
NW = W // WIN
NR = NH * NW
W2 = WIN * WIN
TOPK = 4
KS = 5
SCALE = HD ** -0.5



def _qkv_body(x_ref, w_ref, b_ref, q_ref, k_ref, v_ref, r_ref):
    x16 = x_ref[0].astype(jnp.bfloat16)
    parts = []
    for i, o_ref in enumerate((q_ref, k_ref, v_ref)):
        sl = slice(i * CP, (i + 1) * CP)
        p = jnp.dot(x16, w_ref[:, sl], preferred_element_type=jnp.float32)
        p = p + b_ref[:, sl]
        o_ref[0] = p.astype(jnp.bfloat16)
        parts.append(p)
    qf, kf = parts[0], parts[1]

    def rmean(t):
        t6 = t.reshape(NH, WIN, NW, WIN, CP)
        return t6.sum(axis=3).sum(axis=1).reshape(NR, CP) * (1.0 / W2)

    qm = rmean(qf).astype(jnp.bfloat16)
    km = rmean(kf).astype(jnp.bfloat16)
    a = jax.lax.dot_general(qm, km, (((1,), (1,)), ((), ())),
                            preferred_element_type=jnp.float32)
    col = jax.lax.broadcasted_iota(jnp.int32, (NR, NR), 1)
    rows = []
    work = a
    for _ in range(TOPK):
        mx = jnp.max(work, axis=1, keepdims=True)
        idx_t = jnp.min(jnp.where(work == mx, col, NR), axis=1)
        work = jnp.where(col == idx_t[:, None], -1e30, work)
        rows.append(idx_t[None, :])
    rows.append(jnp.zeros((8 - TOPK, NR), jnp.int32))
    r_ref[0] = jnp.concatenate(rows, axis=0)


def _qkv_call(x3, Wp16, bp):
    out = jax.ShapeDtypeStruct((B, H * W, CP), jnp.bfloat16)
    return pl.pallas_call(
        _qkv_body,
        grid=(B,),
        in_specs=[
            pl.BlockSpec((1, H * W, C), lambda b: (b, 0, 0)),
            pl.BlockSpec((C, 3 * CP), lambda b: (0, 0)),
            pl.BlockSpec((1, 3 * CP), lambda b: (0, 0)),
        ],
        out_specs=[
            pl.BlockSpec((1, H * W, CP), lambda b: (b, 0, 0)),
            pl.BlockSpec((1, H * W, CP), lambda b: (b, 0, 0)),
            pl.BlockSpec((1, H * W, CP), lambda b: (b, 0, 0)),
            pl.BlockSpec((1, 8, NR), lambda b: (b, 0, 0)),
        ],
        out_shape=[out, out, out,
                   jax.ShapeDtypeStruct((B, 8, NR), jnp.int32)],
    )(x3, Wp16, bp)


_RG = 8
_NG = NR // _RG
_GR = _RG // NW


def _attn_body(r_ref, q_ref, k_ref, v_ref, o_ref):
    b = pl.program_id(0)
    g = pl.program_id(1)
    qs, kgs, vgs = [], [], []
    for ii in range(_GR):
        for j in range(NW):
            r = _RG * g + ii * NW + j
            q = q_ref[0, ii, :, j].reshape(W2, CP)
            kts = []
            vts = []
            for t in range(TOPK):
                ri = r_ref[b, t, r]
                di, dj = ri // NW, ri % NW
                kts.append(k_ref[0, di, :, dj].reshape(W2, CP))
                vts.append(v_ref[0, di, :, dj].reshape(W2, CP))
            qs.append(q)
            kgs.append(jnp.concatenate(kts, axis=0))
            vgs.append(jnp.concatenate(vts, axis=0))
    ss = []
    for i in range(_RG):
        for h in range(HEADS):
            sl = slice(h * HDP, (h + 1) * HDP)
            ss.append(jax.lax.dot_general(
                qs[i][:, sl], kgs[i][:, sl], (((1,), (1,)), ((), ())),
                preferred_element_type=jnp.float32))
    ps = []
    for s in ss:
        s = s * SCALE
        s = s - jnp.max(s, axis=1, keepdims=True)
        p = jnp.exp(s)
        p = p / jnp.sum(p, axis=1, keepdims=True)
        ps.append(p.astype(jnp.bfloat16))
    for i in range(_RG):
        outs = []
        for h in range(HEADS):
            sl = slice(h * HDP, (h + 1) * HDP)
            outs.append(jnp.dot(ps[i * HEADS + h], vgs[i][:, sl],
                                preferred_element_type=jnp.float32))
        out = jnp.concatenate(outs, axis=1).astype(jnp.bfloat16)
        ii, j = i // NW, i % NW
        o_ref[0, ii, :, j] = out.reshape(WIN, WIN, CP)


def _attn_call(r_idx, q6, k6, v6):
    qblk = (1, _GR, WIN, NW, WIN, CP)

    def q_map(b, g, rr):
        return (b, g, 0, 0, 0, 0)

    def kv_map(b, g, rr):
        return (b, 0, 0, 0, 0, 0)

    grid_spec = pltpu.PrefetchScalarGridSpec(
        num_scalar_prefetch=1,
        grid=(B, _NG),
        in_specs=[
            pl.BlockSpec(qblk, q_map),
            pl.BlockSpec((1, NH, WIN, NW, WIN, CP), kv_map),
            pl.BlockSpec((1, NH, WIN, NW, WIN, CP), kv_map),
        ],
        out_specs=pl.BlockSpec(qblk, q_map),
    )
    return pl.pallas_call(
        _attn_body,
        grid_spec=grid_spec,
        out_shape=jax.ShapeDtypeStruct((B, NH, WIN, NW, WIN, CP),
                                       jnp.bfloat16),
    )(r_idx, q6, k6, v6)


_HP = H + KS
_WP = W + KS - 1
_FP = _HP * _WP
_FV = H * _WP


def _proj_body(a_ref, v_ref, t_ref, lb_ref, w_ref, bo_ref, o_ref, pad_ref):
    pad_ref[...] = jnp.zeros((_FP, HEADS, HDP), jnp.bfloat16)
    for y in range(H):
        base = (y + 2) * _WP + 2
        pad_ref[base:base + W] = v_ref[0, y * W:(y + 1) * W]
    xs = pad_ref[...]
    acc = jnp.zeros((_FV, HEADS, HDP), jnp.float32) + lb_ref[0]
    for dy in range(KS):
        for dx in range(KS):
            s = dy * _WP + dx
            acc += xs[s:s + _FV].astype(jnp.float32) * t_ref[dy * KS + dx]
    lepe = acc.reshape(H, _WP, HEADS, HDP)[:, :W].reshape(H * W, HEADS, HDP)
    ssum = (a_ref[0].astype(jnp.float32) + lepe).astype(jnp.bfloat16).reshape(H * W, CP)
    o_ref[0] = jnp.dot(ssum, w_ref[...],
                       preferred_element_type=jnp.float32) + bo_ref[...]


def _proj_call(a4, v4, taps, lb, Wop16, bo):
    return pl.pallas_call(
        _proj_body,
        grid=(B,),
        in_specs=[
            pl.BlockSpec((1, H * W, HEADS, HDP), lambda b: (b, 0, 0, 0)),
            pl.BlockSpec((1, H * W, HEADS, HDP), lambda b: (b, 0, 0, 0)),
            pl.BlockSpec((KS * KS, HEADS, HDP), lambda b: (0, 0, 0)),
            pl.BlockSpec((1, HEADS, HDP), lambda b: (0, 0, 0)),
            pl.BlockSpec((CP, C), lambda b: (0, 0)),
            pl.BlockSpec((1, C), lambda b: (0, 0)),
        ],
        out_specs=pl.BlockSpec((1, H * W, C), lambda b: (b, 0, 0)),
        out_shape=jax.ShapeDtypeStruct((B, H * W, C), jnp.float32),
        scratch_shapes=[pltpu.VMEM((_FP, HEADS, HDP), jnp.bfloat16)],
    )(a4, v4, taps, lb, Wop16, bo)


def _pad_heads(t):
    lead = t.shape[:-1]
    n = t.shape[-1] // HD
    t = t.reshape(lead + (n, HD))
    t = jnp.pad(t, [(0, 0)] * len(lead) + [(0, 0), (0, HDP - HD)])
    return t.reshape(lead + (n * HDP,))


@jax.jit
def _run(x, Wqkv, bqkv, Wo, bo, lepe_w, lepe_b):
    Wp16 = _pad_heads(Wqkv).astype(jnp.bfloat16)
    bp = _pad_heads(bqkv).reshape(1, 3 * CP)
    Wop16 = (jnp.pad(Wo.reshape(HEADS, HD, C),
                     ((0, 0), (0, HDP - HD), (0, 0)))
             .reshape(CP, C).astype(jnp.bfloat16))
    taps = _pad_heads(lepe_w.reshape(C, KS * KS).T).reshape(KS * KS, HEADS, HDP)
    lb = _pad_heads(lepe_b).reshape(1, HEADS, HDP)

    q, k, v, r_idx = _qkv_call(x, Wp16, bp)
    shp6 = (B, NH, WIN, NW, WIN, CP)
    attn = _attn_call(r_idx, q.reshape(shp6), k.reshape(shp6),
                      v.reshape(shp6))
    out = _proj_call(attn.reshape(B, H * W, HEADS, HDP),
                     v.reshape(B, H * W, HEADS, HDP),
                     taps, lb, Wop16, bo.reshape(1, C))
    return out


def kernel(x, x_size, Wqkv, bqkv, Wo, bo, lepe_w, lepe_b):
    return _run(x, Wqkv, bqkv, Wo, bo, lepe_w, lepe_b)

# --- scband reference (transcript-rebuilt; emitter-appended) ---
"""Pipeline reference for scband-swin-bi-former-attention-54030688583936 (READ-ONLY COPY).

The authoritative reference and input builder live on the scoring server;
editing this copy changes nothing except your own understanding.
"""

import jax, jax.numpy as jnp
import numpy as np

B = 16; H = 32; W = 32; C = 768
HEADS = 8; WIN = 8; TOPK = 4; KS = 5


def setup_inputs(seed: int = 0) -> dict:
    key = jax.random.key(seed)
    ks = jax.random.split(key, 8)
    x = jax.random.normal(ks[0], (B, H * W, C), jnp.float32)
    x_size = jnp.array([H, W], jnp.int32)
    Wqkv = jax.random.normal(ks[1], (C, 3 * C), jnp.float32) * 0.02
    bqkv = jnp.zeros((3 * C,), jnp.float32)
    Wo = jax.random.normal(ks[2], (C, C), jnp.float32) * 0.02
    bo = jnp.zeros((C,), jnp.float32)
    lepe_w = jax.random.normal(ks[3], (C, 1, KS, KS), jnp.float32) * 0.02
    lepe_b = jnp.zeros((C,), jnp.float32)
    return {"x": x, "x_size": x_size, "Wqkv": Wqkv, "bqkv": bqkv, "Wo": Wo, "bo": bo, "lepe_w": lepe_w, "lepe_b": lepe_b}


def _win_part(t, nH, nW, win):
    Bb = t.shape[0]; Cc = t.shape[-1]
    return t.reshape(Bb, nH, win, nW, win, Cc).transpose(0, 1, 3, 2, 4, 5).reshape(Bb, nH * nW, win * win, Cc)


def _win_unpart(t, nH, nW, win):
    Bb = t.shape[0]; Cc = t.shape[-1]
    return t.reshape(Bb, nH, nW, win, win, Cc).transpose(0, 1, 3, 2, 4, 5).reshape(Bb, nH * win, nW * win, Cc)


def reference(x, x_size, Wqkv, bqkv, Wo, bo, lepe_w, lepe_b):
    # shift_size = 0 -> no cyclic roll, attn_mask is None
    Hh, Ww = H, W  # x_size == input_resolution == (32, 32)
    win = WIN; heads = HEADS; hd = C // heads
    scale = hd ** -0.5
    nH, nW = Hh // win, Ww // win
    nR = nH * nW; w2 = win * win
    xi = x.reshape(B, Hh, Ww, C)
    xw = _win_part(xi, nH, nW, win)              # (B, nR, w2, C)
    qkv = xw @ Wqkv + bqkv                        # (B, nR, w2, 3C)
    q, k, v = jnp.split(qkv, 3, axis=-1)
    # region-level routing (detached, as in BiFormer diff_routing=False)
    q_r = jax.lax.stop_gradient(q.mean(axis=2))   # (B, nR, C)
    k_r = jax.lax.stop_gradient(k.mean(axis=2))   # (B, nR, C)
    a_r = jnp.einsum('bnc,bmc->bnm', q_r, k_r)    # (B, nR, nR)
    _, r_idx = jax.lax.top_k(a_r, TOPK)           # (B, nR, TOPK)
    # gather top-k regions' K/V
    kg = jax.vmap(lambda t, i: t[i])(k, r_idx).reshape(B, nR, TOPK * w2, C)
    vg = jax.vmap(lambda t, i: t[i])(v, r_idx).reshape(B, nR, TOPK * w2, C)
    qh = q.reshape(B, nR, w2, heads, hd).transpose(0, 1, 3, 2, 4)
    kh = kg.reshape(B, nR, TOPK * w2, heads, hd).transpose(0, 1, 3, 2, 4)
    vh = vg.reshape(B, nR, TOPK * w2, heads, hd).transpose(0, 1, 3, 2, 4)
    attn = jnp.einsum('brhqd,brhkd->brhqk', qh * scale, kh)
    attn = jax.nn.softmax(attn, axis=-1)
    out = jnp.einsum('brhqk,brhkd->brhqd', attn, vh)
    out = out.transpose(0, 1, 3, 2, 4).reshape(B, nR, w2, C)
    # LePE: depthwise 5x5 conv on V in original spatial layout
    v_img = _win_unpart(v, nH, nW, win).transpose(0, 3, 1, 2)  # NCHW
    lepe = jax.lax.conv_general_dilated(v_img, lepe_w, (1, 1), 'SAME', feature_group_count=C, dimension_numbers=('NCHW', 'OIHW', 'NCHW'))
    lepe = lepe + lepe_b[None, :, None, None]
    lepe = lepe.transpose(0, 2, 3, 1)
    out = out + _win_part(lepe, nH, nW, win)
    out = out @ Wo + bo
    out = _win_unpart(out, nH, nW, win).reshape(B, Hh * Ww, C)  # NLC
    return out

if __name__ == "__main__":
    import jax
    _d = setup_inputs()
    print(jax.jit(kernel)(*tuple(_d.values())))

</pallas_src>

<mosaic_0001>
module attributes {stable_mosaic.version = 14 : i64} {
  func.func @_qkv_body(%arg0: i32, %arg1: memref<1x1024x768xf32, #tpu.memory_space<vmem>>, %arg2: memref<768x3072xbf16, #tpu.memory_space<vmem>>, %arg3: memref<1x3072xf32, #tpu.memory_space<vmem>>, %arg4: memref<1x1024x1024xbf16, #tpu.memory_space<vmem>>, %arg5: memref<1x1024x1024xbf16, #tpu.memory_space<vmem>>, %arg6: memref<1x1024x1024xbf16, #tpu.memory_space<vmem>>, %arg7: memref<1x8x16xi32, #tpu.memory_space<vmem>>) attributes {dimension_semantics = [#tpu.dimension_semantics<arbitrary>], iteration_bounds = array<i64: 16>, scalar_prefetch = 0 : i64, scratch_operands = 0 : i64, tpu.core_type = #tpu.core_type<tc>, window_params = [{transform_indices = @transform_0, window_bounds = array<i64: 1, 1024, 768>}, {pipeline_mode = #tpu.pipeline_mode<synchronous>, transform_indices = @transform_1, window_bounds = array<i64: 768, 3072>}, {pipeline_mode = #tpu.pipeline_mode<synchronous>, transform_indices = @transform_2, window_bounds = array<i64: 1, 3072>}, {transform_indices = @transform_3, window_bounds = array<i64: 1, 1024, 1024>}, {transform_indices = @transform_4, window_bounds = array<i64: 1, 1024, 1024>}, {transform_indices = @transform_5, window_bounds = array<i64: 1, 1024, 1024>}, {transform_indices = @transform_6, window_bounds = array<i64: 1, 8, 16>}]} {
    %get3A = arith.constant 0 : index
    %get3A_0 = arith.constant 0 : index
    %get3A_1 = arith.constant 0 : index
    %get3A_2 = vector.load %arg1[%get3A, %get3A_0, %get3A_1] : memref<1x1024x768xf32, #tpu.memory_space<vmem>>, vector<1x1024x768xf32>
    %get3A_3 = vector.shape_cast %get3A_2 : vector<1x1024x768xf32> to vector<1024x768xf32>
    %convert_element_type3A = arith.truncf %get3A_3 : vector<1024x768xf32> to vector<1024x768xbf16>
    %get3A_4 = arith.constant 0 : index
    %get3A_5 = arith.constant 0 : index
    %get3A_6 = vector.load %arg2[%get3A_4, %get3A_5] : memref<768x3072xbf16, #tpu.memory_space<vmem>>, vector<768x1024xbf16>
    %dot_general3A = arith.constant dense<0.000000e+00> : vector<1024x1024xf32>
    %dot_general3A_7 = tpu.matmul %convert_element_type3A, %get3A_6, %dot_general3A {dimension_numbers = #tpu.dot_dimension_numbers<[1], [0], [0], [1], [0, 0, 1, 1], [], []>, transpose_lhs_hint = false} : vector<1024x768xbf16>, vector<768x1024xbf16>, vector<1024x1024xf32> -> vector<1024x1024xf32>
    %get3A_8 = arith.constant 0 : index
    %get3A_9 = arith.constant 0 : index
    %get3A_10 = vector.load %arg3[%get3A_8, %get3A_9] : memref<1x3072xf32, #tpu.memory_space<vmem>>, vector<1x1024xf32>
    %add3A = vector.broadcast %get3A_10 : vector<1x1024xf32> to vector<1024x1024xf32>
    %add3A_11 = arith.addf %dot_general3A_7, %add3A : vector<1024x1024xf32>
    %convert_element_type3A_12 = arith.truncf %add3A_11 : vector<1024x1024xf32> to vector<1024x1024xbf16>
    %swap3A = arith.constant 0 : index
    %swap3A_13 = arith.constant 0 : index
    %swap3A_14 = arith.constant 0 : index
    %swap3A_15 = vector.load %arg4[%swap3A, %swap3A_13, %swap3A_14] : memref<1x1024x1024xbf16, #tpu.memory_space<vmem>>, vector<1x1024x1024xbf16>
    %swap3A_16 = vector.shape_cast %swap3A_15 : vector<1x1024x1024xbf16> to vector<1024x1024xbf16>
    %swap3A_17 = vector.shape_cast %convert_element_type3A_12 : vector<1024x1024xbf16> to vector<1x1024x1024xbf16>
    tpu.vector_store %arg4[%swap3A, %swap3A_13, %swap3A_14], %swap3A_17 {strides = array<i32>} : memref<1x1024x1024xbf16, #tpu.memory_space<vmem>>, vector<1x1024x1024xbf16>,
    %get3A_18 = arith.constant 0 : index
    %get3A_19 = arith.constant 1024 : index
    %get3A_20 = vector.load %arg2[%get3A_18, %get3A_19] : memref<768x3072xbf16, #tpu.memory_space<vmem>>, vector<768x1024xbf16>
    %dot_general3A_21 = arith.constant dense<0.000000e+00> : vector<1024x1024xf32>
    %dot_general3A_22 = tpu.matmul %convert_element_type3A, %get3A_20, %dot_general3A_21 {dimension_numbers = #tpu.dot_dimension_numbers<[1], [0], [0], [1], [0, 0, 1, 1], [], []>, transpose_lhs_hint = false} : vector<1024x768xbf16>, vector<768x1024xbf16>, vector<1024x1024xf32> -> vector<1024x1024xf32>
    %get3A_23 = arith.constant 0 : index
    %get3A_24 = arith.constant 1024 : index
    %get3A_25 = vector.load %arg3[%get3A_23, %get3A_24] : memref<1x3072xf32, #tpu.memory_space<vmem>>, vector<1x1024xf32>
    %add3A_26 = vector.broadcast %get3A_25 : vector<1x1024xf32> to vector<1024x1024xf32>
    %add3A_27 = arith.addf %dot_general3A_22, %add3A_26 : vector<1024x1024xf32>
    %convert_element_type3A_28 = arith.truncf %add3A_27 : vector<1024x1024xf32> to vector<1024x1024xbf16>
    %swap3A_29 = arith.constant 0 : index
    %swap3A_30 = arith.constant 0 : index
    %swap3A_31 = arith.constant 0 : index
    %swap3A_32 = vector.load %arg5[%swap3A_29, %swap3A_30, %swap3A_31] : memref<1x1024x1024xbf16, #tpu.memory_space<vmem>>, vector<1x1024x1024xbf16>
    %swap3A_33 = vector.shape_cast %swap3A_32 : vector<1x1024x1024xbf16> to vector<1024x1024xbf16>
    %swap3A_34 = vector.shape_cast %convert_element_type3A_28 : vector<1024x1024xbf16> to vector<1x1024x1024xbf16>
    tpu.vector_store %arg5[%swap3A_29, %swap3A_30, %swap3A_31], %swap3A_34 {strides = array<i32>} : memref<1x1024x1024xbf16, #tpu.memory_space<vmem>>, vector<1x1024x1024xbf16>,
    %get3A_35 = arith.constant 0 : index
    %get3A_36 = arith.constant 2048 : index
    %get3A_37 = vector.load %arg2[%get3A_35, %get3A_36] : memref<768x3072xbf16, #tpu.memory_space<vmem>>, vector<768x1024xbf16>
    %dot_general3A_38 = arith.constant dense<0.000000e+00> : vector<1024x1024xf32>
    %dot_general3A_39 = tpu.matmul %convert_element_type3A, %get3A_37, %dot_general3A_38 {dimension_numbers = #tpu.dot_dimension_numbers<[1], [0], [0], [1], [0, 0, 1, 1], [], []>, transpose_lhs_hint = false} : vector<1024x768xbf16>, vector<768x1024xbf16>, vector<1024x1024xf32> -> vector<1024x1024xf32>
    %get3A_40 = arith.constant 0 : index
    %get3A_41 = arith.constant 2048 : index
    %get3A_42 = vector.load %arg3[%get3A_40, %get3A_41] : memref<1x3072xf32, #tpu.memory_space<vmem>>, vector<1x1024xf32>
    %add3A_43 = vector.broadcast %get3A_42 : vector<1x1024xf32> to vector<1024x1024xf32>
    %add3A_44 = arith.addf %dot_general3A_39, %add3A_43 : vector<1024x1024xf32>
    %convert_element_type3A_45 = arith.truncf %add3A_44 : vector<1024x1024xf32> to vector<1024x1024xbf16>
    %swap3A_46 = arith.constant 0 : index
    %swap3A_47 = arith.constant 0 : index
    %swap3A_48 = arith.constant 0 : index
    %swap3A_49 = vector.load %arg6[%swap3A_46, %swap3A_47, %swap3A_48] : memref<1x1024x1024xbf16, #tpu.memory_space<vmem>>, vector<1x1024x1024xbf16>
    %swap3A_50 = vector.shape_cast %swap3A_49 : vector<1x1024x1024xbf16> to vector<1024x1024xbf16>
    %swap3A_51 = vector.shape_cast %convert_element_type3A_45 : vector<1024x1024xbf16> to vector<1x1024x1024xbf16>
    tpu.vector_store %arg6[%swap3A_46, %swap3A_47, %swap3A_48], %swap3A_51 {strides = array<i32>} : memref<1x1024x1024xbf16, #tpu.memory_space<vmem>>, vector<1x1024x1024xbf16>,
    %reshape3A = vector.shape_cast %add3A_11 : vector<1024x1024xf32> to vector<4x8x4x8x1024xf32>
    %reduce_sum3A = arith.constant dense<0.000000e+00> : vector<4x8x4x1024xf32>
    %reduce_sum3A_52 = vector.multi_reduction <add>, %reshape3A, %reduce_sum3A [3] : vector<4x8x4x8x1024xf32> to vector<4x8x4x1024xf32>
    %reduce_sum3A_53 = arith.constant dense<0.000000e+00> : vector<4x4x1024xf32>
    %reduce_sum3A_54 = vector.multi_reduction <add>, %reduce_sum3A_52, %reduce_sum3A_53 [1] : vector<4x8x4x1024xf32> to vector<4x4x1024xf32>
    %reshape3A_55 = vector.shape_cast %reduce_sum3A_54 : vector<4x4x1024xf32> to vector<16x1024xf32>
    %mul3A = arith.constant 1.562500e-02 : f32
    %mul3A_56 = vector.broadcast %mul3A : f32 to vector<16x1024xf32>
    %mul3A_57 = arith.mulf %reshape3A_55, %mul3A_56 : vector<16x1024xf32>
    %convert_element_type3A_58 = arith.truncf %mul3A_57 : vector<16x1024xf32> to vector<16x1024xbf16>
    %reshape3A_59 = vector.shape_cast %add3A_27 : vector<1024x1024xf32> to vector<4x8x4x8x1024xf32>
    %reduce_sum3A_60 = arith.constant dense<0.000000e+00> : vector<4x8x4x1024xf32>
    %reduce_sum3A_61 = vector.multi_reduction <add>, %reshape3A_59, %reduce_sum3A_60 [3] : vector<4x8x4x8x1024xf32> to vector<4x8x4x1024xf32>
    %reduce_sum3A_62 = arith.constant dense<0.000000e+00> : vector<4x4x1024xf32>
    %reduce_sum3A_63 = vector.multi_reduction <add>, %reduce_sum3A_61, %reduce_sum3A_62 [1] : vector<4x8x4x1024xf32> to vector<4x4x1024xf32>
    %reshape3A_64 = vector.shape_cast %reduce_sum3A_63 : vector<4x4x1024xf32> to vector<16x1024xf32>
    %mul3A_65 = arith.constant 1.562500e-02 : f32
    %mul3A_66 = vector.broadcast %mul3A_65 : f32 to vector<16x1024xf32>
    %mul3A_67 = arith.mulf %reshape3A_64, %mul3A_66 : vector<16x1024xf32>
    %convert_element_type3A_68 = arith.truncf %mul3A_67 : vector<16x1024xf32> to vector<16x1024xbf16>
    %dot_general3A_69 = arith.constant dense<0.000000e+00> : vector<16x16xf32>
    %dot_general3A_70 = tpu.matmul %convert_element_type3A_58, %convert_element_type3A_68, %dot_general3A_69 {dimension_numbers = #tpu.dot_dimension_numbers<[1], [1], [0], [0], [0, 0, 1, 0], [], []>, transpose_lhs_hint = false} : vector<16x1024xbf16>, vector<16x1024xbf16>, vector<16x16xf32> -> vector<16x16xf32>
    %iota3A = tpu.iota {dimensions = array<i32: 1>} : vector<16x16xi32>
    %reduce_max3A = arith.constant dense<0xFF800000> : vector<16xf32>
    %reduce_max3A_71 = vector.multi_reduction <maximumf>, %dot_general3A_70, %reduce_max3A [1] : vector<16x16xf32> to vector<16xf32>
    %broadcast_in_dim3A = vector.shape_cast %reduce_max3A_71 : vector<16xf32> to vector<16x1xf32>
    %eq3A = vector.broadcast %broadcast_in_dim3A : vector<16x1xf32> to vector<16x16xf32>
    %eq3A_72 = arith.cmpf oeq, %dot_general3A_70, %eq3A : vector<16x16xf32>
    %jit3A = arith.constant 16 : i32
    %broadcast_in_dim3A_73 = vector.broadcast %jit3A : i32 to vector<16x16xi32>
    %select_n3A = arith.select %eq3A_72, %iota3A, %broadcast_in_dim3A_73 : vector<16x16xi1>, vector<16x16xi32>
    %reduce_min3A = arith.constant dense<2147483647> : vector<16xi32>
    %reduce_min3A_74 = vector.multi_reduction <minsi>, %select_n3A, %reduce_min3A [1] : vector<16x16xi32> to vector<16xi32>
    %broadcast_in_dim3A_75 = vector.shape_cast %reduce_min3A_74 : vector<16xi32> to vector<16x1xi32>
    %eq3A_76 = vector.broadcast %broadcast_in_dim3A_75 : vector<16x1xi32> to vector<16x16xi32>
    %eq3A_77 = arith.cmpi eq, %iota3A, %eq3A_76 : vector<16x16xi32>
    %jit3A_78 = arith.constant -1.000000e+30 : f32
    %broadcast_in_dim3A_79 = vector.broadcast %jit3A_78 : f32 to vector<16x16xf32>
    %select_n3A_80 = arith.select %eq3A_77, %broadcast_in_dim3A_79, %dot_general3A_70 : vector<16x16xi1>, vector<16x16xf32>
    %broadcast_in_dim3A_81 = vector.shape_cast %reduce_min3A_74 : vector<16xi32> to vector<1x16xi32>
    %reduce_max3A_82 = arith.constant dense<0xFF800000> : vector<16xf32>
    %reduce_max3A_83 = vector.multi_reduction <maximumf>, %select_n3A_80, %reduce_max3A_82 [1] : vector<16x16xf32> to vector<16xf32>
    %broadcast_in_dim3A_84 = vector.shape_cast %reduce_max3A_83 : vector<16xf32> to vector<16x1xf32>
    %eq3A_85 = vector.broadcast %broadcast_in_dim3A_84 : vector<16x1xf32> to vector<16x16xf32>
    %eq3A_86 = arith.cmpf oeq, %select_n3A_80, %eq3A_85 : vector<16x16xf32>
    %jit3A_87 = arith.constant 16 : i32
    %broadcast_in_dim3A_88 = vector.broadcast %jit3A_87 : i32 to vector<16x16xi32>
    %select_n3A_89 = arith.select %eq3A_86, %iota3A, %broadcast_in_dim3A_88 : vector<16x16xi1>, vector<16x16xi32>
    %reduce_min3A_90 = arith.constant dense<2147483647> : vector<16xi32>
    %reduce_min3A_91 = vector.multi_reduction <minsi>, %select_n3A_89, %reduce_min3A_90 [1] : vector<16x16xi32> to vector<16xi32>
    %broadcast_in_dim3A_92 = vector.shape_cast %reduce_min3A_91 : vector<16xi32> to vector<16x1xi32>
    %eq3A_93 = vector.broadcast %broadcast_in_dim3A_92 : vector<16x1xi32> to vector<16x16xi32>
    %eq3A_94 = arith.cmpi eq, %iota3A, %eq3A_93 : vector<16x16xi32>
    %jit3A_95 = arith.constant -1.000000e+30 : f32
    %broadcast_in_dim3A_96 = vector.broadcast %jit3A_95 : f32 to vector<16x16xf32>
    %select_n3A_97 = arith.select %eq3A_94, %broadcast_in_dim3A_96, %select_n3A_80 : vector<16x16xi1>, vector<16x16xf32>
    %broadcast_in_dim3A_98 = vector.shape_cast %reduce_min3A_91 : vector<16xi32> to vector<1x16xi32>
    %reduce_max3A_99 = arith.constant dense<0xFF800000> : vector<16xf32>
    %reduce_max3A_100 = vector.multi_reduction <maximumf>, %select_n3A_97, %reduce_max3A_99 [1] : vector<16x16xf32> to vector<16xf32>
    %broadcast_in_dim3A_101 = vector.shape_cast %reduce_max3A_100 : vector<16xf32> to vector<16x1xf32>
    %eq3A_102 = vector.broadcast %broadcast_in_dim3A_101 : vector<16x1xf32> to vector<16x16xf32>
    %eq3A_103 = arith.cmpf oeq, %select_n3A_97, %eq3A_102 : vector<16x16xf32>
    %jit3A_104 = arith.constant 16 : i32
    %broadcast_in_dim3A_105 = vector.broadcast %jit3A_104 : i32 to vector<16x16xi32>
    %select_n3A_106 = arith.select %eq3A_103, %iota3A, %broadcast_in_dim3A_105 : vector<16x16xi1>, vector<16x16xi32>
    %reduce_min3A_107 = arith.constant dense<2147483647> : vector<16xi32>
    %reduce_min3A_108 = vector.multi_reduction <minsi>, %select_n3A_106, %reduce_min3A_107 [1] : vector<16x16xi32> to vector<16xi32>
    %broadcast_in_dim3A_109 = vector.shape_cast %reduce_min3A_108 : vector<16xi32> to vector<16x1xi32>
    %eq3A_110 = vector.broadcast %broadcast_in_dim3A_109 : vector<16x1xi32> to vector<16x16xi32>
    %eq3A_111 = arith.cmpi eq, %iota3A, %eq3A_110 : vector<16x16xi32>
    %jit3A_112 = arith.constant -1.000000e+30 : f32
    %broadcast_in_dim3A_113 = vector.broadcast %jit3A_112 : f32 to vector<16x16xf32>
    %select_n3A_114 = arith.select %eq3A_111, %broadcast_in_dim3A_113, %select_n3A_97 : vector<16x16xi1>, vector<16x16xf32>
    %broadcast_in_dim3A_115 = vector.shape_cast %reduce_min3A_108 : vector<16xi32> to vector<1x16xi32>
    %reduce_max3A_116 = arith.constant dense<0xFF800000> : vector<16xf32>
    %reduce_max3A_117 = vector.multi_reduction <maximumf>, %select_n3A_114, %reduce_max3A_116 [1] : vector<16x16xf32> to vector<16xf32>
    %broadcast_in_dim3A_118 = vector.shape_cast %reduce_max3A_117 : vector<16xf32> to vector<16x1xf32>
    %eq3A_119 = vector.broadcast %broadcast_in_dim3A_118 : vector<16x1xf32> to vector<16x16xf32>
    %eq3A_120 = arith.cmpf oeq, %select_n3A_114, %eq3A_119 : vector<16x16xf32>
    %jit3A_121 = arith.constant 16 : i32
    %broadcast_in_dim3A_122 = vector.broadcast %jit3A_121 : i32 to vector<16x16xi32>
    %select_n3A_123 = arith.select %eq3A_120, %iota3A, %broadcast_in_dim3A_122 : vector<16x16xi1>, vector<16x16xi32>
    %reduce_min3A_124 = arith.constant dense<2147483647> : vector<16xi32>
    %reduce_min3A_125 = vector.multi_reduction <minsi>, %select_n3A_123, %reduce_min3A_124 [1] : vector<16x16xi32> to vector<16xi32>
    %broadcast_in_dim3A_126 = vector.shape_cast %reduce_min3A_125 : vector<16xi32> to vector<1x16xi32>
    %broadcast_in_dim3A_127 = arith.constant 0 : i32
    %broadcast_in_dim3A_128 = vector.broadcast %broadcast_in_dim3A_127 : i32 to vector<4x16xi32>
    %concatenate3A = tpu.concatenate %broadcast_in_dim3A_81, %broadcast_in_dim3A_98, %broadcast_in_dim3A_115, %broadcast_in_dim3A_126, %broadcast_in_dim3A_128 in 0 : vector<1x16xi32>, vector<1x16xi32>, vector<1x16xi32>, vector<1x16xi32>, vector<4x16xi32> -> vector<8x16xi32>
    %swap3A_129 = arith.constant 0 : index
    %swap3A_130 = arith.constant 0 : index
    %swap3A_131 = arith.constant 0 : index
    %swap3A_132 = vector.load %arg7[%swap3A_129, %swap3A_130, %swap3A_131] : memref<1x8x16xi32, #tpu.memory_space<vmem>>, vector<1x8x16xi32>
    %swap3A_133 = vector.shape_cast %swap3A_132 : vector<1x8x16xi32> to vector<8x16xi32>
    %swap3A_134 = vector.shape_cast %concatenate3A : vector<8x16xi32> to vector<1x8x16xi32>
    tpu.vector_store %arg7[%swap3A_129, %swap3A_130, %swap3A_131], %swap3A_134 {strides = array<i32>} : memref<1x8x16xi32, #tpu.memory_space<vmem>>, vector<1x8x16xi32>,
    return
  }
  func.func @transform_0(%arg0: i32) -> (i32, i32, i32) {
    %c0_i32 = arith.constant 0 : i32
    %c0_i32_0 = arith.constant 0 : i32
    %c0_i32_1 = arith.constant 0 : i32
    return %arg0, %c0_i32, %c0_i32_0 : i32, i32, i32
  }
  func.func @transform_1(%arg0: i32) -> (i32, i32) {
    %c0_i32 = arith.constant 0 : i32
    %c0_i32_0 = arith.constant 0 : i32
    %c0_i32_1 = arith.constant 0 : i32
    return %c0_i32, %c0_i32_0 : i32, i32
  }
  func.func @transform_2(%arg0: i32) -> (i32, i32) {
    %c0_i32 = arith.constant 0 : i32
    %c0_i32_0 = arith.constant 0 : i32
    %c0_i32_1 = arith.constant 0 : i32
    return %c0_i32, %c0_i32_0 : i32, i32
  }
  func.func @transform_3(%arg0: i32) -> (i32, i32, i32) {
    %c0_i32 = arith.constant 0 : i32
    %c0_i32_0 = arith.constant 0 : i32
    %c0_i32_1 = arith.constant 0 : i32
    return %arg0, %c0_i32, %c0_i32_0 : i32, i32, i32
  }
  func.func @transform_4(%arg0: i32) -> (i32, i32, i32) {
    %c0_i32 = arith.constant 0 : i32
    %c0_i32_0 = arith.constant 0 : i32
    %c0_i32_1 = arith.constant 0 : i32
    return %arg0, %c0_i32, %c0_i32_0 : i32, i32, i32
  }
  func.func @transform_5(%arg0: i32) -> (i32, i32, i32) {
    %c0_i32 = arith.constant 0 : i32
    %c0_i32_0 = arith.constant 0 : i32
    %c0_i32_1 = arith.constant 0 : i32
    return %arg0, %c0_i32, %c0_i32_0 : i32, i32, i32
  }
  func.func @transform_6(%arg0: i32) -> (i32, i32, i32) {
    %c0_i32 = arith.constant 0 : i32
    %c0_i32_0 = arith.constant 0 : i32
    %c0_i32_1 = arith.constant 0 : i32
    return %arg0, %c0_i32, %c0_i32_0 : i32, i32, i32
  }
}

module attributes {stable_mosaic.version = 14 : i64} {
  func.func @_attn_body(%arg0: i32, %arg1: i32, %arg2: memref<16x8x16xi32, #tpu.memory_space<smem>>, %arg3: memref<1x2x8x4x8x1024xbf16, #tpu.memory_space<vmem>>, %arg4: memref<1x4x8x4x8x1024xbf16, #tpu.memory_space<vmem>>, %arg5: memref<1x4x8x4x8x1024xbf16, #tpu.memory_space<vmem>>, %arg6: memref<1x2x8x4x8x1024xbf16, #tpu.memory_space<vmem>>) attributes {dimension_semantics = [#tpu.dimension_semantics<arbitrary>, #tpu.dimension_semantics<arbitrary>], iteration_bounds = array<i64: 16, 2>, scalar_prefetch = 1 : i64, scratch_operands = 0 : i64, tpu.core_type = #tpu.core_type<tc>, window_params = [{transform_indices = @transform_0, window_bounds = array<i64: 1, 2, 8, 4, 8, 1024>}, {transform_indices = @transform_1, window_bounds = array<i64: 1, 4, 8, 4, 8, 1024>}, {transform_indices = @transform_2, window_bounds = array<i64: 1, 4, 8, 4, 8, 1024>}, {transform_indices = @transform_3, window_bounds = array<i64: 1, 2, 8, 4, 8, 1024>}]} {
    %mul3A = arith.constant 8 : i32
    %mul3A_0 = arith.muli %mul3A, %arg1 : i32
    %add3A = arith.constant 0 : i32
    %add3A_1 = arith.addi %mul3A_0, %add3A : i32
    %add3A_2 = arith.constant 0 : i32
    %add3A_3 = arith.addi %add3A_1, %add3A_2 : i32
    %get3A = arith.constant 0 : index
    %get3A_4 = arith.constant 0 : index
    %get3A_5 = arith.constant 0 : index
    %get3A_6 = arith.constant 0 : index
    %get3A_7 = arith.constant 0 : index
    %get3A_8 = arith.constant 0 : index
    %get3A_9 = vector.load %arg3[%get3A, %get3A_4, %get3A_5, %get3A_6, %get3A_7, %get3A_8] : memref<1x2x8x4x8x1024xbf16, #tpu.memory_space<vmem>>, vector<1x1x8x1x8x1024xbf16>
    %get3A_10 = vector.shape_cast %get3A_9 : vector<1x1x8x1x8x1024xbf16> to vector<8x8x1024xbf16>
    %reshape3A = vector.shape_cast %get3A_10 : vector<8x8x1024xbf16> to vector<64x1024xbf16>
    %get3A_11 = arith.index_cast %arg0 : i32 to index
    %get3A_12 = arith.constant 0 : index
    %get3A_13 = arith.index_cast %add3A_3 : i32 to index
    %get3A_14 = memref.load %arg2[%get3A_11, %get3A_12, %get3A_13] : memref<16x8x16xi32, #tpu.memory_space<smem>>
    %jit3A = arith.constant 4 : i32
    %div3A = arith.divsi %get3A_14, %jit3A : i32
    %sign3A = arith.constant 0 : i32
    %sign3A_15 = arith.cmpi sgt, %get3A_14, %sign3A : i32
    %sign3A_16 = arith.extui %sign3A_15 : i1 to i32
    %sign3A_17 = arith.constant 0 : i32
    %sign3A_18 = arith.cmpi slt, %get3A_14, %sign3A_17 : i32
    %sign3A_19 = arith.extui %sign3A_18 : i1 to i32
    %sign3A_20 = arith.subi %sign3A_16, %sign3A_19 : i32
    %sign3A_21 = arith.constant 0 : i32
    %sign3A_22 = arith.cmpi sgt, %jit3A, %sign3A_21 : i32
    %sign3A_23 = arith.extui %sign3A_22 : i1 to i32
    %sign3A_24 = arith.constant 0 : i32
    %sign3A_25 = arith.cmpi slt, %jit3A, %sign3A_24 : i32
    %sign3A_26 = arith.extui %sign3A_25 : i1 to i32
    %sign3A_27 = arith.subi %sign3A_23, %sign3A_26 : i32
    %ne3A = arith.cmpi ne, %sign3A_20, %sign3A_27 : i32
    %rem3A = arith.remsi %get3A_14, %jit3A : i32
    %ne3A_28 = arith.constant 0 : i32
    %ne3A_29 = arith.cmpi ne, %rem3A, %ne3A_28 : i32
    %and3A = arith.andi %ne3A, %ne3A_29 : i1
    %sub3A = arith.constant 1 : i32
    %sub3A_30 = arith.subi %div3A, %sub3A : i32
    %select_n3A = arith.select %and3A, %sub3A_30, %div3A : i32
    %jit3A_31 = arith.constant 4 : i32
    %eq3A = arith.constant 0 : i32
    %eq3A_32 = arith.cmpi eq, %jit3A_31, %eq3A : i32
    %jit3A_33 = arith.constant 1 : i32
    %select_n3A_34 = arith.select %eq3A_32, %jit3A_33, %jit3A_31 : i32
    %rem3A_35 = arith.remsi %get3A_14, %select_n3A_34 : i32
    %ne3A_36 = arith.constant 0 : i32
    %ne3A_37 = arith.cmpi ne, %rem3A_35, %ne3A_36 : i32
    %lt3A = arith.constant 0 : i32
    %lt3A_38 = arith.cmpi slt, %rem3A_35, %lt3A : i32
    %lt3A_39 = arith.constant 0 : i32
    %lt3A_40 = arith.cmpi slt, %select_n3A_34, %lt3A_39 : i32
    %ne3A_41 = arith.xori %lt3A_38, %lt3A_40 : i1
    %and3A_42 = arith.andi %ne3A_41, %ne3A_37 : i1
    %add3A_43 = arith.addi %rem3A_35, %select_n3A_34 : i32
    %select_n3A_44 = arith.select %and3A_42, %add3A_43, %rem3A_35 : i32
    %get3A_45 = arith.constant 0 : index
    %get3A_46 = arith.index_cast %select_n3A : i32 to index
    %get3A_47 = arith.constant 0 : index
    %get3A_48 = arith.index_cast %select_n3A_44 : i32 to index
    %get3A_49 = arith.constant 0 : index
    %get3A_50 = arith.constant 0 : index
    %get3A_51 = vector.load %arg4[%get3A_45, %get3A_46, %get3A_47, %get3A_48, %get3A_49, %get3A_50] : memref<1x4x8x4x8x1024xbf16, #tpu.memory_space<vmem>>, vector<1x1x8x1x8x1024xbf16>
    %get3A_52 = vector.shape_cast %get3A_51 : vector<1x1x8x1x8x1024xbf16> to vector<8x8x1024xbf16>
    %reshape3A_53 = vector.shape_cast %get3A_52 : vector<8x8x1024xbf16> to vector<64x1024xbf16>
    %get3A_54 = arith.constant 0 : index
    %get3A_55 = arith.index_cast %select_n3A : i32 to index
    %get3A_56 = arith.constant 0 : index
    %get3A_57 = arith.index_cast %select_n3A_44 : i32 to index
    %get3A_58 = arith.constant 0 : index
    %get3A_59 = arith.constant 0 : index
    %get3A_60 = vector.load %arg5[%get3A_54, %get3A_55, %get3A_56, %get3A_57, %get3A_58, %get3A_59] : memref<1x4x8x4x8x1024xbf16, #tpu.memory_space<vmem>>, vector<1x1x8x1x8x1024xbf16>
    %get3A_61 = vector.shape_cast %get3A_60 : vector<1x1x8x1x8x1024xbf16> to vector<8x8x1024xbf16>
    %reshape3A_62 = vector.shape_cast %get3A_61 : vector<8x8x1024xbf16> to vector<64x1024xbf16>
    %get3A_63 = arith.index_cast %arg0 : i32 to index
    %get3A_64 = arith.constant 1 : index
    %get3A_65 = arith.index_cast %add3A_3 : i32 to index
    %get3A_66 = memref.load %arg2[%get3A_63, %get3A_64, %get3A_65] : memref<16x8x16xi32, #tpu.memory_space<smem>>
    %jit3A_67 = arith.constant 4 : i32
    %div3A_68 = arith.divsi %get3A_66, %jit3A_67 : i32
    %sign3A_69 = arith.constant 0 : i32
    %sign3A_70 = arith.cmpi sgt, %get3A_66, %sign3A_69 : i32
    %sign3A_71 = arith.extui %sign3A_70 : i1 to i32
    %sign3A_72 = arith.constant 0 : i32
    %sign3A_73 = arith.cmpi slt, %get3A_66, %sign3A_72 : i32
    %sign3A_74 = arith.extui %sign3A_73 : i1 to i32
    %sign3A_75 = arith.subi %sign3A_71, %sign3A_74 : i32
    %sign3A_76 = arith.constant 0 : i32
    %sign3A_77 = arith.cmpi sgt, %jit3A_67, %sign3A_76 : i32
    %sign3A_78 = arith.extui %sign3A_77 : i1 to i32
    %sign3A_79 = arith.constant 0 : i32
    %sign3A_80 = arith.cmpi slt, %jit3A_67, %sign3A_79 : i32
    %sign3A_81 = arith.extui %sign3A_80 : i1 to i32
    %sign3A_82 = arith.subi %sign3A_78, %sign3A_81 : i32
    %ne3A_83 = arith.cmpi ne, %sign3A_75, %sign3A_82 : i32
    %rem3A_84 = arith.remsi %get3A_66, %jit3A_67 : i32
    %ne3A_85 = arith.constant 0 : i32
    %ne3A_86 = arith.cmpi ne, %rem3A_84, %ne3A_85 : i32
    %and3A_87 = arith.andi %ne3A_83, %ne3A_86 : i1
    %sub3A_88 = arith.constant 1 : i32
    %sub3A_89 = arith.subi %div3A_68, %sub3A_88 : i32
    %select_n3A_90 = arith.select %and3A_87, %sub3A_89, %div3A_68 : i32
    %jit3A_91 = arith.constant 4 : i32
    %eq3A_92 = arith.constant 0 : i32
    %eq3A_93 = arith.cmpi eq, %jit3A_91, %eq3A_92 : i32
    %jit3A_94 = arith.constant 1 : i32
    %select_n3A_95 = arith.select %eq3A_93, %jit3A_94, %jit3A_91 : i32
    %rem3A_96 = arith.remsi %get3A_66, %select_n3A_95 : i32
    %ne3A_97 = arith.constant 0 : i32
    %ne3A_98 = arith.cmpi ne, %rem3A_96, %ne3A_97 : i32
    %lt3A_99 = arith.constant 0 : i32
    %lt3A_100 = arith.cmpi slt, %rem3A_96, %lt3A_99 : i32
    %lt3A_101 = arith.constant 0 : i32
    %lt3A_102 = arith.cmpi slt, %select_n3A_95, %lt3A_101 : i32
    %ne3A_103 = arith.xori %lt3A_100, %lt3A_102 : i1
    %and3A_104 = arith.andi %ne3A_103, %ne3A_98 : i1
    %add3A_105 = arith.addi %rem3A_96, %select_n3A_95 : i32
    %select_n3A_106 = arith.select %and3A_104, %add3A_105, %rem3A_96 : i32
    %get3A_107 = arith.constant 0 : index
    %get3A_108 = arith.index_cast %select_n3A_90 : i32 to index
    %get3A_109 = arith.constant 0 : index
    %get3A_110 = arith.index_cast %select_n3A_106 : i32 to index
    %get3A_111 = arith.constant 0 : index
    %get3A_112 = arith.constant 0 : index
    %get3A_113 = vector.load %arg4[%get3A_107, %get3A_108, %get3A_109, %get3A_110, %get3A_111, %get3A_112] : memref<1x4x8x4x8x1024xbf16, #tpu.memory_space<vmem>>, vector<1x1x8x1x8x1024xbf16>
    %get3A_114 = vector.shape_cast %get3A_113 : vector<1x1x8x1x8x1024xbf16> to vector<8x8x1024xbf16>
    %reshape3A_115 = vector.shape_cast %get3A_114 : vector<8x8x1024xbf16> to vector<64x1024xbf16>
    %get3A_116 = arith.constant 0 : index
    %get3A_117 = arith.index_cast %select_n3A_90 : i32 to index
    %get3A_118 = arith.constant 0 : index
    %get3A_119 = arith.index_cast %select_n3A_106 : i32 to index
    %get3A_120 = arith.constant 0 : index
    %get3A_121 = arith.constant 0 : index
    %get3A_122 = vector.load %arg5[%get3A_116, %get3A_117, %get3A_118, %get3A_119, %get3A_120, %get3A_121] : memref<1x4x8x4x8x1024xbf16, #tpu.memory_space<vmem>>, vector<1x1x8x1x8x1024xbf16>
    %get3A_123 = vector.shape_cast %get3A_122 : vector<1x1x8x1x8x1024xbf16> to vector<8x8x1024xbf16>
    %reshape3A_124 = vector.shape_cast %get3A_123 : vector<8x8x1024xbf16> to vector<64x1024xbf16>
    %get3A_125 = arith.index_cast %arg0 : i32 to index
    %get3A_126 = arith.constant 2 : index
    %get3A_127 = arith.index_cast %add3A_3 : i32 to index
    %get3A_128 = memref.load %arg2[%get3A_125, %get3A_126, %get3A_127] : memref<16x8x16xi32, #tpu.memory_space<smem>>
    %jit3A_129 = arith.constant 4 : i32
    %div3A_130 = arith.divsi %get3A_128, %jit3A_129 : i32
    %sign3A_131 = arith.constant 0 : i32
    %sign3A_132 = arith.cmpi sgt, %get3A_128, %sign3A_131 : i32
    %sign3A_133 = arith.extui %sign3A_132 : i1 to i32
    %sign3A_134 = arith.constant 0 : i32
    %sign3A_135 = arith.cmpi slt, %get3A_128, %sign3A_134 : i32
    %sign3A_136 = arith.extui %sign3A_135 : i1 to i32
    %sign3A_137 = arith.subi %sign3A_133, %sign3A_136 : i32
    %sign3A_138 = arith.constant 0 : i32
    %sign3A_139 = arith.cmpi sgt, %jit3A_129, %sign3A_138 : i32
    %sign3A_140 = arith.extui %sign3A_139 : i1 to i32
    %sign3A_141 = arith.constant 0 : i32
    %sign3A_142 = arith.cmpi slt, %jit3A_129, %sign3A_141 : i32
    %sign3A_143 = arith.extui %sign3A_142 : i1 to i32
    %sign3A_144 = arith.subi %sign3A_140, %sign3A_143 : i32
    %ne3A_145 = arith.cmpi ne, %sign3A_137, %sign3A_144 : i32
    %rem3A_146 = arith.remsi %get3A_128, %jit3A_129 : i32
    %ne3A_147 = arith.constant 0 : i32
    %ne3A_148 = arith.cmpi ne, %rem3A_146, %ne3A_147 : i32
    %and3A_149 = arith.andi %ne3A_145, %ne3A_148 : i1
    %sub3A_150 = arith.constant 1 : i32
    %sub3A_151 = arith.subi %div3A_130, %sub3A_150 : i32
    %select_n3A_152 = arith.select %and3A_149, %sub3A_151, %div3A_130 : i32
    %jit3A_153 = arith.constant 4 : i32
    %eq3A_154 = arith.constant 0 : i32
    %eq3A_155 = arith.cmpi eq, %jit3A_153, %eq3A_154 : i32
    %jit3A_156 = arith.constant 1 : i32
    %select_n3A_157 = arith.select %eq3A_155, %jit3A_156, %jit3A_153 : i32
    %rem3A_158 = arith.remsi %get3A_128, %select_n3A_157 : i32
    %ne3A_159 = arith.constant 0 : i32
    %ne3A_160 = arith.cmpi ne, %rem3A_158, %ne3A_159 : i32
    %lt3A_161 = arith.constant 0 : i32
    %lt3A_162 = arith.cmpi slt, %rem3A_158, %lt3A_161 : i32
    %lt3A_163 = arith.constant 0 : i32
    %lt3A_164 = arith.cmpi slt, %select_n3A_157, %lt3A_163 : i32
    %ne3A_165 = arith.xori %lt3A_162, %lt3A_164 : i1
    %and3A_166 = arith.andi %ne3A_165, %ne3A_160 : i1
    %add3A_167 = arith.addi %rem3A_158, %select_n3A_157 : i32
    %select_n3A_168 = arith.select %and3A_166, %add3A_167, %rem3A_158 : i32
    %get3A_169 = arith.constant 0 : index
    %get3A_170 = arith.index_cast %select_n3A_152 : i32 to index
    %get3A_171 = arith.constant 0 : index
    %get3A_172 = arith.index_cast %select_n3A_168 : i32 to index
    %get3A_173 = arith.constant 0 : index
    %get3A_174 = arith.constant 0 : index
    %get3A_175 = vector.load %arg4[%get3A_169, %get3A_170, %get3A_171, %get3A_172, %get3A_173, %get3A_174] : memref<1x4x8x4x8x1024xbf16, #tpu.memory_space<vmem>>, vector<1x1x8x1x8x1024xbf16>
    %get3A_176 = vector.shape_cast %get3A_175 : vector<1x1x8x1x8x1024xbf16> to vector<8x8x1024xbf16>
    %reshape3A_177 = vector.shape_cast %get3A_176 : vector<8x8x1024xbf16> to vector<64x1024xbf16>
    %get3A_178 = arith.constant 0 : index
    %get3A_179 = arith.index_cast %select_n3A_152 : i32 to index
    %get3A_180 = arith.constant 0 : index
    %get3A_181 = arith.index_cast %select_n3A_168 : i32 to index
    %get3A_182 = arith.constant 0 : index
    %get3A_183 = arith.constant 0 : index
    %get3A_184 = vector.load %arg5[%get3A_178, %get3A_179, %get3A_180, %get3A_181, %get3A_182, %get3A_183] : memref<1x4x8x4x8x1024xbf16, #tpu.memory_space<vmem>>, vector<1x1x8x1x8x1024xbf16>
    %get3A_185 = vector.shape_cast %get3A_184 : vector<1x1x8x1x8x1024xbf16> to vector<8x8x1024xbf16>
    %reshape3A_186 = vector.shape_cast %get3A_185 : vector<8x8x1024xbf16> to vector<64x1024xbf16>
    %get3A_187 = arith.index_cast %arg0 : i32 to index
    %get3A_188 = arith.constant 3 : index
    %get3A_189 = arith.index_cast %add3A_3 : i32 to index
    %get3A_190 = memref.load %arg2[%get3A_187, %get3A_188, %get3A_189] : memref<16x8x16xi32, #tpu.memory_space<smem>>
    %jit3A_191 = arith.constant 4 : i32
    %div3A_192 = arith.divsi %get3A_190, %jit3A_191 : i32
    %sign3A_193 = arith.constant 0 : i32
    %sign3A_194 = arith.cmpi sgt, %get3A_190, %sign3A_193 : i32
    %sign3A_195 = arith.extui %sign3A_194 : i1 to i32
    %sign3A_196 = arith.constant 0 : i32
    %sign3A_197 = arith.cmpi slt, %get3A_190, %sign3A_196 : i32
    %sign3A_198 = arith.extui %sign3A_197 : i1 to i32
    %sign3A_199 = arith.subi %sign3A_195, %sign3A_198 : i32
    %sign3A_200 = arith.constant 0 : i32
    %sign3A_201 = arith.cmpi sgt, %jit3A_191, %sign3A_200 : i32
    %sign3A_202 = arith.extui %sign3A_201 : i1 to i32
    %sign3A_203 = arith.constant 0 : i32
    %sign3A_204 = arith.cmpi slt, %jit3A_191, %sign3A_203 : i32
    %sign3A_205 = arith.extui %sign3A_204 : i1 to i32
    %sign3A_206 = arith.subi %sign3A_202, %sign3A_205 : i32
    %ne3A_207 = arith.cmpi ne, %sign3A_199, %sign3A_206 : i32
    %rem3A_208 = arith.remsi %get3A_190, %jit3A_191 : i32
    %ne3A_209 = arith.constant 0 : i32
    %ne3A_210 = arith.cmpi ne, %rem3A_208, %ne3A_209 : i32
    %and3A_211 = arith.andi %ne3A_207, %ne3A_210 : i1
    %sub3A_212 = arith.constant 1 : i32
    %sub3A_213 = arith.subi %div3A_192, %sub3A_212 : i32
    %select_n3A_214 = arith.select %and3A_211, %sub3A_213, %div3A_192 : i32
    %jit3A_215 = arith.constant 4 : i32
    %eq3A_216 = arith.constant 0 : i32
    %eq3A_217 = arith.cmpi eq, %jit3A_215, %eq3A_216 : i32
    %jit3A_218 = arith.constant 1 : i32
    %select_n3A_219 = arith.select %eq3A_217, %jit3A_218, %jit3A_215 : i32
    %rem3A_220 = arith.remsi %get3A_190, %select_n3A_219 : i32
    %ne3A_221 = arith.constant 0 : i32
    %ne3A_222 = arith.cmpi ne, %rem3A_220, %ne3A_221 : i32
    %lt3A_223 = arith.constant 0 : i32
    %lt3A_224 = arith.cmpi slt, %rem3A_220, %lt3A_223 : i32
    %lt3A_225 = arith.constant 0 : i32
    %lt3A_226 = arith.cmpi slt, %select_n3A_219, %lt3A_225 : i32
    %ne3A_227 = arith.xori %lt3A_224, %lt3A_226 : i1
    %and3A_228 = arith.andi %ne3A_227, %ne3A_222 : i1
    %add3A_229 = arith.addi %rem3A_220, %select_n3A_219 : i32
    %select_n3A_230 = arith.select %and3A_228, %add3A_229, %rem3A_220 : i32
    %get3A_231 = arith.constant 0 : index
    %get3A_232 = arith.index_cast %select_n3A_214 : i32 to index
    %get3A_233 = arith.constant 0 : index
    %get3A_234 = arith.index_cast %select_n3A_230 : i32 to index
    %get3A_235 = arith.constant 0 : index
    %get3A_236 = arith.constant 0 : index
    %get3A_237 = vector.load %arg4[%get3A_231, %get3A_232, %get3A_233, %get3A_234, %get3A_235, %get3A_236] : memref<1x4x8x4x8x1024xbf16, #tpu.memory_space<vmem>>, vector<1x1x8x1x8x1024xbf16>
    %get3A_238 = vector.shape_cast %get3A_237 : vector<1x1x8x1x8x1024xbf16> to vector<8x8x1024xbf16>
    %reshape3A_239 = vector.shape_cast %get3A_238 : vector<8x8x1024xbf16> to vector<64x1024xbf16>
    %get3A_240 = arith.constant 0 : index
    %get3A_241 = arith.index_cast %select_n3A_214 : i32 to index
    %get3A_242 = arith.constant 0 : index
    %get3A_243 = arith.index_cast %select_n3A_230 : i32 to index
    %get3A_244 = arith.constant 0 : index
    %get3A_245 = arith.constant 0 : index
    %get3A_246 = vector.load %arg5[%get3A_240, %get3A_241, %get3A_242, %get3A_243, %get3A_244, %get3A_245] : memref<1x4x8x4x8x1024xbf16, #tpu.memory_space<vmem>>, vector<1x1x8x1x8x1024xbf16>
    %get3A_247 = vector.shape_cast %get3A_246 : vector<1x1x8x1x8x1024xbf16> to vector<8x8x1024xbf16>
    %reshape3A_248 = vector.shape_cast %get3A_247 : vector<8x8x1024xbf16> to vector<64x1024xbf16>
    %concatenate3A = tpu.concatenate %reshape3A_53, %reshape3A_115, %reshape3A_177, %reshape3A_239 in 0 : vector<64x1024xbf16>, vector<64x1024xbf16>, vector<64x1024xbf16>, vector<64x1024xbf16> -> vector<256x1024xbf16>
    %concatenate3A_249 = tpu.concatenate %reshape3A_62, %reshape3A_124, %reshape3A_186, %reshape3A_248 in 0 : vector<64x1024xbf16>, vector<64x1024xbf16>, vector<64x1024xbf16>, vector<64x1024xbf16> -> vector<256x1024xbf16>
    %mul3A_250 = arith.constant 8 : i32
    %mul3A_251 = arith.muli %mul3A_250, %arg1 : i32
    %add3A_252 = arith.constant 0 : i32
    %add3A_253 = arith.addi %mul3A_251, %add3A_252 : i32
    %add3A_254 = arith.constant 1 : i32
    %add3A_255 = arith.addi %add3A_253, %add3A_254 : i32
    %get3A_256 = arith.constant 0 : index
    %get3A_257 = arith.constant 0 : index
    %get3A_258 = arith.constant 0 : index
    %get3A_259 = arith.constant 1 : index
    %get3A_260 = arith.constant 0 : index
    %get3A_261 = arith.constant 0 : index
    %get3A_262 = vector.load %arg3[%get3A_256, %get3A_257, %get3A_258, %get3A_259, %get3A_260, %get3A_261] : memref<1x2x8x4x8x1024xbf16, #tpu.memory_space<vmem>>, vector<1x1x8x1x8x1024xbf16>
    %get3A_263 = vector.shape_cast %get3A_262 : vector<1x1x8x1x8x1024xbf16> to vector<8x8x1024xbf16>
    %reshape3A_264 = vector.shape_cast %get3A_263 : vector<8x8x1024xbf16> to vector<64x1024xbf16>
    %get3A_265 = arith.index_cast %arg0 : i32 to index
    %get3A_266 = arith.constant 0 : index
    %get3A_267 = arith.index_cast %add3A_255 : i32 to index
    %get3A_268 = memref.load %arg2[%get3A_265, %get3A_266, %get3A_267] : memref<16x8x16xi32, #tpu.memory_space<smem>>
    %jit3A_269 = arith.constant 4 : i32
    %div3A_270 = arith.divsi %get3A_268, %jit3A_269 : i32
    %sign3A_271 = arith.constant 0 : i32
    %sign3A_272 = arith.cmpi sgt, %get3A_268, %sign3A_271 : i32
    %sign3A_273 = arith.extui %sign3A_272 : i1 to i32
    %sign3A_274 = arith.constant 0 : i32
    %sign3A_275 = arith.cmpi slt, %get3A_268, %sign3A_274 : i32
    %sign3A_276 = arith.extui %sign3A_275 : i1 to i32
    %sign3A_277 = arith.subi %sign3A_273, %sign3A_276 : i32
    %sign3A_278 = arith.constant 0 : i32
    %sign3A_279 = arith.cmpi sgt, %jit3A_269, %sign3A_278 : i32
    %sign3A_280 = arith.extui %sign3A_279 : i1 to i32
    %sign3A_281 = arith.constant 0 : i32
    %sign3A_282 = arith.cmpi slt, %jit3A_269, %sign3A_281 : i32
    %sign3A_283 = arith.extui %sign3A_282 : i1 to i32
    %sign3A_284 = arith.subi %sign3A_280, %sign3A_283 : i32
    %ne3A_285 = arith.cmpi ne, %sign3A_277, %sign3A_284 : i32
    %rem3A_286 = arith.remsi %get3A_268, %jit3A_269 : i32
    %ne3A_287 = arith.constant 0 : i32
    %ne3A_288 = arith.cmpi ne, %rem3A_286, %ne3A_287 : i32
    %and3A_289 = arith.andi %ne3A_285, %ne3A_288 : i1
    %sub3A_290 = arith.constant 1 : i32
    %sub3A_291 = arith.subi %div3A_270, %sub3A_290 : i32
    %select_n3A_292 = arith.select %and3A_289, %sub3A_291, %div3A_270 : i32
    %jit3A_293 = arith.constant 4 : i32
    %eq3A_294 = arith.constant 0 : i32
    %eq3A_295 = arith.cmpi eq, %jit3A_293, %eq3A_294 : i32
    %jit3A_296 = arith.constant 1 : i32
    %select_n3A_297 = arith.select %eq3A_295, %jit3A_296, %jit3A_293 : i32
    %rem3A_298 = arith.remsi %get3A_268, %select_n3A_297 : i32
    %ne3A_299 = arith.constant 0 : i32
    %ne3A_300 = arith.cmpi ne, %rem3A_298, %ne3A_299 : i32
    %lt3A_301 = arith.constant 0 : i32
    %lt3A_302 = arith.cmpi slt, %rem3A_298, %lt3A_301 : i32
    %lt3A_303 = arith.constant 0 : i32
    %lt3A_304 = arith.cmpi slt, %select_n3A_297, %lt3A_303 : i32
    %ne3A_305 = arith.xori %lt3A_302, %lt3A_304 : i1
    %and3A_306 = arith.andi %ne3A_305, %ne3A_300 : i1
    %add3A_307 = arith.addi %rem3A_298, %select_n3A_297 : i32
    %select_n3A_308 = arith.select %and3A_306, %add3A_307, %rem3A_298 : i32
    %get3A_309 = arith.constant 0 : index
    %get3A_310 = arith.index_cast %select_n3A_292 : i32 to index
    %get3A_311 = arith.constant 0 : index
    %get3A_312 = arith.index_cast %select_n3A_308 : i32 to index
    %get3A_313 = arith.constant 0 : index
    %get3A_314 = arith.constant 0 : index
    %get3A_315 = vector.load %arg4[%get3A_309, %get3A_310, %get3A_311, %get3A_312, %get3A_313, %get3A_314] : memref<1x4x8x4x8x1024xbf16, #tpu.memory_space<vmem>>, vector<1x1x8x1x8x1024xbf16>
    %get3A_316 = vector.shape_cast %get3A_315 : vector<1x1x8x1x8x1024xbf16> to vector<8x8x1024xbf16>
    %reshape3A_317 = vector.shape_cast %get3A_316 : vector<8x8x1024xbf16> to vector<64x1024xbf16>
    %get3A_318 = arith.constant 0 : index
    %get3A_319 = arith.index_cast %select_n3A_292 : i32 to index
    %get3A_320 = arith.constant 0 : index
    %get3A_321 = arith.index_cast %select_n3A_308 : i32 to index
    %get3A_322 = arith.constant 0 : index
    %get3A_323 = arith.constant 0 : index
    %get3A_324 = vector.load %arg5[%get3A_318, %get3A_319, %get3A_320, %get3A_321, %get3A_322, %get3A_323] : memref<1x4x8x4x8x1024xbf16, #tpu.memory_space<vmem>>, vector<1x1x8x1x8x1024xbf16>
    %get3A_325 = vector.shape_cast %get3A_324 : vector<1x1x8x1x8x1024xbf16> to vector<8x8x1024xbf16>
    %reshape3A_326 = vector.shape_cast %get3A_325 : vector<8x8x1024xbf16> to vector<64x1024xbf16>
    %get3A_327 = arith.index_cast %arg0 : i32 to index
    %get3A_328 = arith.constant 1 : index
    %get3A_329 = arith.index_cast %add3A_255 : i32 to index
    %get3A_330 = memref.load %arg2[%get3A_327, %get3A_328, %get3A_329] : memref<16x8x16xi32, #tpu.memory_space<smem>>
    %jit3A_331 = arith.constant 4 : i32
    %div3A_332 = arith.divsi %get3A_330, %jit3A_331 : i32
    %sign3A_333 = arith.constant 0 : i32
    %sign3A_334 = arith.cmpi sgt, %get3A_330, %sign3A_333 : i32
    %sign3A_335 = arith.extui %sign3A_334 : i1 to i32
    %sign3A_336 = arith.constant 0 : i32
    %sign3A_337 = arith.cmpi slt, %get3A_330, %sign3A_336 : i32
    %sign3A_338 = arith.extui %sign3A_337 : i1 to i32
    %sign3A_339 = arith.subi %sign3A_335, %sign3A_338 : i32
    %sign3A_340 = arith.constant 0 : i32
    %sign3A_341 = arith.cmpi sgt, %jit3A_331, %sign3A_340 : i32
    %sign3A_342 = arith.extui %sign3A_341 : i1 to i32
    %sign3A_343 = arith.constant 0 : i32
    %sign3A_344 = arith.cmpi slt, %jit3A_331, %sign3A_343 : i32
    %sign3A_345 = arith.extui %sign3A_344 : i1 to i32
    %sign3A_346 = arith.subi %sign3A_342, %sign3A_345 : i32
    %ne3A_347 = arith.cmpi ne, %sign3A_339, %sign3A_346 : i32
    %rem3A_348 = arith.remsi %get3A_330, %jit3A_331 : i32
    %ne3A_349 = arith.constant 0 : i32
    %ne3A_350 = arith.cmpi ne, %rem3A_348, %ne3A_349 : i32
    %and3A_351 = arith.andi %ne3A_347, %ne3A_350 : i1
    %sub3A_352 = arith.constant 1 : i32
    %sub3A_353 = arith.subi %div3A_332, %sub3A_352 : i32
    %select_n3A_354 = arith.select %and3A_351, %sub3A_353, %div3A_332 : i32
    %jit3A_355 = arith.constant 4 : i32
    %eq3A_356 = arith.constant 0 : i32
    %eq3A_357 = arith.cmpi eq, %jit3A_355, %eq3A_356 : i32
    %jit3A_358 = arith.constant 1 : i32
    %select_n3A_359 = arith.select %eq3A_357, %jit3A_358, %jit3A_355 : i32
    %rem3A_360 = arith.remsi %get3A_330, %select_n3A_359 : i32
    %ne3A_361 = arith.constant 0 : i32
    %ne3A_362 = arith.cmpi ne, %rem3A_360, %ne3A_361 : i32
    %lt3A_363 = arith.constant 0 : i32
    %lt3A_364 = arith.cmpi slt, %rem3A_360, %lt3A_363 : i32
    %lt3A_365 = arith.constant 0 : i32
    %lt3A_366 = arith.cmpi slt, %select_n3A_359, %lt3A_365 : i32
    %ne3A_367 = arith.xori %lt3A_364, %lt3A_366 : i1
    %and3A_368 = arith.andi %ne3A_367, %ne3A_362 : i1
    %add3A_369 = arith.addi %rem3A_360, %select_n3A_359 : i32
    %select_n3A_370 = arith.select %and3A_368, %add3A_369, %rem3A_360 : i32
    %get3A_371 = arith.constant 0 : index
    %get3A_372 = arith.index_cast %select_n3A_354 : i32 to index
    %get3A_373 = arith.constant 0 : index
    %get3A_374 = arith.index_cast %select_n3A_370 : i32 to index
    %get3A_375 = arith.constant 0 : index
    %get3A_376 = arith.constant 0 : index
    %get3A_377 = vector.load %arg4[%get3A_371, %get3A_372, %get3A_373, %get3A_374, %get3A_375, %get3A_376] : memref<1x4x8x4x8x1024xbf16, #tpu.memory_space<vmem>>, vector<1x1x8x1x8x1024xbf16>
    %get3A_378 = vector.shape_cast %get3A_377 : vector<1x1x8x1x8x1024xbf16> to vector<8x8x1024xbf16>
    %reshape3A_379 = vector.shape_cast %get3A_378 : vector<8x8x1024xbf16> to vector<64x1024xbf16>
    %get3A_380 = arith.constant 0 : index
    %get3A_381 = arith.index_cast %select_n3A_354 : i32 to index
    %get3A_382 = arith.constant 0 : index
    %get3A_383 = arith.index_cast %select_n3A_370 : i32 to index
    %get3A_384 = arith.constant 0 : index
    %get3A_385 = arith.constant 0 : index
    %get3A_386 = vector.load %arg5[%get3A_380, %get3A_381, %get3A_382, %get3A_383, %get3A_384, %get3A_385] : memref<1x4x8x4x8x1024xbf16, #tpu.memory_space<vmem>>, vector<1x1x8x1x8x1024xbf16>
    %get3A_387 = vector.shape_cast %get3A_386 : vector<1x1x8x1x8x1024xbf16> to vector<8x8x1024xbf16>
    %reshape3A_388 = vector.shape_cast %get3A_387 : vector<8x8x1024xbf16> to vector<64x1024xbf16>
    %get3A_389 = arith.index_cast %arg0 : i32 to index
    %get3A_390 = arith.constant 2 : index
    %get3A_391 = arith.index_cast %add3A_255 : i32 to index
    %get3A_392 = memref.load %arg2[%get3A_389, %get3A_390, %get3A_391] : memref<16x8x16xi32, #tpu.memory_space<smem>>
    %jit3A_393 = arith.constant 4 : i32
    %div3A_394 = arith.divsi %get3A_392, %jit3A_393 : i32
    %sign3A_395 = arith.constant 0 : i32
    %sign3A_396 = arith.cmpi sgt, %get3A_392, %sign3A_395 : i32
    %sign3A_397 = arith.extui %sign3A_396 : i1 to i32
    %sign3A_398 = arith.constant 0 : i32
    %sign3A_399 = arith.cmpi slt, %get3A_392, %sign3A_398 : i32
    %sign3A_400 = arith.extui %sign3A_399 : i1 to i32
    %sign3A_401 = arith.subi %sign3A_397, %sign3A_400 : i32
    %sign3A_402 = arith.constant 0 : i32
    %sign3A_403 = arith.cmpi sgt, %jit3A_393, %sign3A_402 : i32
    %sign3A_404 = arith.extui %sign3A_403 : i1 to i32
    %sign3A_405 = arith.constant 0 : i32
    %sign3A_406 = arith.cmpi slt, %jit3A_393, %sign3A_405 : i32
    %sign3A_407 = arith.extui %sign3A_406 : i1 to i32
    %sign3A_408 = arith.subi %sign3A_404, %sign3A_407 : i32
    %ne3A_409 = arith.cmpi ne, %sign3A_401, %sign3A_408 : i32
    %rem3A_410 = arith.remsi %get3A_392, %jit3A_393 : i32
    %ne3A_411 = arith.constant 0 : i32
    %ne3A_412 = arith.cmpi ne, %rem3A_410, %ne3A_411 : i32
    %and3A_413 = arith.andi %ne3A_409, %ne3A_412 : i1
    %sub3A_414 = arith.constant 1 : i32
    %sub3A_415 = arith.subi %div3A_394, %sub3A_414 : i32
    %select_n3A_416 = arith.select %and3A_413, %sub3A_415, %div3A_394 : i32
    %jit3A_417 = arith.constant 4 : i32
    %eq3A_418 = arith.constant 0 : i32
    %eq3A_419 = arith.cmpi eq, %jit3A_417, %eq3A_418 : i32
    %jit3A_420 = arith.constant 1 : i32
    %select_n3A_421 = arith.select %eq3A_419, %jit3A_420, %jit3A_417 : i32
    %rem3A_422 = arith.remsi %get3A_392, %select_n3A_421 : i32
    %ne3A_423 = arith.constant 0 : i32
    %ne3A_424 = arith.cmpi ne, %rem3A_422, %ne3A_423 : i32
    %lt3A_425 = arith.constant 0 : i32
    %lt3A_426 = arith.cmpi slt, %rem3A_422, %lt3A_425 : i32
    %lt3A_427 = arith.constant 0 : i32
    %lt3A_428 = arith.cmpi slt, %select_n3A_421, %lt3A_427 : i32
    %ne3A_429 = arith.xori %lt3A_426, %lt3A_428 : i1
    %and3A_430 = arith.andi %ne3A_429, %ne3A_424 : i1
    %add3A_431 = arith.addi %rem3A_422, %select_n3A_421 : i32
    %select_n3A_432 = arith.select %and3A_430, %add3A_431, %rem3A_422 : i32
    %get3A_433 = arith.constant 0 : index
    %get3A_434 = arith.index_cast %select_n3A_416 : i32 to index
    %get3A_435 = arith.constant 0 : index
    %get3A_436 = arith.index_cast %select_n3A_432 : i32 to index
    %get3A_437 = arith.constant 0 : index
    %get3A_438 = arith.constant 0 : index
    %get3A_439 = vector.load %arg4[%get3A_433, %get3A_434, %get3A_435, %get3A_436, %get3A_437, %get3A_438] : memref<1x4x8x4x8x1024xbf16, #tpu.memory_space<vmem>>, vector<1x1x8x1x8x1024xbf16>
    %get3A_440 = vector.shape_cast %get3A_439 : vector<1x1x8x1x8x1024xbf16> to vector<8x8x1024xbf16>
    %reshape3A_441 = vector.shape_cast %get3A_440 : vector<8x8x1024xbf16> to vector<64x1024xbf16>
    %get3A_442 = arith.constant 0 : index
    %get3A_443 = arith.index_cast %select_n3A_416 : i32 to index
    %get3A_444 = arith.constant 0 : index
    %get3A_445 = arith.index_cast %select_n3A_432 : i32 to index
    %get3A_446 = arith.constant 0 : index
    %get3A_447 = arith.constant 0 : index
    %get3A_448 = vector.load %arg5[%get3A_442, %get3A_443, %get3A_444, %get3A_445, %get3A_446, %get3A_447] : memref<1x4x8x4x8x1024xbf16, #tpu.memory_space<vmem>>, vector<1x1x8x1x8x1024xbf16>
    %get3A_449 = vector.shape_cast %get3A_448 : vector<1x1x8x1x8x1024xbf16> to vector<8x8x1024xbf16>
    %reshape3A_450 = vector.shape_cast %get3A_449 : vector<8x8x1024xbf16> to vector<64x1024xbf16>
    %get3A_451 = arith.index_cast %arg0 : i32 to index
    %get3A_452 = arith.constant 3 : index
    %get3A_453 = arith.index_cast %add3A_255 : i32 to index
    %get3A_454 = memref.load %arg2[%get3A_451, %get3A_452, %get3A_453] : memref<16x8x16xi32, #tpu.memory_space<smem>>
    %jit3A_455 = arith.constant 4 : i32
    %div3A_456 = arith.divsi %get3A_454, %jit3A_455 : i32
    %sign3A_457 = arith.constant 0 : i32
    %sign3A_458 = arith.cmpi sgt, %get3A_454, %sign3A_457 : i32
    %sign3A_459 = arith.extui %sign3A_458 : i1 to i32
    %sign3A_460 = arith.constant 0 : i32
    %sign3A_461 = arith.cmpi slt, %get3A_454, %sign3A_460 : i32
    %sign3A_462 = arith.extui %sign3A_461 : i1 to i32
    %sign3A_463 = arith.subi %sign3A_459, %sign3A_462 : i32
    %sign3A_464 = arith.constant 0 : i32
    %sign3A_465 = arith.cmpi sgt, %jit3A_455, %sign3A_464 : i32
    %sign3A_466 = arith.extui %sign3A_465 : i1 to i32
    %sign3A_467 = arith.constant 0 : i32
    %sign3A_468 = arith.cmpi slt, %jit3A_455, %sign3A_467 : i32
    %sign3A_469 = arith.extui %sign3A_468 : i1 to i32
    %sign3A_470 = arith.subi %sign3A_466, %sign3A_469 : i32
    %ne3A_471 = arith.cmpi ne, %sign3A_463, %sign3A_470 : i32
    %rem3A_472 = arith.remsi %get3A_454, %jit3A_455 : i32
    %ne3A_473 = arith.constant 0 : i32
    %ne3A_474 = arith.cmpi ne, %rem3A_472, %ne3A_473 : i32
    %and3A_475 = arith.andi %ne3A_471, %ne3A_474 : i1
    %sub3A_476 = arith.constant 1 : i32
    %sub3A_477 = arith.subi %div3A_456, %sub3A_476 : i32
    %select_n3A_478 = arith.select %and3A_475, %sub3A_477, %div3A_456 : i32
    %jit3A_479 = arith.constant 4 : i32
    %eq3A_480 = arith.constant 0 : i32
    %eq3A_481 = arith.cmpi eq, %jit3A_479, %eq3A_480 : i32
    %jit3A_482 = arith.constant 1 : i32
    %select_n3A_483 = arith.select %eq3A_481, %jit3A_482, %jit3A_479 : i32
    %rem3A_484 = arith.remsi %get3A_454, %select_n3A_483 : i32
    %ne3A_485 = arith.constant 0 : i32
    %ne3A_486 = arith.cmpi ne, %rem3A_484, %ne3A_485 : i32
    %lt3A_487 = arith.constant 0 : i32
    %lt3A_488 = arith.cmpi slt, %rem3A_484, %lt3A_487 : i32
    %lt3A_489 = arith.constant 0 : i32
    %lt3A_490 = arith.cmpi slt, %select_n3A_483, %lt3A_489 : i32
    %ne3A_491 = arith.xori %lt3A_488, %lt3A_490 : i1
    %and3A_492 = arith.andi %ne3A_491, %ne3A_486 : i1
    %add3A_493 = arith.addi %rem3A_484, %select_n3A_483 : i32
    %select_n3A_494 = arith.select %and3A_492, %add3A_493, %rem3A_484 : i32
    %get3A_495 = arith.constant 0 : index
    %get3A_496 = arith.index_cast %select_n3A_478 : i32 to index
    %get3A_497 = arith.constant 0 : index
    %get3A_498 = arith.index_cast %select_n3A_494 : i32 to index
    %get3A_499 = arith.constant 0 : index
    %get3A_500 = arith.constant 0 : index
    %get3A_501 = vector.load %arg4[%get3A_495, %get3A_496, %get3A_497, %get3A_498, %get3A_499, %get3A_500] : memref<1x4x8x4x8x1024xbf16, #tpu.memory_space<vmem>>, vector<1x1x8x1x8x1024xbf16>
    %get3A_502 = vector.shape_cast %get3A_501 : vector<1x1x8x1x8x1024xbf16> to vector<8x8x1024xbf16>
    %reshape3A_503 = vector.shape_cast %get3A_502 : vector<8x8x1024xbf16> to vector<64x1024xbf16>
    %get3A_504 = arith.constant 0 : index
    %get3A_505 = arith.index_cast %select_n3A_478 : i32 to index
    %get3A_506 = arith.constant 0 : index
    %get3A_507 = arith.index_cast %select_n3A_494 : i32 to index
    %get3A_508 = arith.constant 0 : index
    %get3A_509 = arith.constant 0 : index
    %get3A_510 = vector.load %arg5[%get3A_504, %get3A_505, %get3A_506, %get3A_507, %get3A_508, %get3A_509] : memref<1x4x8x4x8x1024xbf16, #tpu.memory_space<vmem>>, vector<1x1x8x1x8x1024xbf16>
    %get3A_511 = vector.shape_cast %get3A_510 : vector<1x1x8x1x8x1024xbf16> to vector<8x8x1024xbf16>
    %reshape3A_512 = vector.shape_cast %get3A_511 : vector<8x8x1024xbf16> to vector<64x1024xbf16>
    %concatenate3A_513 = tpu.concatenate %reshape3A_317, %reshape3A_379, %reshape3A_441, %reshape3A_503 in 0 : vector<64x1024xbf16>, vector<64x1024xbf16>, vector<64x1024xbf16>, vector<64x1024xbf16> -> vector<256x1024xbf16>
    %concatenate3A_514 = tpu.concatenate %reshape3A_326, %reshape3A_388, %reshape3A_450, %reshape3A_512 in 0 : vector<64x1024xbf16>, vector<64x1024xbf16>, vector<64x1024xbf16>, vector<64x1024xbf16> -> vector<256x1024xbf16>
    %mul3A_515 = arith.constant 8 : i32
    %mul3A_516 = arith.muli %mul3A_515, %arg1 : i32
    %add3A_517 = arith.constant 0 : i32
    %add3A_518 = arith.addi %mul3A_516, %add3A_517 : i32
    %add3A_519 = arith.constant 2 : i32
    %add3A_520 = arith.addi %add3A_518, %add3A_519 : i32
    %get3A_521 = arith.constant 0 : index
    %get3A_522 = arith.constant 0 : index
    %get3A_523 = arith.constant 0 : index
    %get3A_524 = arith.constant 2 : index
    %get3A_525 = arith.constant 0 : index
    %get3A_526 = arith.constant 0 : index
    %get3A_527 = vector.load %arg3[%get3A_521, %get3A_522, %get3A_523, %get3A_524, %get3A_525, %get3A_526] : memref<1x2x8x4x8x1024xbf16, #tpu.memory_space<vmem>>, vector<1x1x8x1x8x1024xbf16>
    %get3A_528 = vector.shape_cast %get3A_527 : vector<1x1x8x1x8x1024xbf16> to vector<8x8x1024xbf16>
    %reshape3A_529 = vector.shape_cast %get3A_528 : vector<8x8x1024xbf16> to vector<64x1024xbf16>
    %get3A_530 = arith.index_cast %arg0 : i32 to index
    %get3A_531 = arith.constant 0 : index
    %get3A_532 = arith.index_cast %add3A_520 : i32 to index
    %get3A_533 = memref.load %arg2[%get3A_530, %get3A_531, %get3A_532] : memref<16x8x16xi32, #tpu.memory_space<smem>>
    %jit3A_534 = arith.constant 4 : i32
    %div3A_535 = arith.divsi %get3A_533, %jit3A_534 : i32
    %sign3A_536 = arith.constant 0 : i32
    %sign3A_537 = arith.cmpi sgt, %get3A_533, %sign3A_536 : i32
    %sign3A_538 = arith.extui %sign3A_537 : i1 to i32
    %sign3A_539 = arith.constant 0 : i32
    %sign3A_540 = arith.cmpi slt, %get3A_533, %sign3A_539 : i32
    %sign3A_541 = arith.extui %sign3A_540 : i1 to i32
    %sign3A_542 = arith.subi %sign3A_538, %sign3A_541 : i32
    %sign3A_543 = arith.constant 0 : i32
    %sign3A_544 = arith.cmpi sgt, %jit3A_534, %sign3A_543 : i32
    %sign3A_545 = arith.extui %sign3A_544 : i1 to i32
    %sign3A_546 = arith.constant 0 : i32
    %sign3A_547 = arith.cmpi slt, %jit3A_534, %sign3A_546 : i32
    %sign3A_548 = arith.extui %sign3A_547 : i1 to i32
    %sign3A_549 = arith.subi %sign3A_545, %sign3A_548 : i32
    %ne3A_550 = arith.cmpi ne, %sign3A_542, %sign3A_549 : i32
    %rem3A_551 = arith.remsi %get3A_533, %jit3A_534 : i32
    %ne3A_552 = arith.constant 0 : i32
    %ne3A_553 = arith.cmpi ne, %rem3A_551, %ne3A_552 : i32
    %and3A_554 = arith.andi %ne3A_550, %ne3A_553 : i1
    %sub3A_555 = arith.constant 1 : i32
    %sub3A_556 = arith.subi %div3A_535, %sub3A_555 : i32
    %select_n3A_557 = arith.select %and3A_554, %sub3A_556, %div3A_535 : i32
    %jit3A_558 = arith.constant 4 : i32
    %eq3A_559 = arith.constant 0 : i32
    %eq3A_560 = arith.cmpi eq, %jit3A_558, %eq3A_559 : i32
    %jit3A_561 = arith.constant 1 : i32
    %select_n3A_562 = arith.select %eq3A_560, %jit3A_561, %jit3A_558 : i32
    %rem3A_563 = arith.remsi %get3A_533, %select_n3A_562 : i32
    %ne3A_564 = arith.constant 0 : i32
    %ne3A_565 = arith.cmpi ne, %rem3A_563, %ne3A_564 : i32
    %lt3A_566 = arith.constant 0 : i32
    %lt3A_567 = arith.cmpi slt, %rem3A_563, %lt3A_566 : i32
    %lt3A_568 = arith.constant 0 : i32
    %lt3A_569 = arith.cmpi slt, %select_n3A_562, %lt3A_568 : i32
    %ne3A_570 = arith.xori %lt3A_567, %lt3A_569 : i1
    %and3A_571 = arith.andi %ne3A_570, %ne3A_565 : i1
    %add3A_572 = arith.addi %rem3A_563, %select_n3A_562 : i32
    %select_n3A_573 = arith.select %and3A_571, %add3A_572, %rem3A_563 : i32
    %get3A_574 = arith.constant 0 : index
    %get3A_575 = arith.index_cast %select_n3A_557 : i32 to index
    %get3A_576 = arith.constant 0 : index
    %get3A_577 = arith.index_cast %select_n3A_573 : i32 to index
    %get3A_578 = arith.constant 0 : index
    %get3A_579 = arith.constant 0 : index
    %get3A_580 = vector.load %arg4[%get3A_574, %get3A_575, %get3A_576, %get3A_577, %get3A_578, %get3A_579] : memref<1x4x8x4x8x1024xbf16, #tpu.memory_space<vmem>>, vector<1x1x8x1x8x1024xbf16>
    %get3A_581 = vector.shape_cast %get3A_580 : vector<1x1x8x1x8x1024xbf16> to vector<8x8x1024xbf16>
    %reshape3A_582 = vector.shape_cast %get3A_581 : vector<8x8x1024xbf16> to vector<64x1024xbf16>
    %get3A_583 = arith.constant 0 : index
    %get3A_584 = arith.index_cast %select_n3A_557 : i32 to index
    %get3A_585 = arith.constant 0 : index
    %get3A_586 = arith.index_cast %select_n3A_573 : i32 to index
    %get3A_587 = arith.constant 0 : index
    %get3A_588 = arith.constant 0 : index
    %get3A_589 = vector.load %arg5[%get3A_583, %get3A_584, %get3A_585, %get3A_586, %get3A_587, %get3A_588] : memref<1x4x8x4x8x1024xbf16, #tpu.memory_space<vmem>>, vector<1x1x8x1x8x1024xbf16>
    %get3A_590 = vector.shape_cast %get3A_589 : vector<1x1x8x1x8x1024xbf16> to vector<8x8x1024xbf16>
    %reshape3A_591 = vector.shape_cast %get3A_590 : vector<8x8x1024xbf16> to vector<64x1024xbf16>
    %get3A_592 = arith.index_cast %arg0 : i32 to index
    %get3A_593 = arith.constant 1 : index
    %get3A_594 = arith.index_cast %add3A_520 : i32 to index
    %get3A_595 = memref.load %arg2[%get3A_592, %get3A_593, %get3A_594] : memref<16x8x16xi32, #tpu.memory_space<smem>>
    %jit3A_596 = arith.constant 4 : i32
    %div3A_597 = arith.divsi %get3A_595, %jit3A_596 : i32
    %sign3A_598 = arith.constant 0 : i32
    %sign3A_599 = arith.cmpi sgt, %get3A_595, %sign3A_598 : i32
    %sign3A_600 = arith.extui %sign3A_599 : i1 to i32
    %sign3A_601 = arith.constant 0 : i32
    %sign3A_602 = arith.cmpi slt, %get3A_595, %sign3A_601 : i32
    %sign3A_603 = arith.extui %sign3A_602 : i1 to i32
    %sign3A_604 = arith.subi %sign3A_600, %sign3A_603 : i32
    %sign3A_605 = arith.constant 0 : i32
    %sign3A_606 = arith.cmpi sgt, %jit3A_596, %sign3A_605 : i32
    %sign3A_607 = arith.extui %sign3A_606 : i1 to i32
    %sign3A_608 = arith.constant 0 : i32
    %sign3A_609 = arith.cmpi slt, %jit3A_596, %sign3A_608 : i32
    %sign3A_610 = arith.extui %sign3A_609 : i1 to i32
    %sign3A_611 = arith.subi %sign3A_607, %sign3A_610 : i32
    %ne3A_612 = arith.cmpi ne, %sign3A_604, %sign3A_611 : i32
    %rem3A_613 = arith.remsi %get3A_595, %jit3A_596 : i32
    %ne3A_614 = arith.constant 0 : i32
    %ne3A_615 = arith.cmpi ne, %rem3A_613, %ne3A_614 : i32
    %and3A_616 = arith.andi %ne3A_612, %ne3A_615 : i1
    %sub3A_617 = arith.constant 1 : i32
    %sub3A_618 = arith.subi %div3A_597, %sub3A_617 : i32
    %select_n3A_619 = arith.select %and3A_616, %sub3A_618, %div3A_597 : i32
    %jit3A_620 = arith.constant 4 : i32
    %eq3A_621 = arith.constant 0 : i32
    %eq3A_622 = arith.cmpi eq, %jit3A_620, %eq3A_621 : i32
    %jit3A_623 = arith.constant 1 : i32
    %select_n3A_624 = arith.select %eq3A_622, %jit3A_623, %jit3A_620 : i32
    %rem3A_625 = arith.remsi %get3A_595, %select_n3A_624 : i32
    %ne3A_626 = arith.constant 0 : i32
    %ne3A_627 = arith.cmpi ne, %rem3A_625, %ne3A_626 : i32
    %lt3A_628 = arith.constant 0 : i32
    %lt3A_629 = arith.cmpi slt, %rem3A_625, %lt3A_628 : i32
    %lt3A_630 = arith.constant 0 : i32
    %lt3A_631 = arith.cmpi slt, %select_n3A_624, %lt3A_630 : i32
    %ne3A_632 = arith.xori %lt3A_629, %lt3A_631 : i1
    %and3A_633 = arith.andi %ne3A_632, %ne3A_627 : i1
    %add3A_634 = arith.addi %rem3A_625, %select_n3A_624 : i32
    %select_n3A_635 = arith.select %and3A_633, %add3A_634, %rem3A_625 : i32
    %get3A_636 = arith.constant 0 : index
    %get3A_637 = arith.index_cast %select_n3A_619 : i32 to index
    %get3A_638 = arith.constant 0 : index
    %get3A_639 = arith.index_cast %select_n3A_635 : i32 to index
    %get3A_640 = arith.constant 0 : index
    %get3A_641 = arith.constant 0 : index
    %get3A_642 = vector.load %arg4[%get3A_636, %get3A_637, %get3A_638, %get3A_639, %get3A_640, %get3A_641] : memref<1x4x8x4x8x1024xbf16, #tpu.memory_space<vmem>>, vector<1x1x8x1x8x1024xbf16>
    %get3A_643 = vector.shape_cast %get3A_642 : vector<1x1x8x1x8x1024xbf16> to vector<8x8x1024xbf16>
    %reshape3A_644 = vector.shape_cast %get3A_643 : vector<8x8x1024xbf16> to vector<64x1024xbf16>
    %get3A_645 = arith.constant 0 : index
    %get3A_646 = arith.index_cast %select_n3A_619 : i32 to index
    %get3A_647 = arith.constant 0 : index
    %get3A_648 = arith.index_cast %select_n3A_635 : i32 to index
    %get3A_649 = arith.constant 0 : index
    %get3A_650 = arith.constant 0 : index
    %get3A_651 = vector.load %arg5[%get3A_645, %get3A_646, %get3A_647, %get3A_648, %get3A_649, %get3A_650] : memref<1x4x8x4x8x1024xbf16, #tpu.memory_space<vmem>>, vector<1x1x8x1x8x1024xbf16>
    %get3A_652 = vector.shape_cast %get3A_651 : vector<1x1x8x1x8x1024xbf16> to vector<8x8x1024xbf16>
    %reshape3A_653 = vector.shape_cast %get3A_652 : vector<8x8x1024xbf16> to vector<64x1024xbf16>
    %get3A_654 = arith.index_cast %arg0 : i32 to index
    %get3A_655 = arith.constant 2 : index
    %get3A_656 = arith.index_cast %add3A_520 : i32 to index
    %get3A_657 = memref.load %arg2[%get3A_654, %get3A_655, %get3A_656] : memref<16x8x16xi32, #tpu.memory_space<smem>>
    %jit3A_658 = arith.constant 4 : i32
    %div3A_659 = arith.divsi %get3A_657, %jit3A_658 : i32
    %sign3A_660 = arith.constant 0 : i32
    %sign3A_661 = arith.cmpi sgt, %get3A_657, %sign3A_660 : i32
    %sign3A_662 = arith.extui %sign3A_661 : i1 to i32
    %sign3A_663 = arith.constant 0 : i32
    %sign3A_664 = arith.cmpi slt, %get3A_657, %sign3A_663 : i32
    %sign3A_665 = arith.extui %sign3A_664 : i1 to i32
    %sign3A_666 = arith.subi %sign3A_662, %sign3A_665 : i32
    %sign3A_667 = arith.constant 0 : i32
    %sign3A_668 = arith.cmpi sgt, %jit3A_658, %sign3A_667 : i32
    %sign3A_669 = arith.extui %sign3A_668 : i1 to i32
    %sign3A_670 = arith.constant 0 : i32
    %sign3A_671 = arith.cmpi slt, %jit3A_658, %sign3A_670 : i32
    %sign3A_672 = arith.extui %sign3A_671 : i1 to i32
    %sign3A_673 = arith.subi %sign3A_669, %sign3A_672 : i32
    %ne3A_674 = arith.cmpi ne, %sign3A_666, %sign3A_673 : i32
    %rem3A_675 = arith.remsi %get3A_657, %jit3A_658 : i32
    %ne3A_676 = arith.constant 0 : i32
    %ne3A_677 = arith.cmpi ne, %rem3A_675, %ne3A_676 : i32
    %and3A_678 = arith.andi %ne3A_674, %ne3A_677 : i1
    %sub3A_679 = arith.constant 1 : i32
    %sub3A_680 = arith.subi %div3A_659, %sub3A_679 : i32
    %select_n3A_681 = arith.select %and3A_678, %sub3A_680, %div3A_659 : i32
    %jit3A_682 = arith.constant 4 : i32
    %eq3A_683 = arith.constant 0 : i32
    %eq3A_684 = arith.cmpi eq, %jit3A_682, %eq3A_683 : i32
    %jit3A_685 = arith.constant 1 : i32
    %select_n3A_686 = arith.select %eq3A_684, %jit3A_685, %jit3A_682 : i32
    %rem3A_687 = arith.remsi %get3A_657, %select_n3A_686 : i32
    %ne3A_688 = arith.constant 0 : i32
    %ne3A_689 = arith.cmpi ne, %rem3A_687, %ne3A_688 : i32
    %lt3A_690 = arith.constant 0 : i32
    %lt3A_691 = arith.cmpi slt, %rem3A_687, %lt3A_690 : i32
    %lt3A_692 = arith.constant 0 : i32
    %lt3A_693 = arith.cmpi slt, %select_n3A_686, %lt3A_692 : i32
    %ne3A_694 = arith.xori %lt3A_691, %lt3A_693 : i1
    %and3A_695 = arith.andi %ne3A_694, %ne3A_689 : i1
    %add3A_696 = arith.addi %rem3A_687, %select_n3A_686 : i32
    %select_n3A_697 = arith.select %and3A_695, %add3A_696, %rem3A_687 : i32
    %get3A_698 = arith.constant 0 : index
    %get3A_699 = arith.index_cast %select_n3A_681 : i32 to index
    %get3A_700 = arith.constant 0 : index
    %get3A_701 = arith.index_cast %select_n3A_697 : i32 to index
    %get3A_702 = arith.constant 0 : index
    %get3A_703 = arith.constant 0 : index
    %get3A_704 = vector.load %arg4[%get3A_698, %get3A_699, %get3A_700, %get3A_701, %get3A_702, %get3A_703] : memref<1x4x8x4x8x1024xbf16, #tpu.memory_space<vmem>>, vector<1x1x8x1x8x1024xbf16>
    %get3A_705 = vector.shape_cast %get3A_704 : vector<1x1x8x1x8x1024xbf16> to vector<8x8x1024xbf16>
    %reshape3A_706 = vector.shape_cast %get3A_705 : vector<8x8x1024xbf16> to vector<64x1024xbf16>
    %get3A_707 = arith.constant 0 : index
    %get3A_708 = arith.index_cast %select_n3A_681 : i32 to index
    %get3A_709 = arith.constant 0 : index
    %get3A_710 = arith.index_cast %select_n3A_697 : i32 to index
    %get3A_711 = arith.constant 0 : index
    %get3A_712 = arith.constant 0 : index
    %get3A_713 = vector.load %arg5[%get3A_707, %get3A_708, %get3A_709, %get3A_710, %get3A_711, %get3A_712] : memref<1x4x8x4x8x1024xbf16, #tpu.memory_space<vmem>>, vector<1x1x8x1x8x1024xbf16>
    %get3A_714 = vector.shape_cast %get3A_713 : vector<1x1x8x1x8x1024xbf16> to vector<8x8x1024xbf16>
    %reshape3A_715 = vector.shape_cast %get3A_714 : vector<8x8x1024xbf16> to vector<64x1024xbf16>
    %get3A_716 = arith.index_cast %arg0 : i32 to index
    %get3A_717 = arith.constant 3 : index
    %get3A_718 = arith.index_cast %add3A_520 : i32 to index
    %get3A_719 = memref.load %arg2[%get3A_716, %get3A_717, %get3A_718] : memref<16x8x16xi32, #tpu.memory_space<smem>>
    %jit3A_720 = arith.constant 4 : i32
    %div3A_721 = arith.divsi %get3A_719, %jit3A_720 : i32
    %sign3A_722 = arith.constant 0 : i32
    %sign3A_723 = arith.cmpi sgt, %get3A_719, %sign3A_722 : i32
    %sign3A_724 = arith.extui %sign3A_723 : i1 to i32
    %sign3A_725 = arith.constant 0 : i32
    %sign3A_726 = arith.cmpi slt, %get3A_719, %sign3A_725 : i32
    %sign3A_727 = arith.extui %sign3A_726 : i1 to i32
    %sign3A_728 = arith.subi %sign3A_724, %sign3A_727 : i32
    %sign3A_729 = arith.constant 0 : i32
    %sign3A_730 = arith.cmpi sgt, %jit3A_720, %sign3A_729 : i32
    %sign3A_731 = arith.extui %sign3A_730 : i1 to i32
    %sign3A_732 = arith.constant 0 : i32
    %sign3A_733 = arith.cmpi slt, %jit3A_720, %sign3A_732 : i32
    %sign3A_734 = arith.extui %sign3A_733 : i1 to i32
    %sign3A_735 = arith.subi %sign3A_731, %sign3A_734 : i32
    %ne3A_736 = arith.cmpi ne, %sign3A_728, %sign3A_735 : i32
    %rem3A_737 = arith.remsi %get3A_719, %jit3A_720 : i32
    %ne3A_738 = arith.constant 0 : i32
    %ne3A_739 = arith.cmpi ne, %rem3A_737, %ne3A_738 : i32
    %and3A_740 = arith.andi %ne3A_736, %ne3A_739 : i1
    %sub3A_741 = arith.constant 1 : i32
    %sub3A_742 = arith.subi %div3A_721, %sub3A_741 : i32
    %select_n3A_743 = arith.select %and3A_740, %sub3A_742, %div3A_721 : i32
    %jit3A_744 = arith.constant 4 : i32
    %eq3A_745 = arith.constant 0 : i32
    %eq3A_746 = arith.cmpi eq, %jit3A_744, %eq3A_745 : i32
    %jit3A_747 = arith.constant 1 : i32
    %select_n3A_748 = arith.select %eq3A_746, %jit3A_747, %jit3A_744 : i32
    %rem3A_749 = arith.remsi %get3A_719, %select_n3A_748 : i32
    %ne3A_750 = arith.constant 0 : i32
    %ne3A_751 = arith.cmpi ne, %rem3A_749, %ne3A_750 : i32
    %lt3A_752 = arith.constant 0 : i32
    %lt3A_753 = arith.cmpi slt, %rem3A_749, %lt3A_752 : i32
    %lt3A_754 = arith.constant 0 : i32
    %lt3A_755 = arith.cmpi slt, %select_n3A_748, %lt3A_754 : i32
    %ne3A_756 = arith.xori %lt3A_753, %lt3A_755 : i1
    %and3A_757 = arith.andi %ne3A_756, %ne3A_751 : i1
    %add3A_758 = arith.addi %rem3A_749, %select_n3A_748 : i32
    %select_n3A_759 = arith.select %and3A_757, %add3A_758, %rem3A_749 : i32
    %get3A_760 = arith.constant 0 : index
    %get3A_761 = arith.index_cast %select_n3A_743 : i32 to index
    %get3A_762 = arith.constant 0 : index
    %get3A_763 = arith.index_cast %select_n3A_759 : i32 to index
    %get3A_764 = arith.constant 0 : index
    %get3A_765 = arith.constant 0 : index
    %get3A_766 = vector.load %arg4[%get3A_760, %get3A_761, %get3A_762, %get3A_763, %get3A_764, %get3A_765] : memref<1x4x8x4x8x1024xbf16, #tpu.memory_space<vmem>>, vector<1x1x8x1x8x1024xbf16>
    %get3A_767 = vector.shape_cast %get3A_766 : vector<1x1x8x1x8x1024xbf16> to vector<8x8x1024xbf16>
    %reshape3A_768 = vector.shape_cast %get3A_767 : vector<8x8x1024xbf16> to vector<64x1024xbf16>
    %get3A_769 = arith.constant 0 : index
    %get3A_770 = arith.index_cast %select_n3A_743 : i32 to index
    %get3A_771 = arith.constant 0 : index
    %get3A_772 = arith.index_cast %select_n3A_759 : i32 to index
    %get3A_773 = arith.constant 0 : index
    %get3A_774 = arith.constant 0 : index
    %get3A_775 = vector.load %arg5[%get3A_769, %get3A_770, %get3A_771, %get3A_772, %get3A_773, %get3A_774] : memref<1x4x8x4x8x1024xbf16, #tpu.memory_space<vmem>>, vector<1x1x8x1x8x1024xbf16>
    %get3A_776 = vector.shape_cast %get3A_775 : vector<1x1x8x1x8x1024xbf16> to vector<8x8x1024xbf16>
    %reshape3A_777 = vector.shape_cast %get3A_776 : vector<8x8x1024xbf16> to vector<64x1024xbf16>
    %concatenate3A_778 = tpu.concatenate %reshape3A_582, %reshape3A_644, %reshape3A_706, %reshape3A_768 in 0 : vector<64x1024xbf16>, vector<64x1024xbf16>, vector<64x1024xbf16>, vector<64x1024xbf16> -> vector<256x1024xbf16>
    %concatenate3A_779 = tpu.concatenate %reshape3A_591, %reshape3A_653, %reshape3A_715, %reshape3A_777 in 0 : vector<64x1024xbf16>, vector<64x1024xbf16>, vector<64x1024xbf16>, vector<64x1024xbf16> -> vector<256x1024xbf16>
    %mul3A_780 = arith.constant 8 : i32
    %mul3A_781 = arith.muli %mul3A_780, %arg1 : i32
    %add3A_782 = arith.constant 0 : i32
    %add3A_783 = arith.addi %mul3A_781, %add3A_782 : i32
    %add3A_784 = arith.constant 3 : i32
    %add3A_785 = arith.addi %add3A_783, %add3A_784 : i32
    %get3A_786 = arith.constant 0 : index
    %get3A_787 = arith.constant 0 : index
    %get3A_788 = arith.constant 0 : index
    %get3A_789 = arith.constant 3 : index
    %get3A_790 = arith.constant 0 : index
    %get3A_791 = arith.constant 0 : index
    %get3A_792 = vector.load %arg3[%get3A_786, %get3A_787, %get3A_788, %get3A_789, %get3A_790, %get3A_791] : memref<1x2x8x4x8x1024xbf16, #tpu.memory_space<vmem>>, vector<1x1x8x1x8x1024xbf16>
    %get3A_793 = vector.shape_cast %get3A_792 : vector<1x1x8x1x8x1024xbf16> to vector<8x8x1024xbf16>
    %reshape3A_794 = vector.shape_cast %get3A_793 : vector<8x8x1024xbf16> to vector<64x1024xbf16>
    %get3A_795 = arith.index_cast %arg0 : i32 to index
    %get3A_796 = arith.constant 0 : index
    %get3A_797 = arith.index_cast %add3A_785 : i32 to index
    %get3A_798 = memref.load %arg2[%get3A_795, %get3A_796, %get3A_797] : memref<16x8x16xi32, #tpu.memory_space<smem>>
    %jit3A_799 = arith.constant 4 : i32
    %div3A_800 = arith.divsi %get3A_798, %jit3A_799 : i32
    %sign3A_801 = arith.constant 0 : i32
    %sign3A_802 = arith.cmpi sgt, %get3A_798, %sign3A_801 : i32
    %sign3A_803 = arith.extui %sign3A_802 : i1 to i32
    %sign3A_804 = arith.constant 0 : i32
    %sign3A_805 = arith.cmpi slt, %get3A_798, %sign3A_804 : i32
    %sign3A_806 = arith.extui %sign3A_805 : i1 to i32
    %sign3A_807 = arith.subi %sign3A_803, %sign3A_806 : i32
    %sign3A_808 = arith.constant 0 : i32
    %sign3A_809 = arith.cmpi sgt, %jit3A_799, %sign3A_808 : i32
    %sign3A_810 = arith.extui %sign3A_809 : i1 to i32
    %sign3A_811 = arith.constant 0 : i32
    %sign3A_812 = arith.cmpi slt, %jit3A_799, %sign3A_811 : i32
    %sign3A_813 = arith.extui %sign3A_812 : i1 to i32
    %sign3A_814 = arith.subi %sign3A_810, %sign3A_813 : i32
    %ne3A_815 = arith.cmpi ne, %sign3A_807, %sign3A_814 : i32
    %rem3A_816 = arith.remsi %get3A_798, %jit3A_799 : i32
    %ne3A_817 = arith.constant 0 : i32
    %ne3A_818 = arith.cmpi ne, %rem3A_816, %ne3A_817 : i32
    %and3A_819 = arith.andi %ne3A_815, %ne3A_818 : i1
    %sub3A_820 = arith.constant 1 : i32
    %sub3A_821 = arith.subi %div3A_800, %sub3A_820 : i32
    %select_n3A_822 = arith.select %and3A_819, %sub3A_821, %div3A_800 : i32
    %jit3A_823 = arith.constant 4 : i32
    %eq3A_824 = arith.constant 0 : i32
    %eq3A_825 = arith.cmpi eq, %jit3A_823, %eq3A_824 : i32
    %jit3A_826 = arith.constant 1 : i32
    %select_n3A_827 = arith.select %eq3A_825, %jit3A_826, %jit3A_823 : i32
    %rem3A_828 = arith.remsi %get3A_798, %select_n3A_827 : i32
    %ne3A_829 = arith.constant 0 : i32
    %ne3A_830 = arith.cmpi ne, %rem3A_828, %ne3A_829 : i32
    %lt3A_831 = arith.constant 0 : i32
    %lt3A_832 = arith.cmpi slt, %rem3A_828, %lt3A_831 : i32
    %lt3A_833 = arith.constant 0 : i32
    %lt3A_834 = arith.cmpi slt, %select_n3A_827, %lt3A_833 : i32
    %ne3A_835 = arith.xori %lt3A_832, %lt3A_834 : i1
    %and3A_836 = arith.andi %ne3A_835, %ne3A_830 : i1
    %add3A_837 = arith.addi %rem3A_828, %select_n3A_827 : i32
    %select_n3A_838 = arith.select %and3A_836, %add3A_837, %rem3A_828 : i32
    %get3A_839 = arith.constant 0 : index
    %get3A_840 = arith.index_cast %select_n3A_822 : i32 to index
    %get3A_841 = arith.constant 0 : index
    %get3A_842 = arith.index_cast %select_n3A_838 : i32 to index
    %get3A_843 = arith.constant 0 : index
    %get3A_844 = arith.constant 0 : index
    %get3A_845 = vector.load %arg4[%get3A_839, %get3A_840, %get3A_841, %get3A_842, %get3A_843, %get3A_844] : memref<1x4x8x4x8x1024xbf16, #tpu.memory_space<vmem>>, vector<1x1x8x1x8x1024xbf16>
    %get3A_846 = vector.shape_cast %get3A_845 : vector<1x1x8x1x8x1024xbf16> to vector<8x8x1024xbf16>
    %reshape3A_847 = vector.shape_cast %get3A_846 : vector<8x8x1024xbf16> to vector<64x1024xbf16>
    %get3A_848 = arith.constant 0 : index
    %get3A_849 = arith.index_cast %select_n3A_822 : i32 to index
    %get3A_850 = arith.constant 0 : index
    %get3A_851 = arith.index_cast %select_n3A_838 : i32 to index
    %get3A_852 = arith.constant 0 : index
    %get3A_853 = arith.constant 0 : index
    %get3A_854 = vector.load %arg5[%get3A_848, %get3A_849, %get3A_850, %get3A_851, %get3A_852, %get3A_853] : memref<1x4x8x4x8x1024xbf16, #tpu.memory_space<vmem>>, vector<1x1x8x1x8x1024xbf16>
    %get3A_855 = vector.shape_cast %get3A_854 : vector<1x1x8x1x8x1024xbf16> to vector<8x8x1024xbf16>
    %reshape3A_856 = vector.shape_cast %get3A_855 : vector<8x8x1024xbf16> to vector<64x1024xbf16>
    %get3A_857 = arith.index_cast %arg0 : i32 to index
    %get3A_858 = arith.constant 1 : index
    %get3A_859 = arith.index_cast %add3A_785 : i32 to index
    %get3A_860 = memref.load %arg2[%get3A_857, %get3A_858, %get3A_859] : memref<16x8x16xi32, #tpu.memory_space<smem>>
    %jit3A_861 = arith.constant 4 : i32
    %div3A_862 = arith.divsi %get3A_860, %jit3A_861 : i32
    %sign3A_863 = arith.constant 0 : i32
    %sign3A_864 = arith.cmpi sgt, %get3A_860, %sign3A_863 : i32
    %sign3A_865 = arith.extui %sign3A_864 : i1 to i32
    %sign3A_866 = arith.constant 0 : i32
    %sign3A_867 = arith.cmpi slt, %get3A_860, %sign3A_866 : i32
    %sign3A_868 = arith.extui %sign3A_867 : i1 to i32
    %sign3A_869 = arith.subi %sign3A_865, %sign3A_868 : i32
    %sign3A_870 = arith.constant 0 : i32
    %sign3A_871 = arith.cmpi sgt, %jit3A_861, %sign3A_870 : i32
    %sign3A_872 = arith.extui %sign3A_871 : i1 to i32
    %sign3A_873 = arith.constant 0 : i32
    %sign3A_874 = arith.cmpi slt, %jit3A_861, %sign3A_873 : i32
    %sign3A_875 = arith.extui %sign3A_874 : i1 to i32
    %sign3A_876 = arith.subi %sign3A_872, %sign3A_875 : i32
    %ne3A_877 = arith.cmpi ne, %sign3A_869, %sign3A_876 : i32
    %rem3A_878 = arith.remsi %get3A_860, %jit3A_861 : i32
    %ne3A_879 = arith.constant 0 : i32
    %ne3A_880 = arith.cmpi ne, %rem3A_878, %ne3A_879 : i32
    %and3A_881 = arith.andi %ne3A_877, %ne3A_880 : i1
    %sub3A_882 = arith.constant 1 : i32
    %sub3A_883 = arith.subi %div3A_862, %sub3A_882 : i32
    %select_n3A_884 = arith.select %and3A_881, %sub3A_883, %div3A_862 : i32
    %jit3A_885 = arith.constant 4 : i32
    %eq3A_886 = arith.constant 0 : i32
    %eq3A_887 = arith.cmpi eq, %jit3A_885, %eq3A_886 : i32
    %jit3A_888 = arith.constant 1 : i32
    %select_n3A_889 = arith.select %eq3A_887, %jit3A_888, %jit3A_885 : i32
    %rem3A_890 = arith.remsi %get3A_860, %select_n3A_889 : i32
    %ne3A_891 = arith.constant 0 : i32
    %ne3A_892 = arith.cmpi ne, %rem3A_890, %ne3A_891 : i32
    %lt3A_893 = arith.constant 0 : i32
    %lt3A_894 = arith.cmpi slt, %rem3A_890, %lt3A_893 : i32
    %lt3A_895 = arith.constant 0 : i32
    %lt3A_896 = arith.cmpi slt, %select_n3A_889, %lt3A_895 : i32
    %ne3A_897 = arith.xori %lt3A_894, %lt3A_896 : i1
    %and3A_898 = arith.andi %ne3A_897, %ne3A_892 : i1
    %add3A_899 = arith.addi %rem3A_890, %select_n3A_889 : i32
    %select_n3A_900 = arith.select %and3A_898, %add3A_899, %rem3A_890 : i32
    %get3A_901 = arith.constant 0 : index
    %get3A_902 = arith.index_cast %select_n3A_884 : i32 to index
    %get3A_903 = arith.constant 0 : index
    %get3A_904 = arith.index_cast %select_n3A_900 : i32 to index
    %get3A_905 = arith.constant 0 : index
    %get3A_906 = arith.constant 0 : index
    %get3A_907 = vector.load %arg4[%get3A_901, %get3A_902, %get3A_903, %get3A_904, %get3A_905, %get3A_906] : memref<1x4x8x4x8x1024xbf16, #tpu.memory_space<vmem>>, vector<1x1x8x1x8x1024xbf16>
    %get3A_908 = vector.shape_cast %get3A_907 : vector<1x1x8x1x8x1024xbf16> to vector<8x8x1024xbf16>
    %reshape3A_909 = vector.shape_cast %get3A_908 : vector<8x8x1024xbf16> to vector<64x1024xbf16>
    %get3A_910 = arith.constant 0 : index
    %get3A_911 = arith.index_cast %select_n3A_884 : i32 to index
    %get3A_912 = arith.constant 0 : index
    %get3A_913 = arith.index_cast %select_n3A_900 : i32 to index
    %get3A_914 = arith.constant 0 : index
    %get3A_915 = arith.constant 0 : index
    %get3A_916 = vector.load %arg5[%get3A_910, %get3A_911, %get3A_912, %get3A_913, %get3A_914, %get3A_915] : memref<1x4x8x4x8x1024xbf16, #tpu.memory_space<vmem>>, vector<1x1x8x1x8x1024xbf16>
    %get3A_917 = vector.shape_cast %get3A_916 : vector<1x1x8x1x8x1024xbf16> to vector<8x8x1024xbf16>
    %reshape3A_918 = vector.shape_cast %get3A_917 : vector<8x8x1024xbf16> to vector<64x1024xbf16>
    %get3A_919 = arith.index_cast %arg0 : i32 to index
    %get3A_920 = arith.constant 2 : index
    %get3A_921 = arith.index_cast %add3A_785 : i32 to index
    %get3A_922 = memref.load %arg2[%get3A_919, %get3A_920, %get3A_921] : memref<16x8x16xi32, #tpu.memory_space<smem>>
    %jit3A_923 = arith.constant 4 : i32
    %div3A_924 = arith.divsi %get3A_922, %jit3A_923 : i32
    %sign3A_925 = arith.constant 0 : i32
    %sign3A_926 = arith.cmpi sgt, %get3A_922, %sign3A_925 : i32
    %sign3A_927 = arith.extui %sign3A_926 : i1 to i32
    %sign3A_928 = arith.constant 0 : i32
    %sign3A_929 = arith.cmpi slt, %get3A_922, %sign3A_928 : i32
    %sign3A_930 = arith.extui %sign3A_929 : i1 to i32
    %sign3A_931 = arith.subi %sign3A_927, %sign3A_930 : i32
    %sign3A_932 = arith.constant 0 : i32
    %sign3A_933 = arith.cmpi sgt, %jit3A_923, %sign3A_932 : i32
    %sign3A_934 = arith.extui %sign3A_933 : i1 to i32
    %sign3A_935 = arith.constant 0 : i32
    %sign3A_936 = arith.cmpi slt, %jit3A_923, %sign3A_935 : i32
    %sign3A_937 = arith.extui %sign3A_936 : i1 to i32
    %sign3A_938 = arith.subi %sign3A_934, %sign3A_937 : i32
    %ne3A_939 = arith.cmpi ne, %sign3A_931, %sign3A_938 : i32
    %rem3A_940 = arith.remsi %get3A_922, %jit3A_923 : i32
    %ne3A_941 = arith.constant 0 : i32
    %ne3A_942 = arith.cmpi ne, %rem3A_940, %ne3A_941 : i32
    %and3A_943 = arith.andi %ne3A_939, %ne3A_942 : i1
    %sub3A_944 = arith.constant 1 : i32
    %sub3A_945 = arith.subi %div3A_924, %sub3A_944 : i32
    %select_n3A_946 = arith.select %and3A_943, %sub3A_945, %div3A_924 : i32
    %jit3A_947 = arith.constant 4 : i32
    %eq3A_948 = arith.constant 0 : i32
    %eq3A_949 = arith.cmpi eq, %jit3A_947, %eq3A_948 : i32
    %jit3A_950 = arith.constant 1 : i32
    %select_n3A_951 = arith.select %eq3A_949, %jit3A_950, %jit3A_947 : i32
    %rem3A_952 = arith.remsi %get3A_922, %select_n3A_951 : i32
    %ne3A_953 = arith.constant 0 : i32
    %ne3A_954 = arith.cmpi ne, %rem3A_952, %ne3A_953 : i32
    %lt3A_955 = arith.constant 0 : i32
    %lt3A_956 = arith.cmpi slt, %rem3A_952, %lt3A_955 : i32
    %lt3A_957 = arith.constant 0 : i32
    %lt3A_958 = arith.cmpi slt, %select_n3A_951, %lt3A_957 : i32
    %ne3A_959 = arith.xori %lt3A_956, %lt3A_958 : i1
    %and3A_960 = arith.andi %ne3A_959, %ne3A_954 : i1
    %add3A_961 = arith.addi %rem3A_952, %select_n3A_951 : i32
    %select_n3A_962 = arith.select %and3A_960, %add3A_961, %rem3A_952 : i32
    %get3A_963 = arith.constant 0 : index
    %get3A_964 = arith.index_cast %select_n3A_946 : i32 to index
    %get3A_965 = arith.constant 0 : index
    %get3A_966 = arith.index_cast %select_n3A_962 : i32 to index
    %get3A_967 = arith.constant 0 : index
    %get3A_968 = arith.constant 0 : index
    %get3A_969 = vector.load %arg4[%get3A_963, %get3A_964, %get3A_965, %get3A_966, %get3A_967, %get3A_968] : memref<1x4x8x4x8x1024xbf16, #tpu.memory_space<vmem>>, vector<1x1x8x1x8x1024xbf16>
    %get3A_970 = vector.shape_cast %get3A_969 : vector<1x1x8x1x8x1024xbf16> to vector<8x8x1024xbf16>
    %reshape3A_971 = vector.shape_cast %get3A_970 : vector<8x8x1024xbf16> to vector<64x1024xbf16>
    %get3A_972 = arith.constant 0 : index
    %get3A_973 = arith.index_cast %select_n3A_946 : i32 to index
    %get3A_974 = arith.constant 0 : index
    %get3A_975 = arith.index_cast %select_n3A_962 : i32 to index
    %get3A_976 = arith.constant 0 : index
    %get3A_977 = arith.constant 0 : index
    %get3A_978 = vector.load %arg5[%get3A_972, %get3A_973, %get3A_974, %get3A_975, %get3A_976, %get3A_977] : memref<1x4x8x4x8x1024xbf16, #tpu.memory_space<vmem>>, vector<1x1x8x1x8x1024xbf16>
    %get3A_979 = vector.shape_cast %get3A_978 : vector<1x1x8x1x8x1024xbf16> to vector<8x8x1024xbf16>
    %reshape3A_980 = vector.shape_cast %get3A_979 : vector<8x8x1024xbf16> to vector<64x1024xbf16>
    %get3A_981 = arith.index_cast %arg0 : i32 to index
    %get3A_982 = arith.constant 3 : index
    %get3A_983 = arith.index_cast %add3A_785 : i32 to index
    %get3A_984 = memref.load %arg2[%get3A_981, %get3A_982, %get3A_983] : memref<16x8x16xi32, #tpu.memory_space<smem>>
    %jit3A_985 = arith.constant 4 : i32
    %div3A_986 = arith.divsi %get3A_984, %jit3A_985 : i32
    %sign3A_987 = arith.constant 0 : i32
    %sign3A_988 = arith.cmpi sgt, %get3A_984, %sign3A_987 : i32
    %sign3A_989 = arith.extui %sign3A_988 : i1 to i32
    %sign3A_990 = arith.constant 0 : i32
    %sign3A_991 = arith.cmpi slt, %get3A_984, %sign3A_990 : i32
    %sign3A_992 = arith.extui %sign3A_991 : i1 to i32
    %sign3A_993 = arith.subi %sign3A_989, %sign3A_992 : i32
    %sign3A_994 = arith.constant 0 : i32
    %sign3A_995 = arith.cmpi sgt, %jit3A_985, %sign3A_994 : i32
    %sign3A_996 = arith.extui %sign3A_995 : i1 to i32
    %sign3A_997 = arith.constant 0 : i32
    %sign3A_998 = arith.cmpi slt, %jit3A_985, %sign3A_997 : i32
    %sign3A_999 = arith.extui %sign3A_998 : i1 to i32
    %sign3A_1000 = arith.subi %sign3A_996, %sign3A_999 : i32
    %ne3A_1001 = arith.cmpi ne, %sign3A_993, %sign3A_1000 : i32
    %rem3A_1002 = arith.remsi %get3A_984, %jit3A_985 : i32
    %ne3A_1003 = arith.constant 0 : i32
    %ne3A_1004 = arith.cmpi ne, %rem3A_1002, %ne3A_1003 : i32
    %and3A_1005 = arith.andi %ne3A_1001, %ne3A_1004 : i1
    %sub3A_1006 = arith.constant 1 : i32
    %sub3A_1007 = arith.subi %div3A_986, %sub3A_1006 : i32
    %select_n3A_1008 = arith.select %and3A_1005, %sub3A_1007, %div3A_986 : i32
    %jit3A_1009 = arith.constant 4 : i32
    %eq3A_1010 = arith.constant 0 : i32
    %eq3A_1011 = arith.cmpi eq, %jit3A_1009, %eq3A_1010 : i32
    %jit3A_1012 = arith.constant 1 : i32
    %select_n3A_1013 = arith.select %eq3A_1011, %jit3A_1012, %jit3A_1009 : i32
    %rem3A_1014 = arith.remsi %get3A_984, %select_n3A_1013 : i32
    %ne3A_1015 = arith.constant 0 : i32
    %ne3A_1016 = arith.cmpi ne, %rem3A_1014, %ne3A_1015 : i32
    %lt3A_1017 = arith.constant 0 : i32
    %lt3A_1018 = arith.cmpi slt, %rem3A_1014, %lt3A_1017 : i32
    %lt3A_1019 = arith.constant 0 : i32
    %lt3A_1020 = arith.cmpi slt, %select_n3A_1013, %lt3A_1019 : i32
    %ne3A_1021 = arith.xori %lt3A_1018, %lt3A_1020 : i1
    %and3A_1022 = arith.andi %ne3A_1021, %ne3A_1016 : i1
    %add3A_1023 = arith.addi %rem3A_1014, %select_n3A_1013 : i32
    %select_n3A_1024 = arith.select %and3A_1022, %add3A_1023, %rem3A_1014 : i32
    %get3A_1025 = arith.constant 0 : index
    %get3A_1026 = arith.index_cast %select_n3A_1008 : i32 to index
    %get3A_1027 = arith.constant 0 : index
    %get3A_1028 = arith.index_cast %select_n3A_1024 : i32 to index
    %get3A_1029 = arith.constant 0 : index
    %get3A_1030 = arith.constant 0 : index
    %get3A_1031 = vector.load %arg4[%get3A_1025, %get3A_1026, %get3A_1027, %get3A_1028, %get3A_1029, %get3A_1030] : memref<1x4x8x4x8x1024xbf16, #tpu.memory_space<vmem>>, vector<1x1x8x1x8x1024xbf16>
    %get3A_1032 = vector.shape_cast %get3A_1031 : vector<1x1x8x1x8x1024xbf16> to vector<8x8x1024xbf16>
    %reshape3A_1033 = vector.shape_cast %get3A_1032 : vector<8x8x1024xbf16> to vector<64x1024xbf16>
    %get3A_1034 = arith.constant 0 : index
    %get3A_1035 = arith.index_cast %select_n3A_1008 : i32 to index
    %get3A_1036 = arith.constant 0 : index
    %get3A_1037 = arith.index_cast %select_n3A_1024 : i32 to index
    %get3A_1038 = arith.constant 0 : index
    %get3A_1039 = arith.constant 0 : index
    %get3A_1040 = vector.load %arg5[%get3A_1034, %get3A_1035, %get3A_1036, %get3A_1037, %get3A_1038, %get3A_1039] : memref<1x4x8x4x8x1024xbf16, #tpu.memory_space<vmem>>, vector<1x1x8x1x8x1024xbf16>
    %get3A_1041 = vector.shape_cast %get3A_1040 : vector<1x1x8x1x8x1024xbf16> to vector<8x8x1024xbf16>
    %reshape3A_1042 = vector.shape_cast %get3A_1041 : vector<8x8x1024xbf16> to vector<64x1024xbf16>
    %concatenate3A_1043 = tpu.concatenate %reshape3A_847, %reshape3A_909, %reshape3A_971, %reshape3A_1033 in 0 : vector<64x1024xbf16>, vector<64x1024xbf16>, vector<64x1024xbf16>, vector<64x1024xbf16> -> vector<256x1024xbf16>
    %concatenate3A_1044 = tpu.concatenate %reshape3A_856, %reshape3A_918, %reshape3A_980, %reshape3A_1042 in 0 : vector<64x1024xbf16>, vector<64x1024xbf16>, vector<64x1024xbf16>, vector<64x1024xbf16> -> vector<256x1024xbf16>
    %mul3A_1045 = arith.constant 8 : i32
    %mul3A_1046 = arith.muli %mul3A_1045, %arg1 : i32
    %add3A_1047 = arith.constant 4 : i32
    %add3A_1048 = arith.addi %mul3A_1046, %add3A_1047 : i32
    %add3A_1049 = arith.constant 0 : i32
    %add3A_1050 = arith.addi %add3A_1048, %add3A_1049 : i32
    %get3A_1051 = arith.constant 0 : index
    %get3A_1052 = arith.constant 1 : index
    %get3A_1053 = arith.constant 0 : index
    %get3A_1054 = arith.constant 0 : index
    %get3A_1055 = arith.constant 0 : index
    %get3A_1056 = arith.constant 0 : index
    %get3A_1057 = vector.load %arg3[%get3A_1051, %get3A_1052, %get3A_1053, %get3A_1054, %get3A_1055, %get3A_1056] : memref<1x2x8x4x8x1024xbf16, #tpu.memory_space<vmem>>, vector<1x1x8x1x8x1024xbf16>
    %get3A_1058 = vector.shape_cast %get3A_1057 : vector<1x1x8x1x8x1024xbf16> to vector<8x8x1024xbf16>
    %reshape3A_1059 = vector.shape_cast %get3A_1058 : vector<8x8x1024xbf16> to vector<64x1024xbf16>
    %get3A_1060 = arith.index_cast %arg0 : i32 to index
    %get3A_1061 = arith.constant 0 : index
    %get3A_1062 = arith.index_cast %add3A_1050 : i32 to index
    %get3A_1063 = memref.load %arg2[%get3A_1060, %get3A_1061, %get3A_1062] : memref<16x8x16xi32, #tpu.memory_space<smem>>
    %jit3A_1064 = arith.constant 4 : i32
    %div3A_1065 = arith.divsi %get3A_1063, %jit3A_1064 : i32
    %sign3A_1066 = arith.constant 0 : i32
    %sign3A_1067 = arith.cmpi sgt, %get3A_1063, %sign3A_1066 : i32
    %sign3A_1068 = arith.extui %sign3A_1067 : i1 to i32
    %sign3A_1069 = arith.constant 0 : i32
    %sign3A_1070 = arith.cmpi slt, %get3A_1063, %sign3A_1069 : i32
    %sign3A_1071 = arith.extui %sign3A_1070 : i1 to i32
    %sign3A_1072 = arith.subi %sign3A_1068, %sign3A_1071 : i32
    %sign3A_1073 = arith.constant 0 : i32
    %sign3A_1074 = arith.cmpi sgt, %jit3A_1064, %sign3A_1073 : i32
    %sign3A_1075 = arith.extui %sign3A_1074 : i1 to i32
    %sign3A_1076 = arith.constant 0 : i32
    %sign3A_1077 = arith.cmpi slt, %jit3A_1064, %sign3A_1076 : i32
    %sign3A_1078 = arith.extui %sign3A_1077 : i1 to i32
    %sign3A_1079 = arith.subi %sign3A_1075, %sign3A_1078 : i32
    %ne3A_1080 = arith.cmpi ne, %sign3A_1072, %sign3A_1079 : i32
    %rem3A_1081 = arith.remsi %get3A_1063, %jit3A_1064 : i32
    %ne3A_1082 = arith.constant 0 : i32
    %ne3A_1083 = arith.cmpi ne, %rem3A_1081, %ne3A_1082 : i32
    %and3A_1084 = arith.andi %ne3A_1080, %ne3A_1083 : i1
    %sub3A_1085 = arith.constant 1 : i32
    %sub3A_1086 = arith.subi %div3A_1065, %sub3A_1085 : i32
    %select_n3A_1087 = arith.select %and3A_1084, %sub3A_1086, %div3A_1065 : i32
    %jit3A_1088 = arith.constant 4 : i32
    %eq3A_1089 = arith.constant 0 : i32
    %eq3A_1090 = arith.cmpi eq, %jit3A_1088, %eq3A_1089 : i32
    %jit3A_1091 = arith.constant 1 : i32
    %select_n3A_1092 = arith.select %eq3A_1090, %jit3A_1091, %jit3A_1088 : i32
    %rem3A_1093 = arith.remsi %get3A_1063, %select_n3A_1092 : i32
    %ne3A_1094 = arith.constant 0 : i32
    %ne3A_1095 = arith.cmpi ne, %rem3A_1093, %ne3A_1094 : i32
    %lt3A_1096 = arith.constant 0 : i32
    %lt3A_1097 = arith.cmpi slt, %rem3A_1093, %lt3A_1096 : i32
    %lt3A_1098 = arith.constant 0 : i32
    %lt3A_1099 = arith.cmpi slt, %select_n3A_1092, %lt3A_1098 : i32
    %ne3A_1100 = arith.xori %lt3A_1097, %lt3A_1099 : i1
    %and3A_1101 = arith.andi %ne3A_1100, %ne3A_1095 : i1
    %add3A_1102 = arith.addi %rem3A_1093, %select_n3A_1092 : i32
    %select_n3A_1103 = arith.select %and3A_1101, %add3A_1102, %rem3A_1093 : i32
    %get3A_1104 = arith.constant 0 : index
    %get3A_1105 = arith.index_cast %select_n3A_1087 : i32 to index
    %get3A_1106 = arith.constant 0 : index
    %get3A_1107 = arith.index_cast %select_n3A_1103 : i32 to index
    %get3A_1108 = arith.constant 0 : index
    %get3A_1109 = arith.constant 0 : index
    %get3A_1110 = vector.load %arg4[%get3A_1104, %get3A_1105, %get3A_1106, %get3A_1107, %get3A_1108, %get3A_1109] : memref<1x4x8x4x8x1024xbf16, #tpu.memory_space<vmem>>, vector<1x1x8x1x8x1024xbf16>
    %get3A_1111 = vector.shape_cast %get3A_1110 : vector<1x1x8x1x8x1024xbf16> to vector<8x8x1024xbf16>
    %reshape3A_1112 = vector.shape_cast %get3A_1111 : vector<8x8x1024xbf16> to vector<64x1024xbf16>
    %get3A_1113 = arith.constant 0 : index
    %get3A_1114 = arith.index_cast %select_n3A_1087 : i32 to index
    %get3A_1115 = arith.constant 0 : index
    %get3A_1116 = arith.index_cast %select_n3A_1103 : i32 to index
    %get3A_1117 = arith.constant 0 : index
    %get3A_1118 = arith.constant 0 : index
    %get3A_1119 = vector.load %arg5[%get3A_1113, %get3A_1114, %get3A_1115, %get3A_1116, %get3A_1117, %get3A_1118] : memref<1x4x8x4x8x1024xbf16, #tpu.memory_space<vmem>>, vector<1x1x8x1x8x1024xbf16>
    %get3A_1120 = vector.shape_cast %get3A_1119 : vector<1x1x8x1x8x1024xbf16> to vector<8x8x1024xbf16>
    %reshape3A_1121 = vector.shape_cast %get3A_1120 : vector<8x8x1024xbf16> to vector<64x1024xbf16>
    %get3A_1122 = arith.index_cast %arg0 : i32 to index
    %get3A_1123 = arith.constant 1 : index
    %get3A_1124 = arith.index_cast %add3A_1050 : i32 to index
    %get3A_1125 = memref.load %arg2[%get3A_1122, %get3A_1123, %get3A_1124] : memref<16x8x16xi32, #tpu.memory_space<smem>>
    %jit3A_1126 = arith.constant 4 : i32
    %div3A_1127 = arith.divsi %get3A_1125, %jit3A_1126 : i32
    %sign3A_1128 = arith.constant 0 : i32
    %sign3A_1129 = arith.cmpi sgt, %get3A_1125, %sign3A_1128 : i32
    %sign3A_1130 = arith.extui %sign3A_1129 : i1 to i32
    %sign3A_1131 = arith.constant 0 : i32
    %sign3A_1132 = arith.cmpi slt, %get3A_1125, %sign3A_1131 : i32
    %sign3A_1133 = arith.extui %sign3A_1132 : i1 to i32
    %sign3A_1134 = arith.subi %sign3A_1130, %sign3A_1133 : i32
    %sign3A_1135 = arith.constant 0 : i32
    %sign3A_1136 = arith.cmpi sgt, %jit3A_1126, %sign3A_1135 : i32
    %sign3A_1137 = arith.extui %sign3A_1136 : i1 to i32
    %sign3A_1138 = arith.constant 0 : i32
    %sign3A_1139 = arith.cmpi slt, %jit3A_1126, %sign3A_1138 : i32
    %sign3A_1140 = arith.extui %sign3A_1139 : i1 to i32
    %sign3A_1141 = arith.subi %sign3A_1137, %sign3A_1140 : i32
    %ne3A_1142 = arith.cmpi ne, %sign3A_1134, %sign3A_1141 : i32
    %rem3A_1143 = arith.remsi %get3A_1125, %jit3A_1126 : i32
    %ne3A_1144 = arith.constant 0 : i32
    %ne3A_1145 = arith.cmpi ne, %rem3A_1143, %ne3A_1144 : i32
    %and3A_1146 = arith.andi %ne3A_1142, %ne3A_1145 : i1
    %sub3A_1147 = arith.constant 1 : i32
    %sub3A_1148 = arith.subi %div3A_1127, %sub3A_1147 : i32
    %select_n3A_1149 = arith.select %and3A_1146, %sub3A_1148, %div3A_1127 : i32
    %jit3A_1150 = arith.constant 4 : i32
    %eq3A_1151 = arith.constant 0 : i32
    %eq3A_1152 = arith.cmpi eq, %jit3A_1150, %eq3A_1151 : i32
    %jit3A_1153 = arith.constant 1 : i32
    %select_n3A_1154 = arith.select %eq3A_1152, %jit3A_1153, %jit3A_1150 : i32
    %rem3A_1155 = arith.remsi %get3A_1125, %select_n3A_1154 : i32
    %ne3A_1156 = arith.constant 0 : i32
    %ne3A_1157 = arith.cmpi ne, %rem3A_1155, %ne3A_1156 : i32
    %lt3A_1158 = arith.constant 0 : i32
    %lt3A_1159 = arith.cmpi slt, %rem3A_1155, %lt3A_1158 : i32
    %lt3A_1160 = arith.constant 0 : i32
    %lt3A_1161 = arith.cmpi slt, %select_n3A_1154, %lt3A_1160 : i32
    %ne3A_1162 = arith.xori %lt3A_1159, %lt3A_1161 : i1
    %and3A_1163 = arith.andi %ne3A_1162, %ne3A_1157 : i1
    %add3A_1164 = arith.addi %rem3A_1155, %select_n3A_1154 : i32
    %select_n3A_1165 = arith.select %and3A_1163, %add3A_1164, %rem3A_1155 : i32
    %get3A_1166 = arith.constant 0 : index
    %get3A_1167 = arith.index_cast %select_n3A_1149 : i32 to index
    %get3A_1168 = arith.constant 0 : index
    %get3A_1169 = arith.index_cast %select_n3A_1165 : i32 to index
    %get3A_1170 = arith.constant 0 : index
    %get3A_1171 = arith.constant 0 : index
    %get3A_1172 = vector.load %arg4[%get3A_1166, %get3A_1167, %get3A_1168, %get3A_1169, %get3A_1170, %get3A_1171] : memref<1x4x8x4x8x1024xbf16, #tpu.memory_space<vmem>>, vector<1x1x8x1x8x1024xbf16>
    %get3A_1173 = vector.shape_cast %get3A_1172 : vector<1x1x8x1x8x1024xbf16> to vector<8x8x1024xbf16>
    %reshape3A_1174 = vector.shape_cast %get3A_1173 : vector<8x8x1024xbf16> to vector<64x1024xbf16>
    %get3A_1175 = arith.constant 0 : index
    %get3A_1176 = arith.index_cast %select_n3A_1149 : i32 to index
    %get3A_1177 = arith.constant 0 : index
    %get3A_1178 = arith.index_cast %select_n3A_1165 : i32 to index
    %get3A_1179 = arith.constant 0 : index
    %get3A_1180 = arith.constant 0 : index
    %get3A_1181 = vector.load %arg5[%get3A_1175, %get3A_1176, %get3A_1177, %get3A_1178, %get3A_1179, %get3A_1180] : memref<1x4x8x4x8x1024xbf16, #tpu.memory_space<vmem>>, vector<1x1x8x1x8x1024xbf16>
    %get3A_1182 = vector.shape_cast %get3A_1181 : vector<1x1x8x1x8x1024xbf16> to vector<8x8x1024xbf16>
    %reshape3A_1183 = vector.shape_cast %get3A_1182 : vector<8x8x1024xbf16> to vector<64x1024xbf16>
    %get3A_1184 = arith.index_cast %arg0 : i32 to index
    %get3A_1185 = arith.constant 2 : index
    %get3A_1186 = arith.index_cast %add3A_1050 : i32 to index
    %get3A_1187 = memref.load %arg2[%get3A_1184, %get3A_1185, %get3A_1186] : memref<16x8x16xi32, #tpu.memory_space<smem>>
    %jit3A_1188 = arith.constant 4 : i32
    %div3A_1189 = arith.divsi %get3A_1187, %jit3A_1188 : i32
    %sign3A_1190 = arith.constant 0 : i32
    %sign3A_1191 = arith.cmpi sgt, %get3A_1187, %sign3A_1190 : i32
    %sign3A_1192 = arith.extui %sign3A_1191 : i1 to i32
    %sign3A_1193 = arith.constant 0 : i32
    %sign3A_1194 = arith.cmpi slt, %get3A_1187, %sign3A_1193 : i32
    %sign3A_1195 = arith.extui %sign3A_1194 : i1 to i32
    %sign3A_1196 = arith.subi %sign3A_1192, %sign3A_1195 : i32
    %sign3A_1197 = arith.constant 0 : i32
    %sign3A_1198 = arith.cmpi sgt, %jit3A_1188, %sign3A_1197 : i32
    %sign3A_1199 = arith.extui %sign3A_1198 : i1 to i32
    %sign3A_1200 = arith.constant 0 : i32
    %sign3A_1201 = arith.cmpi slt, %jit3A_1188, %sign3A_1200 : i32
    %sign3A_1202 = arith.extui %sign3A_1201 : i1 to i32
    %sign3A_1203 = arith.subi %sign3A_1199, %sign3A_1202 : i32
    %ne3A_1204 = arith.cmpi ne, %sign3A_1196, %sign3A_1203 : i32
    %rem3A_1205 = arith.remsi %get3A_1187, %jit3A_1188 : i32
    %ne3A_1206 = arith.constant 0 : i32
    %ne3A_1207 = arith.cmpi ne, %rem3A_1205, %ne3A_1206 : i32
    %and3A_1208 = arith.andi %ne3A_1204, %ne3A_1207 : i1
    %sub3A_1209 = arith.constant 1 : i32
    %sub3A_1210 = arith.subi %div3A_1189, %sub3A_1209 : i32
    %select_n3A_1211 = arith.select %and3A_1208, %sub3A_1210, %div3A_1189 : i32
    %jit3A_1212 = arith.constant 4 : i32
    %eq3A_1213 = arith.constant 0 : i32
    %eq3A_1214 = arith.cmpi eq, %jit3A_1212, %eq3A_1213 : i32
    %jit3A_1215 = arith.constant 1 : i32
    %select_n3A_1216 = arith.select %eq3A_1214, %jit3A_1215, %jit3A_1212 : i32
    %rem3A_1217 = arith.remsi %get3A_1187, %select_n3A_1216 : i32
    %ne3A_1218 = arith.constant 0 : i32
    %ne3A_1219 = arith.cmpi ne, %rem3A_1217, %ne3A_1218 : i32
    %lt3A_1220 = arith.constant 0 : i32
    %lt3A_1221 = arith.cmpi slt, %rem3A_1217, %lt3A_1220 : i32
    %lt3A_1222 = arith.constant 0 : i32
    %lt3A_1223 = arith.cmpi slt, %select_n3A_1216, %lt3A_1222 : i32
    %ne3A_1224 = arith.xori %lt3A_1221, %lt3A_1223 : i1
    %and3A_1225 = arith.andi %ne3A_1224, %ne3A_1219 : i1
    %add3A_1226 = arith.addi %rem3A_1217, %select_n3A_1216 : i32
    %select_n3A_1227 = arith.select %and3A_1225, %add3A_1226, %rem3A_1217 : i32
    %get3A_1228 = arith.constant 0 : index
    %get3A_1229 = arith.index_cast %select_n3A_1211 : i32 to index
    %get3A_1230 = arith.constant 0 : index
    %get3A_1231 = arith.index_cast %select_n3A_1227 : i32 to index
    %get3A_1232 = arith.constant 0 : index
    %get3A_1233 = arith.constant 0 : index
    %get3A_1234 = vector.load %arg4[%get3A_1228, %get3A_1229, %get3A_1230, %get3A_1231, %get3A_1232, %get3A_1233] : memref<1x4x8x4x8x1024xbf16, #tpu.memory_space<vmem>>, vector<1x1x8x1x8x1024xbf16>
    %get3A_1235 = vector.shape_cast %get3A_1234 : vector<1x1x8x1x8x1024xbf16> to vector<8x8x1024xbf16>
    %reshape3A_1236 = vector.shape_cast %get3A_1235 : vector<8x8x1024xbf16> to vector<64x1024xbf16>
    %get3A_1237 = arith.constant 0 : index
    %get3A_1238 = arith.index_cast %select_n3A_1211 : i32 to index
    %get3A_1239 = arith.constant 0 : index
    %get3A_1240 = arith.index_cast %select_n3A_1227 : i32 to index
    %get3A_1241 = arith.constant 0 : index
    %get3A_1242 = arith.constant 0 : index
    %get3A_1243 = vector.load %arg5[%get3A_1237, %get3A_1238, %get3A_1239, %get3A_1240, %get3A_1241, %get3A_1242] : memref<1x4x8x4x8x1024xbf16, #tpu.memory_space<vmem>>, vector<1x1x8x1x8x1024xbf16>
    %get3A_1244 = vector.shape_cast %get3A_1243 : vector<1x1x8x1x8x1024xbf16> to vector<8x8x1024xbf16>
    %reshape3A_1245 = vector.shape_cast %get3A_1244 : vector<8x8x1024xbf16> to vector<64x1024xbf16>
    %get3A_1246 = arith.index_cast %arg0 : i32 to index
    %get3A_1247 = arith.constant 3 : index
    %get3A_1248 = arith.index_cast %add3A_1050 : i32 to index
    %get3A_1249 = memref.load %arg2[%get3A_1246, %get3A_1247, %get3A_1248] : memref<16x8x16xi32, #tpu.memory_space<smem>>
    %jit3A_1250 = arith.constant 4 : i32
    %div3A_1251 = arith.divsi %get3A_1249, %jit3A_1250 : i32
    %sign3A_1252 = arith.constant 0 : i32
    %sign3A_1253 = arith.cmpi sgt, %get3A_1249, %sign3A_1252 : i32
    %sign3A_1254 = arith.extui %sign3A_1253 : i1 to i32
    %sign3A_1255 = arith.constant 0 : i32
    %sign3A_1256 = arith.cmpi slt, %get3A_1249, %sign3A_1255 : i32
    %sign3A_1257 = arith.extui %sign3A_1256 : i1 to i32
    %sign3A_1258 = arith.subi %sign3A_1254, %sign3A_1257 : i32
    %sign3A_1259 = arith.constant 0 : i32
    %sign3A_1260 = arith.cmpi sgt, %jit3A_1250, %sign3A_1259 : i32
    %sign3A_1261 = arith.extui %sign3A_1260 : i1 to i32
    %sign3A_1262 = arith.constant 0 : i32
    %sign3A_1263 = arith.cmpi slt, %jit3A_1250, %sign3A_1262 : i32
    %sign3A_1264 = arith.extui %sign3A_1263 : i1 to i32
    %sign3A_1265 = arith.subi %sign3A_1261, %sign3A_1264 : i32
    %ne3A_1266 = arith.cmpi ne, %sign3A_1258, %sign3A_1265 : i32
    %rem3A_1267 = arith.remsi %get3A_1249, %jit3A_1250 : i32
    %ne3A_1268 = arith.constant 0 : i32
    %ne3A_1269 = arith.cmpi ne, %rem3A_1267, %ne3A_1268 : i32
    %and3A_1270 = arith.andi %ne3A_1266, %ne3A_1269 : i1
    %sub3A_1271 = arith.constant 1 : i32
    %sub3A_1272 = arith.subi %div3A_1251, %sub3A_1271 : i32
    %select_n3A_1273 = arith.select %and3A_1270, %sub3A_1272, %div3A_1251 : i32
    %jit3A_1274 = arith.constant 4 : i32
    %eq3A_1275 = arith.constant 0 : i32
    %eq3A_1276 = arith.cmpi eq, %jit3A_1274, %eq3A_1275 : i32
    %jit3A_1277 = arith.constant 1 : i32
    %select_n3A_1278 = arith.select %eq3A_1276, %jit3A_1277, %jit3A_1274 : i32
    %rem3A_1279 = arith.remsi %get3A_1249, %select_n3A_1278 : i32
    %ne3A_1280 = arith.constant 0 : i32
    %ne3A_1281 = arith.cmpi ne, %rem3A_1279, %ne3A_1280 : i32
    %lt3A_1282 = arith.constant 0 : i32
    %lt3A_1283 = arith.cmpi slt, %rem3A_1279, %lt3A_1282 : i32
    %lt3A_1284 = arith.constant 0 : i32
    %lt3A_1285 = arith.cmpi slt, %select_n3A_1278, %lt3A_1284 : i32
    %ne3A_1286 = arith.xori %lt3A_1283, %lt3A_1285 : i1
    %and3A_1287 = arith.andi %ne3A_1286, %ne3A_1281 : i1
    %add3A_1288 = arith.addi %rem3A_1279, %select_n3A_1278 : i32
    %select_n3A_1289 = arith.select %and3A_1287, %add3A_1288, %rem3A_1279 : i32
    %get3A_1290 = arith.constant 0 : index
    %get3A_1291 = arith.index_cast %select_n3A_1273 : i32 to index
    %get3A_1292 = arith.constant 0 : index
    %get3A_1293 = arith.index_cast %select_n3A_1289 : i32 to index
    %get3A_1294 = arith.constant 0 : index
    %get3A_1295 = arith.constant 0 : index
    %get3A_1296 = vector.load %arg4[%get3A_1290, %get3A_1291, %get3A_1292, %get3A_1293, %get3A_1294, %get3A_1295] : memref<1x4x8x4x8x1024xbf16, #tpu.memory_space<vmem>>, vector<1x1x8x1x8x1024xbf16>
    %get3A_1297 = vector.shape_cast %get3A_1296 : vector<1x1x8x1x8x1024xbf16> to vector<8x8x1024xbf16>
    %reshape3A_1298 = vector.shape_cast %get3A_1297 : vector<8x8x1024xbf16> to vector<64x1024xbf16>
    %get3A_1299 = arith.constant 0 : index
    %get3A_1300 = arith.index_cast %select_n3A_1273 : i32 to index
    %get3A_1301 = arith.constant 0 : index
    %get3A_1302 = arith.index_cast %select_n3A_1289 : i32 to index
    %get3A_1303 = arith.constant 0 : index
    %get3A_1304 = arith.constant 0 : index
    %get3A_1305 = vector.load %arg5[%get3A_1299, %get3A_1300, %get3A_1301, %get3A_1302, %get3A_1303, %get3A_1304] : memref<1x4x8x4x8x1024xbf16, #tpu.memory_space<vmem>>, vector<1x1x8x1x8x1024xbf16>
    %get3A_1306 = vector.shape_cast %get3A_1305 : vector<1x1x8x1x8x1024xbf16> to vector<8x8x1024xbf16>
    %reshape3A_1307 = vector.shape_cast %get3A_1306 : vector<8x8x1024xbf16> to vector<64x1024xbf16>
    %concatenate3A_1308 = tpu.concatenate %reshape3A_1112, %reshape3A_1174, %reshape3A_1236, %reshape3A_1298 in 0 : vector<64x1024xbf16>, vector<64x1024xbf16>, vector<64x1024xbf16>, vector<64x1024xbf16> -> vector<256x1024xbf16>
    %concatenate3A_1309 = tpu.concatenate %reshape3A_1121, %reshape3A_1183, %reshape3A_1245, %reshape3A_1307 in 0 : vector<64x1024xbf16>, vector<64x1024xbf16>, vector<64x1024xbf16>, vector<64x1024xbf16> -> vector<256x1024xbf16>
    %mul3A_1310 = arith.constant 8 : i32
    %mul3A_1311 = arith.muli %mul3A_1310, %arg1 : i32
    %add3A_1312 = arith.constant 4 : i32
    %add3A_1313 = arith.addi %mul3A_1311, %add3A_1312 : i32
    %add3A_1314 = arith.constant 1 : i32
    %add3A_1315 = arith.addi %add3A_1313, %add3A_1314 : i32
    %get3A_1316 = arith.constant 0 : index
    %get3A_1317 = arith.constant 1 : index
    %get3A_1318 = arith.constant 0 : index
    %get3A_1319 = arith.constant 1 : index
    %get3A_1320 = arith.constant 0 : index
    %get3A_1321 = arith.constant 0 : index
    %get3A_1322 = vector.load %arg3[%get3A_1316, %get3A_1317, %get3A_1318, %get3A_1319, %get3A_1320, %get3A_1321] : memref<1x2x8x4x8x1024xbf16, #tpu.memory_space<vmem>>, vector<1x1x8x1x8x1024xbf16>
    %get3A_1323 = vector.shape_cast %get3A_1322 : vector<1x1x8x1x8x1024xbf16> to vector<8x8x1024xbf16>
    %reshape3A_1324 = vector.shape_cast %get3A_1323 : vector<8x8x1024xbf16> to vector<64x1024xbf16>
    %get3A_1325 = arith.index_cast %arg0 : i32 to index
    %get3A_1326 = arith.constant 0 : index
    %get3A_1327 = arith.index_cast %add3A_1315 : i32 to index
    %get3A_1328 = memref.load %arg2[%get3A_1325, %get3A_1326, %get3A_1327] : memref<16x8x16xi32, #tpu.memory_space<smem>>
    %jit3A_1329 = arith.constant 4 : i32
    %div3A_1330 = arith.divsi %get3A_1328, %jit3A_1329 : i32
    %sign3A_1331 = arith.constant 0 : i32
    %sign3A_1332 = arith.cmpi sgt, %get3A_1328, %sign3A_1331 : i32
    %sign3A_1333 = arith.extui %sign3A_1332 : i1 to i32
    %sign3A_1334 = arith.constant 0 : i32
    %sign3A_1335 = arith.cmpi slt, %get3A_1328, %sign3A_1334 : i32
    %sign3A_1336 = arith.extui %sign3A_1335 : i1 to i32
    %sign3A_1337 = arith.subi %sign3A_1333, %sign3A_1336 : i32
    %sign3A_1338 = arith.constant 0 : i32
    %sign3A_1339 = arith.cmpi sgt, %jit3A_1329, %sign3A_1338 : i32
    %sign3A_1340 = arith.extui %sign3A_1339 : i1 to i32
    %sign3A_1341 = arith.constant 0 : i32
    %sign3A_1342 = arith.cmpi slt, %jit3A_1329, %sign3A_1341 : i32
    %sign3A_1343 = arith.extui %sign3A_1342 : i1 to i32
    %sign3A_1344 = arith.subi %sign3A_1340, %sign3A_1343 : i32
    %ne3A_1345 = arith.cmpi ne, %sign3A_1337, %sign3A_1344 : i32
    %rem3A_1346 = arith.remsi %get3A_1328, %jit3A_1329 : i32
    %ne3A_1347 = arith.constant 0 : i32
    %ne3A_1348 = arith.cmpi ne, %rem3A_1346, %ne3A_1347 : i32
    %and3A_1349 = arith.andi %ne3A_1345, %ne3A_1348 : i1
    %sub3A_1350 = arith.constant 1 : i32
    %sub3A_1351 = arith.subi %div3A_1330, %sub3A_1350 : i32
    %select_n3A_1352 = arith.select %and3A_1349, %sub3A_1351, %div3A_1330 : i32
    %jit3A_1353 = arith.constant 4 : i32
    %eq3A_1354 = arith.constant 0 : i32
    %eq3A_1355 = arith.cmpi eq, %jit3A_1353, %eq3A_1354 : i32
    %jit3A_1356 = arith.constant 1 : i32
    %select_n3A_1357 = arith.select %eq3A_1355, %jit3A_1356, %jit3A_1353 : i32
    %rem3A_1358 = arith.remsi %get3A_1328, %select_n3A_1357 : i32
    %ne3A_1359 = arith.constant 0 : i32
    %ne3A_1360 = arith.cmpi ne, %rem3A_1358, %ne3A_1359 : i32
    %lt3A_1361 = arith.constant 0 : i32
    %lt3A_1362 = arith.cmpi slt, %rem3A_1358, %lt3A_1361 : i32
    %lt3A_1363 = arith.constant 0 : i32
    %lt3A_1364 = arith.cmpi slt, %select_n3A_1357, %lt3A_1363 : i32
    %ne3A_1365 = arith.xori %lt3A_1362, %lt3A_1364 : i1
    %and3A_1366 = arith.andi %ne3A_1365, %ne3A_1360 : i1
    %add3A_1367 = arith.addi %rem3A_1358, %select_n3A_1357 : i32
    %select_n3A_1368 = arith.select %and3A_1366, %add3A_1367, %rem3A_1358 : i32
    %get3A_1369 = arith.constant 0 : index
    %get3A_1370 = arith.index_cast %select_n3A_1352 : i32 to index
    %get3A_1371 = arith.constant 0 : index
    %get3A_1372 = arith.index_cast %select_n3A_1368 : i32 to index
    %get3A_1373 = arith.constant 0 : index
    %get3A_1374 = arith.constant 0 : index
    %get3A_1375 = vector.load %arg4[%get3A_1369, %get3A_1370, %get3A_1371, %get3A_1372, %get3A_1373, %get3A_1374] : memref<1x4x8x4x8x1024xbf16, #tpu.memory_space<vmem>>, vector<1x1x8x1x8x1024xbf16>
    %get3A_1376 = vector.shape_cast %get3A_1375 : vector<1x1x8x1x8x1024xbf16> to vector<8x8x1024xbf16>
    %reshape3A_1377 = vector.shape_cast %get3A_1376 : vector<8x8x1024xbf16> to vector<64x1024xbf16>
    %get3A_1378 = arith.constant 0 : index
    %get3A_1379 = arith.index_cast %select_n3A_1352 : i32 to index
    %get3A_1380 = arith.constant 0 : index
    %get3A_1381 = arith.index_cast %select_n3A_1368 : i32 to index
    %get3A_1382 = arith.constant 0 : index
    %get3A_1383 = arith.constant 0 : index
    %get3A_1384 = vector.load %arg5[%get3A_1378, %get3A_1379, %get3A_1380, %get3A_1381, %get3A_1382, %get3A_1383] : memref<1x4x8x4x8x1024xbf16, #tpu.memory_space<vmem>>, vector<1x1x8x1x8x1024xbf16>
    %get3A_1385 = vector.shape_cast %get3A_1384 : vector<1x1x8x1x8x1024xbf16> to vector<8x8x1024xbf16>
    %reshape3A_1386 = vector.shape_cast %get3A_1385 : vector<8x8x1024xbf16> to vector<64x1024xbf16>
    %get3A_1387 = arith.index_cast %arg0 : i32 to index
    %get3A_1388 = arith.constant 1 : index
    %get3A_1389 = arith.index_cast %add3A_1315 : i32 to index
    %get3A_1390 = memref.load %arg2[%get3A_1387, %get3A_1388, %get3A_1389] : memref<16x8x16xi32, #tpu.memory_space<smem>>
    %jit3A_1391 = arith.constant 4 : i32
    %div3A_1392 = arith.divsi %get3A_1390, %jit3A_1391 : i32
    %sign3A_1393 = arith.constant 0 : i32
    %sign3A_1394 = arith.cmpi sgt, %get3A_1390, %sign3A_1393 : i32
    %sign3A_1395 = arith.extui %sign3A_1394 : i1 to i32
    %sign3A_1396 = arith.constant 0 : i32
    %sign3A_1397 = arith.cmpi slt, %get3A_1390, %sign3A_1396 : i32
    %sign3A_1398 = arith.extui %sign3A_1397 : i1 to i32
    %sign3A_1399 = arith.subi %sign3A_1395, %sign3A_1398 : i32
    %sign3A_1400 = arith.constant 0 : i32
    %sign3A_1401 = arith.cmpi sgt, %jit3A_1391, %sign3A_1400 : i32
    %sign3A_1402 = arith.extui %sign3A_1401 : i1 to i32
    %sign3A_1403 = arith.constant 0 : i32
    %sign3A_1404 = arith.cmpi slt, %jit3A_1391, %sign3A_1403 : i32
    %sign3A_1405 = arith.extui %sign3A_1404 : i1 to i32
    %sign3A_1406 = arith.subi %sign3A_1402, %sign3A_1405 : i32
    %ne3A_1407 = arith.cmpi ne, %sign3A_1399, %sign3A_1406 : i32
    %rem3A_1408 = arith.remsi %get3A_1390, %jit3A_1391 : i32
    %ne3A_1409 = arith.constant 0 : i32
    %ne3A_1410 = arith.cmpi ne, %rem3A_1408, %ne3A_1409 : i32
    %and3A_1411 = arith.andi %ne3A_1407, %ne3A_1410 : i1
    %sub3A_1412 = arith.constant 1 : i32
    %sub3A_1413 = arith.subi %div3A_1392, %sub3A_1412 : i32
    %select_n3A_1414 = arith.select %and3A_1411, %sub3A_1413, %div3A_1392 : i32
    %jit3A_1415 = arith.constant 4 : i32
    %eq3A_1416 = arith.constant 0 : i32
    %eq3A_1417 = arith.cmpi eq, %jit3A_1415, %eq3A_1416 : i32
    %jit3A_1418 = arith.constant 1 : i32
    %select_n3A_1419 = arith.select %eq3A_1417, %jit3A_1418, %jit3A_1415 : i32
    %rem3A_1420 = arith.remsi %get3A_1390, %select_n3A_1419 : i32
    %ne3A_1421 = arith.constant 0 : i32
    %ne3A_1422 = arith.cmpi ne, %rem3A_1420, %ne3A_1421 : i32
    %lt3A_1423 = arith.constant 0 : i32
    %lt3A_1424 = arith.cmpi slt, %rem3A_1420, %lt3A_1423 : i32
    %lt3A_1425 = arith.constant 0 : i32
    %lt3A_1426 = arith.cmpi slt, %select_n3A_1419, %lt3A_1425 : i32
    %ne3A_1427 = arith.xori %lt3A_1424, %lt3A_1426 : i1
    %and3A_1428 = arith.andi %ne3A_1427, %ne3A_1422 : i1
    %add3A_1429 = arith.addi %rem3A_1420, %select_n3A_1419 : i32
    %select_n3A_1430 = arith.select %and3A_1428, %add3A_1429, %rem3A_1420 : i32
    %get3A_1431 = arith.constant 0 : index
    %get3A_1432 = arith.index_cast %select_n3A_1414 : i32 to index
    %get3A_1433 = arith.constant 0 : index
    %get3A_1434 = arith.index_cast %select_n3A_1430 : i32 to index
    %get3A_1435 = arith.constant 0 : index
    %get3A_1436 = arith.constant 0 : index
    %get3A_1437 = vector.load %arg4[%get3A_1431, %get3A_1432, %get3A_1433, %get3A_1434, %get3A_1435, %get3A_1436] : memref<1x4x8x4x8x1024xbf16, #tpu.memory_space<vmem>>, vector<1x1x8x1x8x1024xbf16>
    %get3A_1438 = vector.shape_cast %get3A_1437 : vector<1x1x8x1x8x1024xbf16> to vector<8x8x1024xbf16>
    %reshape3A_1439 = vector.shape_cast %get3A_1438 : vector<8x8x1024xbf16> to vector<64x1024xbf16>
    %get3A_1440 = arith.constant 0 : index
    %get3A_1441 = arith.index_cast %select_n3A_1414 : i32 to index
    %get3A_1442 = arith.constant 0 : index
    %get3A_1443 = arith.index_cast %select_n3A_1430 : i32 to index
    %get3A_1444 = arith.constant 0 : index
    %get3A_1445 = arith.constant 0 : index
    %get3A_1446 = vector.load %arg5[%get3A_1440, %get3A_1441, %get3A_1442, %get3A_1443, %get3A_1444, %get3A_1445] : memref<1x4x8x4x8x1024xbf16, #tpu.memory_space<vmem>>, vector<1x1x8x1x8x1024xbf16>
    %get3A_1447 = vector.shape_cast %get3A_1446 : vector<1x1x8x1x8x1024xbf16> to vector<8x8x1024xbf16>
    %reshape3A_1448 = vector.shape_cast %get3A_1447 : vector<8x8x1024xbf16> to vector<64x1024xbf16>
    %get3A_1449 = arith.index_cast %arg0 : i32 to index
    %get3A_1450 = arith.constant 2 : index
    %get3A_1451 = arith.index_cast %add3A_1315 : i32 to index
    %get3A_1452 = memref.load %arg2[%get3A_1449, %get3A_1450, %get3A_1451] : memref<16x8x16xi32, #tpu.memory_space<smem>>
    %jit3A_1453 = arith.constant 4 : i32
    %div3A_1454 = arith.divsi %get3A_1452, %jit3A_1453 : i32
    %sign3A_1455 = arith.constant 0 : i32
    %sign3A_1456 = arith.cmpi sgt, %get3A_1452, %sign3A_1455 : i32
    %sign3A_1457 = arith.extui %sign3A_1456 : i1 to i32
    %sign3A_1458 = arith.constant 0 : i32
    %sign3A_1459 = arith.cmpi slt, %get3A_1452, %sign3A_1458 : i32
    %sign3A_1460 = arith.extui %sign3A_1459 : i1 to i32
    %sign3A_1461 = arith.subi %sign3A_1457, %sign3A_1460 : i32
    %sign3A_1462 = arith.constant 0 : i32
    %sign3A_1463 = arith.cmpi sgt, %jit3A_1453, %sign3A_1462 : i32
    %sign3A_1464 = arith.extui %sign3A_1463 : i1 to i32
    %sign3A_1465 = arith.constant 0 : i32
    %sign3A_1466 = arith.cmpi slt, %jit3A_1453, %sign3A_1465 : i32
    %sign3A_1467 = arith.extui %sign3A_1466 : i1 to i32
    %sign3A_1468 = arith.subi %sign3A_1464, %sign3A_1467 : i32
    %ne3A_1469 = arith.cmpi ne, %sign3A_1461, %sign3A_1468 : i32
    %rem3A_1470 = arith.remsi %get3A_1452, %jit3A_1453 : i32
    %ne3A_1471 = arith.constant 0 : i32
    %ne3A_1472 = arith.cmpi ne, %rem3A_1470, %ne3A_1471 : i32
    %and3A_1473 = arith.andi %ne3A_1469, %ne3A_1472 : i1
    %sub3A_1474 = arith.constant 1 : i32
    %sub3A_1475 = arith.subi %div3A_1454, %sub3A_1474 : i32
    %select_n3A_1476 = arith.select %and3A_1473, %sub3A_1475, %div3A_1454 : i32
    %jit3A_1477 = arith.constant 4 : i32
    %eq3A_1478 = arith.constant 0 : i32
    %eq3A_1479 = arith.cmpi eq, %jit3A_1477, %eq3A_1478 : i32
    %jit3A_1480 = arith.constant 1 : i32
    %select_n3A_1481 = arith.select %eq3A_1479, %jit3A_1480, %jit3A_1477 : i32
    %rem3A_1482 = arith.remsi %get3A_1452, %select_n3A_1481 : i32
    %ne3A_1483 = arith.constant 0 : i32
    %ne3A_1484 = arith.cmpi ne, %rem3A_1482, %ne3A_1483 : i32
    %lt3A_1485 = arith.constant 0 : i32
    %lt3A_1486 = arith.cmpi slt, %rem3A_1482, %lt3A_1485 : i32
    %lt3A_1487 = arith.constant 0 : i32
    %lt3A_1488 = arith.cmpi slt, %select_n3A_1481, %lt3A_1487 : i32
    %ne3A_1489 = arith.xori %lt3A_1486, %lt3A_1488 : i1
    %and3A_1490 = arith.andi %ne3A_1489, %ne3A_1484 : i1
    %add3A_1491 = arith.addi %rem3A_1482, %select_n3A_1481 : i32
    %select_n3A_1492 = arith.select %and3A_1490, %add3A_1491, %rem3A_1482 : i32
    %get3A_1493 = arith.constant 0 : index
    %get3A_1494 = arith.index_cast %select_n3A_1476 : i32 to index
    %get3A_1495 = arith.constant 0 : index
    %get3A_1496 = arith.index_cast %select_n3A_1492 : i32 to index
    %get3A_1497 = arith.constant 0 : index
    %get3A_1498 = arith.constant 0 : index
    %get3A_1499 = vector.load %arg4[%get3A_1493, %get3A_1494, %get3A_1495, %get3A_1496, %get3A_1497, %get3A_1498] : memref<1x4x8x4x8x1024xbf16, #tpu.memory_space<vmem>>, vector<1x1x8x1x8x1024xbf16>
    %get3A_1500 = vector.shape_cast %get3A_1499 : vector<1x1x8x1x8x1024xbf16> to vector<8x8x1024xbf16>
    %reshape3A_1501 = vector.shape_cast %get3A_1500 : vector<8x8x1024xbf16> to vector<64x1024xbf16>
    %get3A_1502 = arith.constant 0 : index
    %get3A_1503 = arith.index_cast %select_n3A_1476 : i32 to index
    %get3A_1504 = arith.constant 0 : index
    %get3A_1505 = arith.index_cast %select_n3A_1492 : i32 to index
    %get3A_1506 = arith.constant 0 : index
    %get3A_1507 = arith.constant 0 : index
    %get3A_1508 = vector.load %arg5[%get3A_1502, %get3A_1503, %get3A_1504, %get3A_1505, %get3A_1506, %get3A_1507] : memref<1x4x8x4x8x1024xbf16, #tpu.memory_space<vmem>>, vector<1x1x8x1x8x1024xbf16>
    %get3A_1509 = vector.shape_cast %get3A_1508 : vector<1x1x8x1x8x1024xbf16> to vector<8x8x1024xbf16>
    %reshape3A_1510 = vector.shape_cast %get3A_1509 : vector<8x8x1024xbf16> to vector<64x1024xbf16>
    %get3A_1511 = arith.index_cast %arg0 : i32 to index
    %get3A_1512 = arith.constant 3 : index
    %get3A_1513 = arith.index_cast %add3A_1315 : i32 to index
    %get3A_1514 = memref.load %arg2[%get3A_1511, %get3A_1512, %get3A_1513] : memref<16x8x16xi32, #tpu.memory_space<smem>>
    %jit3A_1515 = arith.constant 4 : i32
    %div3A_1516 = arith.divsi %get3A_1514, %jit3A_1515 : i32
    %sign3A_1517 = arith.constant 0 : i32
    %sign3A_1518 = arith.cmpi sgt, %get3A_1514, %sign3A_1517 : i32
    %sign3A_1519 = arith.extui %sign3A_1518 : i1 to i32
    %sign3A_1520 = arith.constant 0 : i32
    %sign3A_1521 = arith.cmpi slt, %get3A_1514, %sign3A_1520 : i32
    %sign3A_1522 = arith.extui %sign3A_1521 : i1 to i32
    %sign3A_1523 = arith.subi %sign3A_1519, %sign3A_1522 : i32
    %sign3A_1524 = arith.constant 0 : i32
    %sign3A_1525 = arith.cmpi sgt, %jit3A_1515, %sign3A_1524 : i32
    %sign3A_1526 = arith.extui %sign3A_1525 : i1 to i32
    %sign3A_1527 = arith.constant 0 : i32
    %sign3A_1528 = arith.cmpi slt, %jit3A_1515, %sign3A_1527 : i32
    %sign3A_1529 = arith.extui %sign3A_1528 : i1 to i32
    %sign3A_1530 = arith.subi %sign3A_1526, %sign3A_1529 : i32
    %ne3A_1531 = arith.cmpi ne, %sign3A_1523, %sign3A_1530 : i32
    %rem3A_1532 = arith.remsi %get3A_1514, %jit3A_1515 : i32
    %ne3A_1533 = arith.constant 0 : i32
    %ne3A_1534 = arith.cmpi ne, %rem3A_1532, %ne3A_1533 : i32
    %and3A_1535 = arith.andi %ne3A_1531, %ne3A_1534 : i1
    %sub3A_1536 = arith.constant 1 : i32
    %sub3A_1537 = arith.subi %div3A_1516, %sub3A_1536 : i32
    %select_n3A_1538 = arith.select %and3A_1535, %sub3A_1537, %div3A_1516 : i32
    %jit3A_1539 = arith.constant 4 : i32
    %eq3A_1540 = arith.constant 0 : i32
    %eq3A_1541 = arith.cmpi eq, %jit3A_1539, %eq3A_1540 : i32
    %jit3A_1542 = arith.constant 1 : i32
    %select_n3A_1543 = arith.select %eq3A_1541, %jit3A_1542, %jit3A_1539 : i32
    %rem3A_1544 = arith.remsi %get3A_1514, %select_n3A_1543 : i32
    %ne3A_1545 = arith.constant 0 : i32
    %ne3A_1546 = arith.cmpi ne, %rem3A_1544, %ne3A_1545 : i32
    %lt3A_1547 = arith.constant 0 : i32
    %lt3A_1548 = arith.cmpi slt, %rem3A_1544, %lt3A_1547 : i32
    %lt3A_1549 = arith.constant 0 : i32
    %lt3A_1550 = arith.cmpi slt, %select_n3A_1543, %lt3A_1549 : i32
    %ne3A_1551 = arith.xori %lt3A_1548, %lt3A_1550 : i1
    %and3A_1552 = arith.andi %ne3A_1551, %ne3A_1546 : i1
    %add3A_1553 = arith.addi %rem3A_1544, %select_n3A_1543 : i32
    %select_n3A_1554 = arith.select %and3A_1552, %add3A_1553, %rem3A_1544 : i32
    %get3A_1555 = arith.constant 0 : index
    %get3A_1556 = arith.index_cast %select_n3A_1538 : i32 to index
    %get3A_1557 = arith.constant 0 : index
    %get3A_1558 = arith.index_cast %select_n3A_1554 : i32 to index
    %get3A_1559 = arith.constant 0 : index
    %get3A_1560 = arith.constant 0 : index
    %get3A_1561 = vector.load %arg4[%get3A_1555, %get3A_1556, %get3A_1557, %get3A_1558, %get3A_1559, %get3A_1560] : memref<1x4x8x4x8x1024xbf16, #tpu.memory_space<vmem>>, vector<1x1x8x1x8x1024xbf16>
    %get3A_1562 = vector.shape_cast %get3A_1561 : vector<1x1x8x1x8x1024xbf16> to vector<8x8x1024xbf16>
    %reshape3A_1563 = vector.shape_cast %get3A_1562 : vector<8x8x1024xbf16> to vector<64x1024xbf16>
    %get3A_1564 = arith.constant 0 : index
    %get3A_1565 = arith.index_cast %select_n3A_1538 : i32 to index
    %get3A_1566 = arith.constant 0 : index
    %get3A_1567 = arith.index_cast %select_n3A_1554 : i32 to index
    %get3A_1568 = arith.constant 0 : index
    %get3A_1569 = arith.constant 0 : index
    %get3A_1570 = vector.load %arg5[%get3A_1564, %get3A_1565, %get3A_1566, %get3A_1567, %get3A_1568, %get3A_1569] : memref<1x4x8x4x8x1024xbf16, #tpu.memory_space<vmem>>, vector<1x1x8x1x8x1024xbf16>
    %get3A_1571 = vector.shape_cast %get3A_1570 : vector<1x1x8x1x8x1024xbf16> to vector<8x8x1024xbf16>
    %reshape3A_1572 = vector.shape_cast %get3A_1571 : vector<8x8x1024xbf16> to vector<64x1024xbf16>
    %concatenate3A_1573 = tpu.concatenate %reshape3A_1377, %reshape3A_1439, %reshape3A_1501, %reshape3A_1563 in 0 : vector<64x1024xbf16>, vector<64x1024xbf16>, vector<64x1024xbf16>, vector<64x1024xbf16> -> vector<256x1024xbf16>
    %concatenate3A_1574 = tpu.concatenate %reshape3A_1386, %reshape3A_1448, %reshape3A_1510, %reshape3A_1572 in 0 : vector<64x1024xbf16>, vector<64x1024xbf16>, vector<64x1024xbf16>, vector<64x1024xbf16> -> vector<256x1024xbf16>
    %mul3A_1575 = arith.constant 8 : i32
    %mul3A_1576 = arith.muli %mul3A_1575, %arg1 : i32
    %add3A_1577 = arith.constant 4 : i32
    %add3A_1578 = arith.addi %mul3A_1576, %add3A_1577 : i32
    %add3A_1579 = arith.constant 2 : i32
    %add3A_1580 = arith.addi %add3A_1578, %add3A_1579 : i32
    %get3A_1581 = arith.constant 0 : index
    %get3A_1582 = arith.constant 1 : index
    %get3A_1583 = arith.constant 0 : index
    %get3A_1584 = arith.constant 2 : index
    %get3A_1585 = arith.constant 0 : index
    %get3A_1586 = arith.constant 0 : index
    %get3A_1587 = vector.load %arg3[%get3A_1581, %get3A_1582, %get3A_1583, %get3A_1584, %get3A_1585, %get3A_1586] : memref<1x2x8x4x8x1024xbf16, #tpu.memory_space<vmem>>, vector<1x1x8x1x8x1024xbf16>
    %get3A_1588 = vector.shape_cast %get3A_1587 : vector<1x1x8x1x8x1024xbf16> to vector<8x8x1024xbf16>
    %reshape3A_1589 = vector.shape_cast %get3A_1588 : vector<8x8x1024xbf16> to vector<64x1024xbf16>
    %get3A_1590 = arith.index_cast %arg0 : i32 to index
    %get3A_1591 = arith.constant 0 : index
    %get3A_1592 = arith.index_cast %add3A_1580 : i32 to index
    %get3A_1593 = memref.load %arg2[%get3A_1590, %get3A_1591, %get3A_1592] : memref<16x8x16xi32, #tpu.memory_space<smem>>
    %jit3A_1594 = arith.constant 4 : i32
    %div3A_1595 = arith.divsi %get3A_1593, %jit3A_1594 : i32
    %sign3A_1596 = arith.constant 0 : i32
    %sign3A_1597 = arith.cmpi sgt, %get3A_1593, %sign3A_1596 : i32
    %sign3A_1598 = arith.extui %sign3A_1597 : i1 to i32
    %sign3A_1599 = arith.constant 0 : i32
    %sign3A_1600 = arith.cmpi slt, %get3A_1593, %sign3A_1599 : i32
    %sign3A_1601 = arith.extui %sign3A_1600 : i1 to i32
    %sign3A_1602 = arith.subi %sign3A_1598, %sign3A_1601 : i32
    %sign3A_1603 = arith.constant 0 : i32
    %sign3A_1604 = arith.cmpi sgt, %jit3A_1594, %sign3A_1603 : i32
    %sign3A_1605 = arith.extui %sign3A_1604 : i1 to i32
    %sign3A_1606 = arith.constant 0 : i32
    %sign3A_1607 = arith.cmpi slt, %jit3A_1594, %sign3A_1606 : i32
    %sign3A_1608 = arith.extui %sign3A_1607 : i1 to i32
    %sign3A_1609 = arith.subi %sign3A_1605, %sign3A_1608 : i32
    %ne3A_1610 = arith.cmpi ne, %sign3A_1602, %sign3A_1609 : i32
    %rem3A_1611 = arith.remsi %get3A_1593, %jit3A_1594 : i32
    %ne3A_1612 = arith.constant 0 : i32
    %ne3A_1613 = arith.cmpi ne, %rem3A_1611, %ne3A_1612 : i32
    %and3A_1614 = arith.andi %ne3A_1610, %ne3A_1613 : i1
    %sub3A_1615 = arith.constant 1 : i32
    %sub3A_1616 = arith.subi %div3A_1595, %sub3A_1615 : i32
    %select_n3A_1617 = arith.select %and3A_1614, %sub3A_1616, %div3A_1595 : i32
    %jit3A_1618 = arith.constant 4 : i32
    %eq3A_1619 = arith.constant 0 : i32
    %eq3A_1620 = arith.cmpi eq, %jit3A_1618, %eq3A_1619 : i32
    %jit3A_1621 = arith.constant 1 : i32
    %select_n3A_1622 = arith.select %eq3A_1620, %jit3A_1621, %jit3A_1618 : i32
    %rem3A_1623 = arith.remsi %get3A_1593, %select_n3A_1622 : i32
    %ne3A_1624 = arith.constant 0 : i32
    %ne3A_1625 = arith.cmpi ne, %rem3A_1623, %ne3A_1624 : i32
    %lt3A_1626 = arith.constant 0 : i32
    %lt3A_1627 = arith.cmpi slt, %rem3A_1623, %lt3A_1626 : i32
    %lt3A_1628 = arith.constant 0 : i32
    %lt3A_1629 = arith.cmpi slt, %select_n3A_1622, %lt3A_1628 : i32
    %ne3A_1630 = arith.xori %lt3A_1627, %lt3A_1629 : i1
    %and3A_1631 = arith.andi %ne3A_1630, %ne3A_1625 : i1
    %add3A_1632 = arith.addi %rem3A_1623, %select_n3A_1622 : i32
    %select_n3A_1633 = arith.select %and3A_1631, %add3A_1632, %rem3A_1623 : i32
    %get3A_1634 = arith.constant 0 : index
    %get3A_1635 = arith.index_cast %select_n3A_1617 : i32 to index
    %get3A_1636 = arith.constant 0 : index
    %get3A_1637 = arith.index_cast %select_n3A_1633 : i32 to index
    %get3A_1638 = arith.constant 0 : index
    %get3A_1639 = arith.constant 0 : index
    %get3A_1640 = vector.load %arg4[%get3A_1634, %get3A_1635, %get3A_1636, %get3A_1637, %get3A_1638, %get3A_1639] : memref<1x4x8x4x8x1024xbf16, #tpu.memory_space<vmem>>, vector<1x1x8x1x8x1024xbf16>
    %get3A_1641 = vector.shape_cast %get3A_1640 : vector<1x1x8x1x8x1024xbf16> to vector<8x8x1024xbf16>
    %reshape3A_1642 = vector.shape_cast %get3A_1641 : vector<8x8x1024xbf16> to vector<64x1024xbf16>
    %get3A_1643 = arith.constant 0 : index
    %get3A_1644 = arith.index_cast %select_n3A_1617 : i32 to index
    %get3A_1645 = arith.constant 0 : index
    %get3A_1646 = arith.index_cast %select_n3A_1633 : i32 to index
    %get3A_1647 = arith.constant 0 : index
    %get3A_1648 = arith.constant 0 : index
    %get3A_1649 = vector.load %arg5[%get3A_1643, %get3A_1644, %get3A_1645, %get3A_1646, %get3A_1647, %get3A_1648] : memref<1x4x8x4x8x1024xbf16, #tpu.memory_space<vmem>>, vector<1x1x8x1x8x1024xbf16>
    %get3A_1650 = vector.shape_cast %get3A_1649 : vector<1x1x8x1x8x1024xbf16> to vector<8x8x1024xbf16>
    %reshape3A_1651 = vector.shape_cast %get3A_1650 : vector<8x8x1024xbf16> to vector<64x1024xbf16>
    %get3A_1652 = arith.index_cast %arg0 : i32 to index
    %get3A_1653 = arith.constant 1 : index
    %get3A_1654 = arith.index_cast %add3A_1580 : i32 to index
    %get3A_1655 = memref.load %arg2[%get3A_1652, %get3A_1653, %get3A_1654] : memref<16x8x16xi32, #tpu.memory_space<smem>>
    %jit3A_1656 = arith.constant 4 : i32
    %div3A_1657 = arith.divsi %get3A_1655, %jit3A_1656 : i32
    %sign3A_1658 = arith.constant 0 : i32
    %sign3A_1659 = arith.cmpi sgt, %get3A_1655, %sign3A_1658 : i32
    %sign3A_1660 = arith.extui %sign3A_1659 : i1 to i32
    %sign3A_1661 = arith.constant 0 : i32
    %sign3A_1662 = arith.cmpi slt, %get3A_1655, %sign3A_1661 : i32
    %sign3A_1663 = arith.extui %sign3A_1662 : i1 to i32
    %sign3A_1664 = arith.subi %sign3A_1660, %sign3A_1663 : i32
    %sign3A_1665 = arith.constant 0 : i32
    %sign3A_1666 = arith.cmpi sgt, %jit3A_1656, %sign3A_1665 : i32
    %sign3A_1667 = arith.extui %sign3A_1666 : i1 to i32
    %sign3A_1668 = arith.constant 0 : i32
    %sign3A_1669 = arith.cmpi slt, %jit3A_1656, %sign3A_1668 : i32
    %sign3A_1670 = arith.extui %sign3A_1669 : i1 to i32
    %sign3A_1671 = arith.subi %sign3A_1667, %sign3A_1670 : i32
    %ne3A_1672 = arith.cmpi ne, %sign3A_1664, %sign3A_1671 : i32
    %rem3A_1673 = arith.remsi %get3A_1655, %jit3A_1656 : i32
    %ne3A_1674 = arith.constant 0 : i32
    %ne3A_1675 = arith.cmpi ne, %rem3A_1673, %ne3A_1674 : i32
    %and3A_1676 = arith.andi %ne3A_1672, %ne3A_1675 : i1
    %sub3A_1677 = arith.constant 1 : i32
    %sub3A_1678 = arith.subi %div3A_1657, %sub3A_1677 : i32
    %select_n3A_1679 = arith.select %and3A_1676, %sub3A_1678, %div3A_1657 : i32
    %jit3A_1680 = arith.constant 4 : i32
    %eq3A_1681 = arith.constant 0 : i32
    %eq3A_1682 = arith.cmpi eq, %jit3A_1680, %eq3A_1681 : i32
    %jit3A_1683 = arith.constant 1 : i32
    %select_n3A_1684 = arith.select %eq3A_1682, %jit3A_1683, %jit3A_1680 : i32
    %rem3A_1685 = arith.remsi %get3A_1655, %select_n3A_1684 : i32
    %ne3A_1686 = arith.constant 0 : i32
    %ne3A_1687 = arith.cmpi ne, %rem3A_1685, %ne3A_1686 : i32
    %lt3A_1688 = arith.constant 0 : i32
    %lt3A_1689 = arith.cmpi slt, %rem3A_1685, %lt3A_1688 : i32
    %lt3A_1690 = arith.constant 0 : i32
    %lt3A_1691 = arith.cmpi slt, %select_n3A_1684, %lt3A_1690 : i32
    %ne3A_1692 = arith.xori %lt3A_1689, %lt3A_1691 : i1
    %and3A_1693 = arith.andi %ne3A_1692, %ne3A_1687 : i1
    %add3A_1694 = arith.addi %rem3A_1685, %select_n3A_1684 : i32
    %select_n3A_1695 = arith.select %and3A_1693, %add3A_1694, %rem3A_1685 : i32
    %get3A_1696 = arith.constant 0 : index
    %get3A_1697 = arith.index_cast %select_n3A_1679 : i32 to index
    %get3A_1698 = arith.constant 0 : index
    %get3A_1699 = arith.index_cast %select_n3A_1695 : i32 to index
    %get3A_1700 = arith.constant 0 : index
    %get3A_1701 = arith.constant 0 : index
    %get3A_1702 = vector.load %arg4[%get3A_1696, %get3A_1697, %get3A_1698, %get3A_1699, %get3A_1700, %get3A_1701] : memref<1x4x8x4x8x1024xbf16, #tpu.memory_space<vmem>>, vector<1x1x8x1x8x1024xbf16>
    %get3A_1703 = vector.shape_cast %get3A_1702 : vector<1x1x8x1x8x1024xbf16> to vector<8x8x1024xbf16>
    %reshape3A_1704 = vector.shape_cast %get3A_1703 : vector<8x8x1024xbf16> to vector<64x1024xbf16>
    %get3A_1705 = arith.constant 0 : index
    %get3A_1706 = arith.index_cast %select_n3A_1679 : i32 to index
    %get3A_1707 = arith.constant 0 : index
    %get3A_1708 = arith.index_cast %select_n3A_1695 : i32 to index
    %get3A_1709 = arith.constant 0 : index
    %get3A_1710 = arith.constant 0 : index
    %get3A_1711 = vector.load %arg5[%get3A_1705, %get3A_1706, %get3A_1707, %get3A_1708, %get3A_1709, %get3A_1710] : memref<1x4x8x4x8x1024xbf16, #tpu.memory_space<vmem>>, vector<1x1x8x1x8x1024xbf16>
    %get3A_1712 = vector.shape_cast %get3A_1711 : vector<1x1x8x1x8x1024xbf16> to vector<8x8x1024xbf16>
    %reshape3A_1713 = vector.shape_cast %get3A_1712 : vector<8x8x1024xbf16> to vector<64x1024xbf16>
    %get3A_1714 = arith.index_cast %arg0 : i32 to index
    %get3A_1715 = arith.constant 2 : index
    %get3A_1716 = arith.index_cast %add3A_1580 : i32 to index
    %get3A_1717 = memref.load %arg2[%get3A_1714, %get3A_1715, %get3A_1716] : memref<16x8x16xi32, #tpu.memory_space<smem>>
    %jit3A_1718 = arith.constant 4 : i32
    %div3A_1719 = arith.divsi %get3A_1717, %jit3A_1718 : i32
    %sign3A_1720 = arith.constant 0 : i32
    %sign3A_1721 = arith.cmpi sgt, %get3A_1717, %sign3A_1720 : i32
    %sign3A_1722 = arith.extui %sign3A_1721 : i1 to i32
    %sign3A_1723 = arith.constant 0 : i32
    %sign3A_1724 = arith.cmpi slt, %get3A_1717, %sign3A_1723 : i32
    %sign3A_1725 = arith.extui %sign3A_1724 : i1 to i32
    %sign3A_1726 = arith.subi %sign3A_1722, %sign3A_1725 : i32
    %sign3A_1727 = arith.constant 0 : i32
    %sign3A_1728 = arith.cmpi sgt, %jit3A_1718, %sign3A_1727 : i32
    %sign3A_1729 = arith.extui %sign3A_1728 : i1 to i32
    %sign3A_1730 = arith.constant 0 : i32
    %sign3A_1731 = arith.cmpi slt, %jit3A_1718, %sign3A_1730 : i32
    %sign3A_1732 = arith.extui %sign3A_1731 : i1 to i32
    %sign3A_1733 = arith.subi %sign3A_1729, %sign3A_1732 : i32
    %ne3A_1734 = arith.cmpi ne, %sign3A_1726, %sign3A_1733 : i32
    %rem3A_1735 = arith.remsi %get3A_1717, %jit3A_1718 : i32
    %ne3A_1736 = arith.constant 0 : i32
    %ne3A_1737 = arith.cmpi ne, %rem3A_1735, %ne3A_1736 : i32
    %and3A_1738 = arith.andi %ne3A_1734, %ne3A_1737 : i1
    %sub3A_1739 = arith.constant 1 : i32
    %sub3A_1740 = arith.subi %div3A_1719, %sub3A_1739 : i32
    %select_n3A_1741 = arith.select %and3A_1738, %sub3A_1740, %div3A_1719 : i32
    %jit3A_1742 = arith.constant 4 : i32
    %eq3A_1743 = arith.constant 0 : i32
    %eq3A_1744 = arith.cmpi eq, %jit3A_1742, %eq3A_1743 : i32
    %jit3A_1745 = arith.constant 1 : i32
    %select_n3A_1746 = arith.select %eq3A_1744, %jit3A_1745, %jit3A_1742 : i32
    %rem3A_1747 = arith.remsi %get3A_1717, %select_n3A_1746 : i32
    %ne3A_1748 = arith.constant 0 : i32
    %ne3A_1749 = arith.cmpi ne, %rem3A_1747, %ne3A_1748 : i32
    %lt3A_1750 = arith.constant 0 : i32
    %lt3A_1751 = arith.cmpi slt, %rem3A_1747, %lt3A_1750 : i32
    %lt3A_1752 = arith.constant 0 : i32
    %lt3A_1753 = arith.cmpi slt, %select_n3A_1746, %lt3A_1752 : i32
    %ne3A_1754 = arith.xori %lt3A_1751, %lt3A_1753 : i1
    %and3A_1755 = arith.andi %ne3A_1754, %ne3A_1749 : i1
    %add3A_1756 = arith.addi %rem3A_1747, %select_n3A_1746 : i32
    %select_n3A_1757 = arith.select %and3A_1755, %add3A_1756, %rem3A_1747 : i32
    %get3A_1758 = arith.constant 0 : index
    %get3A_1759 = arith.index_cast %select_n3A_1741 : i32 to index
    %get3A_1760 = arith.constant 0 : index
    %get3A_1761 = arith.index_cast %select_n3A_1757 : i32 to index
    %get3A_1762 = arith.constant 0 : index
    %get3A_1763 = arith.constant 0 : index
    %get3A_1764 = vector.load %arg4[%get3A_1758, %get3A_1759, %get3A_1760, %get3A_1761, %get3A_1762, %get3A_1763] : memref<1x4x8x4x8x1024xbf16, #tpu.memory_space<vmem>>, vector<1x1x8x1x8x1024xbf16>
    %get3A_1765 = vector.shape_cast %get3A_1764 : vector<1x1x8x1x8x1024xbf16> to vector<8x8x1024xbf16>
    %reshape3A_1766 = vector.shape_cast %get3A_1765 : vector<8x8x1024xbf16> to vector<64x1024xbf16>
    %get3A_1767 = arith.constant 0 : index
    %get3A_1768 = arith.index_cast %select_n3A_1741 : i32 to index
    %get3A_1769 = arith.constant 0 : index
    %get3A_1770 = arith.index_cast %select_n3A_1757 : i32 to index
    %get3A_1771 = arith.constant 0 : index
    %get3A_1772 = arith.constant 0 : index
    %get3A_1773 = vector.load %arg5[%get3A_1767, %get3A_1768, %get3A_1769, %get3A_1770, %get3A_1771, %get3A_1772] : memref<1x4x8x4x8x1024xbf16, #tpu.memory_space<vmem>>, vector<1x1x8x1x8x1024xbf16>
    %get3A_1774 = vector.shape_cast %get3A_1773 : vector<1x1x8x1x8x1024xbf16> to vector<8x8x1024xbf16>
    %reshape3A_1775 = vector.shape_cast %get3A_1774 : vector<8x8x1024xbf16> to vector<64x1024xbf16>
    %get3A_1776 = arith.index_cast %arg0 : i32 to index
    %get3A_1777 = arith.constant 3 : index
    %get3A_1778 = arith.index_cast %add3A_1580 : i32 to index
    %get3A_1779 = memref.load %arg2[%get3A_1776, %get3A_1777, %get3A_1778] : memref<16x8x16xi32, #tpu.memory_space<smem>>
    %jit3A_1780 = arith.constant 4 : i32
    %div3A_1781 = arith.divsi %get3A_1779, %jit3A_1780 : i32
    %sign3A_1782 = arith.constant 0 : i32
    %sign3A_1783 = arith.cmpi sgt, %get3A_1779, %sign3A_1782 : i32
    %sign3A_1784 = arith.extui %sign3A_1783 : i1 to i32
    %sign3A_1785 = arith.constant 0 : i32
    %sign3A_1786 = arith.cmpi slt, %get3A_1779, %sign3A_1785 : i32
    %sign3A_1787 = arith.extui %sign3A_1786 : i1 to i32
    %sign3A_1788 = arith.subi %sign3A_1784, %sign3A_1787 : i32
    %sign3A_1789 = arith.constant 0 : i32
    %sign3A_1790 = arith.cmpi sgt, %jit3A_1780, %sign3A_1789 : i32
    %sign3A_1791 = arith.extui %sign3A_1790 : i1 to i32
    %sign3A_1792 = arith.constant 0 : i32
    %sign3A_1793 = arith.cmpi slt, %jit3A_1780, %sign3A_1792 : i32
    %sign3A_1794 = arith.extui %sign3A_1793 : i1 to i32
    %sign3A_1795 = arith.subi %sign3A_1791, %sign3A_1794 : i32
    %ne3A_1796 = arith.cmpi ne, %sign3A_1788, %sign3A_1795 : i32
    %rem3A_1797 = arith.remsi %get3A_1779, %jit3A_1780 : i32
    %ne3A_1798 = arith.constant 0 : i32
    %ne3A_1799 = arith.cmpi ne, %rem3A_1797, %ne3A_1798 : i32
    %and3A_1800 = arith.andi %ne3A_1796, %ne3A_1799 : i1
    %sub3A_1801 = arith.constant 1 : i32
    %sub3A_1802 = arith.subi %div3A_1781, %sub3A_1801 : i32
    %select_n3A_1803 = arith.select %and3A_1800, %sub3A_1802, %div3A_1781 : i32
    %jit3A_1804 = arith.constant 4 : i32
    %eq3A_1805 = arith.constant 0 : i32
    %eq3A_1806 = arith.cmpi eq, %jit3A_1804, %eq3A_1805 : i32
    %jit3A_1807 = arith.constant 1 : i32
    %select_n3A_1808 = arith.select %eq3A_1806, %jit3A_1807, %jit3A_1804 : i32
    %rem3A_1809 = arith.remsi %get3A_1779, %select_n3A_1808 : i32
    %ne3A_1810 = arith.constant 0 : i32
    %ne3A_1811 = arith.cmpi ne, %rem3A_1809, %ne3A_1810 : i32
    %lt3A_1812 = arith.constant 0 : i32
    %lt3A_1813 = arith.cmpi slt, %rem3A_1809, %lt3A_1812 : i32
    %lt3A_1814 = arith.constant 0 : i32
    %lt3A_1815 = arith.cmpi slt, %select_n3A_1808, %lt3A_1814 : i32
    %ne3A_1816 = arith.xori %lt3A_1813, %lt3A_1815 : i1
    %and3A_1817 = arith.andi %ne3A_1816, %ne3A_1811 : i1
    %add3A_1818 = arith.addi %rem3A_1809, %select_n3A_1808 : i32
    %select_n3A_1819 = arith.select %and3A_1817, %add3A_1818, %rem3A_1809 : i32
    %get3A_1820 = arith.constant 0 : index
    %get3A_1821 = arith.index_cast %select_n3A_1803 : i32 to index
    %get3A_1822 = arith.constant 0 : index
    %get3A_1823 = arith.index_cast %select_n3A_1819 : i32 to index
    %get3A_1824 = arith.constant 0 : index
    %get3A_1825 = arith.constant 0 : index
    %get3A_1826 = vector.load %arg4[%get3A_1820, %get3A_1821, %get3A_1822, %get3A_1823, %get3A_1824, %get3A_1825] : memref<1x4x8x4x8x1024xbf16, #tpu.memory_space<vmem>>, vector<1x1x8x1x8x1024xbf16>
    %get3A_1827 = vector.shape_cast %get3A_1826 : vector<1x1x8x1x8x1024xbf16> to vector<8x8x1024xbf16>
    %reshape3A_1828 = vector.shape_cast %get3A_1827 : vector<8x8x1024xbf16> to vector<64x1024xbf16>
    %get3A_1829 = arith.constant 0 : index
    %get3A_1830 = arith.index_cast %select_n3A_1803 : i32 to index
    %get3A_1831 = arith.constant 0 : index
    %get3A_1832 = arith.index_cast %select_n3A_1819 : i32 to index
    %get3A_1833 = arith.constant 0 : index
    %get3A_1834 = arith.constant 0 : index
    %get3A_1835 = vector.load %arg5[%get3A_1829, %get3A_1830, %get3A_1831, %get3A_1832, %get3A_1833, %get3A_1834] : memref<1x4x8x4x8x1024xbf16, #tpu.memory_space<vmem>>, vector<1x1x8x1x8x1024xbf16>
    %get3A_1836 = vector.shape_cast %get3A_1835 : vector<1x1x8x1x8x1024xbf16> to vector<8x8x1024xbf16>
    %reshape3A_1837 = vector.shape_cast %get3A_1836 : vector<8x8x1024xbf16> to vector<64x1024xbf16>
    %concatenate3A_1838 = tpu.concatenate %reshape3A_1642, %reshape3A_1704, %reshape3A_1766, %reshape3A_1828 in 0 : vector<64x1024xbf16>, vector<64x1024xbf16>, vector<64x1024xbf16>, vector<64x1024xbf16> -> vector<256x1024xbf16>
    %concatenate3A_1839 = tpu.concatenate %reshape3A_1651, %reshape3A_1713, %reshape3A_1775, %reshape3A_1837 in 0 : vector<64x1024xbf16>, vector<64x1024xbf16>, vector<64x1024xbf16>, vector<64x1024xbf16> -> vector<256x1024xbf16>
    %mul3A_1840 = arith.constant 8 : i32
    %mul3A_1841 = arith.muli %mul3A_1840, %arg1 : i32
    %add3A_1842 = arith.constant 4 : i32
    %add3A_1843 = arith.addi %mul3A_1841, %add3A_1842 : i32
    %add3A_1844 = arith.constant 3 : i32
    %add3A_1845 = arith.addi %add3A_1843, %add3A_1844 : i32
    %get3A_1846 = arith.constant 0 : index
    %get3A_1847 = arith.constant 1 : index
    %get3A_1848 = arith.constant 0 : index
    %get3A_1849 = arith.constant 3 : index
    %get3A_1850 = arith.constant 0 : index
    %get3A_1851 = arith.constant 0 : index
    %get3A_1852 = vector.load %arg3[%get3A_1846, %get3A_1847, %get3A_1848, %get3A_1849, %get3A_1850, %get3A_1851] : memref<1x2x8x4x8x1024xbf16, #tpu.memory_space<vmem>>, vector<1x1x8x1x8x1024xbf16>
    %get3A_1853 = vector.shape_cast %get3A_1852 : vector<1x1x8x1x8x1024xbf16> to vector<8x8x1024xbf16>
    %reshape3A_1854 = vector.shape_cast %get3A_1853 : vector<8x8x1024xbf16> to vector<64x1024xbf16>
    %get3A_1855 = arith.index_cast %arg0 : i32 to index
    %get3A_1856 = arith.constant 0 : index
    %get3A_1857 = arith.index_cast %add3A_1845 : i32 to index
    %get3A_1858 = memref.load %arg2[%get3A_1855, %get3A_1856, %get3A_1857] : memref<16x8x16xi32, #tpu.memory_space<smem>>
    %jit3A_1859 = arith.constant 4 : i32
    %div3A_1860 = arith.divsi %get3A_1858, %jit3A_1859 : i32
    %sign3A_1861 = arith.constant 0 : i32
    %sign3A_1862 = arith.cmpi sgt, %get3A_1858, %sign3A_1861 : i32
    %sign3A_1863 = arith.extui %sign3A_1862 : i1 to i32
    %sign3A_1864 = arith.constant 0 : i32
    %sign3A_1865 = arith.cmpi slt, %get3A_1858, %sign3A_1864 : i32
    %sign3A_1866 = arith.extui %sign3A_1865 : i1 to i32
    %sign3A_1867 = arith.subi %sign3A_1863, %sign3A_1866 : i32
    %sign3A_1868 = arith.constant 0 : i32
    %sign3A_1869 = arith.cmpi sgt, %jit3A_1859, %sign3A_1868 : i32
    %sign3A_1870 = arith.extui %sign3A_1869 : i1 to i32
    %sign3A_1871 = arith.constant 0 : i32
    %sign3A_1872 = arith.cmpi slt, %jit3A_1859, %sign3A_1871 : i32
    %sign3A_1873 = arith.extui %sign3A_1872 : i1 to i32
    %sign3A_1874 = arith.subi %sign3A_1870, %sign3A_1873 : i32
    %ne3A_1875 = arith.cmpi ne, %sign3A_1867, %sign3A_1874 : i32
    %rem3A_1876 = arith.remsi %get3A_1858, %jit3A_1859 : i32
    %ne3A_1877 = arith.constant 0 : i32
    %ne3A_1878 = arith.cmpi ne, %rem3A_1876, %ne3A_1877 : i32
    %and3A_1879 = arith.andi %ne3A_1875, %ne3A_1878 : i1
    %sub3A_1880 = arith.constant 1 : i32
    %sub3A_1881 = arith.subi %div3A_1860, %sub3A_1880 : i32
    %select_n3A_1882 = arith.select %and3A_1879, %sub3A_1881, %div3A_1860 : i32
    %jit3A_1883 = arith.constant 4 : i32
    %eq3A_1884 = arith.constant 0 : i32
    %eq3A_1885 = arith.cmpi eq, %jit3A_1883, %eq3A_1884 : i32
    %jit3A_1886 = arith.constant 1 : i32
    %select_n3A_1887 = arith.select %eq3A_1885, %jit3A_1886, %jit3A_1883 : i32
    %rem3A_1888 = arith.remsi %get3A_1858, %select_n3A_1887 : i32
    %ne3A_1889 = arith.constant 0 : i32
    %ne3A_1890 = arith.cmpi ne, %rem3A_1888, %ne3A_1889 : i32
    %lt3A_1891 = arith.constant 0 : i32
    %lt3A_1892 = arith.cmpi slt, %rem3A_1888, %lt3A_1891 : i32
    %lt3A_1893 = arith.constant 0 : i32
    %lt3A_1894 = arith.cmpi slt, %select_n3A_1887, %lt3A_1893 : i32
    %ne3A_1895 = arith.xori %lt3A_1892, %lt3A_1894 : i1
    %and3A_1896 = arith.andi %ne3A_1895, %ne3A_1890 : i1
    %add3A_1897 = arith.addi %rem3A_1888, %select_n3A_1887 : i32
    %select_n3A_1898 = arith.select %and3A_1896, %add3A_1897, %rem3A_1888 : i32
    %get3A_1899 = arith.constant 0 : index
    %get3A_1900 = arith.index_cast %select_n3A_1882 : i32 to index
    %get3A_1901 = arith.constant 0 : index
    %get3A_1902 = arith.index_cast %select_n3A_1898 : i32 to index
    %get3A_1903 = arith.constant 0 : index
    %get3A_1904 = arith.constant 0 : index
    %get3A_1905 = vector.load %arg4[%get3A_1899, %get3A_1900, %get3A_1901, %get3A_1902, %get3A_1903, %get3A_1904] : memref<1x4x8x4x8x1024xbf16, #tpu.memory_space<vmem>>, vector<1x1x8x1x8x1024xbf16>
    %get3A_1906 = vector.shape_cast %get3A_1905 : vector<1x1x8x1x8x1024xbf16> to vector<8x8x1024xbf16>
    %reshape3A_1907 = vector.shape_cast %get3A_1906 : vector<8x8x1024xbf16> to vector<64x1024xbf16>
    %get3A_1908 = arith.constant 0 : index
    %get3A_1909 = arith.index_cast %select_n3A_1882 : i32 to index
    %get3A_1910 = arith.constant 0 : index
    %get3A_1911 = arith.index_cast %select_n3A_1898 : i32 to index
    %get3A_1912 = arith.constant 0 : index
    %get3A_1913 = arith.constant 0 : index
    %get3A_1914 = vector.load %arg5[%get3A_1908, %get3A_1909, %get3A_1910, %get3A_1911, %get3A_1912, %get3A_1913] : memref<1x4x8x4x8x1024xbf16, #tpu.memory_space<vmem>>, vector<1x1x8x1x8x1024xbf16>
    %get3A_1915 = vector.shape_cast %get3A_1914 : vector<1x1x8x1x8x1024xbf16> to vector<8x8x1024xbf16>
    %reshape3A_1916 = vector.shape_cast %get3A_1915 : vector<8x8x1024xbf16> to vector<64x1024xbf16>
    %get3A_1917 = arith.index_cast %arg0 : i32 to index
    %get3A_1918 = arith.constant 1 : index
    %get3A_1919 = arith.index_cast %add3A_1845 : i32 to index
    %get3A_1920 = memref.load %arg2[%get3A_1917, %get3A_1918, %get3A_1919] : memref<16x8x16xi32, #tpu.memory_space<smem>>
    %jit3A_1921 = arith.constant 4 : i32
    %div3A_1922 = arith.divsi %get3A_1920, %jit3A_1921 : i32
    %sign3A_1923 = arith.constant 0 : i32
    %sign3A_1924 = arith.cmpi sgt, %get3A_1920, %sign3A_1923 : i32
    %sign3A_1925 = arith.extui %sign3A_1924 : i1 to i32
    %sign3A_1926 = arith.constant 0 : i32
    %sign3A_1927 = arith.cmpi slt, %get3A_1920, %sign3A_1926 : i32
    %sign3A_1928 = arith.extui %sign3A_1927 : i1 to i32
    %sign3A_1929 = arith.subi %sign3A_1925, %sign3A_1928 : i32
    %sign3A_1930 = arith.constant 0 : i32
    %sign3A_1931 = arith.cmpi sgt, %jit3A_1921, %sign3A_1930 : i32
    %sign3A_1932 = arith.extui %sign3A_1931 : i1 to i32
    %sign3A_1933 = arith.constant 0 : i32
    %sign3A_1934 = arith.cmpi slt, %jit3A_1921, %sign3A_1933 : i32
    %sign3A_1935 = arith.extui %sign3A_1934 : i1 to i32
    %sign3A_1936 = arith.subi %sign3A_1932, %sign3A_1935 : i32
    %ne3A_1937 = arith.cmpi ne, %sign3A_1929, %sign3A_1936 : i32
    %rem3A_1938 = arith.remsi %get3A_1920, %jit3A_1921 : i32
    %ne3A_1939 = arith.constant 0 : i32
    %ne3A_1940 = arith.cmpi ne, %rem3A_1938, %ne3A_1939 : i32
    %and3A_1941 = arith.andi %ne3A_1937, %ne3A_1940 : i1
    %sub3A_1942 = arith.constant 1 : i32
    %sub3A_1943 = arith.subi %div3A_1922, %sub3A_1942 : i32
    %select_n3A_1944 = arith.select %and3A_1941, %sub3A_1943, %div3A_1922 : i32
    %jit3A_1945 = arith.constant 4 : i32
    %eq3A_1946 = arith.constant 0 : i32
    %eq3A_1947 = arith.cmpi eq, %jit3A_1945, %eq3A_1946 : i32
    %jit3A_1948 = arith.constant 1 : i32
    %select_n3A_1949 = arith.select %eq3A_1947, %jit3A_1948, %jit3A_1945 : i32
    %rem3A_1950 = arith.remsi %get3A_1920, %select_n3A_1949 : i32
    %ne3A_1951 = arith.constant 0 : i32
    %ne3A_1952 = arith.cmpi ne, %rem3A_1950, %ne3A_1951 : i32
    %lt3A_1953 = arith.constant 0 : i32
    %lt3A_1954 = arith.cmpi slt, %rem3A_1950, %lt3A_1953 : i32
    %lt3A_1955 = arith.constant 0 : i32
    %lt3A_1956 = arith.cmpi slt, %select_n3A_1949, %lt3A_1955 : i32
    %ne3A_1957 = arith.xori %lt3A_1954, %lt3A_1956 : i1
    %and3A_1958 = arith.andi %ne3A_1957, %ne3A_1952 : i1
    %add3A_1959 = arith.addi %rem3A_1950, %select_n3A_1949 : i32
    %select_n3A_1960 = arith.select %and3A_1958, %add3A_1959, %rem3A_1950 : i32
    %get3A_1961 = arith.constant 0 : index
    %get3A_1962 = arith.index_cast %select_n3A_1944 : i32 to index
    %get3A_1963 = arith.constant 0 : index
    %get3A_1964 = arith.index_cast %select_n3A_1960 : i32 to index
    %get3A_1965 = arith.constant 0 : index
    %get3A_1966 = arith.constant 0 : index
    %get3A_1967 = vector.load %arg4[%get3A_1961, %get3A_1962, %get3A_1963, %get3A_1964, %get3A_1965, %get3A_1966] : memref<1x4x8x4x8x1024xbf16, #tpu.memory_space<vmem>>, vector<1x1x8x1x8x1024xbf16>
    %get3A_1968 = vector.shape_cast %get3A_1967 : vector<1x1x8x1x8x1024xbf16> to vector<8x8x1024xbf16>
    %reshape3A_1969 = vector.shape_cast %get3A_1968 : vector<8x8x1024xbf16> to vector<64x1024xbf16>
    %get3A_1970 = arith.constant 0 : index
    %get3A_1971 = arith.index_cast %select_n3A_1944 : i32 to index
    %get3A_1972 = arith.constant 0 : index
    %get3A_1973 = arith.index_cast %select_n3A_1960 : i32 to index
    %get3A_1974 = arith.constant 0 : index
    %get3A_1975 = arith.constant 0 : index
    %get3A_1976 = vector.load %arg5[%get3A_1970, %get3A_1971, %get3A_1972, %get3A_1973, %get3A_1974, %get3A_1975] : memref<1x4x8x4x8x1024xbf16, #tpu.memory_space<vmem>>, vector<1x1x8x1x8x1024xbf16>
    %get3A_1977 = vector.shape_cast %get3A_1976 : vector<1x1x8x1x8x1024xbf16> to vector<8x8x1024xbf16>
    %reshape3A_1978 = vector.shape_cast %get3A_1977 : vector<8x8x1024xbf16> to vector<64x1024xbf16>
    %get3A_1979 = arith.index_cast %arg0 : i32 to index
    %get3A_1980 = arith.constant 2 : index
    %get3A_1981 = arith.index_cast %add3A_1845 : i32 to index
    %get3A_1982 = memref.load %arg2[%get3A_1979, %get3A_1980, %get3A_1981] : memref<16x8x16xi32, #tpu.memory_space<smem>>
    %jit3A_1983 = arith.constant 4 : i32
    %div3A_1984 = arith.divsi %get3A_1982, %jit3A_1983 : i32
    %sign3A_1985 = arith.constant 0 : i32
    %sign3A_1986 = arith.cmpi sgt, %get3A_1982, %sign3A_1985 : i32
    %sign3A_1987 = arith.extui %sign3A_1986 : i1 to i32
    %sign3A_1988 = arith.constant 0 : i32
    %sign3A_1989 = arith.cmpi slt, %get3A_1982, %sign3A_1988 : i32
    %sign3A_1990 = arith.extui %sign3A_1989 : i1 to i32
    %sign3A_1991 = arith.subi %sign3A_1987, %sign3A_1990 : i32
    %sign3A_1992 = arith.constant 0 : i32
    %sign3A_1993 = arith.cmpi sgt, %jit3A_1983, %sign3A_1992 : i32
    %sign3A_1994 = arith.extui %sign3A_1993 : i1 to i32
    %sign3A_1995 = arith.constant 0 : i32
    %sign3A_1996 = arith.cmpi slt, %jit3A_1983, %sign3A_1995 : i32
    %sign3A_1997 = arith.extui %sign3A_1996 : i1 to i32
    %sign3A_1998 = arith.subi %sign3A_1994, %sign3A_1997 : i32
    %ne3A_1999 = arith.cmpi ne, %sign3A_1991, %sign3A_1998 : i32
    %rem3A_2000 = arith.remsi %get3A_1982, %jit3A_1983 : i32
    %ne3A_2001 = arith.constant 0 : i32
    %ne3A_2002 = arith.cmpi ne, %rem3A_2000, %ne3A_2001 : i32
    %and3A_2003 = arith.andi %ne3A_1999, %ne3A_2002 : i1
    %sub3A_2004 = arith.constant 1 : i32
    %sub3A_2005 = arith.subi %div3A_1984, %sub3A_2004 : i32
    %select_n3A_2006 = arith.select %and3A_2003, %sub3A_2005, %div3A_1984 : i32
    %jit3A_2007 = arith.constant 4 : i32
    %eq3A_2008 = arith.constant 0 : i32
    %eq3A_2009 = arith.cmpi eq, %jit3A_2007, %eq3A_2008 : i32
    %jit3A_2010 = arith.constant 1 : i32
    %select_n3A_2011 = arith.select %eq3A_2009, %jit3A_2010, %jit3A_2007 : i32
    %rem3A_2012 = arith.remsi %get3A_1982, %select_n3A_2011 : i32
    %ne3A_2013 = arith.constant 0 : i32
    %ne3A_2014 = arith.cmpi ne, %rem3A_2012, %ne3A_2013 : i32
    %lt3A_2015 = arith.constant 0 : i32
    %lt3A_2016 = arith.cmpi slt, %rem3A_2012, %lt3A_2015 : i32
    %lt3A_2017 = arith.constant 0 : i32
    %lt3A_2018 = arith.cmpi slt, %select_n3A_2011, %lt3A_2017 : i32
    %ne3A_2019 = arith.xori %lt3A_2016, %lt3A_2018 : i1
    %and3A_2020 = arith.andi %ne3A_2019, %ne3A_2014 : i1
    %add3A_2021 = arith.addi %rem3A_2012, %select_n3A_2011 : i32
    %select_n3A_2022 = arith.select %and3A_2020, %add3A_2021, %rem3A_2012 : i32
    %get3A_2023 = arith.constant 0 : index
    %get3A_2024 = arith.index_cast %select_n3A_2006 : i32 to index
    %get3A_2025 = arith.constant 0 : index
    %get3A_2026 = arith.index_cast %select_n3A_2022 : i32 to index
    %get3A_2027 = arith.constant 0 : index
    %get3A_2028 = arith.constant 0 : index
    %get3A_2029 = vector.load %arg4[%get3A_2023, %get3A_2024, %get3A_2025, %get3A_2026, %get3A_2027, %get3A_2028] : memref<1x4x8x4x8x1024xbf16, #tpu.memory_space<vmem>>, vector<1x1x8x1x8x1024xbf16>
    %get3A_2030 = vector.shape_cast %get3A_2029 : vector<1x1x8x1x8x1024xbf16> to vector<8x8x1024xbf16>
    %reshape3A_2031 = vector.shape_cast %get3A_2030 : vector<8x8x1024xbf16> to vector<64x1024xbf16>
    %get3A_2032 = arith.constant 0 : index
    %get3A_2033 = arith.index_cast %select_n3A_2006 : i32 to index
    %get3A_2034 = arith.constant 0 : index
    %get3A_2035 = arith.index_cast %select_n3A_2022 : i32 to index
    %get3A_2036 = arith.constant 0 : index
    %get3A_2037 = arith.constant 0 : index
    %get3A_2038 = vector.load %arg5[%get3A_2032, %get3A_2033, %get3A_2034, %get3A_2035, %get3A_2036, %get3A_2037] : memref<1x4x8x4x8x1024xbf16, #tpu.memory_space<vmem>>, vector<1x1x8x1x8x1024xbf16>
    %get3A_2039 = vector.shape_cast %get3A_2038 : vector<1x1x8x1x8x1024xbf16> to vector<8x8x1024xbf16>
    %reshape3A_2040 = vector.shape_cast %get3A_2039 : vector<8x8x1024xbf16> to vector<64x1024xbf16>
    %get3A_2041 = arith.index_cast %arg0 : i32 to index
    %get3A_2042 = arith.constant 3 : index
    %get3A_2043 = arith.index_cast %add3A_1845 : i32 to index
    %get3A_2044 = memref.load %arg2[%get3A_2041, %get3A_2042, %get3A_2043] : memref<16x8x16xi32, #tpu.memory_space<smem>>
    %jit3A_2045 = arith.constant 4 : i32
    %div3A_2046 = arith.divsi %get3A_2044, %jit3A_2045 : i32
    %sign3A_2047 = arith.constant 0 : i32
    %sign3A_2048 = arith.cmpi sgt, %get3A_2044, %sign3A_2047 : i32
    %sign3A_2049 = arith.extui %sign3A_2048 : i1 to i32
    %sign3A_2050 = arith.constant 0 : i32
    %sign3A_2051 = arith.cmpi slt, %get3A_2044, %sign3A_2050 : i32
    %sign3A_2052 = arith.extui %sign3A_2051 : i1 to i32
    %sign3A_2053 = arith.subi %sign3A_2049, %sign3A_2052 : i32
    %sign3A_2054 = arith.constant 0 : i32
    %sign3A_2055 = arith.cmpi sgt, %jit3A_2045, %sign3A_2054 : i32
    %sign3A_2056 = arith.extui %sign3A_2055 : i1 to i32
    %sign3A_2057 = arith.constant 0 : i32
    %sign3A_2058 = arith.cmpi slt, %jit3A_2045, %sign3A_2057 : i32
    %sign3A_2059 = arith.extui %sign3A_2058 : i1 to i32
    %sign3A_2060 = arith.subi %sign3A_2056, %sign3A_2059 : i32
    %ne3A_2061 = arith.cmpi ne, %sign3A_2053, %sign3A_2060 : i32
    %rem3A_2062 = arith.remsi %get3A_2044, %jit3A_2045 : i32
    %ne3A_2063 = arith.constant 0 : i32
    %ne3A_2064 = arith.cmpi ne, %rem3A_2062, %ne3A_2063 : i32
    %and3A_2065 = arith.andi %ne3A_2061, %ne3A_2064 : i1
    %sub3A_2066 = arith.constant 1 : i32
    %sub3A_2067 = arith.subi %div3A_2046, %sub3A_2066 : i32
    %select_n3A_2068 = arith.select %and3A_2065, %sub3A_2067, %div3A_2046 : i32
    %jit3A_2069 = arith.constant 4 : i32
    %eq3A_2070 = arith.constant 0 : i32
    %eq3A_2071 = arith.cmpi eq, %jit3A_2069, %eq3A_2070 : i32
    %jit3A_2072 = arith.constant 1 : i32
    %select_n3A_2073 = arith.select %eq3A_2071, %jit3A_2072, %jit3A_2069 : i32
    %rem3A_2074 = arith.remsi %get3A_2044, %select_n3A_2073 : i32
    %ne3A_2075 = arith.constant 0 : i32
    %ne3A_2076 = arith.cmpi ne, %rem3A_2074, %ne3A_2075 : i32
    %lt3A_2077 = arith.constant 0 : i32
    %lt3A_2078 = arith.cmpi slt, %rem3A_2074, %lt3A_2077 : i32
    %lt3A_2079 = arith.constant 0 : i32
    %lt3A_2080 = arith.cmpi slt, %select_n3A_2073, %lt3A_2079 : i32
    %ne3A_2081 = arith.xori %lt3A_2078, %lt3A_2080 : i1
    %and3A_2082 = arith.andi %ne3A_2081, %ne3A_2076 : i1
    %add3A_2083 = arith.addi %rem3A_2074, %select_n3A_2073 : i32
    %select_n3A_2084 = arith.select %and3A_2082, %add3A_2083, %rem3A_2074 : i32
    %get3A_2085 = arith.constant 0 : index
    %get3A_2086 = arith.index_cast %select_n3A_2068 : i32 to index
    %get3A_2087 = arith.constant 0 : index
    %get3A_2088 = arith.index_cast %select_n3A_2084 : i32 to index
    %get3A_2089 = arith.constant 0 : index
    %get3A_2090 = arith.constant 0 : index
    %get3A_2091 = vector.load %arg4[%get3A_2085, %get3A_2086, %get3A_2087, %get3A_2088, %get3A_2089, %get3A_2090] : memref<1x4x8x4x8x1024xbf16, #tpu.memory_space<vmem>>, vector<1x1x8x1x8x1024xbf16>
    %get3A_2092 = vector.shape_cast %get3A_2091 : vector<1x1x8x1x8x1024xbf16> to vector<8x8x1024xbf16>
    %reshape3A_2093 = vector.shape_cast %get3A_2092 : vector<8x8x1024xbf16> to vector<64x1024xbf16>
    %get3A_2094 = arith.constant 0 : index
    %get3A_2095 = arith.index_cast %select_n3A_2068 : i32 to index
    %get3A_2096 = arith.constant 0 : index
    %get3A_2097 = arith.index_cast %select_n3A_2084 : i32 to index
    %get3A_2098 = arith.constant 0 : index
    %get3A_2099 = arith.constant 0 : index
    %get3A_2100 = vector.load %arg5[%get3A_2094, %get3A_2095, %get3A_2096, %get3A_2097, %get3A_2098, %get3A_2099] : memref<1x4x8x4x8x1024xbf16, #tpu.memory_space<vmem>>, vector<1x1x8x1x8x1024xbf16>
    %get3A_2101 = vector.shape_cast %get3A_2100 : vector<1x1x8x1x8x1024xbf16> to vector<8x8x1024xbf16>
    %reshape3A_2102 = vector.shape_cast %get3A_2101 : vector<8x8x1024xbf16> to vector<64x1024xbf16>
    %concatenate3A_2103 = tpu.concatenate %reshape3A_1907, %reshape3A_1969, %reshape3A_2031, %reshape3A_2093 in 0 : vector<64x1024xbf16>, vector<64x1024xbf16>, vector<64x1024xbf16>, vector<64x1024xbf16> -> vector<256x1024xbf16>
    %concatenate3A_2104 = tpu.concatenate %reshape3A_1916, %reshape3A_1978, %reshape3A_2040, %reshape3A_2102 in 0 : vector<64x1024xbf16>, vector<64x1024xbf16>, vector<64x1024xbf16>, vector<64x1024xbf16> -> vector<256x1024xbf16>
    %slice3A = vector.extract_strided_slice %reshape3A {offsets = [0, 0], sizes = [64, 128], strides = [1, 1]} : vector<64x1024xbf16> to vector<64x128xbf16>
    %slice3A_2105 = vector.extract_strided_slice %concatenate3A {offsets = [0, 0], sizes = [256, 128], strides = [1, 1]} : vector<256x1024xbf16> to vector<256x128xbf16>
    %dot_general3A = arith.constant dense<0.000000e+00> : vector<64x256xf32>
    %dot_general3A_2106 = tpu.matmul %slice3A, %slice3A_2105, %dot_general3A {dimension_numbers = #tpu.dot_dimension_numbers<[1], [1], [0], [0], [0, 0, 1, 0], [], []>, transpose_lhs_hint = false} : vector<64x128xbf16>, vector<256x128xbf16>, vector<64x256xf32> -> vector<64x256xf32>
    %slice3A_2107 = vector.extract_strided_slice %reshape3A {offsets = [0, 128], sizes = [64, 128], strides = [1, 1]} : vector<64x1024xbf16> to vector<64x128xbf16>
    %slice3A_2108 = vector.extract_strided_slice %concatenate3A {offsets = [0, 128], sizes = [256, 128], strides = [1, 1]} : vector<256x1024xbf16> to vector<256x128xbf16>
    %dot_general3A_2109 = arith.constant dense<0.000000e+00> : vector<64x256xf32>
    %dot_general3A_2110 = tpu.matmul %slice3A_2107, %slice3A_2108, %dot_general3A_2109 {dimension_numbers = #tpu.dot_dimension_numbers<[1], [1], [0], [0], [0, 0, 1, 0], [], []>, transpose_lhs_hint = false} : vector<64x128xbf16>, vector<256x128xbf16>, vector<64x256xf32> -> vector<64x256xf32>
    %slice3A_2111 = vector.extract_strided_slice %reshape3A {offsets = [0, 256], sizes = [64, 128], strides = [1, 1]} : vector<64x1024xbf16> to vector<64x128xbf16>
    %slice3A_2112 = vector.extract_strided_slice %concatenate3A {offsets = [0, 256], sizes = [256, 128], strides = [1, 1]} : vector<256x1024xbf16> to vector<256x128xbf16>
    %dot_general3A_2113 = arith.constant dense<0.000000e+00> : vector<64x256xf32>
    %dot_general3A_2114 = tpu.matmul %slice3A_2111, %slice3A_2112, %dot_general3A_2113 {dimension_numbers = #tpu.dot_dimension_numbers<[1], [1], [0], [0], [0, 0, 1, 0], [], []>, transpose_lhs_hint = false} : vector<64x128xbf16>, vector<256x128xbf16>, vector<64x256xf32> -> vector<64x256xf32>
    %slice3A_2115 = vector.extract_strided_slice %reshape3A {offsets = [0, 384], sizes = [64, 128], strides = [1, 1]} : vector<64x1024xbf16> to vector<64x128xbf16>
    %slice3A_2116 = vector.extract_strided_slice %concatenate3A {offsets = [0, 384], sizes = [256, 128], strides = [1, 1]} : vector<256x1024xbf16> to vector<256x128xbf16>
    %dot_general3A_2117 = arith.constant dense<0.000000e+00> : vector<64x256xf32>
    %dot_general3A_2118 = tpu.matmul %slice3A_2115, %slice3A_2116, %dot_general3A_2117 {dimension_numbers = #tpu.dot_dimension_numbers<[1], [1], [0], [0], [0, 0, 1, 0], [], []>, transpose_lhs_hint = false} : vector<64x128xbf16>, vector<256x128xbf16>, vector<64x256xf32> -> vector<64x256xf32>
    %slice3A_2119 = vector.extract_strided_slice %reshape3A {offsets = [0, 512], sizes = [64, 128], strides = [1, 1]} : vector<64x1024xbf16> to vector<64x128xbf16>
    %slice3A_2120 = vector.extract_strided_slice %concatenate3A {offsets = [0, 512], sizes = [256, 128], strides = [1, 1]} : vector<256x1024xbf16> to vector<256x128xbf16>
    %dot_general3A_2121 = arith.constant dense<0.000000e+00> : vector<64x256xf32>
    %dot_general3A_2122 = tpu.matmul %slice3A_2119, %slice3A_2120, %dot_general3A_2121 {dimension_numbers = #tpu.dot_dimension_numbers<[1], [1], [0], [0], [0, 0, 1, 0], [], []>, transpose_lhs_hint = false} : vector<64x128xbf16>, vector<256x128xbf16>, vector<64x256xf32> -> vector<64x256xf32>
    %slice3A_2123 = vector.extract_strided_slice %reshape3A {offsets = [0, 640], sizes = [64, 128], strides = [1, 1]} : vector<64x1024xbf16> to vector<64x128xbf16>
    %slice3A_2124 = vector.extract_strided_slice %concatenate3A {offsets = [0, 640], sizes = [256, 128], strides = [1, 1]} : vector<256x1024xbf16> to vector<256x128xbf16>
    %dot_general3A_2125 = arith.constant dense<0.000000e+00> : vector<64x256xf32>
    %dot_general3A_2126 = tpu.matmul %slice3A_2123, %slice3A_2124, %dot_general3A_2125 {dimension_numbers = #tpu.dot_dimension_numbers<[1], [1], [0], [0], [0, 0, 1, 0], [], []>, transpose_lhs_hint = false} : vector<64x128xbf16>, vector<256x128xbf16>, vector<64x256xf32> -> vector<64x256xf32>
    %slice3A_2127 = vector.extract_strided_slice %reshape3A {offsets = [0, 768], sizes = [64, 128], strides = [1, 1]} : vector<64x1024xbf16> to vector<64x128xbf16>
    %slice3A_2128 = vector.extract_strided_slice %concatenate3A {offsets = [0, 768], sizes = [256, 128], strides = [1, 1]} : vector<256x1024xbf16> to vector<256x128xbf16>
    %dot_general3A_2129 = arith.constant dense<0.000000e+00> : vector<64x256xf32>
    %dot_general3A_2130 = tpu.matmul %slice3A_2127, %slice3A_2128, %dot_general3A_2129 {dimension_numbers = #tpu.dot_dimension_numbers<[1], [1], [0], [0], [0, 0, 1, 0], [], []>, transpose_lhs_hint = false} : vector<64x128xbf16>, vector<256x128xbf16>, vector<64x256xf32> -> vector<64x256xf32>
    %slice3A_2131 = vector.extract_strided_slice %reshape3A {offsets = [0, 896], sizes = [64, 128], strides = [1, 1]} : vector<64x1024xbf16> to vector<64x128xbf16>
    %slice3A_2132 = vector.extract_strided_slice %concatenate3A {offsets = [0, 896], sizes = [256, 128], strides = [1, 1]} : vector<256x1024xbf16> to vector<256x128xbf16>
    %dot_general3A_2133 = arith.constant dense<0.000000e+00> : vector<64x256xf32>
    %dot_general3A_2134 = tpu.matmul %slice3A_2131, %slice3A_2132, %dot_general3A_2133 {dimension_numbers = #tpu.dot_dimension_numbers<[1], [1], [0], [0], [0, 0, 1, 0], [], []>, transpose_lhs_hint = false} : vector<64x128xbf16>, vector<256x128xbf16>, vector<64x256xf32> -> vector<64x256xf32>
    %slice3A_2135 = vector.extract_strided_slice %reshape3A_264 {offsets = [0, 0], sizes = [64, 128], strides = [1, 1]} : vector<64x1024xbf16> to vector<64x128xbf16>
    %slice3A_2136 = vector.extract_strided_slice %concatenate3A_513 {offsets = [0, 0], sizes = [256, 128], strides = [1, 1]} : vector<256x1024xbf16> to vector<256x128xbf16>
    %dot_general3A_2137 = arith.constant dense<0.000000e+00> : vector<64x256xf32>
    %dot_general3A_2138 = tpu.matmul %slice3A_2135, %slice3A_2136, %dot_general3A_2137 {dimension_numbers = #tpu.dot_dimension_numbers<[1], [1], [0], [0], [0, 0, 1, 0], [], []>, transpose_lhs_hint = false} : vector<64x128xbf16>, vector<256x128xbf16>, vector<64x256xf32> -> vector<64x256xf32>
    %slice3A_2139 = vector.extract_strided_slice %reshape3A_264 {offsets = [0, 128], sizes = [64, 128], strides = [1, 1]} : vector<64x1024xbf16> to vector<64x128xbf16>
    %slice3A_2140 = vector.extract_strided_slice %concatenate3A_513 {offsets = [0, 128], sizes = [256, 128], strides = [1, 1]} : vector<256x1024xbf16> to vector<256x128xbf16>
    %dot_general3A_2141 = arith.constant dense<0.000000e+00> : vector<64x256xf32>
    %dot_general3A_2142 = tpu.matmul %slice3A_2139, %slice3A_2140, %dot_general3A_2141 {dimension_numbers = #tpu.dot_dimension_numbers<[1], [1], [0], [0], [0, 0, 1, 0], [], []>, transpose_lhs_hint = false} : vector<64x128xbf16>, vector<256x128xbf16>, vector<64x256xf32> -> vector<64x256xf32>
    %slice3A_2143 = vector.extract_strided_slice %reshape3A_264 {offsets = [0, 256], sizes = [64, 128], strides = [1, 1]} : vector<64x1024xbf16> to vector<64x128xbf16>
    %slice3A_2144 = vector.extract_strided_slice %concatenate3A_513 {offsets = [0, 256], sizes = [256, 128], strides = [1, 1]} : vector<256x1024xbf16> to vector<256x128xbf16>
    %dot_general3A_2145 = arith.constant dense<0.000000e+00> : vector<64x256xf32>
    %dot_general3A_2146 = tpu.matmul %slice3A_2143, %slice3A_2144, %dot_general3A_2145 {dimension_numbers = #tpu.dot_dimension_numbers<[1], [1], [0], [0], [0, 0, 1, 0], [], []>, transpose_lhs_hint = false} : vector<64x128xbf16>, vector<256x128xbf16>, vector<64x256xf32> -> vector<64x256xf32>
    %slice3A_2147 = vector.extract_strided_slice %reshape3A_264 {offsets = [0, 384], sizes = [64, 128], strides = [1, 1]} : vector<64x1024xbf16> to vector<64x128xbf16>
    %slice3A_2148 = vector.extract_strided_slice %concatenate3A_513 {offsets = [0, 384], sizes = [256, 128], strides = [1, 1]} : vector<256x1024xbf16> to vector<256x128xbf16>
    %dot_general3A_2149 = arith.constant dense<0.000000e+00> : vector<64x256xf32>
    %dot_general3A_2150 = tpu.matmul %slice3A_2147, %slice3A_2148, %dot_general3A_2149 {dimension_numbers = #tpu.dot_dimension_numbers<[1], [1], [0], [0], [0, 0, 1, 0], [], []>, transpose_lhs_hint = false} : vector<64x128xbf16>, vector<256x128xbf16>, vector<64x256xf32> -> vector<64x256xf32>
    %slice3A_2151 = vector.extract_strided_slice %reshape3A_264 {offsets = [0, 512], sizes = [64, 128], strides = [1, 1]} : vector<64x1024xbf16> to vector<64x128xbf16>
    %slice3A_2152 = vector.extract_strided_slice %concatenate3A_513 {offsets = [0, 512], sizes = [256, 128], strides = [1, 1]} : vector<256x1024xbf16> to vector<256x128xbf16>
    %dot_general3A_2153 = arith.constant dense<0.000000e+00> : vector<64x256xf32>
    %dot_general3A_2154 = tpu.matmul %slice3A_2151, %slice3A_2152, %dot_general3A_2153 {dimension_numbers = #tpu.dot_dimension_numbers<[1], [1], [0], [0], [0, 0, 1, 0], [], []>, transpose_lhs_hint = false} : vector<64x128xbf16>, vector<256x128xbf16>, vector<64x256xf32> -> vector<64x256xf32>
    %slice3A_2155 = vector.extract_strided_slice %reshape3A_264 {offsets = [0, 640], sizes = [64, 128], strides = [1, 1]} : vector<64x1024xbf16> to vector<64x128xbf16>
    %slice3A_2156 = vector.extract_strided_slice %concatenate3A_513 {offsets = [0, 640], sizes = [256, 128], strides = [1, 1]} : vector<256x1024xbf16> to vector<256x128xbf16>
    %dot_general3A_2157 = arith.constant dense<0.000000e+00> : vector<64x256xf32>
    %dot_general3A_2158 = tpu.matmul %slice3A_2155, %slice3A_2156, %dot_general3A_2157 {dimension_numbers = #tpu.dot_dimension_numbers<[1], [1], [0], [0], [0, 0, 1, 0], [], []>, transpose_lhs_hint = false} : vector<64x128xbf16>, vector<256x128xbf16>, vector<64x256xf32> -> vector<64x256xf32>
    %slice3A_2159 = vector.extract_strided_slice %reshape3A_264 {offsets = [0, 768], sizes = [64, 128], strides = [1, 1]} : vector<64x1024xbf16> to vector<64x128xbf16>
    %slice3A_2160 = vector.extract_strided_slice %concatenate3A_513 {offsets = [0, 768], sizes = [256, 128], strides = [1, 1]} : vector<256x1024xbf16> to vector<256x128xbf16>
    %dot_general3A_2161 = arith.constant dense<0.000000e+00> : vector<64x256xf32>
    %dot_general3A_2162 = tpu.matmul %slice3A_2159, %slice3A_2160, %dot_general3A_2161 {dimension_numbers = #tpu.dot_dimension_numbers<[1], [1], [0], [0], [0, 0, 1, 0], [], []>, transpose_lhs_hint = false} : vector<64x128xbf16>, vector<256x128xbf16>, vector<64x256xf32> -> vector<64x256xf32>
    %slice3A_2163 = vector.extract_strided_slice %reshape3A_264 {offsets = [0, 896], sizes = [64, 128], strides = [1, 1]} : vector<64x1024xbf16> to vector<64x128xbf16>
    %slice3A_2164 = vector.extract_strided_slice %concatenate3A_513 {offsets = [0, 896], sizes = [256, 128], strides = [1, 1]} : vector<256x1024xbf16> to vector<256x128xbf16>
    %dot_general3A_2165 = arith.constant dense<0.000000e+00> : vector<64x256xf32>
    %dot_general3A_2166 = tpu.matmul %slice3A_2163, %slice3A_2164, %dot_general3A_2165 {dimension_numbers = #tpu.dot_dimension_numbers<[1], [1], [0], [0], [0, 0, 1, 0], [], []>, transpose_lhs_hint = false} : vector<64x128xbf16>, vector<256x128xbf16>, vector<64x256xf32> -> vector<64x256xf32>
    %slice3A_2167 = vector.extract_strided_slice %reshape3A_529 {offsets = [0, 0], sizes = [64, 128], strides = [1, 1]} : vector<64x1024xbf16> to vector<64x128xbf16>
    %slice3A_2168 = vector.extract_strided_slice %concatenate3A_778 {offsets = [0, 0], sizes = [256, 128], strides = [1, 1]} : vector<256x1024xbf16> to vector<256x128xbf16>
    %dot_general3A_2169 = arith.constant dense<0.000000e+00> : vector<64x256xf32>
    %dot_general3A_2170 = tpu.matmul %slice3A_2167, %slice3A_2168, %dot_general3A_2169 {dimension_numbers = #tpu.dot_dimension_numbers<[1], [1], [0], [0], [0, 0, 1, 0], [], []>, transpose_lhs_hint = false} : vector<64x128xbf16>, vector<256x128xbf16>, vector<64x256xf32> -> vector<64x256xf32>
    %slice3A_2171 = vector.extract_strided_slice %reshape3A_529 {offsets = [0, 128], sizes = [64, 128], strides = [1, 1]} : vector<64x1024xbf16> to vector<64x128xbf16>
    %slice3A_2172 = vector.extract_strided_slice %concatenate3A_778 {offsets = [0, 128], sizes = [256, 128], strides = [1, 1]} : vector<256x1024xbf16> to vector<256x128xbf16>
    %dot_general3A_2173 = arith.constant dense<0.000000e+00> : vector<64x256xf32>
    %dot_general3A_2174 = tpu.matmul %slice3A_2171, %slice3A_2172, %dot_general3A_2173 {dimension_numbers = #tpu.dot_dimension_numbers<[1], [1], [0], [0], [0, 0, 1, 0], [], []>, transpose_lhs_hint = false} : vector<64x128xbf16>, vector<256x128xbf16>, vector<64x256xf32> -> vector<64x256xf32>
    %slice3A_2175 = vector.extract_strided_slice %reshape3A_529 {offsets = [0, 256], sizes = [64, 128], strides = [1, 1]} : vector<64x1024xbf16> to vector<64x128xbf16>
    %slice3A_2176 = vector.extract_strided_slice %concatenate3A_778 {offsets = [0, 256], sizes = [256, 128], strides = [1, 1]} : vector<256x1024xbf16> to vector<256x128xbf16>
    %dot_general3A_2177 = arith.constant dense<0.000000e+00> : vector<64x256xf32>
    %dot_general3A_2178 = tpu.matmul %slice3A_2175, %slice3A_2176, %dot_general3A_2177 {dimension_numbers = #tpu.dot_dimension_numbers<[1], [1], [0], [0], [0, 0, 1, 0], [], []>, transpose_lhs_hint = false} : vector<64x128xbf16>, vector<256x128xbf16>, vector<64x256xf32> -> vector<64x256xf32>
    %slice3A_2179 = vector.extract_strided_slice %reshape3A_529 {offsets = [0, 384], sizes = [64, 128], strides = [1, 1]} : vector<64x1024xbf16> to vector<64x128xbf16>
    %slice3A_2180 = vector.extract_strided_slice %concatenate3A_778 {offsets = [0, 384], sizes = [256, 128], strides = [1, 1]} : vector<256x1024xbf16> to vector<256x128xbf16>
    %dot_general3A_2181 = arith.constant dense<0.000000e+00> : vector<64x256xf32>
    %dot_general3A_2182 = tpu.matmul %slice3A_2179, %slice3A_2180, %dot_general3A_2181 {dimension_numbers = #tpu.dot_dimension_numbers<[1], [1], [0], [0], [0, 0, 1, 0], [], []>, transpose_lhs_hint = false} : vector<64x128xbf16>, vector<256x128xbf16>, vector<64x256xf32> -> vector<64x256xf32>
    %slice3A_2183 = vector.extract_strided_slice %reshape3A_529 {offsets = [0, 512], sizes = [64, 128], strides = [1, 1]} : vector<64x1024xbf16> to vector<64x128xbf16>
    %slice3A_2184 = vector.extract_strided_slice %concatenate3A_778 {offsets = [0, 512], sizes = [256, 128], strides = [1, 1]} : vector<256x1024xbf16> to vector<256x128xbf16>
    %dot_general3A_2185 = arith.constant dense<0.000000e+00> : vector<64x256xf32>
    %dot_general3A_2186 = tpu.matmul %slice3A_2183, %slice3A_2184, %dot_general3A_2185 {dimension_numbers = #tpu.dot_dimension_numbers<[1], [1], [0], [0], [0, 0, 1, 0], [], []>, transpose_lhs_hint = false} : vector<64x128xbf16>, vector<256x128xbf16>, vector<64x256xf32> -> vector<64x256xf32>
    %slice3A_2187 = vector.extract_strided_slice %reshape3A_529 {offsets = [0, 640], sizes = [64, 128], strides = [1, 1]} : vector<64x1024xbf16> to vector<64x128xbf16>
    %slice3A_2188 = vector.extract_strided_slice %concatenate3A_778 {offsets = [0, 640], sizes = [256, 128], strides = [1, 1]} : vector<256x1024xbf16> to vector<256x128xbf16>
    %dot_general3A_2189 = arith.constant dense<0.000000e+00> : vector<64x256xf32>
    %dot_general3A_2190 = tpu.matmul %slice3A_2187, %slice3A_2188, %dot_general3A_2189 {dimension_numbers = #tpu.dot_dimension_numbers<[1], [1], [0], [0], [0, 0, 1, 0], [], []>, transpose_lhs_hint = false} : vector<64x128xbf16>, vector<256x128xbf16>, vector<64x256xf32> -> vector<64x256xf32>
    %slice3A_2191 = vector.extract_strided_slice %reshape3A_529 {offsets = [0, 768], sizes = [64, 128], strides = [1, 1]} : vector<64x1024xbf16> to vector<64x128xbf16>
    %slice3A_2192 = vector.extract_strided_slice %concatenate3A_778 {offsets = [0, 768], sizes = [256, 128], strides = [1, 1]} : vector<256x1024xbf16> to vector<256x128xbf16>
    %dot_general3A_2193 = arith.constant dense<0.000000e+00> : vector<64x256xf32>
    %dot_general3A_2194 = tpu.matmul %slice3A_2191, %slice3A_2192, %dot_general3A_2193 {dimension_numbers = #tpu.dot_dimension_numbers<[1], [1], [0], [0], [0, 0, 1, 0], [], []>, transpose_lhs_hint = false} : vector<64x128xbf16>, vector<256x128xbf16>, vector<64x256xf32> -> vector<64x256xf32>
    %slice3A_2195 = vector.extract_strided_slice %reshape3A_529 {offsets = [0, 896], sizes = [64, 128], strides = [1, 1]} : vector<64x1024xbf16> to vector<64x128xbf16>
    %slice3A_2196 = vector.extract_strided_slice %concatenate3A_778 {offsets = [0, 896], sizes = [256, 128], strides = [1, 1]} : vector<256x1024xbf16> to vector<256x128xbf16>
    %dot_general3A_2197 = arith.constant dense<0.000000e+00> : vector<64x256xf32>
    %dot_general3A_2198 = tpu.matmul %slice3A_2195, %slice3A_2196, %dot_general3A_2197 {dimension_numbers = #tpu.dot_dimension_numbers<[1], [1], [0], [0], [0, 0, 1, 0], [], []>, transpose_lhs_hint = false} : vector<64x128xbf16>, vector<256x128xbf16>, vector<64x256xf32> -> vector<64x256xf32>
    %slice3A_2199 = vector.extract_strided_slice %reshape3A_794 {offsets = [0, 0], sizes = [64, 128], strides = [1, 1]} : vector<64x1024xbf16> to vector<64x128xbf16>
    %slice3A_2200 = vector.extract_strided_slice %concatenate3A_1043 {offsets = [0, 0], sizes = [256, 128], strides = [1, 1]} : vector<256x1024xbf16> to vector<256x128xbf16>
    %dot_general3A_2201 = arith.constant dense<0.000000e+00> : vector<64x256xf32>
    %dot_general3A_2202 = tpu.matmul %slice3A_2199, %slice3A_2200, %dot_general3A_2201 {dimension_numbers = #tpu.dot_dimension_numbers<[1], [1], [0], [0], [0, 0, 1, 0], [], []>, transpose_lhs_hint = false} : vector<64x128xbf16>, vector<256x128xbf16>, vector<64x256xf32> -> vector<64x256xf32>
    %slice3A_2203 = vector.extract_strided_slice %reshape3A_794 {offsets = [0, 128], sizes = [64, 128], strides = [1, 1]} : vector<64x1024xbf16> to vector<64x128xbf16>
    %slice3A_2204 = vector.extract_strided_slice %concatenate3A_1043 {offsets = [0, 128], sizes = [256, 128], strides = [1, 1]} : vector<256x1024xbf16> to vector<256x128xbf16>
    %dot_general3A_2205 = arith.constant dense<0.000000e+00> : vector<64x256xf32>
    %dot_general3A_2206 = tpu.matmul %slice3A_2203, %slice3A_2204, %dot_general3A_2205 {dimension_numbers = #tpu.dot_dimension_numbers<[1], [1], [0], [0], [0, 0, 1, 0], [], []>, transpose_lhs_hint = false} : vector<64x128xbf16>, vector<256x128xbf16>, vector<64x256xf32> -> vector<64x256xf32>
    %slice3A_2207 = vector.extract_strided_slice %reshape3A_794 {offsets = [0, 256], sizes = [64, 128], strides = [1, 1]} : vector<64x1024xbf16> to vector<64x128xbf16>
    %slice3A_2208 = vector.extract_strided_slice %concatenate3A_1043 {offsets = [0, 256], sizes = [256, 128], strides = [1, 1]} : vector<256x1024xbf16> to vector<256x128xbf16>
    %dot_general3A_2209 = arith.constant dense<0.000000e+00> : vector<64x256xf32>
    %dot_general3A_2210 = tpu.matmul %slice3A_2207, %slice3A_2208, %dot_general3A_2209 {dimension_numbers = #tpu.dot_dimension_numbers<[1], [1], [0], [0], [0, 0, 1, 0], [], []>, transpose_lhs_hint = false} : vector<64x128xbf16>, vector<256x128xbf16>, vector<64x256xf32> -> vector<64x256xf32>
    %slice3A_2211 = vector.extract_strided_slice %reshape3A_794 {offsets = [0, 384], sizes = [64, 128], strides = [1, 1]} : vector<64x1024xbf16> to vector<64x128xbf16>
    %slice3A_2212 = vector.extract_strided_slice %concatenate3A_1043 {offsets = [0, 384], sizes = [256, 128], strides = [1, 1]} : vector<256x1024xbf16> to vector<256x128xbf16>
    %dot_general3A_2213 = arith.constant dense<0.000000e+00> : vector<64x256xf32>
    %dot_general3A_2214 = tpu.matmul %slice3A_2211, %slice3A_2212, %dot_general3A_2213 {dimension_numbers = #tpu.dot_dimension_numbers<[1], [1], [0], [0], [0, 0, 1, 0], [], []>, transpose_lhs_hint = false} : vector<64x128xbf16>, vector<256x128xbf16>, vector<64x256xf32> -> vector<64x256xf32>
    %slice3A_2215 = vector.extract_strided_slice %reshape3A_794 {offsets = [0, 512], sizes = [64, 128], strides = [1, 1]} : vector<64x1024xbf16> to vector<64x128xbf16>
    %slice3A_2216 = vector.extract_strided_slice %concatenate3A_1043 {offsets = [0, 512], sizes = [256, 128], strides = [1, 1]} : vector<256x1024xbf16> to vector<256x128xbf16>
    %dot_general3A_2217 = arith.constant dense<0.000000e+00> : vector<64x256xf32>
    %dot_general3A_2218 = tpu.matmul %slice3A_2215, %slice3A_2216, %dot_general3A_2217 {dimension_numbers = #tpu.dot_dimension_numbers<[1], [1], [0], [0], [0, 0, 1, 0], [], []>, transpose_lhs_hint = false} : vector<64x128xbf16>, vector<256x128xbf16>, vector<64x256xf32> -> vector<64x256xf32>
    %slice3A_2219 = vector.extract_strided_slice %reshape3A_794 {offsets = [0, 640], sizes = [64, 128], strides = [1, 1]} : vector<64x1024xbf16> to vector<64x128xbf16>
    %slice3A_2220 = vector.extract_strided_slice %concatenate3A_1043 {offsets = [0, 640], sizes = [256, 128], strides = [1, 1]} : vector<256x1024xbf16> to vector<256x128xbf16>
    %dot_general3A_2221 = arith.constant dense<0.000000e+00> : vector<64x256xf32>
    %dot_general3A_2222 = tpu.matmul %slice3A_2219, %slice3A_2220, %dot_general3A_2221 {dimension_numbers = #tpu.dot_dimension_numbers<[1], [1], [0], [0], [0, 0, 1, 0], [], []>, transpose_lhs_hint = false} : vector<64x128xbf16>, vector<256x128xbf16>, vector<64x256xf32> -> vector<64x256xf32>
    %slice3A_2223 = vector.extract_strided_slice %reshape3A_794 {offsets = [0, 768], sizes = [64, 128], strides = [1, 1]} : vector<64x1024xbf16> to vector<64x128xbf16>
    %slice3A_2224 = vector.extract_strided_slice %concatenate3A_1043 {offsets = [0, 768], sizes = [256, 128], strides = [1, 1]} : vector<256x1024xbf16> to vector<256x128xbf16>
    %dot_general3A_2225 = arith.constant dense<0.000000e+00> : vector<64x256xf32>
    %dot_general3A_2226 = tpu.matmul %slice3A_2223, %slice3A_2224, %dot_general3A_2225 {dimension_numbers = #tpu.dot_dimension_numbers<[1], [1], [0], [0], [0, 0, 1, 0], [], []>, transpose_lhs_hint = false} : vector<64x128xbf16>, vector<256x128xbf16>, vector<64x256xf32> -> vector<64x256xf32>
    %slice3A_2227 = vector.extract_strided_slice %reshape3A_794 {offsets = [0, 896], sizes = [64, 128], strides = [1, 1]} : vector<64x1024xbf16> to vector<64x128xbf16>
    %slice3A_2228 = vector.extract_strided_slice %concatenate3A_1043 {offsets = [0, 896], sizes = [256, 128], strides = [1, 1]} : vector<256x1024xbf16> to vector<256x128xbf16>
    %dot_general3A_2229 = arith.constant dense<0.000000e+00> : vector<64x256xf32>
    %dot_general3A_2230 = tpu.matmul %slice3A_2227, %slice3A_2228, %dot_general3A_2229 {dimension_numbers = #tpu.dot_dimension_numbers<[1], [1], [0], [0], [0, 0, 1, 0], [], []>, transpose_lhs_hint = false} : vector<64x128xbf16>, vector<256x128xbf16>, vector<64x256xf32> -> vector<64x256xf32>
    %slice3A_2231 = vector.extract_strided_slice %reshape3A_1059 {offsets = [0, 0], sizes = [64, 128], strides = [1, 1]} : vector<64x1024xbf16> to vector<64x128xbf16>
    %slice3A_2232 = vector.extract_strided_slice %concatenate3A_1308 {offsets = [0, 0], sizes = [256, 128], strides = [1, 1]} : vector<256x1024xbf16> to vector<256x128xbf16>
    %dot_general3A_2233 = arith.constant dense<0.000000e+00> : vector<64x256xf32>
    %dot_general3A_2234 = tpu.matmul %slice3A_2231, %slice3A_2232, %dot_general3A_2233 {dimension_numbers = #tpu.dot_dimension_numbers<[1], [1], [0], [0], [0, 0, 1, 0], [], []>, transpose_lhs_hint = false} : vector<64x128xbf16>, vector<256x128xbf16>, vector<64x256xf32> -> vector<64x256xf32>
    %slice3A_2235 = vector.extract_strided_slice %reshape3A_1059 {offsets = [0, 128], sizes = [64, 128], strides = [1, 1]} : vector<64x1024xbf16> to vector<64x128xbf16>
    %slice3A_2236 = vector.extract_strided_slice %concatenate3A_1308 {offsets = [0, 128], sizes = [256, 128], strides = [1, 1]} : vector<256x1024xbf16> to vector<256x128xbf16>
    %dot_general3A_2237 = arith.constant dense<0.000000e+00> : vector<64x256xf32>
    %dot_general3A_2238 = tpu.matmul %slice3A_2235, %slice3A_2236, %dot_general3A_2237 {dimension_numbers = #tpu.dot_dimension_numbers<[1], [1], [0], [0], [0, 0, 1, 0], [], []>, transpose_lhs_hint = false} : vector<64x128xbf16>, vector<256x128xbf16>, vector<64x256xf32> -> vector<64x256xf32>
    %slice3A_2239 = vector.extract_strided_slice %reshape3A_1059 {offsets = [0, 256], sizes = [64, 128], strides = [1, 1]} : vector<64x1024xbf16> to vector<64x128xbf16>
    %slice3A_2240 = vector.extract_strided_slice %concatenate3A_1308 {offsets = [0, 256], sizes = [256, 128], strides = [1, 1]} : vector<256x1024xbf16> to vector<256x128xbf16>
    %dot_general3A_2241 = arith.constant dense<0.000000e+00> : vector<64x256xf32>
    %dot_general3A_2242 = tpu.matmul %slice3A_2239, %slice3A_2240, %dot_general3A_2241 {dimension_numbers = #tpu.dot_dimension_numbers<[1], [1], [0], [0], [0, 0, 1, 0], [], []>, transpose_lhs_hint = false} : vector<64x128xbf16>, vector<256x128xbf16>, vector<64x256xf32> -> vector<64x256xf32>
    %slice3A_2243 = vector.extract_strided_slice %reshape3A_1059 {offsets = [0, 384], sizes = [64, 128], strides = [1, 1]} : vector<64x1024xbf16> to vector<64x128xbf16>
    %slice3A_2244 = vector.extract_strided_slice %concatenate3A_1308 {offsets = [0, 384], sizes = [256, 128], strides = [1, 1]} : vector<256x1024xbf16> to vector<256x128xbf16>
    %dot_general3A_2245 = arith.constant dense<0.000000e+00> : vector<64x256xf32>
    %dot_general3A_2246 = tpu.matmul %slice3A_2243, %slice3A_2244, %dot_general3A_2245 {dimension_numbers = #tpu.dot_dimension_numbers<[1], [1], [0], [0], [0, 0, 1, 0], [], []>, transpose_lhs_hint = false} : vector<64x128xbf16>, vector<256x128xbf16>, vector<64x256xf32> -> vector<64x256xf32>
    %slice3A_2247 = vector.extract_strided_slice %reshape3A_1059 {offsets = [0, 512], sizes = [64, 128], strides = [1, 1]} : vector<64x1024xbf16> to vector<64x128xbf16>
    %slice3A_2248 = vector.extract_strided_slice %concatenate3A_1308 {offsets = [0, 512], sizes = [256, 128], strides = [1, 1]} : vector<256x1024xbf16> to vector<256x128xbf16>
    %dot_general3A_2249 = arith.constant dense<0.000000e+00> : vector<64x256xf32>
    %dot_general3A_2250 = tpu.matmul %slice3A_2247, %slice3A_2248, %dot_general3A_2249 {dimension_numbers = #tpu.dot_dimension_numbers<[1], [1], [0], [0], [0, 0, 1, 0], [], []>, transpose_lhs_hint = false} : vector<64x128xbf16>, vector<256x128xbf16>, vector<64x256xf32> -> vector<64x256xf32>
    %slice3A_2251 = vector.extract_strided_slice %reshape3A_1059 {offsets = [0, 640], sizes = [64, 128], strides = [1, 1]} : vector<64x1024xbf16> to vector<64x128xbf16>
    %slice3A_2252 = vector.extract_strided_slice %concatenate3A_1308 {offsets = [0, 640], sizes = [256, 128], strides = [1, 1]} : vector<256x1024xbf16> to vector<256x128xbf16>
    %dot_general3A_2253 = arith.constant dense<0.000000e+00> : vector<64x256xf32>
    %dot_general3A_2254 = tpu.matmul %slice3A_2251, %slice3A_2252, %dot_general3A_2253 {dimension_numbers = #tpu.dot_dimension_numbers<[1], [1], [0], [0], [0, 0, 1, 0], [], []>, transpose_lhs_hint = false} : vector<64x128xbf16>, vector<256x128xbf16>, vector<64x256xf32> -> vector<64x256xf32>
    %slice3A_2255 = vector.extract_strided_slice %reshape3A_1059 {offsets = [0, 768], sizes = [64, 128], strides = [1, 1]} : vector<64x1024xbf16> to vector<64x128xbf16>
    %slice3A_2256 = vector.extract_strided_slice %concatenate3A_1308 {offsets = [0, 768], sizes = [256, 128], strides = [1, 1]} : vector<256x1024xbf16> to vector<256x128xbf16>
    %dot_general3A_2257 = arith.constant dense<0.000000e+00> : vector<64x256xf32>
    %dot_general3A_2258 = tpu.matmul %slice3A_2255, %slice3A_2256, %dot_general3A_2257 {dimension_numbers = #tpu.dot_dimension_numbers<[1], [1], [0], [0], [0, 0, 1, 0], [], []>, transpose_lhs_hint = false} : vector<64x128xbf16>, vector<256x128xbf16>, vector<64x256xf32> -> vector<64x256xf32>
    %slice3A_2259 = vector.extract_strided_slice %reshape3A_1059 {offsets = [0, 896], sizes = [64, 128], strides = [1, 1]} : vector<64x1024xbf16> to vector<64x128xbf16>
    %slice3A_2260 = vector.extract_strided_slice %concatenate3A_1308 {offsets = [0, 896], sizes = [256, 128], strides = [1, 1]} : vector<256x1024xbf16> to vector<256x128xbf16>
    %dot_general3A_2261 = arith.constant dense<0.000000e+00> : vector<64x256xf32>
    %dot_general3A_2262 = tpu.matmul %slice3A_2259, %slice3A_2260, %dot_general3A_2261 {dimension_numbers = #tpu.dot_dimension_numbers<[1], [1], [0], [0], [0, 0, 1, 0], [], []>, transpose_lhs_hint = false} : vector<64x128xbf16>, vector<256x128xbf16>, vector<64x256xf32> -> vector<64x256xf32>
    %slice3A_2263 = vector.extract_strided_slice %reshape3A_1324 {offsets = [0, 0], sizes = [64, 128], strides = [1, 1]} : vector<64x1024xbf16> to vector<64x128xbf16>
    %slice3A_2264 = vector.extract_strided_slice %concatenate3A_1573 {offsets = [0, 0], sizes = [256, 128], strides = [1, 1]} : vector<256x1024xbf16> to vector<256x128xbf16>
    %dot_general3A_2265 = arith.constant dense<0.000000e+00> : vector<64x256xf32>
    %dot_general3A_2266 = tpu.matmul %slice3A_2263, %slice3A_2264, %dot_general3A_2265 {dimension_numbers = #tpu.dot_dimension_numbers<[1], [1], [0], [0], [0, 0, 1, 0], [], []>, transpose_lhs_hint = false} : vector<64x128xbf16>, vector<256x128xbf16>, vector<64x256xf32> -> vector<64x256xf32>
    %slice3A_2267 = vector.extract_strided_slice %reshape3A_1324 {offsets = [0, 128], sizes = [64, 128], strides = [1, 1]} : vector<64x1024xbf16> to vector<64x128xbf16>
    %slice3A_2268 = vector.extract_strided_slice %concatenate3A_1573 {offsets = [0, 128], sizes = [256, 128], strides = [1, 1]} : vector<256x1024xbf16> to vector<256x128xbf16>
    %dot_general3A_2269 = arith.constant dense<0.000000e+00> : vector<64x256xf32>
    %dot_general3A_2270 = tpu.matmul %slice3A_2267, %slice3A_2268, %dot_general3A_2269 {dimension_numbers = #tpu.dot_dimension_numbers<[1], [1], [0], [0], [0, 0, 1, 0], [], []>, transpose_lhs_hint = false} : vector<64x128xbf16>, vector<256x128xbf16>, vector<64x256xf32> -> vector<64x256xf32>
    %slice3A_2271 = vector.extract_strided_slice %reshape3A_1324 {offsets = [0, 256], sizes = [64, 128], strides = [1, 1]} : vector<64x1024xbf16> to vector<64x128xbf16>
    %slice3A_2272 = vector.extract_strided_slice %concatenate3A_1573 {offsets = [0, 256], sizes = [256, 128], strides = [1, 1]} : vector<256x1024xbf16> to vector<256x128xbf16>
    %dot_general3A_2273 = arith.constant dense<0.000000e+00> : vector<64x256xf32>
    %dot_general3A_2274 = tpu.matmul %slice3A_2271, %slice3A_2272, %dot_general3A_2273 {dimension_numbers = #tpu.dot_dimension_numbers<[1], [1], [0], [0], [0, 0, 1, 0], [], []>, transpose_lhs_hint = false} : vector<64x128xbf16>, vector<256x128xbf16>, vector<64x256xf32> -> vector<64x256xf32>
    %slice3A_2275 = vector.extract_strided_slice %reshape3A_1324 {offsets = [0, 384], sizes = [64, 128], strides = [1, 1]} : vector<64x1024xbf16> to vector<64x128xbf16>
    %slice3A_2276 = vector.extract_strided_slice %concatenate3A_1573 {offsets = [0, 384], sizes = [256, 128], strides = [1, 1]} : vector<256x1024xbf16> to vector<256x128xbf16>
    %dot_general3A_2277 = arith.constant dense<0.000000e+00> : vector<64x256xf32>
    %dot_general3A_2278 = tpu.matmul %slice3A_2275, %slice3A_2276, %dot_general3A_2277 {dimension_numbers = #tpu.dot_dimension_numbers<[1], [1], [0], [0], [0, 0, 1, 0], [], []>, transpose_lhs_hint = false} : vector<64x128xbf16>, vector<256x128xbf16>, vector<64x256xf32> -> vector<64x256xf32>
    %slice3A_2279 = vector.extract_strided_slice %reshape3A_1324 {offsets = [0, 512], sizes = [64, 128], strides = [1, 1]} : vector<64x1024xbf16> to vector<64x128xbf16>
    %slice3A_2280 = vector.extract_strided_slice %concatenate3A_1573 {offsets = [0, 512], sizes = [256, 128], strides = [1, 1]} : vector<256x1024xbf16> to vector<256x128xbf16>
    %dot_general3A_2281 = arith.constant dense<0.000000e+00> : vector<64x256xf32>
    %dot_general3A_2282 = tpu.matmul %slice3A_2279, %slice3A_2280, %dot_general3A_2281 {dimension_numbers = #tpu.dot_dimension_numbers<[1], [1], [0], [0], [0, 0, 1, 0], [], []>, transpose_lhs_hint = false} : vector<64x128xbf16>, vector<256x128xbf16>, vector<64x256xf32> -> vector<64x256xf32>
    %slice3A_2283 = vector.extract_strided_slice %reshape3A_1324 {offsets = [0, 640], sizes = [64, 128], strides = [1, 1]} : vector<64x1024xbf16> to vector<64x128xbf16>
    %slice3A_2284 = vector.extract_strided_slice %concatenate3A_1573 {offsets = [0, 640], sizes = [256, 128], strides = [1, 1]} : vector<256x1024xbf16> to vector<256x128xbf16>
    %dot_general3A_2285 = arith.constant dense<0.000000e+00> : vector<64x256xf32>
    %dot_general3A_2286 = tpu.matmul %slice3A_2283, %slice3A_2284, %dot_general3A_2285 {dimension_numbers = #tpu.dot_dimension_numbers<[1], [1], [0], [0], [0, 0, 1, 0], [], []>, transpose_lhs_hint = false} : vector<64x128xbf16>, vector<256x128xbf16>, vector<64x256xf32> -> vector<64x256xf32>
    %slice3A_2287 = vector.extract_strided_slice %reshape3A_1324 {offsets = [0, 768], sizes = [64, 128], strides = [1, 1]} : vector<64x1024xbf16> to vector<64x128xbf16>
    %slice3A_2288 = vector.extract_strided_slice %concatenate3A_1573 {offsets = [0, 768], sizes = [256, 128], strides = [1, 1]} : vector<256x1024xbf16> to vector<256x128xbf16>
    %dot_general3A_2289 = arith.constant dense<0.000000e+00> : vector<64x256xf32>
    %dot_general3A_2290 = tpu.matmul %slice3A_2287, %slice3A_2288, %dot_general3A_2289 {dimension_numbers = #tpu.dot_dimension_numbers<[1], [1], [0], [0], [0, 0, 1, 0], [], []>, transpose_lhs_hint = false} : vector<64x128xbf16>, vector<256x128xbf16>, vector<64x256xf32> -> vector<64x256xf32>
    %slice3A_2291 = vector.extract_strided_slice %reshape3A_1324 {offsets = [0, 896], sizes = [64, 128], strides = [1, 1]} : vector<64x1024xbf16> to vector<64x128xbf16>
    %slice3A_2292 = vector.extract_strided_slice %concatenate3A_1573 {offsets = [0, 896], sizes = [256, 128], strides = [1, 1]} : vector<256x1024xbf16> to vector<256x128xbf16>
    %dot_general3A_2293 = arith.constant dense<0.000000e+00> : vector<64x256xf32>
    %dot_general3A_2294 = tpu.matmul %slice3A_2291, %slice3A_2292, %dot_general3A_2293 {dimension_numbers = #tpu.dot_dimension_numbers<[1], [1], [0], [0], [0, 0, 1, 0], [], []>, transpose_lhs_hint = false} : vector<64x128xbf16>, vector<256x128xbf16>, vector<64x256xf32> -> vector<64x256xf32>
    %slice3A_2295 = vector.extract_strided_slice %reshape3A_1589 {offsets = [0, 0], sizes = [64, 128], strides = [1, 1]} : vector<64x1024xbf16> to vector<64x128xbf16>
    %slice3A_2296 = vector.extract_strided_slice %concatenate3A_1838 {offsets = [0, 0], sizes = [256, 128], strides = [1, 1]} : vector<256x1024xbf16> to vector<256x128xbf16>
    %dot_general3A_2297 = arith.constant dense<0.000000e+00> : vector<64x256xf32>
    %dot_general3A_2298 = tpu.matmul %slice3A_2295, %slice3A_2296, %dot_general3A_2297 {dimension_numbers = #tpu.dot_dimension_numbers<[1], [1], [0], [0], [0, 0, 1, 0], [], []>, transpose_lhs_hint = false} : vector<64x128xbf16>, vector<256x128xbf16>, vector<64x256xf32> -> vector<64x256xf32>
    %slice3A_2299 = vector.extract_strided_slice %reshape3A_1589 {offsets = [0, 128], sizes = [64, 128], strides = [1, 1]} : vector<64x1024xbf16> to vector<64x128xbf16>
    %slice3A_2300 = vector.extract_strided_slice %concatenate3A_1838 {offsets = [0, 128], sizes = [256, 128], strides = [1, 1]} : vector<256x1024xbf16> to vector<256x128xbf16>
    %dot_general3A_2301 = arith.constant dense<0.000000e+00> : vector<64x256xf32>
    %dot_general3A_2302 = tpu.matmul %slice3A_2299, %slice3A_2300, %dot_general3A_2301 {dimension_numbers = #tpu.dot_dimension_numbers<[1], [1], [0], [0], [0, 0, 1, 0], [], []>, transpose_lhs_hint = false} : vector<64x128xbf16>, vector<256x128xbf16>, vector<64x256xf32> -> vector<64x256xf32>
    %slice3A_2303 = vector.extract_strided_slice %reshape3A_1589 {offsets = [0, 256], sizes = [64, 128], strides = [1, 1]} : vector<64x1024xbf16> to vector<64x128xbf16>
    %slice3A_2304 = vector.extract_strided_slice %concatenate3A_1838 {offsets = [0, 256], sizes = [256, 128], strides = [1, 1]} : vector<256x1024xbf16> to vector<256x128xbf16>
    %dot_general3A_2305 = arith.constant dense<0.000000e+00> : vector<64x256xf32>
    %dot_general3A_2306 = tpu.matmul %slice3A_2303, %slice3A_2304, %dot_general3A_2305 {dimension_numbers = #tpu.dot_dimension_numbers<[1], [1], [0], [0], [0, 0, 1, 0], [], []>, transpose_lhs_hint = false} : vector<64x128xbf16>, vector<256x128xbf16>, vector<64x256xf32> -> vector<64x256xf32>
    %slice3A_2307 = vector.extract_strided_slice %reshape3A_1589 {offsets = [0, 384], sizes = [64, 128], strides = [1, 1]} : vector<64x1024xbf16> to vector<64x128xbf16>
    %slice3A_2308 = vector.extract_strided_slice %concatenate3A_1838 {offsets = [0, 384], sizes = [256, 128], strides = [1, 1]} : vector<256x1024xbf16> to vector<256x128xbf16>
    %dot_general3A_2309 = arith.constant dense<0.000000e+00> : vector<64x256xf32>
    %dot_general3A_2310 = tpu.matmul %slice3A_2307, %slice3A_2308, %dot_general3A_2309 {dimension_numbers = #tpu.dot_dimension_numbers<[1], [1], [0], [0], [0, 0, 1, 0], [], []>, transpose_lhs_hint = false} : vector<64x128xbf16>, vector<256x128xbf16>, vector<64x256xf32> -> vector<64x256xf32>
    %slice3A_2311 = vector.extract_strided_slice %reshape3A_1589 {offsets = [0, 512], sizes = [64, 128], strides = [1, 1]} : vector<64x1024xbf16> to vector<64x128xbf16>
    %slice3A_2312 = vector.extract_strided_slice %concatenate3A_1838 {offsets = [0, 512], sizes = [256, 128], strides = [1, 1]} : vector<256x1024xbf16> to vector<256x128xbf16>
    %dot_general3A_2313 = arith.constant dense<0.000000e+00> : vector<64x256xf32>
    %dot_general3A_2314 = tpu.matmul %slice3A_2311, %slice3A_2312, %dot_general3A_2313 {dimension_numbers = #tpu.dot_dimension_numbers<[1], [1], [0], [0], [0, 0, 1, 0], [], []>, transpose_lhs_hint = false} : vector<64x128xbf16>, vector<256x128xbf16>, vector<64x256xf32> -> vector<64x256xf32>
    %slice3A_2315 = vector.extract_strided_slice %reshape3A_1589 {offsets = [0, 640], sizes = [64, 128], strides = [1, 1]} : vector<64x1024xbf16> to vector<64x128xbf16>
    %slice3A_2316 = vector.extract_strided_slice %concatenate3A_1838 {offsets = [0, 640], sizes = [256, 128], strides = [1, 1]} : vector<256x1024xbf16> to vector<256x128xbf16>
    %dot_general3A_2317 = arith.constant dense<0.000000e+00> : vector<64x256xf32>
    %dot_general3A_2318 = tpu.matmul %slice3A_2315, %slice3A_2316, %dot_general3A_2317 {dimension_numbers = #tpu.dot_dimension_numbers<[1], [1], [0], [0], [0, 0, 1, 0], [], []>, transpose_lhs_hint = false} : vector<64x128xbf16>, vector<256x128xbf16>, vector<64x256xf32> -> vector<64x256xf32>
    %slice3A_2319 = vector.extract_strided_slice %reshape3A_1589 {offsets = [0, 768], sizes = [64, 128], strides = [1, 1]} : vector<64x1024xbf16> to vector<64x128xbf16>
    %slice3A_2320 = vector.extract_strided_slice %concatenate3A_1838 {offsets = [0, 768], sizes = [256, 128], strides = [1, 1]} : vector<256x1024xbf16> to vector<256x128xbf16>
    %dot_general3A_2321 = arith.constant dense<0.000000e+00> : vector<64x256xf32>
    %dot_general3A_2322 = tpu.matmul %slice3A_2319, %slice3A_2320, %dot_general3A_2321 {dimension_numbers = #tpu.dot_dimension_numbers<[1], [1], [0], [0], [0, 0, 1, 0], [], []>, transpose_lhs_hint = false} : vector<64x128xbf16>, vector<256x128xbf16>, vector<64x256xf32> -> vector<64x256xf32>
    %slice3A_2323 = vector.extract_strided_slice %reshape3A_1589 {offsets = [0, 896], sizes = [64, 128], strides = [1, 1]} : vector<64x1024xbf16> to vector<64x128xbf16>
    %slice3A_2324 = vector.extract_strided_slice %concatenate3A_1838 {offsets = [0, 896], sizes = [256, 128], strides = [1, 1]} : vector<256x1024xbf16> to vector<256x128xbf16>
    %dot_general3A_2325 = arith.constant dense<0.000000e+00> : vector<64x256xf32>
    %dot_general3A_2326 = tpu.matmul %slice3A_2323, %slice3A_2324, %dot_general3A_2325 {dimension_numbers = #tpu.dot_dimension_numbers<[1], [1], [0], [0], [0, 0, 1, 0], [], []>, transpose_lhs_hint = false} : vector<64x128xbf16>, vector<256x128xbf16>, vector<64x256xf32> -> vector<64x256xf32>
    %slice3A_2327 = vector.extract_strided_slice %reshape3A_1854 {offsets = [0, 0], sizes = [64, 128], strides = [1, 1]} : vector<64x1024xbf16> to vector<64x128xbf16>
    %slice3A_2328 = vector.extract_strided_slice %concatenate3A_2103 {offsets = [0, 0], sizes = [256, 128], strides = [1, 1]} : vector<256x1024xbf16> to vector<256x128xbf16>
    %dot_general3A_2329 = arith.constant dense<0.000000e+00> : vector<64x256xf32>
    %dot_general3A_2330 = tpu.matmul %slice3A_2327, %slice3A_2328, %dot_general3A_2329 {dimension_numbers = #tpu.dot_dimension_numbers<[1], [1], [0], [0], [0, 0, 1, 0], [], []>, transpose_lhs_hint = false} : vector<64x128xbf16>, vector<256x128xbf16>, vector<64x256xf32> -> vector<64x256xf32>
    %slice3A_2331 = vector.extract_strided_slice %reshape3A_1854 {offsets = [0, 128], sizes = [64, 128], strides = [1, 1]} : vector<64x1024xbf16> to vector<64x128xbf16>
    %slice3A_2332 = vector.extract_strided_slice %concatenate3A_2103 {offsets = [0, 128], sizes = [256, 128], strides = [1, 1]} : vector<256x1024xbf16> to vector<256x128xbf16>
    %dot_general3A_2333 = arith.constant dense<0.000000e+00> : vector<64x256xf32>
    %dot_general3A_2334 = tpu.matmul %slice3A_2331, %slice3A_2332, %dot_general3A_2333 {dimension_numbers = #tpu.dot_dimension_numbers<[1], [1], [0], [0], [0, 0, 1, 0], [], []>, transpose_lhs_hint = false} : vector<64x128xbf16>, vector<256x128xbf16>, vector<64x256xf32> -> vector<64x256xf32>
    %slice3A_2335 = vector.extract_strided_slice %reshape3A_1854 {offsets = [0, 256], sizes = [64, 128], strides = [1, 1]} : vector<64x1024xbf16> to vector<64x128xbf16>
    %slice3A_2336 = vector.extract_strided_slice %concatenate3A_2103 {offsets = [0, 256], sizes = [256, 128], strides = [1, 1]} : vector<256x1024xbf16> to vector<256x128xbf16>
    %dot_general3A_2337 = arith.constant dense<0.000000e+00> : vector<64x256xf32>
    %dot_general3A_2338 = tpu.matmul %slice3A_2335, %slice3A_2336, %dot_general3A_2337 {dimension_numbers = #tpu.dot_dimension_numbers<[1], [1], [0], [0], [0, 0, 1, 0], [], []>, transpose_lhs_hint = false} : vector<64x128xbf16>, vector<256x128xbf16>, vector<64x256xf32> -> vector<64x256xf32>
    %slice3A_2339 = vector.extract_strided_slice %reshape3A_1854 {offsets = [0, 384], sizes = [64, 128], strides = [1, 1]} : vector<64x1024xbf16> to vector<64x128xbf16>
    %slice3A_2340 = vector.extract_strided_slice %concatenate3A_2103 {offsets = [0, 384], sizes = [256, 128], strides = [1, 1]} : vector<256x1024xbf16> to vector<256x128xbf16>
    %dot_general3A_2341 = arith.constant dense<0.000000e+00> : vector<64x256xf32>
    %dot_general3A_2342 = tpu.matmul %slice3A_2339, %slice3A_2340, %dot_general3A_2341 {dimension_numbers = #tpu.dot_dimension_numbers<[1], [1], [0], [0], [0, 0, 1, 0], [], []>, transpose_lhs_hint = false} : vector<64x128xbf16>, vector<256x128xbf16>, vector<64x256xf32> -> vector<64x256xf32>
    %slice3A_2343 = vector.extract_strided_slice %reshape3A_1854 {offsets = [0, 512], sizes = [64, 128], strides = [1, 1]} : vector<64x1024xbf16> to vector<64x128xbf16>
    %slice3A_2344 = vector.extract_strided_slice %concatenate3A_2103 {offsets = [0, 512], sizes = [256, 128], strides = [1, 1]} : vector<256x1024xbf16> to vector<256x128xbf16>
    %dot_general3A_2345 = arith.constant dense<0.000000e+00> : vector<64x256xf32>
    %dot_general3A_2346 = tpu.matmul %slice3A_2343, %slice3A_2344, %dot_general3A_2345 {dimension_numbers = #tpu.dot_dimension_numbers<[1], [1], [0], [0], [0, 0, 1, 0], [], []>, transpose_lhs_hint = false} : vector<64x128xbf16>, vector<256x128xbf16>, vector<64x256xf32> -> vector<64x256xf32>
    %slice3A_2347 = vector.extract_strided_slice %reshape3A_1854 {offsets = [0, 640], sizes = [64, 128], strides = [1, 1]} : vector<64x1024xbf16> to vector<64x128xbf16>
    %slice3A_2348 = vector.extract_strided_slice %concatenate3A_2103 {offsets = [0, 640], sizes = [256, 128], strides = [1, 1]} : vector<256x1024xbf16> to vector<256x128xbf16>
    %dot_general3A_2349 = arith.constant dense<0.000000e+00> : vector<64x256xf32>
    %dot_general3A_2350 = tpu.matmul %slice3A_2347, %slice3A_2348, %dot_general3A_2349 {dimension_numbers = #tpu.dot_dimension_numbers<[1], [1], [0], [0], [0, 0, 1, 0], [], []>, transpose_lhs_hint = false} : vector<64x128xbf16>, vector<256x128xbf16>, vector<64x256xf32> -> vector<64x256xf32>
    %slice3A_2351 = vector.extract_strided_slice %reshape3A_1854 {offsets = [0, 768], sizes = [64, 128], strides = [1, 1]} : vector<64x1024xbf16> to vector<64x128xbf16>
    %slice3A_2352 = vector.extract_strided_slice %concatenate3A_2103 {offsets = [0, 768], sizes = [256, 128], strides = [1, 1]} : vector<256x1024xbf16> to vector<256x128xbf16>
    %dot_general3A_2353 = arith.constant dense<0.000000e+00> : vector<64x256xf32>
    %dot_general3A_2354 = tpu.matmul %slice3A_2351, %slice3A_2352, %dot_general3A_2353 {dimension_numbers = #tpu.dot_dimension_numbers<[1], [1], [0], [0], [0, 0, 1, 0], [], []>, transpose_lhs_hint = false} : vector<64x128xbf16>, vector<256x128xbf16>, vector<64x256xf32> -> vector<64x256xf32>
    %slice3A_2355 = vector.extract_strided_slice %reshape3A_1854 {offsets = [0, 896], sizes = [64, 128], strides = [1, 1]} : vector<64x1024xbf16> to vector<64x128xbf16>
    %slice3A_2356 = vector.extract_strided_slice %concatenate3A_2103 {offsets = [0, 896], sizes = [256, 128], strides = [1, 1]} : vector<256x1024xbf16> to vector<256x128xbf16>
    %dot_general3A_2357 = arith.constant dense<0.000000e+00> : vector<64x256xf32>
    %dot_general3A_2358 = tpu.matmul %slice3A_2355, %slice3A_2356, %dot_general3A_2357 {dimension_numbers = #tpu.dot_dimension_numbers<[1], [1], [0], [0], [0, 0, 1, 0], [], []>, transpose_lhs_hint = false} : vector<64x128xbf16>, vector<256x128xbf16>, vector<64x256xf32> -> vector<64x256xf32>
    %mul3A_2359 = arith.constant 0.102062076 : f32
    %mul3A_2360 = vector.broadcast %mul3A_2359 : f32 to vector<64x256xf32>
    %mul3A_2361 = arith.mulf %dot_general3A_2106, %mul3A_2360 : vector<64x256xf32>
    %reduce_max3A = arith.constant dense<0xFF800000> : vector<64xf32>
    %reduce_max3A_2362 = vector.multi_reduction <maximumf>, %mul3A_2361, %reduce_max3A [1] : vector<64x256xf32> to vector<64xf32>
    %broadcast_in_dim3A = vector.shape_cast %reduce_max3A_2362 : vector<64xf32> to vector<64x1xf32>
    %sub3A_2363 = vector.broadcast %broadcast_in_dim3A : vector<64x1xf32> to vector<64x256xf32>
    %sub3A_2364 = arith.subf %mul3A_2361, %sub3A_2363 : vector<64x256xf32>
    %exp3A = math.exp %sub3A_2364 : vector<64x256xf32>
    %reduce_sum3A = arith.constant dense<0.000000e+00> : vector<64xf32>
    %reduce_sum3A_2365 = vector.multi_reduction <add>, %exp3A, %reduce_sum3A [1] : vector<64x256xf32> to vector<64xf32>
    %broadcast_in_dim3A_2366 = vector.shape_cast %reduce_sum3A_2365 : vector<64xf32> to vector<64x1xf32>
    %div3A_2367 = vector.broadcast %broadcast_in_dim3A_2366 : vector<64x1xf32> to vector<64x256xf32>
    %div3A_2368 = arith.divf %exp3A, %div3A_2367 : vector<64x256xf32>
    %convert_element_type3A = arith.truncf %div3A_2368 : vector<64x256xf32> to vector<64x256xbf16>
    %mul3A_2369 = arith.constant 0.102062076 : f32
    %mul3A_2370 = vector.broadcast %mul3A_2369 : f32 to vector<64x256xf32>
    %mul3A_2371 = arith.mulf %dot_general3A_2110, %mul3A_2370 : vector<64x256xf32>
    %reduce_max3A_2372 = arith.constant dense<0xFF800000> : vector<64xf32>
    %reduce_max3A_2373 = vector.multi_reduction <maximumf>, %mul3A_2371, %reduce_max3A_2372 [1] : vector<64x256xf32> to vector<64xf32>
    %broadcast_in_dim3A_2374 = vector.shape_cast %reduce_max3A_2373 : vector<64xf32> to vector<64x1xf32>
    %sub3A_2375 = vector.broadcast %broadcast_in_dim3A_2374 : vector<64x1xf32> to vector<64x256xf32>
    %sub3A_2376 = arith.subf %mul3A_2371, %sub3A_2375 : vector<64x256xf32>
    %exp3A_2377 = math.exp %sub3A_2376 : vector<64x256xf32>
    %reduce_sum3A_2378 = arith.constant dense<0.000000e+00> : vector<64xf32>
    %reduce_sum3A_2379 = vector.multi_reduction <add>, %exp3A_2377, %reduce_sum3A_2378 [1] : vector<64x256xf32> to vector<64xf32>
    %broadcast_in_dim3A_2380 = vector.shape_cast %reduce_sum3A_2379 : vector<64xf32> to vector<64x1xf32>
    %div3A_2381 = vector.broadcast %broadcast_in_dim3A_2380 : vector<64x1xf32> to vector<64x256xf32>
    %div3A_2382 = arith.divf %exp3A_2377, %div3A_2381 : vector<64x256xf32>
    %convert_element_type3A_2383 = arith.truncf %div3A_2382 : vector<64x256xf32> to vector<64x256xbf16>
    %mul3A_2384 = arith.constant 0.102062076 : f32
    %mul3A_2385 = vector.broadcast %mul3A_2384 : f32 to vector<64x256xf32>
    %mul3A_2386 = arith.mulf %dot_general3A_2114, %mul3A_2385 : vector<64x256xf32>
    %reduce_max3A_2387 = arith.constant dense<0xFF800000> : vector<64xf32>
    %reduce_max3A_2388 = vector.multi_reduction <maximumf>, %mul3A_2386, %reduce_max3A_2387 [1] : vector<64x256xf32> to vector<64xf32>
    %broadcast_in_dim3A_2389 = vector.shape_cast %reduce_max3A_2388 : vector<64xf32> to vector<64x1xf32>
    %sub3A_2390 = vector.broadcast %broadcast_in_dim3A_2389 : vector<64x1xf32> to vector<64x256xf32>
    %sub3A_2391 = arith.subf %mul3A_2386, %sub3A_2390 : vector<64x256xf32>
    %exp3A_2392 = math.exp %sub3A_2391 : vector<64x256xf32>
    %reduce_sum3A_2393 = arith.constant dense<0.000000e+00> : vector<64xf32>
    %reduce_sum3A_2394 = vector.multi_reduction <add>, %exp3A_2392, %reduce_sum3A_2393 [1] : vector<64x256xf32> to vector<64xf32>
    %broadcast_in_dim3A_2395 = vector.shape_cast %reduce_sum3A_2394 : vector<64xf32> to vector<64x1xf32>
    %div3A_2396 = vector.broadcast %broadcast_in_dim3A_2395 : vector<64x1xf32> to vector<64x256xf32>
    %div3A_2397 = arith.divf %exp3A_2392, %div3A_2396 : vector<64x256xf32>
    %convert_element_type3A_2398 = arith.truncf %div3A_2397 : vector<64x256xf32> to vector<64x256xbf16>
    %mul3A_2399 = arith.constant 0.102062076 : f32
    %mul3A_2400 = vector.broadcast %mul3A_2399 : f32 to vector<64x256xf32>
    %mul3A_2401 = arith.mulf %dot_general3A_2118, %mul3A_2400 : vector<64x256xf32>
    %reduce_max3A_2402 = arith.constant dense<0xFF800000> : vector<64xf32>
    %reduce_max3A_2403 = vector.multi_reduction <maximumf>, %mul3A_2401, %reduce_max3A_2402 [1] : vector<64x256xf32> to vector<64xf32>
    %broadcast_in_dim3A_2404 = vector.shape_cast %reduce_max3A_2403 : vector<64xf32> to vector<64x1xf32>
    %sub3A_2405 = vector.broadcast %broadcast_in_dim3A_2404 : vector<64x1xf32> to vector<64x256xf32>
    %sub3A_2406 = arith.subf %mul3A_2401, %sub3A_2405 : vector<64x256xf32>
    %exp3A_2407 = math.exp %sub3A_2406 : vector<64x256xf32>
    %reduce_sum3A_2408 = arith.constant dense<0.000000e+00> : vector<64xf32>
    %reduce_sum3A_2409 = vector.multi_reduction <add>, %exp3A_2407, %reduce_sum3A_2408 [1] : vector<64x256xf32> to vector<64xf32>
    %broadcast_in_dim3A_2410 = vector.shape_cast %reduce_sum3A_2409 : vector<64xf32> to vector<64x1xf32>
    %div3A_2411 = vector.broadcast %broadcast_in_dim3A_2410 : vector<64x1xf32> to vector<64x256xf32>
    %div3A_2412 = arith.divf %exp3A_2407, %div3A_2411 : vector<64x256xf32>
    %convert_element_type3A_2413 = arith.truncf %div3A_2412 : vector<64x256xf32> to vector<64x256xbf16>
    %mul3A_2414 = arith.constant 0.102062076 : f32
    %mul3A_2415 = vector.broadcast %mul3A_2414 : f32 to vector<64x256xf32>
    %mul3A_2416 = arith.mulf %dot_general3A_2122, %mul3A_2415 : vector<64x256xf32>
    %reduce_max3A_2417 = arith.constant dense<0xFF800000> : vector<64xf32>
    %reduce_max3A_2418 = vector.multi_reduction <maximumf>, %mul3A_2416, %reduce_max3A_2417 [1] : vector<64x256xf32> to vector<64xf32>
    %broadcast_in_dim3A_2419 = vector.shape_cast %reduce_max3A_2418 : vector<64xf32> to vector<64x1xf32>
    %sub3A_2420 = vector.broadcast %broadcast_in_dim3A_2419 : vector<64x1xf32> to vector<64x256xf32>
    %sub3A_2421 = arith.subf %mul3A_2416, %sub3A_2420 : vector<64x256xf32>
    %exp3A_2422 = math.exp %sub3A_2421 : vector<64x256xf32>
    %reduce_sum3A_2423 = arith.constant dense<0.000000e+00> : vector<64xf32>
    %reduce_sum3A_2424 = vector.multi_reduction <add>, %exp3A_2422, %reduce_sum3A_2423 [1] : vector<64x256xf32> to vector<64xf32>
    %broadcast_in_dim3A_2425 = vector.shape_cast %reduce_sum3A_2424 : vector<64xf32> to vector<64x1xf32>
    %div3A_2426 = vector.broadcast %broadcast_in_dim3A_2425 : vector<64x1xf32> to vector<64x256xf32>
    %div3A_2427 = arith.divf %exp3A_2422, %div3A_2426 : vector<64x256xf32>
    %convert_element_type3A_2428 = arith.truncf %div3A_2427 : vector<64x256xf32> to vector<64x256xbf16>
    %mul3A_2429 = arith.constant 0.102062076 : f32
    %mul3A_2430 = vector.broadcast %mul3A_2429 : f32 to vector<64x256xf32>
    %mul3A_2431 = arith.mulf %dot_general3A_2126, %mul3A_2430 : vector<64x256xf32>
    %reduce_max3A_2432 = arith.constant dense<0xFF800000> : vector<64xf32>
    %reduce_max3A_2433 = vector.multi_reduction <maximumf>, %mul3A_2431, %reduce_max3A_2432 [1] : vector<64x256xf32> to vector<64xf32>
    %broadcast_in_dim3A_2434 = vector.shape_cast %reduce_max3A_2433 : vector<64xf32> to vector<64x1xf32>
    %sub3A_2435 = vector.broadcast %broadcast_in_dim3A_2434 : vector<64x1xf32> to vector<64x256xf32>
    %sub3A_2436 = arith.subf %mul3A_2431, %sub3A_2435 : vector<64x256xf32>
    %exp3A_2437 = math.exp %sub3A_2436 : vector<64x256xf32>
    %reduce_sum3A_2438 = arith.constant dense<0.000000e+00> : vector<64xf32>
    %reduce_sum3A_2439 = vector.multi_reduction <add>, %exp3A_2437, %reduce_sum3A_2438 [1] : vector<64x256xf32> to vector<64xf32>
    %broadcast_in_dim3A_2440 = vector.shape_cast %reduce_sum3A_2439 : vector<64xf32> to vector<64x1xf32>
    %div3A_2441 = vector.broadcast %broadcast_in_dim3A_2440 : vector<64x1xf32> to vector<64x256xf32>
    %div3A_2442 = arith.divf %exp3A_2437, %div3A_2441 : vector<64x256xf32>
    %convert_element_type3A_2443 = arith.truncf %div3A_2442 : vector<64x256xf32> to vector<64x256xbf16>
    %mul3A_2444 = arith.constant 0.102062076 : f32
    %mul3A_2445 = vector.broadcast %mul3A_2444 : f32 to vector<64x256xf32>
    %mul3A_2446 = arith.mulf %dot_general3A_2130, %mul3A_2445 : vector<64x256xf32>
    %reduce_max3A_2447 = arith.constant dense<0xFF800000> : vector<64xf32>
    %reduce_max3A_2448 = vector.multi_reduction <maximumf>, %mul3A_2446, %reduce_max3A_2447 [1] : vector<64x256xf32> to vector<64xf32>
    %broadcast_in_dim3A_2449 = vector.shape_cast %reduce_max3A_2448 : vector<64xf32> to vector<64x1xf32>
    %sub3A_2450 = vector.broadcast %broadcast_in_dim3A_2449 : vector<64x1xf32> to vector<64x256xf32>
    %sub3A_2451 = arith.subf %mul3A_2446, %sub3A_2450 : vector<64x256xf32>
    %exp3A_2452 = math.exp %sub3A_2451 : vector<64x256xf32>
    %reduce_sum3A_2453 = arith.constant dense<0.000000e+00> : vector<64xf32>
    %reduce_sum3A_2454 = vector.multi_reduction <add>, %exp3A_2452, %reduce_sum3A_2453 [1] : vector<64x256xf32> to vector<64xf32>
    %broadcast_in_dim3A_2455 = vector.shape_cast %reduce_sum3A_2454 : vector<64xf32> to vector<64x1xf32>
    %div3A_2456 = vector.broadcast %broadcast_in_dim3A_2455 : vector<64x1xf32> to vector<64x256xf32>
    %div3A_2457 = arith.divf %exp3A_2452, %div3A_2456 : vector<64x256xf32>
    %convert_element_type3A_2458 = arith.truncf %div3A_2457 : vector<64x256xf32> to vector<64x256xbf16>
    %mul3A_2459 = arith.constant 0.102062076 : f32
    %mul3A_2460 = vector.broadcast %mul3A_2459 : f32 to vector<64x256xf32>
    %mul3A_2461 = arith.mulf %dot_general3A_2134, %mul3A_2460 : vector<64x256xf32>
    %reduce_max3A_2462 = arith.constant dense<0xFF800000> : vector<64xf32>
    %reduce_max3A_2463 = vector.multi_reduction <maximumf>, %mul3A_2461, %reduce_max3A_2462 [1] : vector<64x256xf32> to vector<64xf32>
    %broadcast_in_dim3A_2464 = vector.shape_cast %reduce_max3A_2463 : vector<64xf32> to vector<64x1xf32>
    %sub3A_2465 = vector.broadcast %broadcast_in_dim3A_2464 : vector<64x1xf32> to vector<64x256xf32>
    %sub3A_2466 = arith.subf %mul3A_2461, %sub3A_2465 : vector<64x256xf32>
    %exp3A_2467 = math.exp %sub3A_2466 : vector<64x256xf32>
    %reduce_sum3A_2468 = arith.constant dense<0.000000e+00> : vector<64xf32>
    %reduce_sum3A_2469 = vector.multi_reduction <add>, %exp3A_2467, %reduce_sum3A_2468 [1] : vector<64x256xf32> to vector<64xf32>
    %broadcast_in_dim3A_2470 = vector.shape_cast %reduce_sum3A_2469 : vector<64xf32> to vector<64x1xf32>
    %div3A_2471 = vector.broadcast %broadcast_in_dim3A_2470 : vector<64x1xf32> to vector<64x256xf32>
    %div3A_2472 = arith.divf %exp3A_2467, %div3A_2471 : vector<64x256xf32>
    %convert_element_type3A_2473 = arith.truncf %div3A_2472 : vector<64x256xf32> to vector<64x256xbf16>
    %mul3A_2474 = arith.constant 0.102062076 : f32
    %mul3A_2475 = vector.broadcast %mul3A_2474 : f32 to vector<64x256xf32>
    %mul3A_2476 = arith.mulf %dot_general3A_2138, %mul3A_2475 : vector<64x256xf32>
    %reduce_max3A_2477 = arith.constant dense<0xFF800000> : vector<64xf32>
    %reduce_max3A_2478 = vector.multi_reduction <maximumf>, %mul3A_2476, %reduce_max3A_2477 [1] : vector<64x256xf32> to vector<64xf32>
    %broadcast_in_dim3A_2479 = vector.shape_cast %reduce_max3A_2478 : vector<64xf32> to vector<64x1xf32>
    %sub3A_2480 = vector.broadcast %broadcast_in_dim3A_2479 : vector<64x1xf32> to vector<64x256xf32>
    %sub3A_2481 = arith.subf %mul3A_2476, %sub3A_2480 : vector<64x256xf32>
    %exp3A_2482 = math.exp %sub3A_2481 : vector<64x256xf32>
    %reduce_sum3A_2483 = arith.constant dense<0.000000e+00> : vector<64xf32>
    %reduce_sum3A_2484 = vector.multi_reduction <add>, %exp3A_2482, %reduce_sum3A_2483 [1] : vector<64x256xf32> to vector<64xf32>
    %broadcast_in_dim3A_2485 = vector.shape_cast %reduce_sum3A_2484 : vector<64xf32> to vector<64x1xf32>
    %div3A_2486 = vector.broadcast %broadcast_in_dim3A_2485 : vector<64x1xf32> to vector<64x256xf32>
    %div3A_2487 = arith.divf %exp3A_2482, %div3A_2486 : vector<64x256xf32>
    %convert_element_type3A_2488 = arith.truncf %div3A_2487 : vector<64x256xf32> to vector<64x256xbf16>
    %mul3A_2489 = arith.constant 0.102062076 : f32
    %mul3A_2490 = vector.broadcast %mul3A_2489 : f32 to vector<64x256xf32>
    %mul3A_2491 = arith.mulf %dot_general3A_2142, %mul3A_2490 : vector<64x256xf32>
    %reduce_max3A_2492 = arith.constant dense<0xFF800000> : vector<64xf32>
    %reduce_max3A_2493 = vector.multi_reduction <maximumf>, %mul3A_2491, %reduce_max3A_2492 [1] : vector<64x256xf32> to vector<64xf32>
    %broadcast_in_dim3A_2494 = vector.shape_cast %reduce_max3A_2493 : vector<64xf32> to vector<64x1xf32>
    %sub3A_2495 = vector.broadcast %broadcast_in_dim3A_2494 : vector<64x1xf32> to vector<64x256xf32>
    %sub3A_2496 = arith.subf %mul3A_2491, %sub3A_2495 : vector<64x256xf32>
    %exp3A_2497 = math.exp %sub3A_2496 : vector<64x256xf32>
    %reduce_sum3A_2498 = arith.constant dense<0.000000e+00> : vector<64xf32>
    %reduce_sum3A_2499 = vector.multi_reduction <add>, %exp3A_2497, %reduce_sum3A_2498 [1] : vector<64x256xf32> to vector<64xf32>
    %broadcast_in_dim3A_2500 = vector.shape_cast %reduce_sum3A_2499 : vector<64xf32> to vector<64x1xf32>
    %div3A_2501 = vector.broadcast %broadcast_in_dim3A_2500 : vector<64x1xf32> to vector<64x256xf32>
    %div3A_2502 = arith.divf %exp3A_2497, %div3A_2501 : vector<64x256xf32>
    %convert_element_type3A_2503 = arith.truncf %div3A_2502 : vector<64x256xf32> to vector<64x256xbf16>
    %mul3A_2504 = arith.constant 0.102062076 : f32
    %mul3A_2505 = vector.broadcast %mul3A_2504 : f32 to vector<64x256xf32>
    %mul3A_2506 = arith.mulf %dot_general3A_2146, %mul3A_2505 : vector<64x256xf32>
    %reduce_max3A_2507 = arith.constant dense<0xFF800000> : vector<64xf32>
    %reduce_max3A_2508 = vector.multi_reduction <maximumf>, %mul3A_2506, %reduce_max3A_2507 [1] : vector<64x256xf32> to vector<64xf32>
    %broadcast_in_dim3A_2509 = vector.shape_cast %reduce_max3A_2508 : vector<64xf32> to vector<64x1xf32>
    %sub3A_2510 = vector.broadcast %broadcast_in_dim3A_2509 : vector<64x1xf32> to vector<64x256xf32>
    %sub3A_2511 = arith.subf %mul3A_2506, %sub3A_2510 : vector<64x256xf32>
    %exp3A_2512 = math.exp %sub3A_2511 : vector<64x256xf32>
    %reduce_sum3A_2513 = arith.constant dense<0.000000e+00> : vector<64xf32>
    %reduce_sum3A_2514 = vector.multi_reduction <add>, %exp3A_2512, %reduce_sum3A_2513 [1] : vector<64x256xf32> to vector<64xf32>
    %broadcast_in_dim3A_2515 = vector.shape_cast %reduce_sum3A_2514 : vector<64xf32> to vector<64x1xf32>
    %div3A_2516 = vector.broadcast %broadcast_in_dim3A_2515 : vector<64x1xf32> to vector<64x256xf32>
    %div3A_2517 = arith.divf %exp3A_2512, %div3A_2516 : vector<64x256xf32>
    %convert_element_type3A_2518 = arith.truncf %div3A_2517 : vector<64x256xf32> to vector<64x256xbf16>
    %mul3A_2519 = arith.constant 0.102062076 : f32
    %mul3A_2520 = vector.broadcast %mul3A_2519 : f32 to vector<64x256xf32>
    %mul3A_2521 = arith.mulf %dot_general3A_2150, %mul3A_2520 : vector<64x256xf32>
    %reduce_max3A_2522 = arith.constant dense<0xFF800000> : vector<64xf32>
    %reduce_max3A_2523 = vector.multi_reduction <maximumf>, %mul3A_2521, %reduce_max3A_2522 [1] : vector<64x256xf32> to vector<64xf32>
    %broadcast_in_dim3A_2524 = vector.shape_cast %reduce_max3A_2523 : vector<64xf32> to vector<64x1xf32>
    %sub3A_2525 = vector.broadcast %broadcast_in_dim3A_2524 : vector<64x1xf32> to vector<64x256xf32>
    %sub3A_2526 = arith.subf %mul3A_2521, %sub3A_2525 : vector<64x256xf32>
    %exp3A_2527 = math.exp %sub3A_2526 : vector<64x256xf32>
    %reduce_sum3A_2528 = arith.constant dense<0.000000e+00> : vector<64xf32>
    %reduce_sum3A_2529 = vector.multi_reduction <add>, %exp3A_2527, %reduce_sum3A_2528 [1] : vector<64x256xf32> to vector<64xf32>
    %broadcast_in_dim3A_2530 = vector.shape_cast %reduce_sum3A_2529 : vector<64xf32> to vector<64x1xf32>
    %div3A_2531 = vector.broadcast %broadcast_in_dim3A_2530 : vector<64x1xf32> to vector<64x256xf32>
    %div3A_2532 = arith.divf %exp3A_2527, %div3A_2531 : vector<64x256xf32>
    %convert_element_type3A_2533 = arith.truncf %div3A_2532 : vector<64x256xf32> to vector<64x256xbf16>
    %mul3A_2534 = arith.constant 0.102062076 : f32
    %mul3A_2535 = vector.broadcast %mul3A_2534 : f32 to vector<64x256xf32>
    %mul3A_2536 = arith.mulf %dot_general3A_2154, %mul3A_2535 : vector<64x256xf32>
    %reduce_max3A_2537 = arith.constant dense<0xFF800000> : vector<64xf32>
    %reduce_max3A_2538 = vector.multi_reduction <maximumf>, %mul3A_2536, %reduce_max3A_2537 [1] : vector<64x256xf32> to vector<64xf32>
    %broadcast_in_dim3A_2539 = vector.shape_cast %reduce_max3A_2538 : vector<64xf32> to vector<64x1xf32>
    %sub3A_2540 = vector.broadcast %broadcast_in_dim3A_2539 : vector<64x1xf32> to vector<64x256xf32>
    %sub3A_2541 = arith.subf %mul3A_2536, %sub3A_2540 : vector<64x256xf32>
    %exp3A_2542 = math.exp %sub3A_2541 : vector<64x256xf32>
    %reduce_sum3A_2543 = arith.constant dense<0.000000e+00> : vector<64xf32>
    %reduce_sum3A_2544 = vector.multi_reduction <add>, %exp3A_2542, %reduce_sum3A_2543 [1] : vector<64x256xf32> to vector<64xf32>
    %broadcast_in_dim3A_2545 = vector.shape_cast %reduce_sum3A_2544 : vector<64xf32> to vector<64x1xf32>
    %div3A_2546 = vector.broadcast %broadcast_in_dim3A_2545 : vector<64x1xf32> to vector<64x256xf32>
    %div3A_2547 = arith.divf %exp3A_2542, %div3A_2546 : vector<64x256xf32>
    %convert_element_type3A_2548 = arith.truncf %div3A_2547 : vector<64x256xf32> to vector<64x256xbf16>
    %mul3A_2549 = arith.constant 0.102062076 : f32
    %mul3A_2550 = vector.broadcast %mul3A_2549 : f32 to vector<64x256xf32>
    %mul3A_2551 = arith.mulf %dot_general3A_2158, %mul3A_2550 : vector<64x256xf32>
    %reduce_max3A_2552 = arith.constant dense<0xFF800000> : vector<64xf32>
    %reduce_max3A_2553 = vector.multi_reduction <maximumf>, %mul3A_2551, %reduce_max3A_2552 [1] : vector<64x256xf32> to vector<64xf32>
    %broadcast_in_dim3A_2554 = vector.shape_cast %reduce_max3A_2553 : vector<64xf32> to vector<64x1xf32>
    %sub3A_2555 = vector.broadcast %broadcast_in_dim3A_2554 : vector<64x1xf32> to vector<64x256xf32>
    %sub3A_2556 = arith.subf %mul3A_2551, %sub3A_2555 : vector<64x256xf32>
    %exp3A_2557 = math.exp %sub3A_2556 : vector<64x256xf32>
    %reduce_sum3A_2558 = arith.constant dense<0.000000e+00> : vector<64xf32>
    %reduce_sum3A_2559 = vector.multi_reduction <add>, %exp3A_2557, %reduce_sum3A_2558 [1] : vector<64x256xf32> to vector<64xf32>
    %broadcast_in_dim3A_2560 = vector.shape_cast %reduce_sum3A_2559 : vector<64xf32> to vector<64x1xf32>
    %div3A_2561 = vector.broadcast %broadcast_in_dim3A_2560 : vector<64x1xf32> to vector<64x256xf32>
    %div3A_2562 = arith.divf %exp3A_2557, %div3A_2561 : vector<64x256xf32>
    %convert_element_type3A_2563 = arith.truncf %div3A_2562 : vector<64x256xf32> to vector<64x256xbf16>
    %mul3A_2564 = arith.constant 0.102062076 : f32
    %mul3A_2565 = vector.broadcast %mul3A_2564 : f32 to vector<64x256xf32>
    %mul3A_2566 = arith.mulf %dot_general3A_2162, %mul3A_2565 : vector<64x256xf32>
    %reduce_max3A_2567 = arith.constant dense<0xFF800000> : vector<64xf32>
    %reduce_max3A_2568 = vector.multi_reduction <maximumf>, %mul3A_2566, %reduce_max3A_2567 [1] : vector<64x256xf32> to vector<64xf32>
    %broadcast_in_dim3A_2569 = vector.shape_cast %reduce_max3A_2568 : vector<64xf32> to vector<64x1xf32>
    %sub3A_2570 = vector.broadcast %broadcast_in_dim3A_2569 : vector<64x1xf32> to vector<64x256xf32>
    %sub3A_2571 = arith.subf %mul3A_2566, %sub3A_2570 : vector<64x256xf32>
    %exp3A_2572 = math.exp %sub3A_2571 : vector<64x256xf32>
    %reduce_sum3A_2573 = arith.constant dense<0.000000e+00> : vector<64xf32>
    %reduce_sum3A_2574 = vector.multi_reduction <add>, %exp3A_2572, %reduce_sum3A_2573 [1] : vector<64x256xf32> to vector<64xf32>
    %broadcast_in_dim3A_2575 = vector.shape_cast %reduce_sum3A_2574 : vector<64xf32> to vector<64x1xf32>
    %div3A_2576 = vector.broadcast %broadcast_in_dim3A_2575 : vector<64x1xf32> to vector<64x256xf32>
    %div3A_2577 = arith.divf %exp3A_2572, %div3A_2576 : vector<64x256xf32>
    %convert_element_type3A_2578 = arith.truncf %div3A_2577 : vector<64x256xf32> to vector<64x256xbf16>
    %mul3A_2579 = arith.constant 0.102062076 : f32
    %mul3A_2580 = vector.broadcast %mul3A_2579 : f32 to vector<64x256xf32>
    %mul3A_2581 = arith.mulf %dot_general3A_2166, %mul3A_2580 : vector<64x256xf32>
    %reduce_max3A_2582 = arith.constant dense<0xFF800000> : vector<64xf32>
    %reduce_max3A_2583 = vector.multi_reduction <maximumf>, %mul3A_2581, %reduce_max3A_2582 [1] : vector<64x256xf32> to vector<64xf32>
    %broadcast_in_dim3A_2584 = vector.shape_cast %reduce_max3A_2583 : vector<64xf32> to vector<64x1xf32>
    %sub3A_2585 = vector.broadcast %broadcast_in_dim3A_2584 : vector<64x1xf32> to vector<64x256xf32>
    %sub3A_2586 = arith.subf %mul3A_2581, %sub3A_2585 : vector<64x256xf32>
    %exp3A_2587 = math.exp %sub3A_2586 : vector<64x256xf32>
    %reduce_sum3A_2588 = arith.constant dense<0.000000e+00> : vector<64xf32>
    %reduce_sum3A_2589 = vector.multi_reduction <add>, %exp3A_2587, %reduce_sum3A_2588 [1] : vector<64x256xf32> to vector<64xf32>
    %broadcast_in_dim3A_2590 = vector.shape_cast %reduce_sum3A_2589 : vector<64xf32> to vector<64x1xf32>
    %div3A_2591 = vector.broadcast %broadcast_in_dim3A_2590 : vector<64x1xf32> to vector<64x256xf32>
    %div3A_2592 = arith.divf %exp3A_2587, %div3A_2591 : vector<64x256xf32>
    %convert_element_type3A_2593 = arith.truncf %div3A_2592 : vector<64x256xf32> to vector<64x256xbf16>
    %mul3A_2594 = arith.constant 0.102062076 : f32
    %mul3A_2595 = vector.broadcast %mul3A_2594 : f32 to vector<64x256xf32>
    %mul3A_2596 = arith.mulf %dot_general3A_2170, %mul3A_2595 : vector<64x256xf32>
    %reduce_max3A_2597 = arith.constant dense<0xFF800000> : vector<64xf32>
    %reduce_max3A_2598 = vector.multi_reduction <maximumf>, %mul3A_2596, %reduce_max3A_2597 [1] : vector<64x256xf32> to vector<64xf32>
    %broadcast_in_dim3A_2599 = vector.shape_cast %reduce_max3A_2598 : vector<64xf32> to vector<64x1xf32>
    %sub3A_2600 = vector.broadcast %broadcast_in_dim3A_2599 : vector<64x1xf32> to vector<64x256xf32>
    %sub3A_2601 = arith.subf %mul3A_2596, %sub3A_2600 : vector<64x256xf32>
    %exp3A_2602 = math.exp %sub3A_2601 : vector<64x256xf32>
    %reduce_sum3A_2603 = arith.constant dense<0.000000e+00> : vector<64xf32>
    %reduce_sum3A_2604 = vector.multi_reduction <add>, %exp3A_2602, %reduce_sum3A_2603 [1] : vector<64x256xf32> to vector<64xf32>
    %broadcast_in_dim3A_2605 = vector.shape_cast %reduce_sum3A_2604 : vector<64xf32> to vector<64x1xf32>
    %div3A_2606 = vector.broadcast %broadcast_in_dim3A_2605 : vector<64x1xf32> to vector<64x256xf32>
    %div3A_2607 = arith.divf %exp3A_2602, %div3A_2606 : vector<64x256xf32>
    %convert_element_type3A_2608 = arith.truncf %div3A_2607 : vector<64x256xf32> to vector<64x256xbf16>
    %mul3A_2609 = arith.constant 0.102062076 : f32
    %mul3A_2610 = vector.broadcast %mul3A_2609 : f32 to vector<64x256xf32>
    %mul3A_2611 = arith.mulf %dot_general3A_2174, %mul3A_2610 : vector<64x256xf32>
    %reduce_max3A_2612 = arith.constant dense<0xFF800000> : vector<64xf32>
    %reduce_max3A_2613 = vector.multi_reduction <maximumf>, %mul3A_2611, %reduce_max3A_2612 [1] : vector<64x256xf32> to vector<64xf32>
    %broadcast_in_dim3A_2614 = vector.shape_cast %reduce_max3A_2613 : vector<64xf32> to vector<64x1xf32>
    %sub3A_2615 = vector.broadcast %broadcast_in_dim3A_2614 : vector<64x1xf32> to vector<64x256xf32>
    %sub3A_2616 = arith.subf %mul3A_2611, %sub3A_2615 : vector<64x256xf32>
    %exp3A_2617 = math.exp %sub3A_2616 : vector<64x256xf32>
    %reduce_sum3A_2618 = arith.constant dense<0.000000e+00> : vector<64xf32>
    %reduce_sum3A_2619 = vector.multi_reduction <add>, %exp3A_2617, %reduce_sum3A_2618 [1] : vector<64x256xf32> to vector<64xf32>
    %broadcast_in_dim3A_2620 = vector.shape_cast %reduce_sum3A_2619 : vector<64xf32> to vector<64x1xf32>
    %div3A_2621 = vector.broadcast %broadcast_in_dim3A_2620 : vector<64x1xf32> to vector<64x256xf32>
    %div3A_2622 = arith.divf %exp3A_2617, %div3A_2621 : vector<64x256xf32>
    %convert_element_type3A_2623 = arith.truncf %div3A_2622 : vector<64x256xf32> to vector<64x256xbf16>
    %mul3A_2624 = arith.constant 0.102062076 : f32
    %mul3A_2625 = vector.broadcast %mul3A_2624 : f32 to vector<64x256xf32>
    %mul3A_2626 = arith.mulf %dot_general3A_2178, %mul3A_2625 : vector<64x256xf32>
    %reduce_max3A_2627 = arith.constant dense<0xFF800000> : vector<64xf32>
    %reduce_max3A_2628 = vector.multi_reduction <maximumf>, %mul3A_2626, %reduce_max3A_2627 [1] : vector<64x256xf32> to vector<64xf32>
    %broadcast_in_dim3A_2629 = vector.shape_cast %reduce_max3A_2628 : vector<64xf32> to vector<64x1xf32>
    %sub3A_2630 = vector.broadcast %broadcast_in_dim3A_2629 : vector<64x1xf32> to vector<64x256xf32>
    %sub3A_2631 = arith.subf %mul3A_2626, %sub3A_2630 : vector<64x256xf32>
    %exp3A_2632 = math.exp %sub3A_2631 : vector<64x256xf32>
    %reduce_sum3A_2633 = arith.constant dense<0.000000e+00> : vector<64xf32>
    %reduce_sum3A_2634 = vector.multi_reduction <add>, %exp3A_2632, %reduce_sum3A_2633 [1] : vector<64x256xf32> to vector<64xf32>
    %broadcast_in_dim3A_2635 = vector.shape_cast %reduce_sum3A_2634 : vector<64xf32> to vector<64x1xf32>
    %div3A_2636 = vector.broadcast %broadcast_in_dim3A_2635 : vector<64x1xf32> to vector<64x256xf32>
    %div3A_2637 = arith.divf %exp3A_2632, %div3A_2636 : vector<64x256xf32>
    %convert_element_type3A_2638 = arith.truncf %div3A_2637 : vector<64x256xf32> to vector<64x256xbf16>
    %mul3A_2639 = arith.constant 0.102062076 : f32
    %mul3A_2640 = vector.broadcast %mul3A_2639 : f32 to vector<64x256xf32>
    %mul3A_2641 = arith.mulf %dot_general3A_2182, %mul3A_2640 : vector<64x256xf32>
    %reduce_max3A_2642 = arith.constant dense<0xFF800000> : vector<64xf32>
    %reduce_max3A_2643 = vector.multi_reduction <maximumf>, %mul3A_2641, %reduce_max3A_2642 [1] : vector<64x256xf32> to vector<64xf32>
    %broadcast_in_dim3A_2644 = vector.shape_cast %reduce_max3A_2643 : vector<64xf32> to vector<64x1xf32>
    %sub3A_2645 = vector.broadcast %broadcast_in_dim3A_2644 : vector<64x1xf32> to vector<64x256xf32>
    %sub3A_2646 = arith.subf %mul3A_2641, %sub3A_2645 : vector<64x256xf32>
    %exp3A_2647 = math.exp %sub3A_2646 : vector<64x256xf32>
    %reduce_sum3A_2648 = arith.constant dense<0.000000e+00> : vector<64xf32>
    %reduce_sum3A_2649 = vector.multi_reduction <add>, %exp3A_2647, %reduce_sum3A_2648 [1] : vector<64x256xf32> to vector<64xf32>
    %broadcast_in_dim3A_2650 = vector.shape_cast %reduce_sum3A_2649 : vector<64xf32> to vector<64x1xf32>
    %div3A_2651 = vector.broadcast %broadcast_in_dim3A_2650 : vector<64x1xf32> to vector<64x256xf32>
    %div3A_2652 = arith.divf %exp3A_2647, %div3A_2651 : vector<64x256xf32>
    %convert_element_type3A_2653 = arith.truncf %div3A_2652 : vector<64x256xf32> to vector<64x256xbf16>
    %mul3A_2654 = arith.constant 0.102062076 : f32
    %mul3A_2655 = vector.broadcast %mul3A_2654 : f32 to vector<64x256xf32>
    %mul3A_2656 = arith.mulf %dot_general3A_2186, %mul3A_2655 : vector<64x256xf32>
    %reduce_max3A_2657 = arith.constant dense<0xFF800000> : vector<64xf32>
    %reduce_max3A_2658 = vector.multi_reduction <maximumf>, %mul3A_2656, %reduce_max3A_2657 [1] : vector<64x256xf32> to vector<64xf32>
    %broadcast_in_dim3A_2659 = vector.shape_cast %reduce_max3A_2658 : vector<64xf32> to vector<64x1xf32>
    %sub3A_2660 = vector.broadcast %broadcast_in_dim3A_2659 : vector<64x1xf32> to vector<64x256xf32>
    %sub3A_2661 = arith.subf %mul3A_2656, %sub3A_2660 : vector<64x256xf32>
    %exp3A_2662 = math.exp %sub3A_2661 : vector<64x256xf32>
    %reduce_sum3A_2663 = arith.constant dense<0.000000e+00> : vector<64xf32>
    %reduce_sum3A_2664 = vector.multi_reduction <add>, %exp3A_2662, %reduce_sum3A_2663 [1] : vector<64x256xf32> to vector<64xf32>
    %broadcast_in_dim3A_2665 = vector.shape_cast %reduce_sum3A_2664 : vector<64xf32> to vector<64x1xf32>
    %div3A_2666 = vector.broadcast %broadcast_in_dim3A_2665 : vector<64x1xf32> to vector<64x256xf32>
    %div3A_2667 = arith.divf %exp3A_2662, %div3A_2666 : vector<64x256xf32>
    %convert_element_type3A_2668 = arith.truncf %div3A_2667 : vector<64x256xf32> to vector<64x256xbf16>
    %mul3A_2669 = arith.constant 0.102062076 : f32
    %mul3A_2670 = vector.broadcast %mul3A_2669 : f32 to vector<64x256xf32>
    %mul3A_2671 = arith.mulf %dot_general3A_2190, %mul3A_2670 : vector<64x256xf32>
    %reduce_max3A_2672 = arith.constant dense<0xFF800000> : vector<64xf32>
    %reduce_max3A_2673 = vector.multi_reduction <maximumf>, %mul3A_2671, %reduce_max3A_2672 [1] : vector<64x256xf32> to vector<64xf32>
    %broadcast_in_dim3A_2674 = vector.shape_cast %reduce_max3A_2673 : vector<64xf32> to vector<64x1xf32>
    %sub3A_2675 = vector.broadcast %broadcast_in_dim3A_2674 : vector<64x1xf32> to vector<64x256xf32>
    %sub3A_2676 = arith.subf %mul3A_2671, %sub3A_2675 : vector<64x256xf32>
    %exp3A_2677 = math.exp %sub3A_2676 : vector<64x256xf32>
    %reduce_sum3A_2678 = arith.constant dense<0.000000e+00> : vector<64xf32>
    %reduce_sum3A_2679 = vector.multi_reduction <add>, %exp3A_2677, %reduce_sum3A_2678 [1] : vector<64x256xf32> to vector<64xf32>
    %broadcast_in_dim3A_2680 = vector.shape_cast %reduce_sum3A_2679 : vector<64xf32> to vector<64x1xf32>
    %div3A_2681 = vector.broadcast %broadcast_in_dim3A_2680 : vector<64x1xf32> to vector<64x256xf32>
    %div3A_2682 = arith.divf %exp3A_2677, %div3A_2681 : vector<64x256xf32>
    %convert_element_type3A_2683 = arith.truncf %div3A_2682 : vector<64x256xf32> to vector<64x256xbf16>
    %mul3A_2684 = arith.constant 0.102062076 : f32
    %mul3A_2685 = vector.broadcast %mul3A_2684 : f32 to vector<64x256xf32>
    %mul3A_2686 = arith.mulf %dot_general3A_2194, %mul3A_2685 : vector<64x256xf32>
    %reduce_max3A_2687 = arith.constant dense<0xFF800000> : vector<64xf32>
    %reduce_max3A_2688 = vector.multi_reduction <maximumf>, %mul3A_2686, %reduce_max3A_2687 [1] : vector<64x256xf32> to vector<64xf32>
    %broadcast_in_dim3A_2689 = vector.shape_cast %reduce_max3A_2688 : vector<64xf32> to vector<64x1xf32>
    %sub3A_2690 = vector.broadcast %broadcast_in_dim3A_2689 : vector<64x1xf32> to vector<64x256xf32>
    %sub3A_2691 = arith.subf %mul3A_2686, %sub3A_2690 : vector<64x256xf32>
    %exp3A_2692 = math.exp %sub3A_2691 : vector<64x256xf32>
    %reduce_sum3A_2693 = arith.constant dense<0.000000e+00> : vector<64xf32>
    %reduce_sum3A_2694 = vector.multi_reduction <add>, %exp3A_2692, %reduce_sum3A_2693 [1] : vector<64x256xf32> to vector<64xf32>
    %broadcast_in_dim3A_2695 = vector.shape_cast %reduce_sum3A_2694 : vector<64xf32> to vector<64x1xf32>
    %div3A_2696 = vector.broadcast %broadcast_in_dim3A_2695 : vector<64x1xf32> to vector<64x256xf32>
    %div3A_2697 = arith.divf %exp3A_2692, %div3A_2696 : vector<64x256xf32>
    %convert_element_type3A_2698 = arith.truncf %div3A_2697 : vector<64x256xf32> to vector<64x256xbf16>
    %mul3A_2699 = arith.constant 0.102062076 : f32
    %mul3A_2700 = vector.broadcast %mul3A_2699 : f32 to vector<64x256xf32>
    %mul3A_2701 = arith.mulf %dot_general3A_2198, %mul3A_2700 : vector<64x256xf32>
    %reduce_max3A_2702 = arith.constant dense<0xFF800000> : vector<64xf32>
    %reduce_max3A_2703 = vector.multi_reduction <maximumf>, %mul3A_2701, %reduce_max3A_2702 [1] : vector<64x256xf32> to vector<64xf32>
    %broadcast_in_dim3A_2704 = vector.shape_cast %reduce_max3A_2703 : vector<64xf32> to vector<64x1xf32>
    %sub3A_2705 = vector.broadcast %broadcast_in_dim3A_2704 : vector<64x1xf32> to vector<64x256xf32>
    %sub3A_2706 = arith.subf %mul3A_2701, %sub3A_2705 : vector<64x256xf32>
    %exp3A_2707 = math.exp %sub3A_2706 : vector<64x256xf32>
    %reduce_sum3A_2708 = arith.constant dense<0.000000e+00> : vector<64xf32>
    %reduce_sum3A_2709 = vector.multi_reduction <add>, %exp3A_2707, %reduce_sum3A_2708 [1] : vector<64x256xf32> to vector<64xf32>
    %broadcast_in_dim3A_2710 = vector.shape_cast %reduce_sum3A_2709 : vector<64xf32> to vector<64x1xf32>
    %div3A_2711 = vector.broadcast %broadcast_in_dim3A_2710 : vector<64x1xf32> to vector<64x256xf32>
    %div3A_2712 = arith.divf %exp3A_2707, %div3A_2711 : vector<64x256xf32>
    %convert_element_type3A_2713 = arith.truncf %div3A_2712 : vector<64x256xf32> to vector<64x256xbf16>
    %mul3A_2714 = arith.constant 0.102062076 : f32
    %mul3A_2715 = vector.broadcast %mul3A_2714 : f32 to vector<64x256xf32>
    %mul3A_2716 = arith.mulf %dot_general3A_2202, %mul3A_2715 : vector<64x256xf32>
    %reduce_max3A_2717 = arith.constant dense<0xFF800000> : vector<64xf32>
    %reduce_max3A_2718 = vector.multi_reduction <maximumf>, %mul3A_2716, %reduce_max3A_2717 [1] : vector<64x256xf32> to vector<64xf32>
    %broadcast_in_dim3A_2719 = vector.shape_cast %reduce_max3A_2718 : vector<64xf32> to vector<64x1xf32>
    %sub3A_2720 = vector.broadcast %broadcast_in_dim3A_2719 : vector<64x1xf32> to vector<64x256xf32>
    %sub3A_2721 = arith.subf %mul3A_2716, %sub3A_2720 : vector<64x256xf32>
    %exp3A_2722 = math.exp %sub3A_2721 : vector<64x256xf32>
    %reduce_sum3A_2723 = arith.constant dense<0.000000e+00> : vector<64xf32>
    %reduce_sum3A_2724 = vector.multi_reduction <add>, %exp3A_2722, %reduce_sum3A_2723 [1] : vector<64x256xf32> to vector<64xf32>
    %broadcast_in_dim3A_2725 = vector.shape_cast %reduce_sum3A_2724 : vector<64xf32> to vector<64x1xf32>
    %div3A_2726 = vector.broadcast %broadcast_in_dim3A_2725 : vector<64x1xf32> to vector<64x256xf32>
    %div3A_2727 = arith.divf %exp3A_2722, %div3A_2726 : vector<64x256xf32>
    %convert_element_type3A_2728 = arith.truncf %div3A_2727 : vector<64x256xf32> to vector<64x256xbf16>
    %mul3A_2729 = arith.constant 0.102062076 : f32
    %mul3A_2730 = vector.broadcast %mul3A_2729 : f32 to vector<64x256xf32>
    %mul3A_2731 = arith.mulf %dot_general3A_2206, %mul3A_2730 : vector<64x256xf32>
    %reduce_max3A_2732 = arith.constant dense<0xFF800000> : vector<64xf32>
    %reduce_max3A_2733 = vector.multi_reduction <maximumf>, %mul3A_2731, %reduce_max3A_2732 [1] : vector<64x256xf32> to vector<64xf32>
    %broadcast_in_dim3A_2734 = vector.shape_cast %reduce_max3A_2733 : vector<64xf32> to vector<64x1xf32>
    %sub3A_2735 = vector.broadcast %broadcast_in_dim3A_2734 : vector<64x1xf32> to vector<64x256xf32>
    %sub3A_2736 = arith.subf %mul3A_2731, %sub3A_2735 : vector<64x256xf32>
    %exp3A_2737 = math.exp %sub3A_2736 : vector<64x256xf32>
    %reduce_sum3A_2738 = arith.constant dense<0.000000e+00> : vector<64xf32>
    %reduce_sum3A_2739 = vector.multi_reduction <add>, %exp3A_2737, %reduce_sum3A_2738 [1] : vector<64x256xf32> to vector<64xf32>
    %broadcast_in_dim3A_2740 = vector.shape_cast %reduce_sum3A_2739 : vector<64xf32> to vector<64x1xf32>
    %div3A_2741 = vector.broadcast %broadcast_in_dim3A_2740 : vector<64x1xf32> to vector<64x256xf32>
    %div3A_2742 = arith.divf %exp3A_2737, %div3A_2741 : vector<64x256xf32>
    %convert_element_type3A_2743 = arith.truncf %div3A_2742 : vector<64x256xf32> to vector<64x256xbf16>
    %mul3A_2744 = arith.constant 0.102062076 : f32
    %mul3A_2745 = vector.broadcast %mul3A_2744 : f32 to vector<64x256xf32>
    %mul3A_2746 = arith.mulf %dot_general3A_2210, %mul3A_2745 : vector<64x256xf32>
    %reduce_max3A_2747 = arith.constant dense<0xFF800000> : vector<64xf32>
    %reduce_max3A_2748 = vector.multi_reduction <maximumf>, %mul3A_2746, %reduce_max3A_2747 [1] : vector<64x256xf32> to vector<64xf32>
    %broadcast_in_dim3A_2749 = vector.shape_cast %reduce_max3A_2748 : vector<64xf32> to vector<64x1xf32>
    %sub3A_2750 = vector.broadcast %broadcast_in_dim3A_2749 : vector<64x1xf32> to vector<64x256xf32>
    %sub3A_2751 = arith.subf %mul3A_2746, %sub3A_2750 : vector<64x256xf32>
    %exp3A_2752 = math.exp %sub3A_2751 : vector<64x256xf32>
    %reduce_sum3A_2753 = arith.constant dense<0.000000e+00> : vector<64xf32>
    %reduce_sum3A_2754 = vector.multi_reduction <add>, %exp3A_2752, %reduce_sum3A_2753 [1] : vector<64x256xf32> to vector<64xf32>
    %broadcast_in_dim3A_2755 = vector.shape_cast %reduce_sum3A_2754 : vector<64xf32> to vector<64x1xf32>
    %div3A_2756 = vector.broadcast %broadcast_in_dim3A_2755 : vector<64x1xf32> to vector<64x256xf32>
    %div3A_2757 = arith.divf %exp3A_2752, %div3A_2756 : vector<64x256xf32>
    %convert_element_type3A_2758 = arith.truncf %div3A_2757 : vector<64x256xf32> to vector<64x256xbf16>
    %mul3A_2759 = arith.constant 0.102062076 : f32
    %mul3A_2760 = vector.broadcast %mul3A_2759 : f32 to vector<64x256xf32>
    %mul3A_2761 = arith.mulf %dot_general3A_2214, %mul3A_2760 : vector<64x256xf32>
    %reduce_max3A_2762 = arith.constant dense<0xFF800000> : vector<64xf32>
    %reduce_max3A_2763 = vector.multi_reduction <maximumf>, %mul3A_2761, %reduce_max3A_2762 [1] : vector<64x256xf32> to vector<64xf32>
    %broadcast_in_dim3A_2764 = vector.shape_cast %reduce_max3A_2763 : vector<64xf32> to vector<64x1xf32>
    %sub3A_2765 = vector.broadcast %broadcast_in_dim3A_2764 : vector<64x1xf32> to vector<64x256xf32>
    %sub3A_2766 = arith.subf %mul3A_2761, %sub3A_2765 : vector<64x256xf32>
    %exp3A_2767 = math.exp %sub3A_2766 : vector<64x256xf32>
    %reduce_sum3A_2768 = arith.constant dense<0.000000e+00> : vector<64xf32>
    %reduce_sum3A_2769 = vector.multi_reduction <add>, %exp3A_2767, %reduce_sum3A_2768 [1] : vector<64x256xf32> to vector<64xf32>
    %broadcast_in_dim3A_2770 = vector.shape_cast %reduce_sum3A_2769 : vector<64xf32> to vector<64x1xf32>
    %div3A_2771 = vector.broadcast %broadcast_in_dim3A_2770 : vector<64x1xf32> to vector<64x256xf32>
    %div3A_2772 = arith.divf %exp3A_2767, %div3A_2771 : vector<64x256xf32>
    %convert_element_type3A_2773 = arith.truncf %div3A_2772 : vector<64x256xf32> to vector<64x256xbf16>
    %mul3A_2774 = arith.constant 0.102062076 : f32
    %mul3A_2775 = vector.broadcast %mul3A_2774 : f32 to vector<64x256xf32>
    %mul3A_2776 = arith.mulf %dot_general3A_2218, %mul3A_2775 : vector<64x256xf32>
    %reduce_max3A_2777 = arith.constant dense<0xFF800000> : vector<64xf32>
    %reduce_max3A_2778 = vector.multi_reduction <maximumf>, %mul3A_2776, %reduce_max3A_2777 [1] : vector<64x256xf32> to vector<64xf32>
    %broadcast_in_dim3A_2779 = vector.shape_cast %reduce_max3A_2778 : vector<64xf32> to vector<64x1xf32>
    %sub3A_2780 = vector.broadcast %broadcast_in_dim3A_2779 : vector<64x1xf32> to vector<64x256xf32>
    %sub3A_2781 = arith.subf %mul3A_2776, %sub3A_2780 : vector<64x256xf32>
    %exp3A_2782 = math.exp %sub3A_2781 : vector<64x256xf32>
    %reduce_sum3A_2783 = arith.constant dense<0.000000e+00> : vector<64xf32>
    %reduce_sum3A_2784 = vector.multi_reduction <add>, %exp3A_2782, %reduce_sum3A_2783 [1] : vector<64x256xf32> to vector<64xf32>
    %broadcast_in_dim3A_2785 = vector.shape_cast %reduce_sum3A_2784 : vector<64xf32> to vector<64x1xf32>
    %div3A_2786 = vector.broadcast %broadcast_in_dim3A_2785 : vector<64x1xf32> to vector<64x256xf32>
    %div3A_2787 = arith.divf %exp3A_2782, %div3A_2786 : vector<64x256xf32>
    %convert_element_type3A_2788 = arith.truncf %div3A_2787 : vector<64x256xf32> to vector<64x256xbf16>
    %mul3A_2789 = arith.constant 0.102062076 : f32
    %mul3A_2790 = vector.broadcast %mul3A_2789 : f32 to vector<64x256xf32>
    %mul3A_2791 = arith.mulf %dot_general3A_2222, %mul3A_2790 : vector<64x256xf32>
    %reduce_max3A_2792 = arith.constant dense<0xFF800000> : vector<64xf32>
    %reduce_max3A_2793 = vector.multi_reduction <maximumf>, %mul3A_2791, %reduce_max3A_2792 [1] : vector<64x256xf32> to vector<64xf32>
    %broadcast_in_dim3A_2794 = vector.shape_cast %reduce_max3A_2793 : vector<64xf32> to vector<64x1xf32>
    %sub3A_2795 = vector.broadcast %broadcast_in_dim3A_2794 : vector<64x1xf32> to vector<64x256xf32>
    %sub3A_2796 = arith.subf %mul3A_2791, %sub3A_2795 : vector<64x256xf32>
    %exp3A_2797 = math.exp %sub3A_2796 : vector<64x256xf32>
    %reduce_sum3A_2798 = arith.constant dense<0.000000e+00> : vector<64xf32>
    %reduce_sum3A_2799 = vector.multi_reduction <add>, %exp3A_2797, %reduce_sum3A_2798 [1] : vector<64x256xf32> to vector<64xf32>
    %broadcast_in_dim3A_2800 = vector.shape_cast %reduce_sum3A_2799 : vector<64xf32> to vector<64x1xf32>
    %div3A_2801 = vector.broadcast %broadcast_in_dim3A_2800 : vector<64x1xf32> to vector<64x256xf32>
    %div3A_2802 = arith.divf %exp3A_2797, %div3A_2801 : vector<64x256xf32>
    %convert_element_type3A_2803 = arith.truncf %div3A_2802 : vector<64x256xf32> to vector<64x256xbf16>
    %mul3A_2804 = arith.constant 0.102062076 : f32
    %mul3A_2805 = vector.broadcast %mul3A_2804 : f32 to vector<64x256xf32>
    %mul3A_2806 = arith.mulf %dot_general3A_2226, %mul3A_2805 : vector<64x256xf32>
    %reduce_max3A_2807 = arith.constant dense<0xFF800000> : vector<64xf32>
    %reduce_max3A_2808 = vector.multi_reduction <maximumf>, %mul3A_2806, %reduce_max3A_2807 [1] : vector<64x256xf32> to vector<64xf32>
    %broadcast_in_dim3A_2809 = vector.shape_cast %reduce_max3A_2808 : vector<64xf32> to vector<64x1xf32>
    %sub3A_2810 = vector.broadcast %broadcast_in_dim3A_2809 : vector<64x1xf32> to vector<64x256xf32>
    %sub3A_2811 = arith.subf %mul3A_2806, %sub3A_2810 : vector<64x256xf32>
    %exp3A_2812 = math.exp %sub3A_2811 : vector<64x256xf32>
    %reduce_sum3A_2813 = arith.constant dense<0.000000e+00> : vector<64xf32>
    %reduce_sum3A_2814 = vector.multi_reduction <add>, %exp3A_2812, %reduce_sum3A_2813 [1] : vector<64x256xf32> to vector<64xf32>
    %broadcast_in_dim3A_2815 = vector.shape_cast %reduce_sum3A_2814 : vector<64xf32> to vector<64x1xf32>
    %div3A_2816 = vector.broadcast %broadcast_in_dim3A_2815 : vector<64x1xf32> to vector<64x256xf32>
    %div3A_2817 = arith.divf %exp3A_2812, %div3A_2816 : vector<64x256xf32>
    %convert_element_type3A_2818 = arith.truncf %div3A_2817 : vector<64x256xf32> to vector<64x256xbf16>
    %mul3A_2819 = arith.constant 0.102062076 : f32
    %mul3A_2820 = vector.broadcast %mul3A_2819 : f32 to vector<64x256xf32>
    %mul3A_2821 = arith.mulf %dot_general3A_2230, %mul3A_2820 : vector<64x256xf32>
    %reduce_max3A_2822 = arith.constant dense<0xFF800000> : vector<64xf32>
    %reduce_max3A_2823 = vector.multi_reduction <maximumf>, %mul3A_2821, %reduce_max3A_2822 [1] : vector<64x256xf32> to vector<64xf32>
    %broadcast_in_dim3A_2824 = vector.shape_cast %reduce_max3A_2823 : vector<64xf32> to vector<64x1xf32>
    %sub3A_2825 = vector.broadcast %broadcast_in_dim3A_2824 : vector<64x1xf32> to vector<64x256xf32>
    %sub3A_2826 = arith.subf %mul3A_2821, %sub3A_2825 : vector<64x256xf32>
    %exp3A_2827 = math.exp %sub3A_2826 : vector<64x256xf32>
    %reduce_sum3A_2828 = arith.constant dense<0.000000e+00> : vector<64xf32>
    %reduce_sum3A_2829 = vector.multi_reduction <add>, %exp3A_2827, %reduce_sum3A_2828 [1] : vector<64x256xf32> to vector<64xf32>
    %broadcast_in_dim3A_2830 = vector.shape_cast %reduce_sum3A_2829 : vector<64xf32> to vector<64x1xf32>
    %div3A_2831 = vector.broadcast %broadcast_in_dim3A_2830 : vector<64x1xf32> to vector<64x256xf32>
    %div3A_2832 = arith.divf %exp3A_2827, %div3A_2831 : vector<64x256xf32>
    %convert_element_type3A_2833 = arith.truncf %div3A_2832 : vector<64x256xf32> to vector<64x256xbf16>
    %mul3A_2834 = arith.constant 0.102062076 : f32
    %mul3A_2835 = vector.broadcast %mul3A_2834 : f32 to vector<64x256xf32>
    %mul3A_2836 = arith.mulf %dot_general3A_2234, %mul3A_2835 : vector<64x256xf32>
    %reduce_max3A_2837 = arith.constant dense<0xFF800000> : vector<64xf32>
    %reduce_max3A_2838 = vector.multi_reduction <maximumf>, %mul3A_2836, %reduce_max3A_2837 [1] : vector<64x256xf32> to vector<64xf32>
    %broadcast_in_dim3A_2839 = vector.shape_cast %reduce_max3A_2838 : vector<64xf32> to vector<64x1xf32>
    %sub3A_2840 = vector.broadcast %broadcast_in_dim3A_2839 : vector<64x1xf32> to vector<64x256xf32>
    %sub3A_2841 = arith.subf %mul3A_2836, %sub3A_2840 : vector<64x256xf32>
    %exp3A_2842 = math.exp %sub3A_2841 : vector<64x256xf32>
    %reduce_sum3A_2843 = arith.constant dense<0.000000e+00> : vector<64xf32>
    %reduce_sum3A_2844 = vector.multi_reduction <add>, %exp3A_2842, %reduce_sum3A_2843 [1] : vector<64x256xf32> to vector<64xf32>
    %broadcast_in_dim3A_2845 = vector.shape_cast %reduce_sum3A_2844 : vector<64xf32> to vector<64x1xf32>
    %div3A_2846 = vector.broadcast %broadcast_in_dim3A_2845 : vector<64x1xf32> to vector<64x256xf32>
    %div3A_2847 = arith.divf %exp3A_2842, %div3A_2846 : vector<64x256xf32>
    %convert_element_type3A_2848 = arith.truncf %div3A_2847 : vector<64x256xf32> to vector<64x256xbf16>
    %mul3A_2849 = arith.constant 0.102062076 : f32
    %mul3A_2850 = vector.broadcast %mul3A_2849 : f32 to vector<64x256xf32>
    %mul3A_2851 = arith.mulf %dot_general3A_2238, %mul3A_2850 : vector<64x256xf32>
    %reduce_max3A_2852 = arith.constant dense<0xFF800000> : vector<64xf32>
    %reduce_max3A_2853 = vector.multi_reduction <maximumf>, %mul3A_2851, %reduce_max3A_2852 [1] : vector<64x256xf32> to vector<64xf32>
    %broadcast_in_dim3A_2854 = vector.shape_cast %reduce_max3A_2853 : vector<64xf32> to vector<64x1xf32>
    %sub3A_2855 = vector.broadcast %broadcast_in_dim3A_2854 : vector<64x1xf32> to vector<64x256xf32>
    %sub3A_2856 = arith.subf %mul3A_2851, %sub3A_2855 : vector<64x256xf32>
    %exp3A_2857 = math.exp %sub3A_2856 : vector<64x256xf32>
    %reduce_sum3A_2858 = arith.constant dense<0.000000e+00> : vector<64xf32>
    %reduce_sum3A_2859 = vector.multi_reduction <add>, %exp3A_2857, %reduce_sum3A_2858 [1] : vector<64x256xf32> to vector<64xf32>
    %broadcast_in_dim3A_2860 = vector.shape_cast %reduce_sum3A_2859 : vector<64xf32> to vector<64x1xf32>
    %div3A_2861 = vector.broadcast %broadcast_in_dim3A_2860 : vector<64x1xf32> to vector<64x256xf32>
    %div3A_2862 = arith.divf %exp3A_2857, %div3A_2861 : vector<64x256xf32>
    %convert_element_type3A_2863 = arith.truncf %div3A_2862 : vector<64x256xf32> to vector<64x256xbf16>
    %mul3A_2864 = arith.constant 0.102062076 : f32
    %mul3A_2865 = vector.broadcast %mul3A_2864 : f32 to vector<64x256xf32>
    %mul3A_2866 = arith.mulf %dot_general3A_2242, %mul3A_2865 : vector<64x256xf32>
    %reduce_max3A_2867 = arith.constant dense<0xFF800000> : vector<64xf32>
    %reduce_max3A_2868 = vector.multi_reduction <maximumf>, %mul3A_2866, %reduce_max3A_2867 [1] : vector<64x256xf32> to vector<64xf32>
    %broadcast_in_dim3A_2869 = vector.shape_cast %reduce_max3A_2868 : vector<64xf32> to vector<64x1xf32>
    %sub3A_2870 = vector.broadcast %broadcast_in_dim3A_2869 : vector<64x1xf32> to vector<64x256xf32>
    %sub3A_2871 = arith.subf %mul3A_2866, %sub3A_2870 : vector<64x256xf32>
    %exp3A_2872 = math.exp %sub3A_2871 : vector<64x256xf32>
    %reduce_sum3A_2873 = arith.constant dense<0.000000e+00> : vector<64xf32>
    %reduce_sum3A_2874 = vector.multi_reduction <add>, %exp3A_2872, %reduce_sum3A_2873 [1] : vector<64x256xf32> to vector<64xf32>
    %broadcast_in_dim3A_2875 = vector.shape_cast %reduce_sum3A_2874 : vector<64xf32> to vector<64x1xf32>
    %div3A_2876 = vector.broadcast %broadcast_in_dim3A_2875 : vector<64x1xf32> to vector<64x256xf32>
    %div3A_2877 = arith.divf %exp3A_2872, %div3A_2876 : vector<64x256xf32>
    %convert_element_type3A_2878 = arith.truncf %div3A_2877 : vector<64x256xf32> to vector<64x256xbf16>
    %mul3A_2879 = arith.constant 0.102062076 : f32
    %mul3A_2880 = vector.broadcast %mul3A_2879 : f32 to vector<64x256xf32>
    %mul3A_2881 = arith.mulf %dot_general3A_2246, %mul3A_2880 : vector<64x256xf32>
    %reduce_max3A_2882 = arith.constant dense<0xFF800000> : vector<64xf32>
    %reduce_max3A_2883 = vector.multi_reduction <maximumf>, %mul3A_2881, %reduce_max3A_2882 [1] : vector<64x256xf32> to vector<64xf32>
    %broadcast_in_dim3A_2884 = vector.shape_cast %reduce_max3A_2883 : vector<64xf32> to vector<64x1xf32>
    %sub3A_2885 = vector.broadcast %broadcast_in_dim3A_2884 : vector<64x1xf32> to vector<64x256xf32>
    %sub3A_2886 = arith.subf %mul3A_2881, %sub3A_2885 : vector<64x256xf32>
    %exp3A_2887 = math.exp %sub3A_2886 : vector<64x256xf32>
    %reduce_sum3A_2888 = arith.constant dense<0.000000e+00> : vector<64xf32>
    %reduce_sum3A_2889 = vector.multi_reduction <add>, %exp3A_2887, %reduce_sum3A_2888 [1] : vector<64x256xf32> to vector<64xf32>
    %broadcast_in_dim3A_2890 = vector.shape_cast %reduce_sum3A_2889 : vector<64xf32> to vector<64x1xf32>
    %div3A_2891 = vector.broadcast %broadcast_in_dim3A_2890 : vector<64x1xf32> to vector<64x256xf32>
    %div3A_2892 = arith.divf %exp3A_2887, %div3A_2891 : vector<64x256xf32>
    %convert_element_type3A_2893 = arith.truncf %div3A_2892 : vector<64x256xf32> to vector<64x256xbf16>
    %mul3A_2894 = arith.constant 0.102062076 : f32
    %mul3A_2895 = vector.broadcast %mul3A_2894 : f32 to vector<64x256xf32>
    %mul3A_2896 = arith.mulf %dot_general3A_2250, %mul3A_2895 : vector<64x256xf32>
    %reduce_max3A_2897 = arith.constant dense<0xFF800000> : vector<64xf32>
    %reduce_max3A_2898 = vector.multi_reduction <maximumf>, %mul3A_2896, %reduce_max3A_2897 [1] : vector<64x256xf32> to vector<64xf32>
    %broadcast_in_dim3A_2899 = vector.shape_cast %reduce_max3A_2898 : vector<64xf32> to vector<64x1xf32>
    %sub3A_2900 = vector.broadcast %broadcast_in_dim3A_2899 : vector<64x1xf32> to vector<64x256xf32>
    %sub3A_2901 = arith.subf %mul3A_2896, %sub3A_2900 : vector<64x256xf32>
    %exp3A_2902 = math.exp %sub3A_2901 : vector<64x256xf32>
    %reduce_sum3A_2903 = arith.constant dense<0.000000e+00> : vector<64xf32>
    %reduce_sum3A_2904 = vector.multi_reduction <add>, %exp3A_2902, %reduce_sum3A_2903 [1] : vector<64x256xf32> to vector<64xf32>
    %broadcast_in_dim3A_2905 = vector.shape_cast %reduce_sum3A_2904 : vector<64xf32> to vector<64x1xf32>
    %div3A_2906 = vector.broadcast %broadcast_in_dim3A_2905 : vector<64x1xf32> to vector<64x256xf32>
    %div3A_2907 = arith.divf %exp3A_2902, %div3A_2906 : vector<64x256xf32>
    %convert_element_type3A_2908 = arith.truncf %div3A_2907 : vector<64x256xf32> to vector<64x256xbf16>
    %mul3A_2909 = arith.constant 0.102062076 : f32
    %mul3A_2910 = vector.broadcast %mul3A_2909 : f32 to vector<64x256xf32>
    %mul3A_2911 = arith.mulf %dot_general3A_2254, %mul3A_2910 : vector<64x256xf32>
    %reduce_max3A_2912 = arith.constant dense<0xFF800000> : vector<64xf32>
    %reduce_max3A_2913 = vector.multi_reduction <maximumf>, %mul3A_2911, %reduce_max3A_2912 [1] : vector<64x256xf32> to vector<64xf32>
    %broadcast_in_dim3A_2914 = vector.shape_cast %reduce_max3A_2913 : vector<64xf32> to vector<64x1xf32>
    %sub3A_2915 = vector.broadcast %broadcast_in_dim3A_2914 : vector<64x1xf32> to vector<64x256xf32>
    %sub3A_2916 = arith.subf %mul3A_2911, %sub3A_2915 : vector<64x256xf32>
    %exp3A_2917 = math.exp %sub3A_2916 : vector<64x256xf32>
    %reduce_sum3A_2918 = arith.constant dense<0.000000e+00> : vector<64xf32>
    %reduce_sum3A_2919 = vector.multi_reduction <add>, %exp3A_2917, %reduce_sum3A_2918 [1] : vector<64x256xf32> to vector<64xf32>
    %broadcast_in_dim3A_2920 = vector.shape_cast %reduce_sum3A_2919 : vector<64xf32> to vector<64x1xf32>
    %div3A_2921 = vector.broadcast %broadcast_in_dim3A_2920 : vector<64x1xf32> to vector<64x256xf32>
    %div3A_2922 = arith.divf %exp3A_2917, %div3A_2921 : vector<64x256xf32>
    %convert_element_type3A_2923 = arith.truncf %div3A_2922 : vector<64x256xf32> to vector<64x256xbf16>
    %mul3A_2924 = arith.constant 0.102062076 : f32
    %mul3A_2925 = vector.broadcast %mul3A_2924 : f32 to vector<64x256xf32>
    %mul3A_2926 = arith.mulf %dot_general3A_2258, %mul3A_2925 : vector<64x256xf32>
    %reduce_max3A_2927 = arith.constant dense<0xFF800000> : vector<64xf32>
    %reduce_max3A_2928 = vector.multi_reduction <maximumf>, %mul3A_2926, %reduce_max3A_2927 [1] : vector<64x256xf32> to vector<64xf32>
    %broadcast_in_dim3A_2929 = vector.shape_cast %reduce_max3A_2928 : vector<64xf32> to vector<64x1xf32>
    %sub3A_2930 = vector.broadcast %broadcast_in_dim3A_2929 : vector<64x1xf32> to vector<64x256xf32>
    %sub3A_2931 = arith.subf %mul3A_2926, %sub3A_2930 : vector<64x256xf32>
    %exp3A_2932 = math.exp %sub3A_2931 : vector<64x256xf32>
    %reduce_sum3A_2933 = arith.constant dense<0.000000e+00> : vector<64xf32>
    %reduce_sum3A_2934 = vector.multi_reduction <add>, %exp3A_2932, %reduce_sum3A_2933 [1] : vector<64x256xf32> to vector<64xf32>
    %broadcast_in_dim3A_2935 = vector.shape_cast %reduce_sum3A_2934 : vector<64xf32> to vector<64x1xf32>
    %div3A_2936 = vector.broadcast %broadcast_in_dim3A_2935 : vector<64x1xf32> to vector<64x256xf32>
    %div3A_2937 = arith.divf %exp3A_2932, %div3A_2936 : vector<64x256xf32>
    %convert_element_type3A_2938 = arith.truncf %div3A_2937 : vector<64x256xf32> to vector<64x256xbf16>
    %mul3A_2939 = arith.constant 0.102062076 : f32
    %mul3A_2940 = vector.broadcast %mul3A_2939 : f32 to vector<64x256xf32>
    %mul3A_2941 = arith.mulf %dot_general3A_2262, %mul3A_2940 : vector<64x256xf32>
    %reduce_max3A_2942 = arith.constant dense<0xFF800000> : vector<64xf32>
    %reduce_max3A_2943 = vector.multi_reduction <maximumf>, %mul3A_2941, %reduce_max3A_2942 [1] : vector<64x256xf32> to vector<64xf32>
    %broadcast_in_dim3A_2944 = vector.shape_cast %reduce_max3A_2943 : vector<64xf32> to vector<64x1xf32>
    %sub3A_2945 = vector.broadcast %broadcast_in_dim3A_2944 : vector<64x1xf32> to vector<64x256xf32>
    %sub3A_2946 = arith.subf %mul3A_2941, %sub3A_2945 : vector<64x256xf32>
    %exp3A_2947 = math.exp %sub3A_2946 : vector<64x256xf32>
    %reduce_sum3A_2948 = arith.constant dense<0.000000e+00> : vector<64xf32>
    %reduce_sum3A_2949 = vector.multi_reduction <add>, %exp3A_2947, %reduce_sum3A_2948 [1] : vector<64x256xf32> to vector<64xf32>
    %broadcast_in_dim3A_2950 = vector.shape_cast %reduce_sum3A_2949 : vector<64xf32> to vector<64x1xf32>
    %div3A_2951 = vector.broadcast %broadcast_in_dim3A_2950 : vector<64x1xf32> to vector<64x256xf32>
    %div3A_2952 = arith.divf %exp3A_2947, %div3A_2951 : vector<64x256xf32>
    %convert_element_type3A_2953 = arith.truncf %div3A_2952 : vector<64x256xf32> to vector<64x256xbf16>
    %mul3A_2954 = arith.constant 0.102062076 : f32
    %mul3A_2955 = vector.broadcast %mul3A_2954 : f32 to vector<64x256xf32>
    %mul3A_2956 = arith.mulf %dot_general3A_2266, %mul3A_2955 : vector<64x256xf32>
    %reduce_max3A_2957 = arith.constant dense<0xFF800000> : vector<64xf32>
    %reduce_max3A_2958 = vector.multi_reduction <maximumf>, %mul3A_2956, %reduce_max3A_2957 [1] : vector<64x256xf32> to vector<64xf32>
    %broadcast_in_dim3A_2959 = vector.shape_cast %reduce_max3A_2958 : vector<64xf32> to vector<64x1xf32>
    %sub3A_2960 = vector.broadcast %broadcast_in_dim3A_2959 : vector<64x1xf32> to vector<64x256xf32>
    %sub3A_2961 = arith.subf %mul3A_2956, %sub3A_2960 : vector<64x256xf32>
    %exp3A_2962 = math.exp %sub3A_2961 : vector<64x256xf32>
    %reduce_sum3A_2963 = arith.constant dense<0.000000e+00> : vector<64xf32>
    %reduce_sum3A_2964 = vector.multi_reduction <add>, %exp3A_2962, %reduce_sum3A_2963 [1] : vector<64x256xf32> to vector<64xf32>
    %broadcast_in_dim3A_2965 = vector.shape_cast %reduce_sum3A_2964 : vector<64xf32> to vector<64x1xf32>
    %div3A_2966 = vector.broadcast %broadcast_in_dim3A_2965 : vector<64x1xf32> to vector<64x256xf32>
    %div3A_2967 = arith.divf %exp3A_2962, %div3A_2966 : vector<64x256xf32>
    %convert_element_type3A_2968 = arith.truncf %div3A_2967 : vector<64x256xf32> to vector<64x256xbf16>
    %mul3A_2969 = arith.constant 0.102062076 : f32
    %mul3A_2970 = vector.broadcast %mul3A_2969 : f32 to vector<64x256xf32>
    %mul3A_2971 = arith.mulf %dot_general3A_2270, %mul3A_2970 : vector<64x256xf32>
    %reduce_max3A_2972 = arith.constant dense<0xFF800000> : vector<64xf32>
    %reduce_max3A_2973 = vector.multi_reduction <maximumf>, %mul3A_2971, %reduce_max3A_2972 [1] : vector<64x256xf32> to vector<64xf32>
    %broadcast_in_dim3A_2974 = vector.shape_cast %reduce_max3A_2973 : vector<64xf32> to vector<64x1xf32>
    %sub3A_2975 = vector.broadcast %broadcast_in_dim3A_2974 : vector<64x1xf32> to vector<64x256xf32>
    %sub3A_2976 = arith.subf %mul3A_2971, %sub3A_2975 : vector<64x256xf32>
    %exp3A_2977 = math.exp %sub3A_2976 : vector<64x256xf32>
    %reduce_sum3A_2978 = arith.constant dense<0.000000e+00> : vector<64xf32>
    %reduce_sum3A_2979 = vector.multi_reduction <add>, %exp3A_2977, %reduce_sum3A_2978 [1] : vector<64x256xf32> to vector<64xf32>
    %broadcast_in_dim3A_2980 = vector.shape_cast %reduce_sum3A_2979 : vector<64xf32> to vector<64x1xf32>
    %div3A_2981 = vector.broadcast %broadcast_in_dim3A_2980 : vector<64x1xf32> to vector<64x256xf32>
    %div3A_2982 = arith.divf %exp3A_2977, %div3A_2981 : vector<64x256xf32>
    %convert_element_type3A_2983 = arith.truncf %div3A_2982 : vector<64x256xf32> to vector<64x256xbf16>
    %mul3A_2984 = arith.constant 0.102062076 : f32
    %mul3A_2985 = vector.broadcast %mul3A_2984 : f32 to vector<64x256xf32>
    %mul3A_2986 = arith.mulf %dot_general3A_2274, %mul3A_2985 : vector<64x256xf32>
    %reduce_max3A_2987 = arith.constant dense<0xFF800000> : vector<64xf32>
    %reduce_max3A_2988 = vector.multi_reduction <maximumf>, %mul3A_2986, %reduce_max3A_2987 [1] : vector<64x256xf32> to vector<64xf32>
    %broadcast_in_dim3A_2989 = vector.shape_cast %reduce_max3A_2988 : vector<64xf32> to vector<64x1xf32>
    %sub3A_2990 = vector.broadcast %broadcast_in_dim3A_2989 : vector<64x1xf32> to vector<64x256xf32>
    %sub3A_2991 = arith.subf %mul3A_2986, %sub3A_2990 : vector<64x256xf32>
    %exp3A_2992 = math.exp %sub3A_2991 : vector<64x256xf32>
    %reduce_sum3A_2993 = arith.constant dense<0.000000e+00> : vector<64xf32>
    %reduce_sum3A_2994 = vector.multi_reduction <add>, %exp3A_2992, %reduce_sum3A_2993 [1] : vector<64x256xf32> to vector<64xf32>
    %broadcast_in_dim3A_2995 = vector.shape_cast %reduce_sum3A_2994 : vector<64xf32> to vector<64x1xf32>
    %div3A_2996 = vector.broadcast %broadcast_in_dim3A_2995 : vector<64x1xf32> to vector<64x256xf32>
    %div3A_2997 = arith.divf %exp3A_2992, %div3A_2996 : vector<64x256xf32>
    %convert_element_type3A_2998 = arith.truncf %div3A_2997 : vector<64x256xf32> to vector<64x256xbf16>
    %mul3A_2999 = arith.constant 0.102062076 : f32
    %mul3A_3000 = vector.broadcast %mul3A_2999 : f32 to vector<64x256xf32>
    %mul3A_3001 = arith.mulf %dot_general3A_2278, %mul3A_3000 : vector<64x256xf32>
    %reduce_max3A_3002 = arith.constant dense<0xFF800000> : vector<64xf32>
    %reduce_max3A_3003 = vector.multi_reduction <maximumf>, %mul3A_3001, %reduce_max3A_3002 [1] : vector<64x256xf32> to vector<64xf32>
    %broadcast_in_dim3A_3004 = vector.shape_cast %reduce_max3A_3003 : vector<64xf32> to vector<64x1xf32>
    %sub3A_3005 = vector.broadcast %broadcast_in_dim3A_3004 : vector<64x1xf32> to vector<64x256xf32>
    %sub3A_3006 = arith.subf %mul3A_3001, %sub3A_3005 : vector<64x256xf32>
    %exp3A_3007 = math.exp %sub3A_3006 : vector<64x256xf32>
    %reduce_sum3A_3008 = arith.constant dense<0.000000e+00> : vector<64xf32>
    %reduce_sum3A_3009 = vector.multi_reduction <add>, %exp3A_3007, %reduce_sum3A_3008 [1] : vector<64x256xf32> to vector<64xf32>
    %broadcast_in_dim3A_3010 = vector.shape_cast %reduce_sum3A_3009 : vector<64xf32> to vector<64x1xf32>
    %div3A_3011 = vector.broadcast %broadcast_in_dim3A_3010 : vector<64x1xf32> to vector<64x256xf32>
    %div3A_3012 = arith.divf %exp3A_3007, %div3A_3011 : vector<64x256xf32>
    %convert_element_type3A_3013 = arith.truncf %div3A_3012 : vector<64x256xf32> to vector<64x256xbf16>
    %mul3A_3014 = arith.constant 0.102062076 : f32
    %mul3A_3015 = vector.broadcast %mul3A_3014 : f32 to vector<64x256xf32>
    %mul3A_3016 = arith.mulf %dot_general3A_2282, %mul3A_3015 : vector<64x256xf32>
    %reduce_max3A_3017 = arith.constant dense<0xFF800000> : vector<64xf32>
    %reduce_max3A_3018 = vector.multi_reduction <maximumf>, %mul3A_3016, %reduce_max3A_3017 [1] : vector<64x256xf32> to vector<64xf32>
    %broadcast_in_dim3A_3019 = vector.shape_cast %reduce_max3A_3018 : vector<64xf32> to vector<64x1xf32>
    %sub3A_3020 = vector.broadcast %broadcast_in_dim3A_3019 : vector<64x1xf32> to vector<64x256xf32>
    %sub3A_3021 = arith.subf %mul3A_3016, %sub3A_3020 : vector<64x256xf32>
    %exp3A_3022 = math.exp %sub3A_3021 : vector<64x256xf32>
    %reduce_sum3A_3023 = arith.constant dense<0.000000e+00> : vector<64xf32>
    %reduce_sum3A_3024 = vector.multi_reduction <add>, %exp3A_3022, %reduce_sum3A_3023 [1] : vector<64x256xf32> to vector<64xf32>
    %broadcast_in_dim3A_3025 = vector.shape_cast %reduce_sum3A_3024 : vector<64xf32> to vector<64x1xf32>
    %div3A_3026 = vector.broadcast %broadcast_in_dim3A_3025 : vector<64x1xf32> to vector<64x256xf32>
    %div3A_3027 = arith.divf %exp3A_3022, %div3A_3026 : vector<64x256xf32>
    %convert_element_type3A_3028 = arith.truncf %div3A_3027 : vector<64x256xf32> to vector<64x256xbf16>
    %mul3A_3029 = arith.constant 0.102062076 : f32
    %mul3A_3030 = vector.broadcast %mul3A_3029 : f32 to vector<64x256xf32>
    %mul3A_3031 = arith.mulf %dot_general3A_2286, %mul3A_3030 : vector<64x256xf32>
    %reduce_max3A_3032 = arith.constant dense<0xFF800000> : vector<64xf32>
    %reduce_max3A_3033 = vector.multi_reduction <maximumf>, %mul3A_3031, %reduce_max3A_3032 [1] : vector<64x256xf32> to vector<64xf32>
    %broadcast_in_dim3A_3034 = vector.shape_cast %reduce_max3A_3033 : vector<64xf32> to vector<64x1xf32>
    %sub3A_3035 = vector.broadcast %broadcast_in_dim3A_3034 : vector<64x1xf32> to vector<64x256xf32>
    %sub3A_3036 = arith.subf %mul3A_3031, %sub3A_3035 : vector<64x256xf32>
    %exp3A_3037 = math.exp %sub3A_3036 : vector<64x256xf32>
    %reduce_sum3A_3038 = arith.constant dense<0.000000e+00> : vector<64xf32>
    %reduce_sum3A_3039 = vector.multi_reduction <add>, %exp3A_3037, %reduce_sum3A_3038 [1] : vector<64x256xf32> to vector<64xf32>
    %broadcast_in_dim3A_3040 = vector.shape_cast %reduce_sum3A_3039 : vector<64xf32> to vector<64x1xf32>
    %div3A_3041 = vector.broadcast %broadcast_in_dim3A_3040 : vector<64x1xf32> to vector<64x256xf32>
    %div3A_3042 = arith.divf %exp3A_3037, %div3A_3041 : vector<64x256xf32>
    %convert_element_type3A_3043 = arith.truncf %div3A_3042 : vector<64x256xf32> to vector<64x256xbf16>
    %mul3A_3044 = arith.constant 0.102062076 : f32
    %mul3A_3045 = vector.broadcast %mul3A_3044 : f32 to vector<64x256xf32>
    %mul3A_3046 = arith.mulf %dot_general3A_2290, %mul3A_3045 : vector<64x256xf32>
    %reduce_max3A_3047 = arith.constant dense<0xFF800000> : vector<64xf32>
    %reduce_max3A_3048 = vector.multi_reduction <maximumf>, %mul3A_3046, %reduce_max3A_3047 [1] : vector<64x256xf32> to vector<64xf32>
    %broadcast_in_dim3A_3049 = vector.shape_cast %reduce_max3A_3048 : vector<64xf32> to vector<64x1xf32>
    %sub3A_3050 = vector.broadcast %broadcast_in_dim3A_3049 : vector<64x1xf32> to vector<64x256xf32>
    %sub3A_3051 = arith.subf %mul3A_3046, %sub3A_3050 : vector<64x256xf32>
    %exp3A_3052 = math.exp %sub3A_3051 : vector<64x256xf32>
    %reduce_sum3A_3053 = arith.constant dense<0.000000e+00> : vector<64xf32>
    %reduce_sum3A_3054 = vector.multi_reduction <add>, %exp3A_3052, %reduce_sum3A_3053 [1] : vector<64x256xf32> to vector<64xf32>
    %broadcast_in_dim3A_3055 = vector.shape_cast %reduce_sum3A_3054 : vector<64xf32> to vector<64x1xf32>
    %div3A_3056 = vector.broadcast %broadcast_in_dim3A_3055 : vector<64x1xf32> to vector<64x256xf32>
    %div3A_3057 = arith.divf %exp3A_3052, %div3A_3056 : vector<64x256xf32>
    %convert_element_type3A_3058 = arith.truncf %div3A_3057 : vector<64x256xf32> to vector<64x256xbf16>
    %mul3A_3059 = arith.constant 0.102062076 : f32
    %mul3A_3060 = vector.broadcast %mul3A_3059 : f32 to vector<64x256xf32>
    %mul3A_3061 = arith.mulf %dot_general3A_2294, %mul3A_3060 : vector<64x256xf32>
    %reduce_max3A_3062 = arith.constant dense<0xFF800000> : vector<64xf32>
    %reduce_max3A_3063 = vector.multi_reduction <maximumf>, %mul3A_3061, %reduce_max3A_3062 [1] : vector<64x256xf32> to vector<64xf32>
    %broadcast_in_dim3A_3064 = vector.shape_cast %reduce_max3A_3063 : vector<64xf32> to vector<64x1xf32>
    %sub3A_3065 = vector.broadcast %broadcast_in_dim3A_3064 : vector<64x1xf32> to vector<64x256xf32>
    %sub3A_3066 = arith.subf %mul3A_3061, %sub3A_3065 : vector<64x256xf32>
    %exp3A_3067 = math.exp %sub3A_3066 : vector<64x256xf32>
    %reduce_sum3A_3068 = arith.constant dense<0.000000e+00> : vector<64xf32>
    %reduce_sum3A_3069 = vector.multi_reduction <add>, %exp3A_3067, %reduce_sum3A_3068 [1] : vector<64x256xf32> to vector<64xf32>
    %broadcast_in_dim3A_3070 = vector.shape_cast %reduce_sum3A_3069 : vector<64xf32> to vector<64x1xf32>
    %div3A_3071 = vector.broadcast %broadcast_in_dim3A_3070 : vector<64x1xf32> to vector<64x256xf32>
    %div3A_3072 = arith.divf %exp3A_3067, %div3A_3071 : vector<64x256xf32>
    %convert_element_type3A_3073 = arith.truncf %div3A_3072 : vector<64x256xf32> to vector<64x256xbf16>
    %mul3A_3074 = arith.constant 0.102062076 : f32
    %mul3A_3075 = vector.broadcast %mul3A_3074 : f32 to vector<64x256xf32>
    %mul3A_3076 = arith.mulf %dot_general3A_2298, %mul3A_3075 : vector<64x256xf32>
    %reduce_max3A_3077 = arith.constant dense<0xFF800000> : vector<64xf32>
    %reduce_max3A_3078 = vector.multi_reduction <maximumf>, %mul3A_3076, %reduce_max3A_3077 [1] : vector<64x256xf32> to vector<64xf32>
    %broadcast_in_dim3A_3079 = vector.shape_cast %reduce_max3A_3078 : vector<64xf32> to vector<64x1xf32>
    %sub3A_3080 = vector.broadcast %broadcast_in_dim3A_3079 : vector<64x1xf32> to vector<64x256xf32>
    %sub3A_3081 = arith.subf %mul3A_3076, %sub3A_3080 : vector<64x256xf32>
    %exp3A_3082 = math.exp %sub3A_3081 : vector<64x256xf32>
    %reduce_sum3A_3083 = arith.constant dense<0.000000e+00> : vector<64xf32>
    %reduce_sum3A_3084 = vector.multi_reduction <add>, %exp3A_3082, %reduce_sum3A_3083 [1] : vector<64x256xf32> to vector<64xf32>
    %broadcast_in_dim3A_3085 = vector.shape_cast %reduce_sum3A_3084 : vector<64xf32> to vector<64x1xf32>
    %div3A_3086 = vector.broadcast %broadcast_in_dim3A_3085 : vector<64x1xf32> to vector<64x256xf32>
    %div3A_3087 = arith.divf %exp3A_3082, %div3A_3086 : vector<64x256xf32>
    %convert_element_type3A_3088 = arith.truncf %div3A_3087 : vector<64x256xf32> to vector<64x256xbf16>
    %mul3A_3089 = arith.constant 0.102062076 : f32
    %mul3A_3090 = vector.broadcast %mul3A_3089 : f32 to vector<64x256xf32>
    %mul3A_3091 = arith.mulf %dot_general3A_2302, %mul3A_3090 : vector<64x256xf32>
    %reduce_max3A_3092 = arith.constant dense<0xFF800000> : vector<64xf32>
    %reduce_max3A_3093 = vector.multi_reduction <maximumf>, %mul3A_3091, %reduce_max3A_3092 [1] : vector<64x256xf32> to vector<64xf32>
    %broadcast_in_dim3A_3094 = vector.shape_cast %reduce_max3A_3093 : vector<64xf32> to vector<64x1xf32>
    %sub3A_3095 = vector.broadcast %broadcast_in_dim3A_3094 : vector<64x1xf32> to vector<64x256xf32>
    %sub3A_3096 = arith.subf %mul3A_3091, %sub3A_3095 : vector<64x256xf32>
    %exp3A_3097 = math.exp %sub3A_3096 : vector<64x256xf32>
    %reduce_sum3A_3098 = arith.constant dense<0.000000e+00> : vector<64xf32>
    %reduce_sum3A_3099 = vector.multi_reduction <add>, %exp3A_3097, %reduce_sum3A_3098 [1] : vector<64x256xf32> to vector<64xf32>
    %broadcast_in_dim3A_3100 = vector.shape_cast %reduce_sum3A_3099 : vector<64xf32> to vector<64x1xf32>
    %div3A_3101 = vector.broadcast %broadcast_in_dim3A_3100 : vector<64x1xf32> to vector<64x256xf32>
    %div3A_3102 = arith.divf %exp3A_3097, %div3A_3101 : vector<64x256xf32>
    %convert_element_type3A_3103 = arith.truncf %div3A_3102 : vector<64x256xf32> to vector<64x256xbf16>
    %mul3A_3104 = arith.constant 0.102062076 : f32
    %mul3A_3105 = vector.broadcast %mul3A_3104 : f32 to vector<64x256xf32>
    %mul3A_3106 = arith.mulf %dot_general3A_2306, %mul3A_3105 : vector<64x256xf32>
    %reduce_max3A_3107 = arith.constant dense<0xFF800000> : vector<64xf32>
    %reduce_max3A_3108 = vector.multi_reduction <maximumf>, %mul3A_3106, %reduce_max3A_3107 [1] : vector<64x256xf32> to vector<64xf32>
    %broadcast_in_dim3A_3109 = vector.shape_cast %reduce_max3A_3108 : vector<64xf32> to vector<64x1xf32>
    %sub3A_3110 = vector.broadcast %broadcast_in_dim3A_3109 : vector<64x1xf32> to vector<64x256xf32>
    %sub3A_3111 = arith.subf %mul3A_3106, %sub3A_3110 : vector<64x256xf32>
    %exp3A_3112 = math.exp %sub3A_3111 : vector<64x256xf32>
    %reduce_sum3A_3113 = arith.constant dense<0.000000e+00> : vector<64xf32>
    %reduce_sum3A_3114 = vector.multi_reduction <add>, %exp3A_3112, %reduce_sum3A_3113 [1] : vector<64x256xf32> to vector<64xf32>
    %broadcast_in_dim3A_3115 = vector.shape_cast %reduce_sum3A_3114 : vector<64xf32> to vector<64x1xf32>
    %div3A_3116 = vector.broadcast %broadcast_in_dim3A_3115 : vector<64x1xf32> to vector<64x256xf32>
    %div3A_3117 = arith.divf %exp3A_3112, %div3A_3116 : vector<64x256xf32>
    %convert_element_type3A_3118 = arith.truncf %div3A_3117 : vector<64x256xf32> to vector<64x256xbf16>
    %mul3A_3119 = arith.constant 0.102062076 : f32
    %mul3A_3120 = vector.broadcast %mul3A_3119 : f32 to vector<64x256xf32>
    %mul3A_3121 = arith.mulf %dot_general3A_2310, %mul3A_3120 : vector<64x256xf32>
    %reduce_max3A_3122 = arith.constant dense<0xFF800000> : vector<64xf32>
    %reduce_max3A_3123 = vector.multi_reduction <maximumf>, %mul3A_3121, %reduce_max3A_3122 [1] : vector<64x256xf32> to vector<64xf32>
    %broadcast_in_dim3A_3124 = vector.shape_cast %reduce_max3A_3123 : vector<64xf32> to vector<64x1xf32>
    %sub3A_3125 = vector.broadcast %broadcast_in_dim3A_3124 : vector<64x1xf32> to vector<64x256xf32>
    %sub3A_3126 = arith.subf %mul3A_3121, %sub3A_3125 : vector<64x256xf32>
    %exp3A_3127 = math.exp %sub3A_3126 : vector<64x256xf32>
    %reduce_sum3A_3128 = arith.constant dense<0.000000e+00> : vector<64xf32>
    %reduce_sum3A_3129 = vector.multi_reduction <add>, %exp3A_3127, %reduce_sum3A_3128 [1] : vector<64x256xf32> to vector<64xf32>
    %broadcast_in_dim3A_3130 = vector.shape_cast %reduce_sum3A_3129 : vector<64xf32> to vector<64x1xf32>
    %div3A_3131 = vector.broadcast %broadcast_in_dim3A_3130 : vector<64x1xf32> to vector<64x256xf32>
    %div3A_3132 = arith.divf %exp3A_3127, %div3A_3131 : vector<64x256xf32>
    %convert_element_type3A_3133 = arith.truncf %div3A_3132 : vector<64x256xf32> to vector<64x256xbf16>
    %mul3A_3134 = arith.constant 0.102062076 : f32
    %mul3A_3135 = vector.broadcast %mul3A_3134 : f32 to vector<64x256xf32>
    %mul3A_3136 = arith.mulf %dot_general3A_2314, %mul3A_3135 : vector<64x256xf32>
    %reduce_max3A_3137 = arith.constant dense<0xFF800000> : vector<64xf32>
    %reduce_max3A_3138 = vector.multi_reduction <maximumf>, %mul3A_3136, %reduce_max3A_3137 [1] : vector<64x256xf32> to vector<64xf32>
    %broadcast_in_dim3A_3139 = vector.shape_cast %reduce_max3A_3138 : vector<64xf32> to vector<64x1xf32>
    %sub3A_3140 = vector.broadcast %broadcast_in_dim3A_3139 : vector<64x1xf32> to vector<64x256xf32>
    %sub3A_3141 = arith.subf %mul3A_3136, %sub3A_3140 : vector<64x256xf32>
    %exp3A_3142 = math.exp %sub3A_3141 : vector<64x256xf32>
    %reduce_sum3A_3143 = arith.constant dense<0.000000e+00> : vector<64xf32>
    %reduce_sum3A_3144 = vector.multi_reduction <add>, %exp3A_3142, %reduce_sum3A_3143 [1] : vector<64x256xf32> to vector<64xf32>
    %broadcast_in_dim3A_3145 = vector.shape_cast %reduce_sum3A_3144 : vector<64xf32> to vector<64x1xf32>
    %div3A_3146 = vector.broadcast %broadcast_in_dim3A_3145 : vector<64x1xf32> to vector<64x256xf32>
    %div3A_3147 = arith.divf %exp3A_3142, %div3A_3146 : vector<64x256xf32>
    %convert_element_type3A_3148 = arith.truncf %div3A_3147 : vector<64x256xf32> to vector<64x256xbf16>
    %mul3A_3149 = arith.constant 0.102062076 : f32
    %mul3A_3150 = vector.broadcast %mul3A_3149 : f32 to vector<64x256xf32>
    %mul3A_3151 = arith.mulf %dot_general3A_2318, %mul3A_3150 : vector<64x256xf32>
    %reduce_max3A_3152 = arith.constant dense<0xFF800000> : vector<64xf32>
    %reduce_max3A_3153 = vector.multi_reduction <maximumf>, %mul3A_3151, %reduce_max3A_3152 [1] : vector<64x256xf32> to vector<64xf32>
    %broadcast_in_dim3A_3154 = vector.shape_cast %reduce_max3A_3153 : vector<64xf32> to vector<64x1xf32>
    %sub3A_3155 = vector.broadcast %broadcast_in_dim3A_3154 : vector<64x1xf32> to vector<64x256xf32>
    %sub3A_3156 = arith.subf %mul3A_3151, %sub3A_3155 : vector<64x256xf32>
    %exp3A_3157 = math.exp %sub3A_3156 : vector<64x256xf32>
    %reduce_sum3A_3158 = arith.constant dense<0.000000e+00> : vector<64xf32>
    %reduce_sum3A_3159 = vector.multi_reduction <add>, %exp3A_3157, %reduce_sum3A_3158 [1] : vector<64x256xf32> to vector<64xf32>
    %broadcast_in_dim3A_3160 = vector.shape_cast %reduce_sum3A_3159 : vector<64xf32> to vector<64x1xf32>
    %div3A_3161 = vector.broadcast %broadcast_in_dim3A_3160 : vector<64x1xf32> to vector<64x256xf32>
    %div3A_3162 = arith.divf %exp3A_3157, %div3A_3161 : vector<64x256xf32>
    %convert_element_type3A_3163 = arith.truncf %div3A_3162 : vector<64x256xf32> to vector<64x256xbf16>
    %mul3A_3164 = arith.constant 0.102062076 : f32
    %mul3A_3165 = vector.broadcast %mul3A_3164 : f32 to vector<64x256xf32>
    %mul3A_3166 = arith.mulf %dot_general3A_2322, %mul3A_3165 : vector<64x256xf32>
    %reduce_max3A_3167 = arith.constant dense<0xFF800000> : vector<64xf32>
    %reduce_max3A_3168 = vector.multi_reduction <maximumf>, %mul3A_3166, %reduce_max3A_3167 [1] : vector<64x256xf32> to vector<64xf32>
    %broadcast_in_dim3A_3169 = vector.shape_cast %reduce_max3A_3168 : vector<64xf32> to vector<64x1xf32>
    %sub3A_3170 = vector.broadcast %broadcast_in_dim3A_3169 : vector<64x1xf32> to vector<64x256xf32>
    %sub3A_3171 = arith.subf %mul3A_3166, %sub3A_3170 : vector<64x256xf32>
    %exp3A_3172 = math.exp %sub3A_3171 : vector<64x256xf32>
    %reduce_sum3A_3173 = arith.constant dense<0.000000e+00> : vector<64xf32>
    %reduce_sum3A_3174 = vector.multi_reduction <add>, %exp3A_3172, %reduce_sum3A_3173 [1] : vector<64x256xf32> to vector<64xf32>
    %broadcast_in_dim3A_3175 = vector.shape_cast %reduce_sum3A_3174 : vector<64xf32> to vector<64x1xf32>
    %div3A_3176 = vector.broadcast %broadcast_in_dim3A_3175 : vector<64x1xf32> to vector<64x256xf32>
    %div3A_3177 = arith.divf %exp3A_3172, %div3A_3176 : vector<64x256xf32>
    %convert_element_type3A_3178 = arith.truncf %div3A_3177 : vector<64x256xf32> to vector<64x256xbf16>
    %mul3A_3179 = arith.constant 0.102062076 : f32
    %mul3A_3180 = vector.broadcast %mul3A_3179 : f32 to vector<64x256xf32>
    %mul3A_3181 = arith.mulf %dot_general3A_2326, %mul3A_3180 : vector<64x256xf32>
    %reduce_max3A_3182 = arith.constant dense<0xFF800000> : vector<64xf32>
    %reduce_max3A_3183 = vector.multi_reduction <maximumf>, %mul3A_3181, %reduce_max3A_3182 [1] : vector<64x256xf32> to vector<64xf32>
    %broadcast_in_dim3A_3184 = vector.shape_cast %reduce_max3A_3183 : vector<64xf32> to vector<64x1xf32>
    %sub3A_3185 = vector.broadcast %broadcast_in_dim3A_3184 : vector<64x1xf32> to vector<64x256xf32>
    %sub3A_3186 = arith.subf %mul3A_3181, %sub3A_3185 : vector<64x256xf32>
    %exp3A_3187 = math.exp %sub3A_3186 : vector<64x256xf32>
    %reduce_sum3A_3188 = arith.constant dense<0.000000e+00> : vector<64xf32>
    %reduce_sum3A_3189 = vector.multi_reduction <add>, %exp3A_3187, %reduce_sum3A_3188 [1] : vector<64x256xf32> to vector<64xf32>
    %broadcast_in_dim3A_3190 = vector.shape_cast %reduce_sum3A_3189 : vector<64xf32> to vector<64x1xf32>
    %div3A_3191 = vector.broadcast %broadcast_in_dim3A_3190 : vector<64x1xf32> to vector<64x256xf32>
    %div3A_3192 = arith.divf %exp3A_3187, %div3A_3191 : vector<64x256xf32>
    %convert_element_type3A_3193 = arith.truncf %div3A_3192 : vector<64x256xf32> to vector<64x256xbf16>
    %mul3A_3194 = arith.constant 0.102062076 : f32
    %mul3A_3195 = vector.broadcast %mul3A_3194 : f32 to vector<64x256xf32>
    %mul3A_3196 = arith.mulf %dot_general3A_2330, %mul3A_3195 : vector<64x256xf32>
    %reduce_max3A_3197 = arith.constant dense<0xFF800000> : vector<64xf32>
    %reduce_max3A_3198 = vector.multi_reduction <maximumf>, %mul3A_3196, %reduce_max3A_3197 [1] : vector<64x256xf32> to vector<64xf32>
    %broadcast_in_dim3A_3199 = vector.shape_cast %reduce_max3A_3198 : vector<64xf32> to vector<64x1xf32>
    %sub3A_3200 = vector.broadcast %broadcast_in_dim3A_3199 : vector<64x1xf32> to vector<64x256xf32>
    %sub3A_3201 = arith.subf %mul3A_3196, %sub3A_3200 : vector<64x256xf32>
    %exp3A_3202 = math.exp %sub3A_3201 : vector<64x256xf32>
    %reduce_sum3A_3203 = arith.constant dense<0.000000e+00> : vector<64xf32>
    %reduce_sum3A_3204 = vector.multi_reduction <add>, %exp3A_3202, %reduce_sum3A_3203 [1] : vector<64x256xf32> to vector<64xf32>
    %broadcast_in_dim3A_3205 = vector.shape_cast %reduce_sum3A_3204 : vector<64xf32> to vector<64x1xf32>
    %div3A_3206 = vector.broadcast %broadcast_in_dim3A_3205 : vector<64x1xf32> to vector<64x256xf32>
    %div3A_3207 = arith.divf %exp3A_3202, %div3A_3206 : vector<64x256xf32>
    %convert_element_type3A_3208 = arith.truncf %div3A_3207 : vector<64x256xf32> to vector<64x256xbf16>
    %mul3A_3209 = arith.constant 0.102062076 : f32
    %mul3A_3210 = vector.broadcast %mul3A_3209 : f32 to vector<64x256xf32>
    %mul3A_3211 = arith.mulf %dot_general3A_2334, %mul3A_3210 : vector<64x256xf32>
    %reduce_max3A_3212 = arith.constant dense<0xFF800000> : vector<64xf32>
    %reduce_max3A_3213 = vector.multi_reduction <maximumf>, %mul3A_3211, %reduce_max3A_3212 [1] : vector<64x256xf32> to vector<64xf32>
    %broadcast_in_dim3A_3214 = vector.shape_cast %reduce_max3A_3213 : vector<64xf32> to vector<64x1xf32>
    %sub3A_3215 = vector.broadcast %broadcast_in_dim3A_3214 : vector<64x1xf32> to vector<64x256xf32>
    %sub3A_3216 = arith.subf %mul3A_3211, %sub3A_3215 : vector<64x256xf32>
    %exp3A_3217 = math.exp %sub3A_3216 : vector<64x256xf32>
    %reduce_sum3A_3218 = arith.constant dense<0.000000e+00> : vector<64xf32>
    %reduce_sum3A_3219 = vector.multi_reduction <add>, %exp3A_3217, %reduce_sum3A_3218 [1] : vector<64x256xf32> to vector<64xf32>
    %broadcast_in_dim3A_3220 = vector.shape_cast %reduce_sum3A_3219 : vector<64xf32> to vector<64x1xf32>
    %div3A_3221 = vector.broadcast %broadcast_in_dim3A_3220 : vector<64x1xf32> to vector<64x256xf32>
    %div3A_3222 = arith.divf %exp3A_3217, %div3A_3221 : vector<64x256xf32>
    %convert_element_type3A_3223 = arith.truncf %div3A_3222 : vector<64x256xf32> to vector<64x256xbf16>
    %mul3A_3224 = arith.constant 0.102062076 : f32
    %mul3A_3225 = vector.broadcast %mul3A_3224 : f32 to vector<64x256xf32>
    %mul3A_3226 = arith.mulf %dot_general3A_2338, %mul3A_3225 : vector<64x256xf32>
    %reduce_max3A_3227 = arith.constant dense<0xFF800000> : vector<64xf32>
    %reduce_max3A_3228 = vector.multi_reduction <maximumf>, %mul3A_3226, %reduce_max3A_3227 [1] : vector<64x256xf32> to vector<64xf32>
    %broadcast_in_dim3A_3229 = vector.shape_cast %reduce_max3A_3228 : vector<64xf32> to vector<64x1xf32>
    %sub3A_3230 = vector.broadcast %broadcast_in_dim3A_3229 : vector<64x1xf32> to vector<64x256xf32>
    %sub3A_3231 = arith.subf %mul3A_3226, %sub3A_3230 : vector<64x256xf32>
    %exp3A_3232 = math.exp %sub3A_3231 : vector<64x256xf32>
    %reduce_sum3A_3233 = arith.constant dense<0.000000e+00> : vector<64xf32>
    %reduce_sum3A_3234 = vector.multi_reduction <add>, %exp3A_3232, %reduce_sum3A_3233 [1] : vector<64x256xf32> to vector<64xf32>
    %broadcast_in_dim3A_3235 = vector.shape_cast %reduce_sum3A_3234 : vector<64xf32> to vector<64x1xf32>
    %div3A_3236 = vector.broadcast %broadcast_in_dim3A_3235 : vector<64x1xf32> to vector<64x256xf32>
    %div3A_3237 = arith.divf %exp3A_3232, %div3A_3236 : vector<64x256xf32>
    %convert_element_type3A_3238 = arith.truncf %div3A_3237 : vector<64x256xf32> to vector<64x256xbf16>
    %mul3A_3239 = arith.constant 0.102062076 : f32
    %mul3A_3240 = vector.broadcast %mul3A_3239 : f32 to vector<64x256xf32>
    %mul3A_3241 = arith.mulf %dot_general3A_2342, %mul3A_3240 : vector<64x256xf32>
    %reduce_max3A_3242 = arith.constant dense<0xFF800000> : vector<64xf32>
    %reduce_max3A_3243 = vector.multi_reduction <maximumf>, %mul3A_3241, %reduce_max3A_3242 [1] : vector<64x256xf32> to vector<64xf32>
    %broadcast_in_dim3A_3244 = vector.shape_cast %reduce_max3A_3243 : vector<64xf32> to vector<64x1xf32>
    %sub3A_3245 = vector.broadcast %broadcast_in_dim3A_3244 : vector<64x1xf32> to vector<64x256xf32>
    %sub3A_3246 = arith.subf %mul3A_3241, %sub3A_3245 : vector<64x256xf32>
    %exp3A_3247 = math.exp %sub3A_3246 : vector<64x256xf32>
    %reduce_sum3A_3248 = arith.constant dense<0.000000e+00> : vector<64xf32>
    %reduce_sum3A_3249 = vector.multi_reduction <add>, %exp3A_3247, %reduce_sum3A_3248 [1] : vector<64x256xf32> to vector<64xf32>
    %broadcast_in_dim3A_3250 = vector.shape_cast %reduce_sum3A_3249 : vector<64xf32> to vector<64x1xf32>
    %div3A_3251 = vector.broadcast %broadcast_in_dim3A_3250 : vector<64x1xf32> to vector<64x256xf32>
    %div3A_3252 = arith.divf %exp3A_3247, %div3A_3251 : vector<64x256xf32>
    %convert_element_type3A_3253 = arith.truncf %div3A_3252 : vector<64x256xf32> to vector<64x256xbf16>
    %mul3A_3254 = arith.constant 0.102062076 : f32
    %mul3A_3255 = vector.broadcast %mul3A_3254 : f32 to vector<64x256xf32>
    %mul3A_3256 = arith.mulf %dot_general3A_2346, %mul3A_3255 : vector<64x256xf32>
    %reduce_max3A_3257 = arith.constant dense<0xFF800000> : vector<64xf32>
    %reduce_max3A_3258 = vector.multi_reduction <maximumf>, %mul3A_3256, %reduce_max3A_3257 [1] : vector<64x256xf32> to vector<64xf32>
    %broadcast_in_dim3A_3259 = vector.shape_cast %reduce_max3A_3258 : vector<64xf32> to vector<64x1xf32>
    %sub3A_3260 = vector.broadcast %broadcast_in_dim3A_3259 : vector<64x1xf32> to vector<64x256xf32>
    %sub3A_3261 = arith.subf %mul3A_3256, %sub3A_3260 : vector<64x256xf32>
    %exp3A_3262 = math.exp %sub3A_3261 : vector<64x256xf32>
    %reduce_sum3A_3263 = arith.constant dense<0.000000e+00> : vector<64xf32>
    %reduce_sum3A_3264 = vector.multi_reduction <add>, %exp3A_3262, %reduce_sum3A_3263 [1] : vector<64x256xf32> to vector<64xf32>
    %broadcast_in_dim3A_3265 = vector.shape_cast %reduce_sum3A_3264 : vector<64xf32> to vector<64x1xf32>
    %div3A_3266 = vector.broadcast %broadcast_in_dim3A_3265 : vector<64x1xf32> to vector<64x256xf32>
    %div3A_3267 = arith.divf %exp3A_3262, %div3A_3266 : vector<64x256xf32>
    %convert_element_type3A_3268 = arith.truncf %div3A_3267 : vector<64x256xf32> to vector<64x256xbf16>
    %mul3A_3269 = arith.constant 0.102062076 : f32
    %mul3A_3270 = vector.broadcast %mul3A_3269 : f32 to vector<64x256xf32>
    %mul3A_3271 = arith.mulf %dot_general3A_2350, %mul3A_3270 : vector<64x256xf32>
    %reduce_max3A_3272 = arith.constant dense<0xFF800000> : vector<64xf32>
    %reduce_max3A_3273 = vector.multi_reduction <maximumf>, %mul3A_3271, %reduce_max3A_3272 [1] : vector<64x256xf32> to vector<64xf32>
    %broadcast_in_dim3A_3274 = vector.shape_cast %reduce_max3A_3273 : vector<64xf32> to vector<64x1xf32>
    %sub3A_3275 = vector.broadcast %broadcast_in_dim3A_3274 : vector<64x1xf32> to vector<64x256xf32>
    %sub3A_3276 = arith.subf %mul3A_3271, %sub3A_3275 : vector<64x256xf32>
    %exp3A_3277 = math.exp %sub3A_3276 : vector<64x256xf32>
    %reduce_sum3A_3278 = arith.constant dense<0.000000e+00> : vector<64xf32>
    %reduce_sum3A_3279 = vector.multi_reduction <add>, %exp3A_3277, %reduce_sum3A_3278 [1] : vector<64x256xf32> to vector<64xf32>
    %broadcast_in_dim3A_3280 = vector.shape_cast %reduce_sum3A_3279 : vector<64xf32> to vector<64x1xf32>
    %div3A_3281 = vector.broadcast %broadcast_in_dim3A_3280 : vector<64x1xf32> to vector<64x256xf32>
    %div3A_3282 = arith.divf %exp3A_3277, %div3A_3281 : vector<64x256xf32>
    %convert_element_type3A_3283 = arith.truncf %div3A_3282 : vector<64x256xf32> to vector<64x256xbf16>
    %mul3A_3284 = arith.constant 0.102062076 : f32
    %mul3A_3285 = vector.broadcast %mul3A_3284 : f32 to vector<64x256xf32>
    %mul3A_3286 = arith.mulf %dot_general3A_2354, %mul3A_3285 : vector<64x256xf32>
    %reduce_max3A_3287 = arith.constant dense<0xFF800000> : vector<64xf32>
    %reduce_max3A_3288 = vector.multi_reduction <maximumf>, %mul3A_3286, %reduce_max3A_3287 [1] : vector<64x256xf32> to vector<64xf32>
    %broadcast_in_dim3A_3289 = vector.shape_cast %reduce_max3A_3288 : vector<64xf32> to vector<64x1xf32>
    %sub3A_3290 = vector.broadcast %broadcast_in_dim3A_3289 : vector<64x1xf32> to vector<64x256xf32>
    %sub3A_3291 = arith.subf %mul3A_3286, %sub3A_3290 : vector<64x256xf32>
    %exp3A_3292 = math.exp %sub3A_3291 : vector<64x256xf32>
    %reduce_sum3A_3293 = arith.constant dense<0.000000e+00> : vector<64xf32>
    %reduce_sum3A_3294 = vector.multi_reduction <add>, %exp3A_3292, %reduce_sum3A_3293 [1] : vector<64x256xf32> to vector<64xf32>
    %broadcast_in_dim3A_3295 = vector.shape_cast %reduce_sum3A_3294 : vector<64xf32> to vector<64x1xf32>
    %div3A_3296 = vector.broadcast %broadcast_in_dim3A_3295 : vector<64x1xf32> to vector<64x256xf32>
    %div3A_3297 = arith.divf %exp3A_3292, %div3A_3296 : vector<64x256xf32>
    %convert_element_type3A_3298 = arith.truncf %div3A_3297 : vector<64x256xf32> to vector<64x256xbf16>
    %mul3A_3299 = arith.constant 0.102062076 : f32
    %mul3A_3300 = vector.broadcast %mul3A_3299 : f32 to vector<64x256xf32>
    %mul3A_3301 = arith.mulf %dot_general3A_2358, %mul3A_3300 : vector<64x256xf32>
    %reduce_max3A_3302 = arith.constant dense<0xFF800000> : vector<64xf32>
    %reduce_max3A_3303 = vector.multi_reduction <maximumf>, %mul3A_3301, %reduce_max3A_3302 [1] : vector<64x256xf32> to vector<64xf32>
    %broadcast_in_dim3A_3304 = vector.shape_cast %reduce_max3A_3303 : vector<64xf32> to vector<64x1xf32>
    %sub3A_3305 = vector.broadcast %broadcast_in_dim3A_3304 : vector<64x1xf32> to vector<64x256xf32>
    %sub3A_3306 = arith.subf %mul3A_3301, %sub3A_3305 : vector<64x256xf32>
    %exp3A_3307 = math.exp %sub3A_3306 : vector<64x256xf32>
    %reduce_sum3A_3308 = arith.constant dense<0.000000e+00> : vector<64xf32>
    %reduce_sum3A_3309 = vector.multi_reduction <add>, %exp3A_3307, %reduce_sum3A_3308 [1] : vector<64x256xf32> to vector<64xf32>
    %broadcast_in_dim3A_3310 = vector.shape_cast %reduce_sum3A_3309 : vector<64xf32> to vector<64x1xf32>
    %div3A_3311 = vector.broadcast %broadcast_in_dim3A_3310 : vector<64x1xf32> to vector<64x256xf32>
    %div3A_3312 = arith.divf %exp3A_3307, %div3A_3311 : vector<64x256xf32>
    %convert_element_type3A_3313 = arith.truncf %div3A_3312 : vector<64x256xf32> to vector<64x256xbf16>
    %slice3A_3314 = vector.extract_strided_slice %concatenate3A_249 {offsets = [0, 0], sizes = [256, 128], strides = [1, 1]} : vector<256x1024xbf16> to vector<256x128xbf16>
    %dot_general3A_3315 = arith.constant dense<0.000000e+00> : vector<64x128xf32>
    %dot_general3A_3316 = tpu.matmul %convert_element_type3A, %slice3A_3314, %dot_general3A_3315 {dimension_numbers = #tpu.dot_dimension_numbers<[1], [0], [0], [1], [0, 0, 1, 1], [], []>, transpose_lhs_hint = false} : vector<64x256xbf16>, vector<256x128xbf16>, vector<64x128xf32> -> vector<64x128xf32>
    %slice3A_3317 = vector.extract_strided_slice %concatenate3A_249 {offsets = [0, 128], sizes = [256, 128], strides = [1, 1]} : vector<256x1024xbf16> to vector<256x128xbf16>
    %dot_general3A_3318 = arith.constant dense<0.000000e+00> : vector<64x128xf32>
    %dot_general3A_3319 = tpu.matmul %convert_element_type3A_2383, %slice3A_3317, %dot_general3A_3318 {dimension_numbers = #tpu.dot_dimension_numbers<[1], [0], [0], [1], [0, 0, 1, 1], [], []>, transpose_lhs_hint = false} : vector<64x256xbf16>, vector<256x128xbf16>, vector<64x128xf32> -> vector<64x128xf32>
    %slice3A_3320 = vector.extract_strided_slice %concatenate3A_249 {offsets = [0, 256], sizes = [256, 128], strides = [1, 1]} : vector<256x1024xbf16> to vector<256x128xbf16>
    %dot_general3A_3321 = arith.constant dense<0.000000e+00> : vector<64x128xf32>
    %dot_general3A_3322 = tpu.matmul %convert_element_type3A_2398, %slice3A_3320, %dot_general3A_3321 {dimension_numbers = #tpu.dot_dimension_numbers<[1], [0], [0], [1], [0, 0, 1, 1], [], []>, transpose_lhs_hint = false} : vector<64x256xbf16>, vector<256x128xbf16>, vector<64x128xf32> -> vector<64x128xf32>
    %slice3A_3323 = vector.extract_strided_slice %concatenate3A_249 {offsets = [0, 384], sizes = [256, 128], strides = [1, 1]} : vector<256x1024xbf16> to vector<256x128xbf16>
    %dot_general3A_3324 = arith.constant dense<0.000000e+00> : vector<64x128xf32>
    %dot_general3A_3325 = tpu.matmul %convert_element_type3A_2413, %slice3A_3323, %dot_general3A_3324 {dimension_numbers = #tpu.dot_dimension_numbers<[1], [0], [0], [1], [0, 0, 1, 1], [], []>, transpose_lhs_hint = false} : vector<64x256xbf16>, vector<256x128xbf16>, vector<64x128xf32> -> vector<64x128xf32>
    %slice3A_3326 = vector.extract_strided_slice %concatenate3A_249 {offsets = [0, 512], sizes = [256, 128], strides = [1, 1]} : vector<256x1024xbf16> to vector<256x128xbf16>
    %dot_general3A_3327 = arith.constant dense<0.000000e+00> : vector<64x128xf32>
    %dot_general3A_3328 = tpu.matmul %convert_element_type3A_2428, %slice3A_3326, %dot_general3A_3327 {dimension_numbers = #tpu.dot_dimension_numbers<[1], [0], [0], [1], [0, 0, 1, 1], [], []>, transpose_lhs_hint = false} : vector<64x256xbf16>, vector<256x128xbf16>, vector<64x128xf32> -> vector<64x128xf32>
    %slice3A_3329 = vector.extract_strided_slice %concatenate3A_249 {offsets = [0, 640], sizes = [256, 128], strides = [1, 1]} : vector<256x1024xbf16> to vector<256x128xbf16>
    %dot_general3A_3330 = arith.constant dense<0.000000e+00> : vector<64x128xf32>
    %dot_general3A_3331 = tpu.matmul %convert_element_type3A_2443, %slice3A_3329, %dot_general3A_3330 {dimension_numbers = #tpu.dot_dimension_numbers<[1], [0], [0], [1], [0, 0, 1, 1], [], []>, transpose_lhs_hint = false} : vector<64x256xbf16>, vector<256x128xbf16>, vector<64x128xf32> -> vector<64x128xf32>
    %slice3A_3332 = vector.extract_strided_slice %concatenate3A_249 {offsets = [0, 768], sizes = [256, 128], strides = [1, 1]} : vector<256x1024xbf16> to vector<256x128xbf16>
    %dot_general3A_3333 = arith.constant dense<0.000000e+00> : vector<64x128xf32>
    %dot_general3A_3334 = tpu.matmul %convert_element_type3A_2458, %slice3A_3332, %dot_general3A_3333 {dimension_numbers = #tpu.dot_dimension_numbers<[1], [0], [0], [1], [0, 0, 1, 1], [], []>, transpose_lhs_hint = false} : vector<64x256xbf16>, vector<256x128xbf16>, vector<64x128xf32> -> vector<64x128xf32>
    %slice3A_3335 = vector.extract_strided_slice %concatenate3A_249 {offsets = [0, 896], sizes = [256, 128], strides = [1, 1]} : vector<256x1024xbf16> to vector<256x128xbf16>
    %dot_general3A_3336 = arith.constant dense<0.000000e+00> : vector<64x128xf32>
    %dot_general3A_3337 = tpu.matmul %convert_element_type3A_2473, %slice3A_3335, %dot_general3A_3336 {dimension_numbers = #tpu.dot_dimension_numbers<[1], [0], [0], [1], [0, 0, 1, 1], [], []>, transpose_lhs_hint = false} : vector<64x256xbf16>, vector<256x128xbf16>, vector<64x128xf32> -> vector<64x128xf32>
    %concatenate3A_3338 = tpu.concatenate %dot_general3A_3316, %dot_general3A_3319, %dot_general3A_3322, %dot_general3A_3325, %dot_general3A_3328, %dot_general3A_3331, %dot_general3A_3334, %dot_general3A_3337 in 1 : vector<64x128xf32>, vector<64x128xf32>, vector<64x128xf32>, vector<64x128xf32>, vector<64x128xf32>, vector<64x128xf32>, vector<64x128xf32>, vector<64x128xf32> -> vector<64x1024xf32>
    %convert_element_type3A_3339 = arith.truncf %concatenate3A_3338 : vector<64x1024xf32> to vector<64x1024xbf16>
    %reshape3A_3340 = vector.shape_cast %convert_element_type3A_3339 : vector<64x1024xbf16> to vector<8x8x1024xbf16>
    %swap3A = arith.constant 0 : index
    %swap3A_3341 = arith.constant 0 : index
    %swap3A_3342 = arith.constant 0 : index
    %swap3A_3343 = arith.constant 0 : index
    %swap3A_3344 = arith.constant 0 : index
    %swap3A_3345 = arith.constant 0 : index
    %swap3A_3346 = vector.load %arg6[%swap3A, %swap3A_3341, %swap3A_3342, %swap3A_3343, %swap3A_3344, %swap3A_3345] : memref<1x2x8x4x8x1024xbf16, #tpu.memory_space<vmem>>, vector<1x1x8x1x8x1024xbf16>
    %swap3A_3347 = vector.shape_cast %swap3A_3346 : vector<1x1x8x1x8x1024xbf16> to vector<8x8x1024xbf16>
    %swap3A_3348 = vector.shape_cast %reshape3A_3340 : vector<8x8x1024xbf16> to vector<1x1x8x1x8x1024xbf16>
    tpu.vector_store %arg6[%swap3A, %swap3A_3341, %swap3A_3342, %swap3A_3343, %swap3A_3344, %swap3A_3345], %swap3A_3348 {strides = array<i32>} : memref<1x2x8x4x8x1024xbf16, #tpu.memory_space<vmem>>, vector<1x1x8x1x8x1024xbf16>,
    %slice3A_3349 = vector.extract_strided_slice %concatenate3A_514 {offsets = [0, 0], sizes = [256, 128], strides = [1, 1]} : vector<256x1024xbf16> to vector<256x128xbf16>
    %dot_general3A_3350 = arith.constant dense<0.000000e+00> : vector<64x128xf32>
    %dot_general3A_3351 = tpu.matmul %convert_element_type3A_2488, %slice3A_3349, %dot_general3A_3350 {dimension_numbers = #tpu.dot_dimension_numbers<[1], [0], [0], [1], [0, 0, 1, 1], [], []>, transpose_lhs_hint = false} : vector<64x256xbf16>, vector<256x128xbf16>, vector<64x128xf32> -> vector<64x128xf32>
    %slice3A_3352 = vector.extract_strided_slice %concatenate3A_514 {offsets = [0, 128], sizes = [256, 128], strides = [1, 1]} : vector<256x1024xbf16> to vector<256x128xbf16>
    %dot_general3A_3353 = arith.constant dense<0.000000e+00> : vector<64x128xf32>
    %dot_general3A_3354 = tpu.matmul %convert_element_type3A_2503, %slice3A_3352, %dot_general3A_3353 {dimension_numbers = #tpu.dot_dimension_numbers<[1], [0], [0], [1], [0, 0, 1, 1], [], []>, transpose_lhs_hint = false} : vector<64x256xbf16>, vector<256x128xbf16>, vector<64x128xf32> -> vector<64x128xf32>
    %slice3A_3355 = vector.extract_strided_slice %concatenate3A_514 {offsets = [0, 256], sizes = [256, 128], strides = [1, 1]} : vector<256x1024xbf16> to vector<256x128xbf16>
    %dot_general3A_3356 = arith.constant dense<0.000000e+00> : vector<64x128xf32>
    %dot_general3A_3357 = tpu.matmul %convert_element_type3A_2518, %slice3A_3355, %dot_general3A_3356 {dimension_numbers = #tpu.dot_dimension_numbers<[1], [0], [0], [1], [0, 0, 1, 1], [], []>, transpose_lhs_hint = false} : vector<64x256xbf16>, vector<256x128xbf16>, vector<64x128xf32> -> vector<64x128xf32>
    %slice3A_3358 = vector.extract_strided_slice %concatenate3A_514 {offsets = [0, 384], sizes = [256, 128], strides = [1, 1]} : vector<256x1024xbf16> to vector<256x128xbf16>
    %dot_general3A_3359 = arith.constant dense<0.000000e+00> : vector<64x128xf32>
    %dot_general3A_3360 = tpu.matmul %convert_element_type3A_2533, %slice3A_3358, %dot_general3A_3359 {dimension_numbers = #tpu.dot_dimension_numbers<[1], [0], [0], [1], [0, 0, 1, 1], [], []>, transpose_lhs_hint = false} : vector<64x256xbf16>, vector<256x128xbf16>, vector<64x128xf32> -> vector<64x128xf32>
    %slice3A_3361 = vector.extract_strided_slice %concatenate3A_514 {offsets = [0, 512], sizes = [256, 128], strides = [1, 1]} : vector<256x1024xbf16> to vector<256x128xbf16>
    %dot_general3A_3362 = arith.constant dense<0.000000e+00> : vector<64x128xf32>
    %dot_general3A_3363 = tpu.matmul %convert_element_type3A_2548, %slice3A_3361, %dot_general3A_3362 {dimension_numbers = #tpu.dot_dimension_numbers<[1], [0], [0], [1], [0, 0, 1, 1], [], []>, transpose_lhs_hint = false} : vector<64x256xbf16>, vector<256x128xbf16>, vector<64x128xf32> -> vector<64x128xf32>
    %slice3A_3364 = vector.extract_strided_slice %concatenate3A_514 {offsets = [0, 640], sizes = [256, 128], strides = [1, 1]} : vector<256x1024xbf16> to vector<256x128xbf16>
    %dot_general3A_3365 = arith.constant dense<0.000000e+00> : vector<64x128xf32>
    %dot_general3A_3366 = tpu.matmul %convert_element_type3A_2563, %slice3A_3364, %dot_general3A_3365 {dimension_numbers = #tpu.dot_dimension_numbers<[1], [0], [0], [1], [0, 0, 1, 1], [], []>, transpose_lhs_hint = false} : vector<64x256xbf16>, vector<256x128xbf16>, vector<64x128xf32> -> vector<64x128xf32>
    %slice3A_3367 = vector.extract_strided_slice %concatenate3A_514 {offsets = [0, 768], sizes = [256, 128], strides = [1, 1]} : vector<256x1024xbf16> to vector<256x128xbf16>
    %dot_general3A_3368 = arith.constant dense<0.000000e+00> : vector<64x128xf32>
    %dot_general3A_3369 = tpu.matmul %convert_element_type3A_2578, %slice3A_3367, %dot_general3A_3368 {dimension_numbers = #tpu.dot_dimension_numbers<[1], [0], [0], [1], [0, 0, 1, 1], [], []>, transpose_lhs_hint = false} : vector<64x256xbf16>, vector<256x128xbf16>, vector<64x128xf32> -> vector<64x128xf32>
    %slice3A_3370 = vector.extract_strided_slice %concatenate3A_514 {offsets = [0, 896], sizes = [256, 128], strides = [1, 1]} : vector<256x1024xbf16> to vector<256x128xbf16>
    %dot_general3A_3371 = arith.constant dense<0.000000e+00> : vector<64x128xf32>
    %dot_general3A_3372 = tpu.matmul %convert_element_type3A_2593, %slice3A_3370, %dot_general3A_3371 {dimension_numbers = #tpu.dot_dimension_numbers<[1], [0], [0], [1], [0, 0, 1, 1], [], []>, transpose_lhs_hint = false} : vector<64x256xbf16>, vector<256x128xbf16>, vector<64x128xf32> -> vector<64x128xf32>
    %concatenate3A_3373 = tpu.concatenate %dot_general3A_3351, %dot_general3A_3354, %dot_general3A_3357, %dot_general3A_3360, %dot_general3A_3363, %dot_general3A_3366, %dot_general3A_3369, %dot_general3A_3372 in 1 : vector<64x128xf32>, vector<64x128xf32>, vector<64x128xf32>, vector<64x128xf32>, vector<64x128xf32>, vector<64x128xf32>, vector<64x128xf32>, vector<64x128xf32> -> vector<64x1024xf32>
    %convert_element_type3A_3374 = arith.truncf %concatenate3A_3373 : vector<64x1024xf32> to vector<64x1024xbf16>
    %reshape3A_3375 = vector.shape_cast %convert_element_type3A_3374 : vector<64x1024xbf16> to vector<8x8x1024xbf16>
    %swap3A_3376 = arith.constant 0 : index
    %swap3A_3377 = arith.constant 0 : index
    %swap3A_3378 = arith.constant 0 : index
    %swap3A_3379 = arith.constant 1 : index
    %swap3A_3380 = arith.constant 0 : index
    %swap3A_3381 = arith.constant 0 : index
    %swap3A_3382 = vector.load %arg6[%swap3A_3376, %swap3A_3377, %swap3A_3378, %swap3A_3379, %swap3A_3380, %swap3A_3381] : memref<1x2x8x4x8x1024xbf16, #tpu.memory_space<vmem>>, vector<1x1x8x1x8x1024xbf16>
    %swap3A_3383 = vector.shape_cast %swap3A_3382 : vector<1x1x8x1x8x1024xbf16> to vector<8x8x1024xbf16>
    %swap3A_3384 = vector.shape_cast %reshape3A_3375 : vector<8x8x1024xbf16> to vector<1x1x8x1x8x1024xbf16>
    tpu.vector_store %arg6[%swap3A_3376, %swap3A_3377, %swap3A_3378, %swap3A_3379, %swap3A_3380, %swap3A_3381], %swap3A_3384 {strides = array<i32>} : memref<1x2x8x4x8x1024xbf16, #tpu.memory_space<vmem>>, vector<1x1x8x1x8x1024xbf16>,
    %slice3A_3385 = vector.extract_strided_slice %concatenate3A_779 {offsets = [0, 0], sizes = [256, 128], strides = [1, 1]} : vector<256x1024xbf16> to vector<256x128xbf16>
    %dot_general3A_3386 = arith.constant dense<0.000000e+00> : vector<64x128xf32>
    %dot_general3A_3387 = tpu.matmul %convert_element_type3A_2608, %slice3A_3385, %dot_general3A_3386 {dimension_numbers = #tpu.dot_dimension_numbers<[1], [0], [0], [1], [0, 0, 1, 1], [], []>, transpose_lhs_hint = false} : vector<64x256xbf16>, vector<256x128xbf16>, vector<64x128xf32> -> vector<64x128xf32>
    %slice3A_3388 = vector.extract_strided_slice %concatenate3A_779 {offsets = [0, 128], sizes = [256, 128], strides = [1, 1]} : vector<256x1024xbf16> to vector<256x128xbf16>
    %dot_general3A_3389 = arith.constant dense<0.000000e+00> : vector<64x128xf32>
    %dot_general3A_3390 = tpu.matmul %convert_element_type3A_2623, %slice3A_3388, %dot_general3A_3389 {dimension_numbers = #tpu.dot_dimension_numbers<[1], [0], [0], [1], [0, 0, 1, 1], [], []>, transpose_lhs_hint = false} : vector<64x256xbf16>, vector<256x128xbf16>, vector<64x128xf32> -> vector<64x128xf32>
    %slice3A_3391 = vector.extract_strided_slice %concatenate3A_779 {offsets = [0, 256], sizes = [256, 128], strides = [1, 1]} : vector<256x1024xbf16> to vector<256x128xbf16>
    %dot_general3A_3392 = arith.constant dense<0.000000e+00> : vector<64x128xf32>
    %dot_general3A_3393 = tpu.matmul %convert_element_type3A_2638, %slice3A_3391, %dot_general3A_3392 {dimension_numbers = #tpu.dot_dimension_numbers<[1], [0], [0], [1], [0, 0, 1, 1], [], []>, transpose_lhs_hint = false} : vector<64x256xbf16>, vector<256x128xbf16>, vector<64x128xf32> -> vector<64x128xf32>
    %slice3A_3394 = vector.extract_strided_slice %concatenate3A_779 {offsets = [0, 384], sizes = [256, 128], strides = [1, 1]} : vector<256x1024xbf16> to vector<256x128xbf16>
    %dot_general3A_3395 = arith.constant dense<0.000000e+00> : vector<64x128xf32>
    %dot_general3A_3396 = tpu.matmul %convert_element_type3A_2653, %slice3A_3394, %dot_general3A_3395 {dimension_numbers = #tpu.dot_dimension_numbers<[1], [0], [0], [1], [0, 0, 1, 1], [], []>, transpose_lhs_hint = false} : vector<64x256xbf16>, vector<256x128xbf16>, vector<64x128xf32> -> vector<64x128xf32>
    %slice3A_3397 = vector.extract_strided_slice %concatenate3A_779 {offsets = [0, 512], sizes = [256, 128], strides = [1, 1]} : vector<256x1024xbf16> to vector<256x128xbf16>
    %dot_general3A_3398 = arith.constant dense<0.000000e+00> : vector<64x128xf32>
    %dot_general3A_3399 = tpu.matmul %convert_element_type3A_2668, %slice3A_3397, %dot_general3A_3398 {dimension_numbers = #tpu.dot_dimension_numbers<[1], [0], [0], [1], [0, 0, 1, 1], [], []>, transpose_lhs_hint = false} : vector<64x256xbf16>, vector<256x128xbf16>, vector<64x128xf32> -> vector<64x128xf32>
    %slice3A_3400 = vector.extract_strided_slice %concatenate3A_779 {offsets = [0, 640], sizes = [256, 128], strides = [1, 1]} : vector<256x1024xbf16> to vector<256x128xbf16>
    %dot_general3A_3401 = arith.constant dense<0.000000e+00> : vector<64x128xf32>
    %dot_general3A_3402 = tpu.matmul %convert_element_type3A_2683, %slice3A_3400, %dot_general3A_3401 {dimension_numbers = #tpu.dot_dimension_numbers<[1], [0], [0], [1], [0, 0, 1, 1], [], []>, transpose_lhs_hint = false} : vector<64x256xbf16>, vector<256x128xbf16>, vector<64x128xf32> -> vector<64x128xf32>
    %slice3A_3403 = vector.extract_strided_slice %concatenate3A_779 {offsets = [0, 768], sizes = [256, 128], strides = [1, 1]} : vector<256x1024xbf16> to vector<256x128xbf16>
    %dot_general3A_3404 = arith.constant dense<0.000000e+00> : vector<64x128xf32>
    %dot_general3A_3405 = tpu.matmul %convert_element_type3A_2698, %slice3A_3403, %dot_general3A_3404 {dimension_numbers = #tpu.dot_dimension_numbers<[1], [0], [0], [1], [0, 0, 1, 1], [], []>, transpose_lhs_hint = false} : vector<64x256xbf16>, vector<256x128xbf16>, vector<64x128xf32> -> vector<64x128xf32>
    %slice3A_3406 = vector.extract_strided_slice %concatenate3A_779 {offsets = [0, 896], sizes = [256, 128], strides = [1, 1]} : vector<256x1024xbf16> to vector<256x128xbf16>
    %dot_general3A_3407 = arith.constant dense<0.000000e+00> : vector<64x128xf32>
    %dot_general3A_3408 = tpu.matmul %convert_element_type3A_2713, %slice3A_3406, %dot_general3A_3407 {dimension_numbers = #tpu.dot_dimension_numbers<[1], [0], [0], [1], [0, 0, 1, 1], [], []>, transpose_lhs_hint = false} : vector<64x256xbf16>, vector<256x128xbf16>, vector<64x128xf32> -> vector<64x128xf32>
    %concatenate3A_3409 = tpu.concatenate %dot_general3A_3387, %dot_general3A_3390, %dot_general3A_3393, %dot_general3A_3396, %dot_general3A_3399, %dot_general3A_3402, %dot_general3A_3405, %dot_general3A_3408 in 1 : vector<64x128xf32>, vector<64x128xf32>, vector<64x128xf32>, vector<64x128xf32>, vector<64x128xf32>, vector<64x128xf32>, vector<64x128xf32>, vector<64x128xf32> -> vector<64x1024xf32>
    %convert_element_type3A_3410 = arith.truncf %concatenate3A_3409 : vector<64x1024xf32> to vector<64x1024xbf16>
    %reshape3A_3411 = vector.shape_cast %convert_element_type3A_3410 : vector<64x1024xbf16> to vector<8x8x1024xbf16>
    %swap3A_3412 = arith.constant 0 : index
    %swap3A_3413 = arith.constant 0 : index
    %swap3A_3414 = arith.constant 0 : index
    %swap3A_3415 = arith.constant 2 : index
    %swap3A_3416 = arith.constant 0 : index
    %swap3A_3417 = arith.constant 0 : index
    %swap3A_3418 = vector.load %arg6[%swap3A_3412, %swap3A_3413, %swap3A_3414, %swap3A_3415, %swap3A_3416, %swap3A_3417] : memref<1x2x8x4x8x1024xbf16, #tpu.memory_space<vmem>>, vector<1x1x8x1x8x1024xbf16>
    %swap3A_3419 = vector.shape_cast %swap3A_3418 : vector<1x1x8x1x8x1024xbf16> to vector<8x8x1024xbf16>
    %swap3A_3420 = vector.shape_cast %reshape3A_3411 : vector<8x8x1024xbf16> to vector<1x1x8x1x8x1024xbf16>
    tpu.vector_store %arg6[%swap3A_3412, %swap3A_3413, %swap3A_3414, %swap3A_3415, %swap3A_3416, %swap3A_3417], %swap3A_3420 {strides = array<i32>} : memref<1x2x8x4x8x1024xbf16, #tpu.memory_space<vmem>>, vector<1x1x8x1x8x1024xbf16>,
    %slice3A_3421 = vector.extract_strided_slice %concatenate3A_1044 {offsets = [0, 0], sizes = [256, 128], strides = [1, 1]} : vector<256x1024xbf16> to vector<256x128xbf16>
    %dot_general3A_3422 = arith.constant dense<0.000000e+00> : vector<64x128xf32>
    %dot_general3A_3423 = tpu.matmul %convert_element_type3A_2728, %slice3A_3421, %dot_general3A_3422 {dimension_numbers = #tpu.dot_dimension_numbers<[1], [0], [0], [1], [0, 0, 1, 1], [], []>, transpose_lhs_hint = false} : vector<64x256xbf16>, vector<256x128xbf16>, vector<64x128xf32> -> vector<64x128xf32>
    %slice3A_3424 = vector.extract_strided_slice %concatenate3A_1044 {offsets = [0, 128], sizes = [256, 128], strides = [1, 1]} : vector<256x1024xbf16> to vector<256x128xbf16>
    %dot_general3A_3425 = arith.constant dense<0.000000e+00> : vector<64x128xf32>
    %dot_general3A_3426 = tpu.matmul %convert_element_type3A_2743, %slice3A_3424, %dot_general3A_3425 {dimension_numbers = #tpu.dot_dimension_numbers<[1], [0], [0], [1], [0, 0, 1, 1], [], []>, transpose_lhs_hint = false} : vector<64x256xbf16>, vector<256x128xbf16>, vector<64x128xf32> -> vector<64x128xf32>
    %slice3A_3427 = vector.extract_strided_slice %concatenate3A_1044 {offsets = [0, 256], sizes = [256, 128], strides = [1, 1]} : vector<256x1024xbf16> to vector<256x128xbf16>
    %dot_general3A_3428 = arith.constant dense<0.000000e+00> : vector<64x128xf32>
    %dot_general3A_3429 = tpu.matmul %convert_element_type3A_2758, %slice3A_3427, %dot_general3A_3428 {dimension_numbers = #tpu.dot_dimension_numbers<[1], [0], [0], [1], [0, 0, 1, 1], [], []>, transpose_lhs_hint = false} : vector<64x256xbf16>, vector<256x128xbf16>, vector<64x128xf32> -> vector<64x128xf32>
    %slice3A_3430 = vector.extract_strided_slice %concatenate3A_1044 {offsets = [0, 384], sizes = [256, 128], strides = [1, 1]} : vector<256x1024xbf16> to vector<256x128xbf16>
    %dot_general3A_3431 = arith.constant dense<0.000000e+00> : vector<64x128xf32>
    %dot_general3A_3432 = tpu.matmul %convert_element_type3A_2773, %slice3A_3430, %dot_general3A_3431 {dimension_numbers = #tpu.dot_dimension_numbers<[1], [0], [0], [1], [0, 0, 1, 1], [], []>, transpose_lhs_hint = false} : vector<64x256xbf16>, vector<256x128xbf16>, vector<64x128xf32> -> vector<64x128xf32>
    %slice3A_3433 = vector.extract_strided_slice %concatenate3A_1044 {offsets = [0, 512], sizes = [256, 128], strides = [1, 1]} : vector<256x1024xbf16> to vector<256x128xbf16>
    %dot_general3A_3434 = arith.constant dense<0.000000e+00> : vector<64x128xf32>
    %dot_general3A_3435 = tpu.matmul %convert_element_type3A_2788, %slice3A_3433, %dot_general3A_3434 {dimension_numbers = #tpu.dot_dimension_numbers<[1], [0], [0], [1], [0, 0, 1, 1], [], []>, transpose_lhs_hint = false} : vector<64x256xbf16>, vector<256x128xbf16>, vector<64x128xf32> -> vector<64x128xf32>
    %slice3A_3436 = vector.extract_strided_slice %concatenate3A_1044 {offsets = [0, 640], sizes = [256, 128], strides = [1, 1]} : vector<256x1024xbf16> to vector<256x128xbf16>
    %dot_general3A_3437 = arith.constant dense<0.000000e+00> : vector<64x128xf32>
    %dot_general3A_3438 = tpu.matmul %convert_element_type3A_2803, %slice3A_3436, %dot_general3A_3437 {dimension_numbers = #tpu.dot_dimension_numbers<[1], [0], [0], [1], [0, 0, 1, 1], [], []>, transpose_lhs_hint = false} : vector<64x256xbf16>, vector<256x128xbf16>, vector<64x128xf32> -> vector<64x128xf32>
    %slice3A_3439 = vector.extract_strided_slice %concatenate3A_1044 {offsets = [0, 768], sizes = [256, 128], strides = [1, 1]} : vector<256x1024xbf16> to vector<256x128xbf16>
    %dot_general3A_3440 = arith.constant dense<0.000000e+00> : vector<64x128xf32>
    %dot_general3A_3441 = tpu.matmul %convert_element_type3A_2818, %slice3A_3439, %dot_general3A_3440 {dimension_numbers = #tpu.dot_dimension_numbers<[1], [0], [0], [1], [0, 0, 1, 1], [], []>, transpose_lhs_hint = false} : vector<64x256xbf16>, vector<256x128xbf16>, vector<64x128xf32> -> vector<64x128xf32>
    %slice3A_3442 = vector.extract_strided_slice %concatenate3A_1044 {offsets = [0, 896], sizes = [256, 128], strides = [1, 1]} : vector<256x1024xbf16> to vector<256x128xbf16>
    %dot_general3A_3443 = arith.constant dense<0.000000e+00> : vector<64x128xf32>
    %dot_general3A_3444 = tpu.matmul %convert_element_type3A_2833, %slice3A_3442, %dot_general3A_3443 {dimension_numbers = #tpu.dot_dimension_numbers<[1], [0], [0], [1], [0, 0, 1, 1], [], []>, transpose_lhs_hint = false} : vector<64x256xbf16>, vector<256x128xbf16>, vector<64x128xf32> -> vector<64x128xf32>
    %concatenate3A_3445 = tpu.concatenate %dot_general3A_3423, %dot_general3A_3426, %dot_general3A_3429, %dot_general3A_3432, %dot_general3A_3435, %dot_general3A_3438, %dot_general3A_3441, %dot_general3A_3444 in 1 : vector<64x128xf32>, vector<64x128xf32>, vector<64x128xf32>, vector<64x128xf32>, vector<64x128xf32>, vector<64x128xf32>, vector<64x128xf32>, vector<64x128xf32> -> vector<64x1024xf32>
    %convert_element_type3A_3446 = arith.truncf %concatenate3A_3445 : vector<64x1024xf32> to vector<64x1024xbf16>
    %reshape3A_3447 = vector.shape_cast %convert_element_type3A_3446 : vector<64x1024xbf16> to vector<8x8x1024xbf16>
    %swap3A_3448 = arith.constant 0 : index
    %swap3A_3449 = arith.constant 0 : index
    %swap3A_3450 = arith.constant 0 : index
    %swap3A_3451 = arith.constant 3 : index
    %swap3A_3452 = arith.constant 0 : index
    %swap3A_3453 = arith.constant 0 : index
    %swap3A_3454 = vector.load %arg6[%swap3A_3448, %swap3A_3449, %swap3A_3450, %swap3A_3451, %swap3A_3452, %swap3A_3453] : memref<1x2x8x4x8x1024xbf16, #tpu.memory_space<vmem>>, vector<1x1x8x1x8x1024xbf16>
    %swap3A_3455 = vector.shape_cast %swap3A_3454 : vector<1x1x8x1x8x1024xbf16> to vector<8x8x1024xbf16>
    %swap3A_3456 = vector.shape_cast %reshape3A_3447 : vector<8x8x1024xbf16> to vector<1x1x8x1x8x1024xbf16>
    tpu.vector_store %arg6[%swap3A_3448, %swap3A_3449, %swap3A_3450, %swap3A_3451, %swap3A_3452, %swap3A_3453], %swap3A_3456 {strides = array<i32>} : memref<1x2x8x4x8x1024xbf16, #tpu.memory_space<vmem>>, vector<1x1x8x1x8x1024xbf16>,
    %slice3A_3457 = vector.extract_strided_slice %concatenate3A_1309 {offsets = [0, 0], sizes = [256, 128], strides = [1, 1]} : vector<256x1024xbf16> to vector<256x128xbf16>
    %dot_general3A_3458 = arith.constant dense<0.000000e+00> : vector<64x128xf32>
    %dot_general3A_3459 = tpu.matmul %convert_element_type3A_2848, %slice3A_3457, %dot_general3A_3458 {dimension_numbers = #tpu.dot_dimension_numbers<[1], [0], [0], [1], [0, 0, 1, 1], [], []>, transpose_lhs_hint = false} : vector<64x256xbf16>, vector<256x128xbf16>, vector<64x128xf32> -> vector<64x128xf32>
    %slice3A_3460 = vector.extract_strided_slice %concatenate3A_1309 {offsets = [0, 128], sizes = [256, 128], strides = [1, 1]} : vector<256x1024xbf16> to vector<256x128xbf16>
    %dot_general3A_3461 = arith.constant dense<0.000000e+00> : vector<64x128xf32>
    %dot_general3A_3462 = tpu.matmul %convert_element_type3A_2863, %slice3A_3460, %dot_general3A_3461 {dimension_numbers = #tpu.dot_dimension_numbers<[1], [0], [0], [1], [0, 0, 1, 1], [], []>, transpose_lhs_hint = false} : vector<64x256xbf16>, vector<256x128xbf16>, vector<64x128xf32> -> vector<64x128xf32>
    %slice3A_3463 = vector.extract_strided_slice %concatenate3A_1309 {offsets = [0, 256], sizes = [256, 128], strides = [1, 1]} : vector<256x1024xbf16> to vector<256x128xbf16>
    %dot_general3A_3464 = arith.constant dense<0.000000e+00> : vector<64x128xf32>
    %dot_general3A_3465 = tpu.matmul %convert_element_type3A_2878, %slice3A_3463, %dot_general3A_3464 {dimension_numbers = #tpu.dot_dimension_numbers<[1], [0], [0], [1], [0, 0, 1, 1], [], []>, transpose_lhs_hint = false} : vector<64x256xbf16>, vector<256x128xbf16>, vector<64x128xf32> -> vector<64x128xf32>
    %slice3A_3466 = vector.extract_strided_slice %concatenate3A_1309 {offsets = [0, 384], sizes = [256, 128], strides = [1, 1]} : vector<256x1024xbf16> to vector<256x128xbf16>
    %dot_general3A_3467 = arith.constant dense<0.000000e+00> : vector<64x128xf32>
    %dot_general3A_3468 = tpu.matmul %convert_element_type3A_2893, %slice3A_3466, %dot_general3A_3467 {dimension_numbers = #tpu.dot_dimension_numbers<[1], [0], [0], [1], [0, 0, 1, 1], [], []>, transpose_lhs_hint = false} : vector<64x256xbf16>, vector<256x128xbf16>, vector<64x128xf32> -> vector<64x128xf32>
    %slice3A_3469 = vector.extract_strided_slice %concatenate3A_1309 {offsets = [0, 512], sizes = [256, 128], strides = [1, 1]} : vector<256x1024xbf16> to vector<256x128xbf16>
    %dot_general3A_3470 = arith.constant dense<0.000000e+00> : vector<64x128xf32>
    %dot_general3A_3471 = tpu.matmul %convert_element_type3A_2908, %slice3A_3469, %dot_general3A_3470 {dimension_numbers = #tpu.dot_dimension_numbers<[1], [0], [0], [1], [0, 0, 1, 1], [], []>, transpose_lhs_hint = false} : vector<64x256xbf16>, vector<256x128xbf16>, vector<64x128xf32> -> vector<64x128xf32>
    %slice3A_3472 = vector.extract_strided_slice %concatenate3A_1309 {offsets = [0, 640], sizes = [256, 128], strides = [1, 1]} : vector<256x1024xbf16> to vector<256x128xbf16>
    %dot_general3A_3473 = arith.constant dense<0.000000e+00> : vector<64x128xf32>
    %dot_general3A_3474 = tpu.matmul %convert_element_type3A_2923, %slice3A_3472, %dot_general3A_3473 {dimension_numbers = #tpu.dot_dimension_numbers<[1], [0], [0], [1], [0, 0, 1, 1], [], []>, transpose_lhs_hint = false} : vector<64x256xbf16>, vector<256x128xbf16>, vector<64x128xf32> -> vector<64x128xf32>
    %slice3A_3475 = vector.extract_strided_slice %concatenate3A_1309 {offsets = [0, 768], sizes = [256, 128], strides = [1, 1]} : vector<256x1024xbf16> to vector<256x128xbf16>
    %dot_general3A_3476 = arith.constant dense<0.000000e+00> : vector<64x128xf32>
    %dot_general3A_3477 = tpu.matmul %convert_element_type3A_2938, %slice3A_3475, %dot_general3A_3476 {dimension_numbers = #tpu.dot_dimension_numbers<[1], [0], [0], [1], [0, 0, 1, 1], [], []>, transpose_lhs_hint = false} : vector<64x256xbf16>, vector<256x128xbf16>, vector<64x128xf32> -> vector<64x128xf32>
    %slice3A_3478 = vector.extract_strided_slice %concatenate3A_1309 {offsets = [0, 896], sizes = [256, 128], strides = [1, 1]} : vector<256x1024xbf16> to vector<256x128xbf16>
    %dot_general3A_3479 = arith.constant dense<0.000000e+00> : vector<64x128xf32>
    %dot_general3A_3480 = tpu.matmul %convert_element_type3A_2953, %slice3A_3478, %dot_general3A_3479 {dimension_numbers = #tpu.dot_dimension_numbers<[1], [0], [0], [1], [0, 0, 1, 1], [], []>, transpose_lhs_hint = false} : vector<64x256xbf16>, vector<256x128xbf16>, vector<64x128xf32> -> vector<64x128xf32>
    %concatenate3A_3481 = tpu.concatenate %dot_general3A_3459, %dot_general3A_3462, %dot_general3A_3465, %dot_general3A_3468, %dot_general3A_3471, %dot_general3A_3474, %dot_general3A_3477, %dot_general3A_3480 in 1 : vector<64x128xf32>, vector<64x128xf32>, vector<64x128xf32>, vector<64x128xf32>, vector<64x128xf32>, vector<64x128xf32>, vector<64x128xf32>, vector<64x128xf32> -> vector<64x1024xf32>
    %convert_element_type3A_3482 = arith.truncf %concatenate3A_3481 : vector<64x1024xf32> to vector<64x1024xbf16>
    %reshape3A_3483 = vector.shape_cast %convert_element_type3A_3482 : vector<64x1024xbf16> to vector<8x8x1024xbf16>
    %swap3A_3484 = arith.constant 0 : index
    %swap3A_3485 = arith.constant 1 : index
    %swap3A_3486 = arith.constant 0 : index
    %swap3A_3487 = arith.constant 0 : index
    %swap3A_3488 = arith.constant 0 : index
    %swap3A_3489 = arith.constant 0 : index
    %swap3A_3490 = vector.load %arg6[%swap3A_3484, %swap3A_3485, %swap3A_3486, %swap3A_3487, %swap3A_3488, %swap3A_3489] : memref<1x2x8x4x8x1024xbf16, #tpu.memory_space<vmem>>, vector<1x1x8x1x8x1024xbf16>
    %swap3A_3491 = vector.shape_cast %swap3A_3490 : vector<1x1x8x1x8x1024xbf16> to vector<8x8x1024xbf16>
    %swap3A_3492 = vector.shape_cast %reshape3A_3483 : vector<8x8x1024xbf16> to vector<1x1x8x1x8x1024xbf16>
    tpu.vector_store %arg6[%swap3A_3484, %swap3A_3485, %swap3A_3486, %swap3A_3487, %swap3A_3488, %swap3A_3489], %swap3A_3492 {strides = array<i32>} : memref<1x2x8x4x8x1024xbf16, #tpu.memory_space<vmem>>, vector<1x1x8x1x8x1024xbf16>,
    %slice3A_3493 = vector.extract_strided_slice %concatenate3A_1574 {offsets = [0, 0], sizes = [256, 128], strides = [1, 1]} : vector<256x1024xbf16> to vector<256x128xbf16>
    %dot_general3A_3494 = arith.constant dense<0.000000e+00> : vector<64x128xf32>
    %dot_general3A_3495 = tpu.matmul %convert_element_type3A_2968, %slice3A_3493, %dot_general3A_3494 {dimension_numbers = #tpu.dot_dimension_numbers<[1], [0], [0], [1], [0, 0, 1, 1], [], []>, transpose_lhs_hint = false} : vector<64x256xbf16>, vector<256x128xbf16>, vector<64x128xf32> -> vector<64x128xf32>
    %slice3A_3496 = vector.extract_strided_slice %concatenate3A_1574 {offsets = [0, 128], sizes = [256, 128], strides = [1, 1]} : vector<256x1024xbf16> to vector<256x128xbf16>
    %dot_general3A_3497 = arith.constant dense<0.000000e+00> : vector<64x128xf32>
    %dot_general3A_3498 = tpu.matmul %convert_element_type3A_2983, %slice3A_3496, %dot_general3A_3497 {dimension_numbers = #tpu.dot_dimension_numbers<[1], [0], [0], [1], [0, 0, 1, 1], [], []>, transpose_lhs_hint = false} : vector<64x256xbf16>, vector<256x128xbf16>, vector<64x128xf32> -> vector<64x128xf32>
    %slice3A_3499 = vector.extract_strided_slice %concatenate3A_1574 {offsets = [0, 256], sizes = [256, 128], strides = [1, 1]} : vector<256x1024xbf16> to vector<256x128xbf16>
    %dot_general3A_3500 = arith.constant dense<0.000000e+00> : vector<64x128xf32>
    %dot_general3A_3501 = tpu.matmul %convert_element_type3A_2998, %slice3A_3499, %dot_general3A_3500 {dimension_numbers = #tpu.dot_dimension_numbers<[1], [0], [0], [1], [0, 0, 1, 1], [], []>, transpose_lhs_hint = false} : vector<64x256xbf16>, vector<256x128xbf16>, vector<64x128xf32> -> vector<64x128xf32>
    %slice3A_3502 = vector.extract_strided_slice %concatenate3A_1574 {offsets = [0, 384], sizes = [256, 128], strides = [1, 1]} : vector<256x1024xbf16> to vector<256x128xbf16>
    %dot_general3A_3503 = arith.constant dense<0.000000e+00> : vector<64x128xf32>
    %dot_general3A_3504 = tpu.matmul %convert_element_type3A_3013, %slice3A_3502, %dot_general3A_3503 {dimension_numbers = #tpu.dot_dimension_numbers<[1], [0], [0], [1], [0, 0, 1, 1], [], []>, transpose_lhs_hint = false} : vector<64x256xbf16>, vector<256x128xbf16>, vector<64x128xf32> -> vector<64x128xf32>
    %slice3A_3505 = vector.extract_strided_slice %concatenate3A_1574 {offsets = [0, 512], sizes = [256, 128], strides = [1, 1]} : vector<256x1024xbf16> to vector<256x128xbf16>
    %dot_general3A_3506 = arith.constant dense<0.000000e+00> : vector<64x128xf32>
    %dot_general3A_3507 = tpu.matmul %convert_element_type3A_3028, %slice3A_3505, %dot_general3A_3506 {dimension_numbers = #tpu.dot_dimension_numbers<[1], [0], [0], [1], [0, 0, 1, 1], [], []>, transpose_lhs_hint = false} : vector<64x256xbf16>, vector<256x128xbf16>, vector<64x128xf32> -> vector<64x128xf32>
    %slice3A_3508 = vector.extract_strided_slice %concatenate3A_1574 {offsets = [0, 640], sizes = [256, 128], strides = [1, 1]} : vector<256x1024xbf16> to vector<256x128xbf16>
    %dot_general3A_3509 = arith.constant dense<0.000000e+00> : vector<64x128xf32>
    %dot_general3A_3510 = tpu.matmul %convert_element_type3A_3043, %slice3A_3508, %dot_general3A_3509 {dimension_numbers = #tpu.dot_dimension_numbers<[1], [0], [0], [1], [0, 0, 1, 1], [], []>, transpose_lhs_hint = false} : vector<64x256xbf16>, vector<256x128xbf16>, vector<64x128xf32> -> vector<64x128xf32>
    %slice3A_3511 = vector.extract_strided_slice %concatenate3A_1574 {offsets = [0, 768], sizes = [256, 128], strides = [1, 1]} : vector<256x1024xbf16> to vector<256x128xbf16>
    %dot_general3A_3512 = arith.constant dense<0.000000e+00> : vector<64x128xf32>
    %dot_general3A_3513 = tpu.matmul %convert_element_type3A_3058, %slice3A_3511, %dot_general3A_3512 {dimension_numbers = #tpu.dot_dimension_numbers<[1], [0], [0], [1], [0, 0, 1, 1], [], []>, transpose_lhs_hint = false} : vector<64x256xbf16>, vector<256x128xbf16>, vector<64x128xf32> -> vector<64x128xf32>
    %slice3A_3514 = vector.extract_strided_slice %concatenate3A_1574 {offsets = [0, 896], sizes = [256, 128], strides = [1, 1]} : vector<256x1024xbf16> to vector<256x128xbf16>
    %dot_general3A_3515 = arith.constant dense<0.000000e+00> : vector<64x128xf32>
    %dot_general3A_3516 = tpu.matmul %convert_element_type3A_3073, %slice3A_3514, %dot_general3A_3515 {dimension_numbers = #tpu.dot_dimension_numbers<[1], [0], [0], [1], [0, 0, 1, 1], [], []>, transpose_lhs_hint = false} : vector<64x256xbf16>, vector<256x128xbf16>, vector<64x128xf32> -> vector<64x128xf32>
    %concatenate3A_3517 = tpu.concatenate %dot_general3A_3495, %dot_general3A_3498, %dot_general3A_3501, %dot_general3A_3504, %dot_general3A_3507, %dot_general3A_3510, %dot_general3A_3513, %dot_general3A_3516 in 1 : vector<64x128xf32>, vector<64x128xf32>, vector<64x128xf32>, vector<64x128xf32>, vector<64x128xf32>, vector<64x128xf32>, vector<64x128xf32>, vector<64x128xf32> -> vector<64x1024xf32>
    %convert_element_type3A_3518 = arith.truncf %concatenate3A_3517 : vector<64x1024xf32> to vector<64x1024xbf16>
    %reshape3A_3519 = vector.shape_cast %convert_element_type3A_3518 : vector<64x1024xbf16> to vector<8x8x1024xbf16>
    %swap3A_3520 = arith.constant 0 : index
    %swap3A_3521 = arith.constant 1 : index
    %swap3A_3522 = arith.constant 0 : index
    %swap3A_3523 = arith.constant 1 : index
    %swap3A_3524 = arith.constant 0 : index
    %swap3A_3525 = arith.constant 0 : index
    %swap3A_3526 = vector.load %arg6[%swap3A_3520, %swap3A_3521, %swap3A_3522, %swap3A_3523, %swap3A_3524, %swap3A_3525] : memref<1x2x8x4x8x1024xbf16, #tpu.memory_space<vmem>>, vector<1x1x8x1x8x1024xbf16>
    %swap3A_3527 = vector.shape_cast %swap3A_3526 : vector<1x1x8x1x8x1024xbf16> to vector<8x8x1024xbf16>
    %swap3A_3528 = vector.shape_cast %reshape3A_3519 : vector<8x8x1024xbf16> to vector<1x1x8x1x8x1024xbf16>
    tpu.vector_store %arg6[%swap3A_3520, %swap3A_3521, %swap3A_3522, %swap3A_3523, %swap3A_3524, %swap3A_3525], %swap3A_3528 {strides = array<i32>} : memref<1x2x8x4x8x1024xbf16, #tpu.memory_space<vmem>>, vector<1x1x8x1x8x1024xbf16>,
    %slice3A_3529 = vector.extract_strided_slice %concatenate3A_1839 {offsets = [0, 0], sizes = [256, 128], strides = [1, 1]} : vector<256x1024xbf16> to vector<256x128xbf16>
    %dot_general3A_3530 = arith.constant dense<0.000000e+00> : vector<64x128xf32>
    %dot_general3A_3531 = tpu.matmul %convert_element_type3A_3088, %slice3A_3529, %dot_general3A_3530 {dimension_numbers = #tpu.dot_dimension_numbers<[1], [0], [0], [1], [0, 0, 1, 1], [], []>, transpose_lhs_hint = false} : vector<64x256xbf16>, vector<256x128xbf16>, vector<64x128xf32> -> vector<64x128xf32>
    %slice3A_3532 = vector.extract_strided_slice %concatenate3A_1839 {offsets = [0, 128], sizes = [256, 128], strides = [1, 1]} : vector<256x1024xbf16> to vector<256x128xbf16>
    %dot_general3A_3533 = arith.constant dense<0.000000e+00> : vector<64x128xf32>
    %dot_general3A_3534 = tpu.matmul %convert_element_type3A_3103, %slice3A_3532, %dot_general3A_3533 {dimension_numbers = #tpu.dot_dimension_numbers<[1], [0], [0], [1], [0, 0, 1, 1], [], []>, transpose_lhs_hint = false} : vector<64x256xbf16>, vector<256x128xbf16>, vector<64x128xf32> -> vector<64x128xf32>
    %slice3A_3535 = vector.extract_strided_slice %concatenate3A_1839 {offsets = [0, 256], sizes = [256, 128], strides = [1, 1]} : vector<256x1024xbf16> to vector<256x128xbf16>
    %dot_general3A_3536 = arith.constant dense<0.000000e+00> : vector<64x128xf32>
    %dot_general3A_3537 = tpu.matmul %convert_element_type3A_3118, %slice3A_3535, %dot_general3A_3536 {dimension_numbers = #tpu.dot_dimension_numbers<[1], [0], [0], [1], [0, 0, 1, 1], [], []>, transpose_lhs_hint = false} : vector<64x256xbf16>, vector<256x128xbf16>, vector<64x128xf32> -> vector<64x128xf32>
    %slice3A_3538 = vector.extract_strided_slice %concatenate3A_1839 {offsets = [0, 384], sizes = [256, 128], strides = [1, 1]} : vector<256x1024xbf16> to vector<256x128xbf16>
    %dot_general3A_3539 = arith.constant dense<0.000000e+00> : vector<64x128xf32>
    %dot_general3A_3540 = tpu.matmul %convert_element_type3A_3133, %slice3A_3538, %dot_general3A_3539 {dimension_numbers = #tpu.dot_dimension_numbers<[1], [0], [0], [1], [0, 0, 1, 1], [], []>, transpose_lhs_hint = false} : vector<64x256xbf16>, vector<256x128xbf16>, vector<64x128xf32> -> vector<64x128xf32>
    %slice3A_3541 = vector.extract_strided_slice %concatenate3A_1839 {offsets = [0, 512], sizes = [256, 128], strides = [1, 1]} : vector<256x1024xbf16> to vector<256x128xbf16>
    %dot_general3A_3542 = arith.constant dense<0.000000e+00> : vector<64x128xf32>
    %dot_general3A_3543 = tpu.matmul %convert_element_type3A_3148, %slice3A_3541, %dot_general3A_3542 {dimension_numbers = #tpu.dot_dimension_numbers<[1], [0], [0], [1], [0, 0, 1, 1], [], []>, transpose_lhs_hint = false} : vector<64x256xbf16>, vector<256x128xbf16>, vector<64x128xf32> -> vector<64x128xf32>
    %slice3A_3544 = vector.extract_strided_slice %concatenate3A_1839 {offsets = [0, 640], sizes = [256, 128], strides = [1, 1]} : vector<256x1024xbf16> to vector<256x128xbf16>
    %dot_general3A_3545 = arith.constant dense<0.000000e+00> : vector<64x128xf32>
    %dot_general3A_3546 = tpu.matmul %convert_element_type3A_3163, %slice3A_3544, %dot_general3A_3545 {dimension_numbers = #tpu.dot_dimension_numbers<[1], [0], [0], [1], [0, 0, 1, 1], [], []>, transpose_lhs_hint = false} : vector<64x256xbf16>, vector<256x128xbf16>, vector<64x128xf32> -> vector<64x128xf32>
    %slice3A_3547 = vector.extract_strided_slice %concatenate3A_1839 {offsets = [0, 768], sizes = [256, 128], strides = [1, 1]} : vector<256x1024xbf16> to vector<256x128xbf16>
    %dot_general3A_3548 = arith.constant dense<0.000000e+00> : vector<64x128xf32>
    %dot_general3A_3549 = tpu.matmul %convert_element_type3A_3178, %slice3A_3547, %dot_general3A_3548 {dimension_numbers = #tpu.dot_dimension_numbers<[1], [0], [0], [1], [0, 0, 1, 1], [], []>, transpose_lhs_hint = false} : vector<64x256xbf16>, vector<256x128xbf16>, vector<64x128xf32> -> vector<64x128xf32>
    %slice3A_3550 = vector.extract_strided_slice %concatenate3A_1839 {offsets = [0, 896], sizes = [256, 128], strides = [1, 1]} : vector<256x1024xbf16> to vector<256x128xbf16>
    %dot_general3A_3551 = arith.constant dense<0.000000e+00> : vector<64x128xf32>
    %dot_general3A_3552 = tpu.matmul %convert_element_type3A_3193, %slice3A_3550, %dot_general3A_3551 {dimension_numbers = #tpu.dot_dimension_numbers<[1], [0], [0], [1], [0, 0, 1, 1], [], []>, transpose_lhs_hint = false} : vector<64x256xbf16>, vector<256x128xbf16>, vector<64x128xf32> -> vector<64x128xf32>
    %concatenate3A_3553 = tpu.concatenate %dot_general3A_3531, %dot_general3A_3534, %dot_general3A_3537, %dot_general3A_3540, %dot_general3A_3543, %dot_general3A_3546, %dot_general3A_3549, %dot_general3A_3552 in 1 : vector<64x128xf32>, vector<64x128xf32>, vector<64x128xf32>, vector<64x128xf32>, vector<64x128xf32>, vector<64x128xf32>, vector<64x128xf32>, vector<64x128xf32> -> vector<64x1024xf32>
    %convert_element_type3A_3554 = arith.truncf %concatenate3A_3553 : vector<64x1024xf32> to vector<64x1024xbf16>
    %reshape3A_3555 = vector.shape_cast %convert_element_type3A_3554 : vector<64x1024xbf16> to vector<8x8x1024xbf16>
    %swap3A_3556 = arith.constant 0 : index
    %swap3A_3557 = arith.constant 1 : index
    %swap3A_3558 = arith.constant 0 : index
    %swap3A_3559 = arith.constant 2 : index
    %swap3A_3560 = arith.constant 0 : index
    %swap3A_3561 = arith.constant 0 : index
    %swap3A_3562 = vector.load %arg6[%swap3A_3556, %swap3A_3557, %swap3A_3558, %swap3A_3559, %swap3A_3560, %swap3A_3561] : memref<1x2x8x4x8x1024xbf16, #tpu.memory_space<vmem>>, vector<1x1x8x1x8x1024xbf16>
    %swap3A_3563 = vector.shape_cast %swap3A_3562 : vector<1x1x8x1x8x1024xbf16> to vector<8x8x1024xbf16>
    %swap3A_3564 = vector.shape_cast %reshape3A_3555 : vector<8x8x1024xbf16> to vector<1x1x8x1x8x1024xbf16>
    tpu.vector_store %arg6[%swap3A_3556, %swap3A_3557, %swap3A_3558, %swap3A_3559, %swap3A_3560, %swap3A_3561], %swap3A_3564 {strides = array<i32>} : memref<1x2x8x4x8x1024xbf16, #tpu.memory_space<vmem>>, vector<1x1x8x1x8x1024xbf16>,
    %slice3A_3565 = vector.extract_strided_slice %concatenate3A_2104 {offsets = [0, 0], sizes = [256, 128], strides = [1, 1]} : vector<256x1024xbf16> to vector<256x128xbf16>
    %dot_general3A_3566 = arith.constant dense<0.000000e+00> : vector<64x128xf32>
    %dot_general3A_3567 = tpu.matmul %convert_element_type3A_3208, %slice3A_3565, %dot_general3A_3566 {dimension_numbers = #tpu.dot_dimension_numbers<[1], [0], [0], [1], [0, 0, 1, 1], [], []>, transpose_lhs_hint = false} : vector<64x256xbf16>, vector<256x128xbf16>, vector<64x128xf32> -> vector<64x128xf32>
    %slice3A_3568 = vector.extract_strided_slice %concatenate3A_2104 {offsets = [0, 128], sizes = [256, 128], strides = [1, 1]} : vector<256x1024xbf16> to vector<256x128xbf16>
    %dot_general3A_3569 = arith.constant dense<0.000000e+00> : vector<64x128xf32>
    %dot_general3A_3570 = tpu.matmul %convert_element_type3A_3223, %slice3A_3568, %dot_general3A_3569 {dimension_numbers = #tpu.dot_dimension_numbers<[1], [0], [0], [1], [0, 0, 1, 1], [], []>, transpose_lhs_hint = false} : vector<64x256xbf16>, vector<256x128xbf16>, vector<64x128xf32> -> vector<64x128xf32>
    %slice3A_3571 = vector.extract_strided_slice %concatenate3A_2104 {offsets = [0, 256], sizes = [256, 128], strides = [1, 1]} : vector<256x1024xbf16> to vector<256x128xbf16>
    %dot_general3A_3572 = arith.constant dense<0.000000e+00> : vector<64x128xf32>
    %dot_general3A_3573 = tpu.matmul %convert_element_type3A_3238, %slice3A_3571, %dot_general3A_3572 {dimension_numbers = #tpu.dot_dimension_numbers<[1], [0], [0], [1], [0, 0, 1, 1], [], []>, transpose_lhs_hint = false} : vector<64x256xbf16>, vector<256x128xbf16>, vector<64x128xf32> -> vector<64x128xf32>
    %slice3A_3574 = vector.extract_strided_slice %concatenate3A_2104 {offsets = [0, 384], sizes = [256, 128], strides = [1, 1]} : vector<256x1024xbf16> to vector<256x128xbf16>
    %dot_general3A_3575 = arith.constant dense<0.000000e+00> : vector<64x128xf32>
    %dot_general3A_3576 = tpu.matmul %convert_element_type3A_3253, %slice3A_3574, %dot_general3A_3575 {dimension_numbers = #tpu.dot_dimension_numbers<[1], [0], [0], [1], [0, 0, 1, 1], [], []>, transpose_lhs_hint = false} : vector<64x256xbf16>, vector<256x128xbf16>, vector<64x128xf32> -> vector<64x128xf32>
    %slice3A_3577 = vector.extract_strided_slice %concatenate3A_2104 {offsets = [0, 512], sizes = [256, 128], strides = [1, 1]} : vector<256x1024xbf16> to vector<256x128xbf16>
    %dot_general3A_3578 = arith.constant dense<0.000000e+00> : vector<64x128xf32>
    %dot_general3A_3579 = tpu.matmul %convert_element_type3A_3268, %slice3A_3577, %dot_general3A_3578 {dimension_numbers = #tpu.dot_dimension_numbers<[1], [0], [0], [1], [0, 0, 1, 1], [], []>, transpose_lhs_hint = false} : vector<64x256xbf16>, vector<256x128xbf16>, vector<64x128xf32> -> vector<64x128xf32>
    %slice3A_3580 = vector.extract_strided_slice %concatenate3A_2104 {offsets = [0, 640], sizes = [256, 128], strides = [1, 1]} : vector<256x1024xbf16> to vector<256x128xbf16>
    %dot_general3A_3581 = arith.constant dense<0.000000e+00> : vector<64x128xf32>
    %dot_general3A_3582 = tpu.matmul %convert_element_type3A_3283, %slice3A_3580, %dot_general3A_3581 {dimension_numbers = #tpu.dot_dimension_numbers<[1], [0], [0], [1], [0, 0, 1, 1], [], []>, transpose_lhs_hint = false} : vector<64x256xbf16>, vector<256x128xbf16>, vector<64x128xf32> -> vector<64x128xf32>
    %slice3A_3583 = vector.extract_strided_slice %concatenate3A_2104 {offsets = [0, 768], sizes = [256, 128], strides = [1, 1]} : vector<256x1024xbf16> to vector<256x128xbf16>
    %dot_general3A_3584 = arith.constant dense<0.000000e+00> : vector<64x128xf32>
    %dot_general3A_3585 = tpu.matmul %convert_element_type3A_3298, %slice3A_3583, %dot_general3A_3584 {dimension_numbers = #tpu.dot_dimension_numbers<[1], [0], [0], [1], [0, 0, 1, 1], [], []>, transpose_lhs_hint = false} : vector<64x256xbf16>, vector<256x128xbf16>, vector<64x128xf32> -> vector<64x128xf32>
    %slice3A_3586 = vector.extract_strided_slice %concatenate3A_2104 {offsets = [0, 896], sizes = [256, 128], strides = [1, 1]} : vector<256x1024xbf16> to vector<256x128xbf16>
    %dot_general3A_3587 = arith.constant dense<0.000000e+00> : vector<64x128xf32>
    %dot_general3A_3588 = tpu.matmul %convert_element_type3A_3313, %slice3A_3586, %dot_general3A_3587 {dimension_numbers = #tpu.dot_dimension_numbers<[1], [0], [0], [1], [0, 0, 1, 1], [], []>, transpose_lhs_hint = false} : vector<64x256xbf16>, vector<256x128xbf16>, vector<64x128xf32> -> vector<64x128xf32>
    %concatenate3A_3589 = tpu.concatenate %dot_general3A_3567, %dot_general3A_3570, %dot_general3A_3573, %dot_general3A_3576, %dot_general3A_3579, %dot_general3A_3582, %dot_general3A_3585, %dot_general3A_3588 in 1 : vector<64x128xf32>, vector<64x128xf32>, vector<64x128xf32>, vector<64x128xf32>, vector<64x128xf32>, vector<64x128xf32>, vector<64x128xf32>, vector<64x128xf32> -> vector<64x1024xf32>
    %convert_element_type3A_3590 = arith.truncf %concatenate3A_3589 : vector<64x1024xf32> to vector<64x1024xbf16>
    %reshape3A_3591 = vector.shape_cast %convert_element_type3A_3590 : vector<64x1024xbf16> to vector<8x8x1024xbf16>
    %swap3A_3592 = arith.constant 0 : index
    %swap3A_3593 = arith.constant 1 : index
    %swap3A_3594 = arith.constant 0 : index
    %swap3A_3595 = arith.constant 3 : index
    %swap3A_3596 = arith.constant 0 : index
    %swap3A_3597 = arith.constant 0 : index
    %swap3A_3598 = vector.load %arg6[%swap3A_3592, %swap3A_3593, %swap3A_3594, %swap3A_3595, %swap3A_3596, %swap3A_3597] : memref<1x2x8x4x8x1024xbf16, #tpu.memory_space<vmem>>, vector<1x1x8x1x8x1024xbf16>
    %swap3A_3599 = vector.shape_cast %swap3A_3598 : vector<1x1x8x1x8x1024xbf16> to vector<8x8x1024xbf16>
    %swap3A_3600 = vector.shape_cast %reshape3A_3591 : vector<8x8x1024xbf16> to vector<1x1x8x1x8x1024xbf16>
    tpu.vector_store %arg6[%swap3A_3592, %swap3A_3593, %swap3A_3594, %swap3A_3595, %swap3A_3596, %swap3A_3597], %swap3A_3600 {strides = array<i32>} : memref<1x2x8x4x8x1024xbf16, #tpu.memory_space<vmem>>, vector<1x1x8x1x8x1024xbf16>,
    return
  }
  func.func @transform_0(%arg0: i32, %arg1: i32, %arg2: memref<16x8x16xi32, #tpu.memory_space<smem>>) -> (i32, i32, i32, i32, i32, i32) {
    %c0_i32 = arith.constant 0 : i32
    %c0_i32_0 = arith.constant 0 : i32
    %c0_i32_1 = arith.constant 0 : i32
    %c0_i32_2 = arith.constant 0 : i32
    %c0_i32_3 = arith.constant 0 : i32
    return %arg0, %arg1, %c0_i32, %c0_i32_0, %c0_i32_1, %c0_i32_2 : i32, i32, i32, i32, i32, i32
  }
  func.func @transform_1(%arg0: i32, %arg1: i32, %arg2: memref<16x8x16xi32, #tpu.memory_space<smem>>) -> (i32, i32, i32, i32, i32, i32) {
    %c0_i32 = arith.constant 0 : i32
    %c0_i32_0 = arith.constant 0 : i32
    %c0_i32_1 = arith.constant 0 : i32
    %c0_i32_2 = arith.constant 0 : i32
    %c0_i32_3 = arith.constant 0 : i32
    %c0_i32_4 = arith.constant 0 : i32
    return %arg0, %c0_i32, %c0_i32_0, %c0_i32_1, %c0_i32_2, %c0_i32_3 : i32, i32, i32, i32, i32, i32
  }
  func.func @transform_2(%arg0: i32, %arg1: i32, %arg2: memref<16x8x16xi32, #tpu.memory_space<smem>>) -> (i32, i32, i32, i32, i32, i32) {
    %c0_i32 = arith.constant 0 : i32
    %c0_i32_0 = arith.constant 0 : i32
    %c0_i32_1 = arith.constant 0 : i32
    %c0_i32_2 = arith.constant 0 : i32
    %c0_i32_3 = arith.constant 0 : i32
    %c0_i32_4 = arith.constant 0 : i32
    return %arg0, %c0_i32, %c0_i32_0, %c0_i32_1, %c0_i32_2, %c0_i32_3 : i32, i32, i32, i32, i32, i32
  }
  func.func @transform_3(%arg0: i32, %arg1: i32, %arg2: memref<16x8x16xi32, #tpu.memory_space<smem>>) -> (i32, i32, i32, i32, i32, i32) {
    %c0_i32 = arith.constant 0 : i32
    %c0_i32_0 = arith.constant 0 : i32
    %c0_i32_1 = arith.constant 0 : i32
    %c0_i32_2 = arith.constant 0 : i32
    %c0_i32_3 = arith.constant 0 : i32
    return %arg0, %arg1, %c0_i32, %c0_i32_0, %c0_i32_1, %c0_i32_2 : i32, i32, i32, i32, i32, i32
  }
}

module attributes {stable_mosaic.version = 14 : i64} {
  func.func @_proj_body(%arg0: i32, %arg1: memref<1x1024x8x128xbf16, #tpu.memory_space<vmem>>, %arg2: memref<1x1024x8x128xbf16, #tpu.memory_space<vmem>>, %arg3: memref<25x8x128xf32, #tpu.memory_space<vmem>>, %arg4: memref<1x8x128xf32, #tpu.memory_space<vmem>>, %arg5: memref<1024x768xbf16, #tpu.memory_space<vmem>>, %arg6: memref<1x768xf32, #tpu.memory_space<vmem>>, %arg7: memref<1x1024x768xf32, #tpu.memory_space<vmem>>, %arg8: memref<1332x8x128xbf16, #tpu.memory_space<vmem>>) attributes {dimension_semantics = [#tpu.dimension_semantics<arbitrary>], iteration_bounds = array<i64: 16>, scalar_prefetch = 0 : i64, scratch_operands = 1 : i64, tpu.core_type = #tpu.core_type<tc>, window_params = [{transform_indices = @transform_0, window_bounds = array<i64: 1, 1024, 8, 128>}, {transform_indices = @transform_1, window_bounds = array<i64: 1, 1024, 8, 128>}, {pipeline_mode = #tpu.pipeline_mode<synchronous>, transform_indices = @transform_2, window_bounds = array<i64: 25, 8, 128>}, {pipeline_mode = #tpu.pipeline_mode<synchronous>, transform_indices = @transform_3, window_bounds = array<i64: 1, 8, 128>}, {pipeline_mode = #tpu.pipeline_mode<synchronous>, transform_indices = @transform_4, window_bounds = array<i64: 1024, 768>}, {pipeline_mode = #tpu.pipeline_mode<synchronous>, transform_indices = @transform_5, window_bounds = array<i64: 1, 768>}, {transform_indices = @transform_6, window_bounds = array<i64: 1, 1024, 768>}]} {
    %broadcast_in_dim3A = arith.constant 0.000000e+00 : bf16
    %broadcast_in_dim3A_0 = vector.broadcast %broadcast_in_dim3A : bf16 to vector<1332x8x128xbf16>
    %swap3A = arith.constant 0 : index
    %swap3A_1 = arith.constant 0 : index
    %swap3A_2 = arith.constant 0 : index
    %swap3A_3 = vector.load %arg8[%swap3A, %swap3A_1, %swap3A_2] : memref<1332x8x128xbf16, #tpu.memory_space<vmem>>, vector<1332x8x128xbf16>
    tpu.vector_store %arg8[%swap3A, %swap3A_1, %swap3A_2], %broadcast_in_dim3A_0 {strides = array<i32>} : memref<1332x8x128xbf16, #tpu.memory_space<vmem>>, vector<1332x8x128xbf16>,
    %get3A = arith.constant 0 : index
    %get3A_4 = arith.constant 0 : index
    %get3A_5 = arith.constant 0 : index
    %get3A_6 = arith.constant 0 : index
    %get3A_7 = vector.load %arg2[%get3A, %get3A_4, %get3A_5, %get3A_6] : memref<1x1024x8x128xbf16, #tpu.memory_space<vmem>>, vector<1x32x8x128xbf16>
    %get3A_8 = vector.shape_cast %get3A_7 : vector<1x32x8x128xbf16> to vector<32x8x128xbf16>
    %swap3A_9 = arith.constant 74 : index
    %swap3A_10 = arith.constant 0 : index
    %swap3A_11 = arith.constant 0 : index
    %swap3A_12 = vector.load %arg8[%swap3A_9, %swap3A_10, %swap3A_11] : memref<1332x8x128xbf16, #tpu.memory_space<vmem>>, vector<32x8x128xbf16>
    tpu.vector_store %arg8[%swap3A_9, %swap3A_10, %swap3A_11], %get3A_8 {strides = array<i32>} : memref<1332x8x128xbf16, #tpu.memory_space<vmem>>, vector<32x8x128xbf16>,
    %get3A_13 = arith.constant 0 : index
    %get3A_14 = arith.constant 32 : index
    %get3A_15 = arith.constant 0 : index
    %get3A_16 = arith.constant 0 : index
    %get3A_17 = vector.load %arg2[%get3A_13, %get3A_14, %get3A_15, %get3A_16] : memref<1x1024x8x128xbf16, #tpu.memory_space<vmem>>, vector<1x32x8x128xbf16>
    %get3A_18 = vector.shape_cast %get3A_17 : vector<1x32x8x128xbf16> to vector<32x8x128xbf16>
    %swap3A_19 = arith.constant 110 : index
    %swap3A_20 = arith.constant 0 : index
    %swap3A_21 = arith.constant 0 : index
    %swap3A_22 = vector.load %arg8[%swap3A_19, %swap3A_20, %swap3A_21] : memref<1332x8x128xbf16, #tpu.memory_space<vmem>>, vector<32x8x128xbf16>
    tpu.vector_store %arg8[%swap3A_19, %swap3A_20, %swap3A_21], %get3A_18 {strides = array<i32>} : memref<1332x8x128xbf16, #tpu.memory_space<vmem>>, vector<32x8x128xbf16>,
    %get3A_23 = arith.constant 0 : index
    %get3A_24 = arith.constant 64 : index
    %get3A_25 = arith.constant 0 : index
    %get3A_26 = arith.constant 0 : index
    %get3A_27 = vector.load %arg2[%get3A_23, %get3A_24, %get3A_25, %get3A_26] : memref<1x1024x8x128xbf16, #tpu.memory_space<vmem>>, vector<1x32x8x128xbf16>
    %get3A_28 = vector.shape_cast %get3A_27 : vector<1x32x8x128xbf16> to vector<32x8x128xbf16>
    %swap3A_29 = arith.constant 146 : index
    %swap3A_30 = arith.constant 0 : index
    %swap3A_31 = arith.constant 0 : index
    %swap3A_32 = vector.load %arg8[%swap3A_29, %swap3A_30, %swap3A_31] : memref<1332x8x128xbf16, #tpu.memory_space<vmem>>, vector<32x8x128xbf16>
    tpu.vector_store %arg8[%swap3A_29, %swap3A_30, %swap3A_31], %get3A_28 {strides = array<i32>} : memref<1332x8x128xbf16, #tpu.memory_space<vmem>>, vector<32x8x128xbf16>,
    %get3A_33 = arith.constant 0 : index
    %get3A_34 = arith.constant 96 : index
    %get3A_35 = arith.constant 0 : index
    %get3A_36 = arith.constant 0 : index
    %get3A_37 = vector.load %arg2[%get3A_33, %get3A_34, %get3A_35, %get3A_36] : memref<1x1024x8x128xbf16, #tpu.memory_space<vmem>>, vector<1x32x8x128xbf16>
    %get3A_38 = vector.shape_cast %get3A_37 : vector<1x32x8x128xbf16> to vector<32x8x128xbf16>
    %swap3A_39 = arith.constant 182 : index
    %swap3A_40 = arith.constant 0 : index
    %swap3A_41 = arith.constant 0 : index
    %swap3A_42 = vector.load %arg8[%swap3A_39, %swap3A_40, %swap3A_41] : memref<1332x8x128xbf16, #tpu.memory_space<vmem>>, vector<32x8x128xbf16>
    tpu.vector_store %arg8[%swap3A_39, %swap3A_40, %swap3A_41], %get3A_38 {strides = array<i32>} : memref<1332x8x128xbf16, #tpu.memory_space<vmem>>, vector<32x8x128xbf16>,
    %get3A_43 = arith.constant 0 : index
    %get3A_44 = arith.constant 128 : index
    %get3A_45 = arith.constant 0 : index
    %get3A_46 = arith.constant 0 : index
    %get3A_47 = vector.load %arg2[%get3A_43, %get3A_44, %get3A_45, %get3A_46] : memref<1x1024x8x128xbf16, #tpu.memory_space<vmem>>, vector<1x32x8x128xbf16>
    %get3A_48 = vector.shape_cast %get3A_47 : vector<1x32x8x128xbf16> to vector<32x8x128xbf16>
    %swap3A_49 = arith.constant 218 : index
    %swap3A_50 = arith.constant 0 : index
    %swap3A_51 = arith.constant 0 : index
    %swap3A_52 = vector.load %arg8[%swap3A_49, %swap3A_50, %swap3A_51] : memref<1332x8x128xbf16, #tpu.memory_space<vmem>>, vector<32x8x128xbf16>
    tpu.vector_store %arg8[%swap3A_49, %swap3A_50, %swap3A_51], %get3A_48 {strides = array<i32>} : memref<1332x8x128xbf16, #tpu.memory_space<vmem>>, vector<32x8x128xbf16>,
    %get3A_53 = arith.constant 0 : index
    %get3A_54 = arith.constant 160 : index
    %get3A_55 = arith.constant 0 : index
    %get3A_56 = arith.constant 0 : index
    %get3A_57 = vector.load %arg2[%get3A_53, %get3A_54, %get3A_55, %get3A_56] : memref<1x1024x8x128xbf16, #tpu.memory_space<vmem>>, vector<1x32x8x128xbf16>
    %get3A_58 = vector.shape_cast %get3A_57 : vector<1x32x8x128xbf16> to vector<32x8x128xbf16>
    %swap3A_59 = arith.constant 254 : index
    %swap3A_60 = arith.constant 0 : index
    %swap3A_61 = arith.constant 0 : index
    %swap3A_62 = vector.load %arg8[%swap3A_59, %swap3A_60, %swap3A_61] : memref<1332x8x128xbf16, #tpu.memory_space<vmem>>, vector<32x8x128xbf16>
    tpu.vector_store %arg8[%swap3A_59, %swap3A_60, %swap3A_61], %get3A_58 {strides = array<i32>} : memref<1332x8x128xbf16, #tpu.memory_space<vmem>>, vector<32x8x128xbf16>,
    %get3A_63 = arith.constant 0 : index
    %get3A_64 = arith.constant 192 : index
    %get3A_65 = arith.constant 0 : index
    %get3A_66 = arith.constant 0 : index
    %get3A_67 = vector.load %arg2[%get3A_63, %get3A_64, %get3A_65, %get3A_66] : memref<1x1024x8x128xbf16, #tpu.memory_space<vmem>>, vector<1x32x8x128xbf16>
    %get3A_68 = vector.shape_cast %get3A_67 : vector<1x32x8x128xbf16> to vector<32x8x128xbf16>
    %swap3A_69 = arith.constant 290 : index
    %swap3A_70 = arith.constant 0 : index
    %swap3A_71 = arith.constant 0 : index
    %swap3A_72 = vector.load %arg8[%swap3A_69, %swap3A_70, %swap3A_71] : memref<1332x8x128xbf16, #tpu.memory_space<vmem>>, vector<32x8x128xbf16>
    tpu.vector_store %arg8[%swap3A_69, %swap3A_70, %swap3A_71], %get3A_68 {strides = array<i32>} : memref<1332x8x128xbf16, #tpu.memory_space<vmem>>, vector<32x8x128xbf16>,
    %get3A_73 = arith.constant 0 : index
    %get3A_74 = arith.constant 224 : index
    %get3A_75 = arith.constant 0 : index
    %get3A_76 = arith.constant 0 : index
    %get3A_77 = vector.load %arg2[%get3A_73, %get3A_74, %get3A_75, %get3A_76] : memref<1x1024x8x128xbf16, #tpu.memory_space<vmem>>, vector<1x32x8x128xbf16>
    %get3A_78 = vector.shape_cast %get3A_77 : vector<1x32x8x128xbf16> to vector<32x8x128xbf16>
    %swap3A_79 = arith.constant 326 : index
    %swap3A_80 = arith.constant 0 : index
    %swap3A_81 = arith.constant 0 : index
    %swap3A_82 = vector.load %arg8[%swap3A_79, %swap3A_80, %swap3A_81] : memref<1332x8x128xbf16, #tpu.memory_space<vmem>>, vector<32x8x128xbf16>
    tpu.vector_store %arg8[%swap3A_79, %swap3A_80, %swap3A_81], %get3A_78 {strides = array<i32>} : memref<1332x8x128xbf16, #tpu.memory_space<vmem>>, vector<32x8x128xbf16>,
    %get3A_83 = arith.constant 0 : index
    %get3A_84 = arith.constant 256 : index
    %get3A_85 = arith.constant 0 : index
    %get3A_86 = arith.constant 0 : index
    %get3A_87 = vector.load %arg2[%get3A_83, %get3A_84, %get3A_85, %get3A_86] : memref<1x1024x8x128xbf16, #tpu.memory_space<vmem>>, vector<1x32x8x128xbf16>
    %get3A_88 = vector.shape_cast %get3A_87 : vector<1x32x8x128xbf16> to vector<32x8x128xbf16>
    %swap3A_89 = arith.constant 362 : index
    %swap3A_90 = arith.constant 0 : index
    %swap3A_91 = arith.constant 0 : index
    %swap3A_92 = vector.load %arg8[%swap3A_89, %swap3A_90, %swap3A_91] : memref<1332x8x128xbf16, #tpu.memory_space<vmem>>, vector<32x8x128xbf16>
    tpu.vector_store %arg8[%swap3A_89, %swap3A_90, %swap3A_91], %get3A_88 {strides = array<i32>} : memref<1332x8x128xbf16, #tpu.memory_space<vmem>>, vector<32x8x128xbf16>,
    %get3A_93 = arith.constant 0 : index
    %get3A_94 = arith.constant 288 : index
    %get3A_95 = arith.constant 0 : index
    %get3A_96 = arith.constant 0 : index
    %get3A_97 = vector.load %arg2[%get3A_93, %get3A_94, %get3A_95, %get3A_96] : memref<1x1024x8x128xbf16, #tpu.memory_space<vmem>>, vector<1x32x8x128xbf16>
    %get3A_98 = vector.shape_cast %get3A_97 : vector<1x32x8x128xbf16> to vector<32x8x128xbf16>
    %swap3A_99 = arith.constant 398 : index
    %swap3A_100 = arith.constant 0 : index
    %swap3A_101 = arith.constant 0 : index
    %swap3A_102 = vector.load %arg8[%swap3A_99, %swap3A_100, %swap3A_101] : memref<1332x8x128xbf16, #tpu.memory_space<vmem>>, vector<32x8x128xbf16>
    tpu.vector_store %arg8[%swap3A_99, %swap3A_100, %swap3A_101], %get3A_98 {strides = array<i32>} : memref<1332x8x128xbf16, #tpu.memory_space<vmem>>, vector<32x8x128xbf16>,
    %get3A_103 = arith.constant 0 : index
    %get3A_104 = arith.constant 320 : index
    %get3A_105 = arith.constant 0 : index
    %get3A_106 = arith.constant 0 : index
    %get3A_107 = vector.load %arg2[%get3A_103, %get3A_104, %get3A_105, %get3A_106] : memref<1x1024x8x128xbf16, #tpu.memory_space<vmem>>, vector<1x32x8x128xbf16>
    %get3A_108 = vector.shape_cast %get3A_107 : vector<1x32x8x128xbf16> to vector<32x8x128xbf16>
    %swap3A_109 = arith.constant 434 : index
    %swap3A_110 = arith.constant 0 : index
    %swap3A_111 = arith.constant 0 : index
    %swap3A_112 = vector.load %arg8[%swap3A_109, %swap3A_110, %swap3A_111] : memref<1332x8x128xbf16, #tpu.memory_space<vmem>>, vector<32x8x128xbf16>
    tpu.vector_store %arg8[%swap3A_109, %swap3A_110, %swap3A_111], %get3A_108 {strides = array<i32>} : memref<1332x8x128xbf16, #tpu.memory_space<vmem>>, vector<32x8x128xbf16>,
    %get3A_113 = arith.constant 0 : index
    %get3A_114 = arith.constant 352 : index
    %get3A_115 = arith.constant 0 : index
    %get3A_116 = arith.constant 0 : index
    %get3A_117 = vector.load %arg2[%get3A_113, %get3A_114, %get3A_115, %get3A_116] : memref<1x1024x8x128xbf16, #tpu.memory_space<vmem>>, vector<1x32x8x128xbf16>
    %get3A_118 = vector.shape_cast %get3A_117 : vector<1x32x8x128xbf16> to vector<32x8x128xbf16>
    %swap3A_119 = arith.constant 470 : index
    %swap3A_120 = arith.constant 0 : index
    %swap3A_121 = arith.constant 0 : index
    %swap3A_122 = vector.load %arg8[%swap3A_119, %swap3A_120, %swap3A_121] : memref<1332x8x128xbf16, #tpu.memory_space<vmem>>, vector<32x8x128xbf16>
    tpu.vector_store %arg8[%swap3A_119, %swap3A_120, %swap3A_121], %get3A_118 {strides = array<i32>} : memref<1332x8x128xbf16, #tpu.memory_space<vmem>>, vector<32x8x128xbf16>,
    %get3A_123 = arith.constant 0 : index
    %get3A_124 = arith.constant 384 : index
    %get3A_125 = arith.constant 0 : index
    %get3A_126 = arith.constant 0 : index
    %get3A_127 = vector.load %arg2[%get3A_123, %get3A_124, %get3A_125, %get3A_126] : memref<1x1024x8x128xbf16, #tpu.memory_space<vmem>>, vector<1x32x8x128xbf16>
    %get3A_128 = vector.shape_cast %get3A_127 : vector<1x32x8x128xbf16> to vector<32x8x128xbf16>
    %swap3A_129 = arith.constant 506 : index
    %swap3A_130 = arith.constant 0 : index
    %swap3A_131 = arith.constant 0 : index
    %swap3A_132 = vector.load %arg8[%swap3A_129, %swap3A_130, %swap3A_131] : memref<1332x8x128xbf16, #tpu.memory_space<vmem>>, vector<32x8x128xbf16>
    tpu.vector_store %arg8[%swap3A_129, %swap3A_130, %swap3A_131], %get3A_128 {strides = array<i32>} : memref<1332x8x128xbf16, #tpu.memory_space<vmem>>, vector<32x8x128xbf16>,
    %get3A_133 = arith.constant 0 : index
    %get3A_134 = arith.constant 416 : index
    %get3A_135 = arith.constant 0 : index
    %get3A_136 = arith.constant 0 : index
    %get3A_137 = vector.load %arg2[%get3A_133, %get3A_134, %get3A_135, %get3A_136] : memref<1x1024x8x128xbf16, #tpu.memory_space<vmem>>, vector<1x32x8x128xbf16>
    %get3A_138 = vector.shape_cast %get3A_137 : vector<1x32x8x128xbf16> to vector<32x8x128xbf16>
    %swap3A_139 = arith.constant 542 : index
    %swap3A_140 = arith.constant 0 : index
    %swap3A_141 = arith.constant 0 : index
    %swap3A_142 = vector.load %arg8[%swap3A_139, %swap3A_140, %swap3A_141] : memref<1332x8x128xbf16, #tpu.memory_space<vmem>>, vector<32x8x128xbf16>
    tpu.vector_store %arg8[%swap3A_139, %swap3A_140, %swap3A_141], %get3A_138 {strides = array<i32>} : memref<1332x8x128xbf16, #tpu.memory_space<vmem>>, vector<32x8x128xbf16>,
    %get3A_143 = arith.constant 0 : index
    %get3A_144 = arith.constant 448 : index
    %get3A_145 = arith.constant 0 : index
    %get3A_146 = arith.constant 0 : index
    %get3A_147 = vector.load %arg2[%get3A_143, %get3A_144, %get3A_145, %get3A_146] : memref<1x1024x8x128xbf16, #tpu.memory_space<vmem>>, vector<1x32x8x128xbf16>
    %get3A_148 = vector.shape_cast %get3A_147 : vector<1x32x8x128xbf16> to vector<32x8x128xbf16>
    %swap3A_149 = arith.constant 578 : index
    %swap3A_150 = arith.constant 0 : index
    %swap3A_151 = arith.constant 0 : index
    %swap3A_152 = vector.load %arg8[%swap3A_149, %swap3A_150, %swap3A_151] : memref<1332x8x128xbf16, #tpu.memory_space<vmem>>, vector<32x8x128xbf16>
    tpu.vector_store %arg8[%swap3A_149, %swap3A_150, %swap3A_151], %get3A_148 {strides = array<i32>} : memref<1332x8x128xbf16, #tpu.memory_space<vmem>>, vector<32x8x128xbf16>,
    %get3A_153 = arith.constant 0 : index
    %get3A_154 = arith.constant 480 : index
    %get3A_155 = arith.constant 0 : index
    %get3A_156 = arith.constant 0 : index
    %get3A_157 = vector.load %arg2[%get3A_153, %get3A_154, %get3A_155, %get3A_156] : memref<1x1024x8x128xbf16, #tpu.memory_space<vmem>>, vector<1x32x8x128xbf16>
    %get3A_158 = vector.shape_cast %get3A_157 : vector<1x32x8x128xbf16> to vector<32x8x128xbf16>
    %swap3A_159 = arith.constant 614 : index
    %swap3A_160 = arith.constant 0 : index
    %swap3A_161 = arith.constant 0 : index
    %swap3A_162 = vector.load %arg8[%swap3A_159, %swap3A_160, %swap3A_161] : memref<1332x8x128xbf16, #tpu.memory_space<vmem>>, vector<32x8x128xbf16>
    tpu.vector_store %arg8[%swap3A_159, %swap3A_160, %swap3A_161], %get3A_158 {strides = array<i32>} : memref<1332x8x128xbf16, #tpu.memory_space<vmem>>, vector<32x8x128xbf16>,
    %get3A_163 = arith.constant 0 : index
    %get3A_164 = arith.constant 512 : index
    %get3A_165 = arith.constant 0 : index
    %get3A_166 = arith.constant 0 : index
    %get3A_167 = vector.load %arg2[%get3A_163, %get3A_164, %get3A_165, %get3A_166] : memref<1x1024x8x128xbf16, #tpu.memory_space<vmem>>, vector<1x32x8x128xbf16>
    %get3A_168 = vector.shape_cast %get3A_167 : vector<1x32x8x128xbf16> to vector<32x8x128xbf16>
    %swap3A_169 = arith.constant 650 : index
    %swap3A_170 = arith.constant 0 : index
    %swap3A_171 = arith.constant 0 : index
    %swap3A_172 = vector.load %arg8[%swap3A_169, %swap3A_170, %swap3A_171] : memref<1332x8x128xbf16, #tpu.memory_space<vmem>>, vector<32x8x128xbf16>
    tpu.vector_store %arg8[%swap3A_169, %swap3A_170, %swap3A_171], %get3A_168 {strides = array<i32>} : memref<1332x8x128xbf16, #tpu.memory_space<vmem>>, vector<32x8x128xbf16>,
    %get3A_173 = arith.constant 0 : index
    %get3A_174 = arith.constant 544 : index
    %get3A_175 = arith.constant 0 : index
    %get3A_176 = arith.constant 0 : index
    %get3A_177 = vector.load %arg2[%get3A_173, %get3A_174, %get3A_175, %get3A_176] : memref<1x1024x8x128xbf16, #tpu.memory_space<vmem>>, vector<1x32x8x128xbf16>
    %get3A_178 = vector.shape_cast %get3A_177 : vector<1x32x8x128xbf16> to vector<32x8x128xbf16>
    %swap3A_179 = arith.constant 686 : index
    %swap3A_180 = arith.constant 0 : index
    %swap3A_181 = arith.constant 0 : index
    %swap3A_182 = vector.load %arg8[%swap3A_179, %swap3A_180, %swap3A_181] : memref<1332x8x128xbf16, #tpu.memory_space<vmem>>, vector<32x8x128xbf16>
    tpu.vector_store %arg8[%swap3A_179, %swap3A_180, %swap3A_181], %get3A_178 {strides = array<i32>} : memref<1332x8x128xbf16, #tpu.memory_space<vmem>>, vector<32x8x128xbf16>,
    %get3A_183 = arith.constant 0 : index
    %get3A_184 = arith.constant 576 : index
    %get3A_185 = arith.constant 0 : index
    %get3A_186 = arith.constant 0 : index
    %get3A_187 = vector.load %arg2[%get3A_183, %get3A_184, %get3A_185, %get3A_186] : memref<1x1024x8x128xbf16, #tpu.memory_space<vmem>>, vector<1x32x8x128xbf16>
    %get3A_188 = vector.shape_cast %get3A_187 : vector<1x32x8x128xbf16> to vector<32x8x128xbf16>
    %swap3A_189 = arith.constant 722 : index
    %swap3A_190 = arith.constant 0 : index
    %swap3A_191 = arith.constant 0 : index
    %swap3A_192 = vector.load %arg8[%swap3A_189, %swap3A_190, %swap3A_191] : memref<1332x8x128xbf16, #tpu.memory_space<vmem>>, vector<32x8x128xbf16>
    tpu.vector_store %arg8[%swap3A_189, %swap3A_190, %swap3A_191], %get3A_188 {strides = array<i32>} : memref<1332x8x128xbf16, #tpu.memory_space<vmem>>, vector<32x8x128xbf16>,
    %get3A_193 = arith.constant 0 : index
    %get3A_194 = arith.constant 608 : index
    %get3A_195 = arith.constant 0 : index
    %get3A_196 = arith.constant 0 : index
    %get3A_197 = vector.load %arg2[%get3A_193, %get3A_194, %get3A_195, %get3A_196] : memref<1x1024x8x128xbf16, #tpu.memory_space<vmem>>, vector<1x32x8x128xbf16>
    %get3A_198 = vector.shape_cast %get3A_197 : vector<1x32x8x128xbf16> to vector<32x8x128xbf16>
    %swap3A_199 = arith.constant 758 : index
    %swap3A_200 = arith.constant 0 : index
    %swap3A_201 = arith.constant 0 : index
    %swap3A_202 = vector.load %arg8[%swap3A_199, %swap3A_200, %swap3A_201] : memref<1332x8x128xbf16, #tpu.memory_space<vmem>>, vector<32x8x128xbf16>
    tpu.vector_store %arg8[%swap3A_199, %swap3A_200, %swap3A_201], %get3A_198 {strides = array<i32>} : memref<1332x8x128xbf16, #tpu.memory_space<vmem>>, vector<32x8x128xbf16>,
    %get3A_203 = arith.constant 0 : index
    %get3A_204 = arith.constant 640 : index
    %get3A_205 = arith.constant 0 : index
    %get3A_206 = arith.constant 0 : index
    %get3A_207 = vector.load %arg2[%get3A_203, %get3A_204, %get3A_205, %get3A_206] : memref<1x1024x8x128xbf16, #tpu.memory_space<vmem>>, vector<1x32x8x128xbf16>
    %get3A_208 = vector.shape_cast %get3A_207 : vector<1x32x8x128xbf16> to vector<32x8x128xbf16>
    %swap3A_209 = arith.constant 794 : index
    %swap3A_210 = arith.constant 0 : index
    %swap3A_211 = arith.constant 0 : index
    %swap3A_212 = vector.load %arg8[%swap3A_209, %swap3A_210, %swap3A_211] : memref<1332x8x128xbf16, #tpu.memory_space<vmem>>, vector<32x8x128xbf16>
    tpu.vector_store %arg8[%swap3A_209, %swap3A_210, %swap3A_211], %get3A_208 {strides = array<i32>} : memref<1332x8x128xbf16, #tpu.memory_space<vmem>>, vector<32x8x128xbf16>,
    %get3A_213 = arith.constant 0 : index
    %get3A_214 = arith.constant 672 : index
    %get3A_215 = arith.constant 0 : index
    %get3A_216 = arith.constant 0 : index
    %get3A_217 = vector.load %arg2[%get3A_213, %get3A_214, %get3A_215, %get3A_216] : memref<1x1024x8x128xbf16, #tpu.memory_space<vmem>>, vector<1x32x8x128xbf16>
    %get3A_218 = vector.shape_cast %get3A_217 : vector<1x32x8x128xbf16> to vector<32x8x128xbf16>
    %swap3A_219 = arith.constant 830 : index
    %swap3A_220 = arith.constant 0 : index
    %swap3A_221 = arith.constant 0 : index
    %swap3A_222 = vector.load %arg8[%swap3A_219, %swap3A_220, %swap3A_221] : memref<1332x8x128xbf16, #tpu.memory_space<vmem>>, vector<32x8x128xbf16>
    tpu.vector_store %arg8[%swap3A_219, %swap3A_220, %swap3A_221], %get3A_218 {strides = array<i32>} : memref<1332x8x128xbf16, #tpu.memory_space<vmem>>, vector<32x8x128xbf16>,
    %get3A_223 = arith.constant 0 : index
    %get3A_224 = arith.constant 704 : index
    %get3A_225 = arith.constant 0 : index
    %get3A_226 = arith.constant 0 : index
    %get3A_227 = vector.load %arg2[%get3A_223, %get3A_224, %get3A_225, %get3A_226] : memref<1x1024x8x128xbf16, #tpu.memory_space<vmem>>, vector<1x32x8x128xbf16>
    %get3A_228 = vector.shape_cast %get3A_227 : vector<1x32x8x128xbf16> to vector<32x8x128xbf16>
    %swap3A_229 = arith.constant 866 : index
    %swap3A_230 = arith.constant 0 : index
    %swap3A_231 = arith.constant 0 : index
    %swap3A_232 = vector.load %arg8[%swap3A_229, %swap3A_230, %swap3A_231] : memref<1332x8x128xbf16, #tpu.memory_space<vmem>>, vector<32x8x128xbf16>
    tpu.vector_store %arg8[%swap3A_229, %swap3A_230, %swap3A_231], %get3A_228 {strides = array<i32>} : memref<1332x8x128xbf16, #tpu.memory_space<vmem>>, vector<32x8x128xbf16>,
    %get3A_233 = arith.constant 0 : index
    %get3A_234 = arith.constant 736 : index
    %get3A_235 = arith.constant 0 : index
    %get3A_236 = arith.constant 0 : index
    %get3A_237 = vector.load %arg2[%get3A_233, %get3A_234, %get3A_235, %get3A_236] : memref<1x1024x8x128xbf16, #tpu.memory_space<vmem>>, vector<1x32x8x128xbf16>
    %get3A_238 = vector.shape_cast %get3A_237 : vector<1x32x8x128xbf16> to vector<32x8x128xbf16>
    %swap3A_239 = arith.constant 902 : index
    %swap3A_240 = arith.constant 0 : index
    %swap3A_241 = arith.constant 0 : index
    %swap3A_242 = vector.load %arg8[%swap3A_239, %swap3A_240, %swap3A_241] : memref<1332x8x128xbf16, #tpu.memory_space<vmem>>, vector<32x8x128xbf16>
    tpu.vector_store %arg8[%swap3A_239, %swap3A_240, %swap3A_241], %get3A_238 {strides = array<i32>} : memref<1332x8x128xbf16, #tpu.memory_space<vmem>>, vector<32x8x128xbf16>,
    %get3A_243 = arith.constant 0 : index
    %get3A_244 = arith.constant 768 : index
    %get3A_245 = arith.constant 0 : index
    %get3A_246 = arith.constant 0 : index
    %get3A_247 = vector.load %arg2[%get3A_243, %get3A_244, %get3A_245, %get3A_246] : memref<1x1024x8x128xbf16, #tpu.memory_space<vmem>>, vector<1x32x8x128xbf16>
    %get3A_248 = vector.shape_cast %get3A_247 : vector<1x32x8x128xbf16> to vector<32x8x128xbf16>
    %swap3A_249 = arith.constant 938 : index
    %swap3A_250 = arith.constant 0 : index
    %swap3A_251 = arith.constant 0 : index
    %swap3A_252 = vector.load %arg8[%swap3A_249, %swap3A_250, %swap3A_251] : memref<1332x8x128xbf16, #tpu.memory_space<vmem>>, vector<32x8x128xbf16>
    tpu.vector_store %arg8[%swap3A_249, %swap3A_250, %swap3A_251], %get3A_248 {strides = array<i32>} : memref<1332x8x128xbf16, #tpu.memory_space<vmem>>, vector<32x8x128xbf16>,
    %get3A_253 = arith.constant 0 : index
    %get3A_254 = arith.constant 800 : index
    %get3A_255 = arith.constant 0 : index
    %get3A_256 = arith.constant 0 : index
    %get3A_257 = vector.load %arg2[%get3A_253, %get3A_254, %get3A_255, %get3A_256] : memref<1x1024x8x128xbf16, #tpu.memory_space<vmem>>, vector<1x32x8x128xbf16>
    %get3A_258 = vector.shape_cast %get3A_257 : vector<1x32x8x128xbf16> to vector<32x8x128xbf16>
    %swap3A_259 = arith.constant 974 : index
    %swap3A_260 = arith.constant 0 : index
    %swap3A_261 = arith.constant 0 : index
    %swap3A_262 = vector.load %arg8[%swap3A_259, %swap3A_260, %swap3A_261] : memref<1332x8x128xbf16, #tpu.memory_space<vmem>>, vector<32x8x128xbf16>
    tpu.vector_store %arg8[%swap3A_259, %swap3A_260, %swap3A_261], %get3A_258 {strides = array<i32>} : memref<1332x8x128xbf16, #tpu.memory_space<vmem>>, vector<32x8x128xbf16>,
    %get3A_263 = arith.constant 0 : index
    %get3A_264 = arith.constant 832 : index
    %get3A_265 = arith.constant 0 : index
    %get3A_266 = arith.constant 0 : index
    %get3A_267 = vector.load %arg2[%get3A_263, %get3A_264, %get3A_265, %get3A_266] : memref<1x1024x8x128xbf16, #tpu.memory_space<vmem>>, vector<1x32x8x128xbf16>
    %get3A_268 = vector.shape_cast %get3A_267 : vector<1x32x8x128xbf16> to vector<32x8x128xbf16>
    %swap3A_269 = arith.constant 1010 : index
    %swap3A_270 = arith.constant 0 : index
    %swap3A_271 = arith.constant 0 : index
    %swap3A_272 = vector.load %arg8[%swap3A_269, %swap3A_270, %swap3A_271] : memref<1332x8x128xbf16, #tpu.memory_space<vmem>>, vector<32x8x128xbf16>
    tpu.vector_store %arg8[%swap3A_269, %swap3A_270, %swap3A_271], %get3A_268 {strides = array<i32>} : memref<1332x8x128xbf16, #tpu.memory_space<vmem>>, vector<32x8x128xbf16>,
    %get3A_273 = arith.constant 0 : index
    %get3A_274 = arith.constant 864 : index
    %get3A_275 = arith.constant 0 : index
    %get3A_276 = arith.constant 0 : index
    %get3A_277 = vector.load %arg2[%get3A_273, %get3A_274, %get3A_275, %get3A_276] : memref<1x1024x8x128xbf16, #tpu.memory_space<vmem>>, vector<1x32x8x128xbf16>
    %get3A_278 = vector.shape_cast %get3A_277 : vector<1x32x8x128xbf16> to vector<32x8x128xbf16>
    %swap3A_279 = arith.constant 1046 : index
    %swap3A_280 = arith.constant 0 : index
    %swap3A_281 = arith.constant 0 : index
    %swap3A_282 = vector.load %arg8[%swap3A_279, %swap3A_280, %swap3A_281] : memref<1332x8x128xbf16, #tpu.memory_space<vmem>>, vector<32x8x128xbf16>
    tpu.vector_store %arg8[%swap3A_279, %swap3A_280, %swap3A_281], %get3A_278 {strides = array<i32>} : memref<1332x8x128xbf16, #tpu.memory_space<vmem>>, vector<32x8x128xbf16>,
    %get3A_283 = arith.constant 0 : index
    %get3A_284 = arith.constant 896 : index
    %get3A_285 = arith.constant 0 : index
    %get3A_286 = arith.constant 0 : index
    %get3A_287 = vector.load %arg2[%get3A_283, %get3A_284, %get3A_285, %get3A_286] : memref<1x1024x8x128xbf16, #tpu.memory_space<vmem>>, vector<1x32x8x128xbf16>
    %get3A_288 = vector.shape_cast %get3A_287 : vector<1x32x8x128xbf16> to vector<32x8x128xbf16>
    %swap3A_289 = arith.constant 1082 : index
    %swap3A_290 = arith.constant 0 : index
    %swap3A_291 = arith.constant 0 : index
    %swap3A_292 = vector.load %arg8[%swap3A_289, %swap3A_290, %swap3A_291] : memref<1332x8x128xbf16, #tpu.memory_space<vmem>>, vector<32x8x128xbf16>
    tpu.vector_store %arg8[%swap3A_289, %swap3A_290, %swap3A_291], %get3A_288 {strides = array<i32>} : memref<1332x8x128xbf16, #tpu.memory_space<vmem>>, vector<32x8x128xbf16>,
    %get3A_293 = arith.constant 0 : index
    %get3A_294 = arith.constant 928 : index
    %get3A_295 = arith.constant 0 : index
    %get3A_296 = arith.constant 0 : index
    %get3A_297 = vector.load %arg2[%get3A_293, %get3A_294, %get3A_295, %get3A_296] : memref<1x1024x8x128xbf16, #tpu.memory_space<vmem>>, vector<1x32x8x128xbf16>
    %get3A_298 = vector.shape_cast %get3A_297 : vector<1x32x8x128xbf16> to vector<32x8x128xbf16>
    %swap3A_299 = arith.constant 1118 : index
    %swap3A_300 = arith.constant 0 : index
    %swap3A_301 = arith.constant 0 : index
    %swap3A_302 = vector.load %arg8[%swap3A_299, %swap3A_300, %swap3A_301] : memref<1332x8x128xbf16, #tpu.memory_space<vmem>>, vector<32x8x128xbf16>
    tpu.vector_store %arg8[%swap3A_299, %swap3A_300, %swap3A_301], %get3A_298 {strides = array<i32>} : memref<1332x8x128xbf16, #tpu.memory_space<vmem>>, vector<32x8x128xbf16>,
    %get3A_303 = arith.constant 0 : index
    %get3A_304 = arith.constant 960 : index
    %get3A_305 = arith.constant 0 : index
    %get3A_306 = arith.constant 0 : index
    %get3A_307 = vector.load %arg2[%get3A_303, %get3A_304, %get3A_305, %get3A_306] : memref<1x1024x8x128xbf16, #tpu.memory_space<vmem>>, vector<1x32x8x128xbf16>
    %get3A_308 = vector.shape_cast %get3A_307 : vector<1x32x8x128xbf16> to vector<32x8x128xbf16>
    %swap3A_309 = arith.constant 1154 : index
    %swap3A_310 = arith.constant 0 : index
    %swap3A_311 = arith.constant 0 : index
    %swap3A_312 = vector.load %arg8[%swap3A_309, %swap3A_310, %swap3A_311] : memref<1332x8x128xbf16, #tpu.memory_space<vmem>>, vector<32x8x128xbf16>
    tpu.vector_store %arg8[%swap3A_309, %swap3A_310, %swap3A_311], %get3A_308 {strides = array<i32>} : memref<1332x8x128xbf16, #tpu.memory_space<vmem>>, vector<32x8x128xbf16>,
    %get3A_313 = arith.constant 0 : index
    %get3A_314 = arith.constant 992 : index
    %get3A_315 = arith.constant 0 : index
    %get3A_316 = arith.constant 0 : index
    %get3A_317 = vector.load %arg2[%get3A_313, %get3A_314, %get3A_315, %get3A_316] : memref<1x1024x8x128xbf16, #tpu.memory_space<vmem>>, vector<1x32x8x128xbf16>
    %get3A_318 = vector.shape_cast %get3A_317 : vector<1x32x8x128xbf16> to vector<32x8x128xbf16>
    %swap3A_319 = arith.constant 1190 : index
    %swap3A_320 = arith.constant 0 : index
    %swap3A_321 = arith.constant 0 : index
    %swap3A_322 = vector.load %arg8[%swap3A_319, %swap3A_320, %swap3A_321] : memref<1332x8x128xbf16, #tpu.memory_space<vmem>>, vector<32x8x128xbf16>
    tpu.vector_store %arg8[%swap3A_319, %swap3A_320, %swap3A_321], %get3A_318 {strides = array<i32>} : memref<1332x8x128xbf16, #tpu.memory_space<vmem>>, vector<32x8x128xbf16>,
    %get3A_323 = arith.constant 0 : index
    %get3A_324 = arith.constant 0 : index
    %get3A_325 = arith.constant 0 : index
    %get3A_326 = vector.load %arg8[%get3A_323, %get3A_324, %get3A_325] : memref<1332x8x128xbf16, #tpu.memory_space<vmem>>, vector<1332x8x128xbf16>
    %broadcast_in_dim3A_327 = arith.constant 0.000000e+00 : f32
    %broadcast_in_dim3A_328 = vector.broadcast %broadcast_in_dim3A_327 : f32 to vector<1152x8x128xf32>
    %get3A_329 = arith.constant 0 : index
    %get3A_330 = arith.constant 0 : index
    %get3A_331 = arith.constant 0 : index
    %get3A_332 = vector.load %arg4[%get3A_329, %get3A_330, %get3A_331] : memref<1x8x128xf32, #tpu.memory_space<vmem>>, vector<1x8x128xf32>
    %get3A_333 = vector.shape_cast %get3A_332 : vector<1x8x128xf32> to vector<8x128xf32>
    %broadcast_in_dim3A_334 = vector.shape_cast %get3A_333 : vector<8x128xf32> to vector<1x8x128xf32>
    %add3A = vector.broadcast %broadcast_in_dim3A_334 : vector<1x8x128xf32> to vector<1152x8x128xf32>
    %add3A_335 = arith.addf %broadcast_in_dim3A_328, %add3A : vector<1152x8x128xf32>
    %slice3A = vector.extract_strided_slice %get3A_326 {offsets = [0, 0, 0], sizes = [1152, 8, 128], strides = [1, 1, 1]} : vector<1332x8x128xbf16> to vector<1152x8x128xbf16>
    %convert_element_type3A = arith.extf %slice3A : vector<1152x8x128xbf16> to vector<1152x8x128xf32>
    %get3A_336 = arith.constant 0 : index
    %get3A_337 = arith.constant 0 : index
    %get3A_338 = arith.constant 0 : index
    %get3A_339 = vector.load %arg3[%get3A_336, %get3A_337, %get3A_338] : memref<25x8x128xf32, #tpu.memory_space<vmem>>, vector<1x8x128xf32>
    %get3A_340 = vector.shape_cast %get3A_339 : vector<1x8x128xf32> to vector<8x128xf32>
    %broadcast_in_dim3A_341 = vector.shape_cast %get3A_340 : vector<8x128xf32> to vector<1x8x128xf32>
    %mul3A = vector.broadcast %broadcast_in_dim3A_341 : vector<1x8x128xf32> to vector<1152x8x128xf32>
    %mul3A_342 = arith.mulf %convert_element_type3A, %mul3A : vector<1152x8x128xf32>
    %add3A_343 = arith.addf %add3A_335, %mul3A_342 : vector<1152x8x128xf32>
    %slice3A_344 = vector.extract_strided_slice %get3A_326 {offsets = [1, 0, 0], sizes = [1152, 8, 128], strides = [1, 1, 1]} : vector<1332x8x128xbf16> to vector<1152x8x128xbf16>
    %convert_element_type3A_345 = arith.extf %slice3A_344 : vector<1152x8x128xbf16> to vector<1152x8x128xf32>
    %get3A_346 = arith.constant 1 : index
    %get3A_347 = arith.constant 0 : index
    %get3A_348 = arith.constant 0 : index
    %get3A_349 = vector.load %arg3[%get3A_346, %get3A_347, %get3A_348] : memref<25x8x128xf32, #tpu.memory_space<vmem>>, vector<1x8x128xf32>
    %get3A_350 = vector.shape_cast %get3A_349 : vector<1x8x128xf32> to vector<8x128xf32>
    %broadcast_in_dim3A_351 = vector.shape_cast %get3A_350 : vector<8x128xf32> to vector<1x8x128xf32>
    %mul3A_352 = vector.broadcast %broadcast_in_dim3A_351 : vector<1x8x128xf32> to vector<1152x8x128xf32>
    %mul3A_353 = arith.mulf %convert_element_type3A_345, %mul3A_352 : vector<1152x8x128xf32>
    %add3A_354 = arith.addf %add3A_343, %mul3A_353 : vector<1152x8x128xf32>
    %slice3A_355 = vector.extract_strided_slice %get3A_326 {offsets = [2, 0, 0], sizes = [1152, 8, 128], strides = [1, 1, 1]} : vector<1332x8x128xbf16> to vector<1152x8x128xbf16>
    %convert_element_type3A_356 = arith.extf %slice3A_355 : vector<1152x8x128xbf16> to vector<1152x8x128xf32>
    %get3A_357 = arith.constant 2 : index
    %get3A_358 = arith.constant 0 : index
    %get3A_359 = arith.constant 0 : index
    %get3A_360 = vector.load %arg3[%get3A_357, %get3A_358, %get3A_359] : memref<25x8x128xf32, #tpu.memory_space<vmem>>, vector<1x8x128xf32>
    %get3A_361 = vector.shape_cast %get3A_360 : vector<1x8x128xf32> to vector<8x128xf32>
    %broadcast_in_dim3A_362 = vector.shape_cast %get3A_361 : vector<8x128xf32> to vector<1x8x128xf32>
    %mul3A_363 = vector.broadcast %broadcast_in_dim3A_362 : vector<1x8x128xf32> to vector<1152x8x128xf32>
    %mul3A_364 = arith.mulf %convert_element_type3A_356, %mul3A_363 : vector<1152x8x128xf32>
    %add3A_365 = arith.addf %add3A_354, %mul3A_364 : vector<1152x8x128xf32>
    %slice3A_366 = vector.extract_strided_slice %get3A_326 {offsets = [3, 0, 0], sizes = [1152, 8, 128], strides = [1, 1, 1]} : vector<1332x8x128xbf16> to vector<1152x8x128xbf16>
    %convert_element_type3A_367 = arith.extf %slice3A_366 : vector<1152x8x128xbf16> to vector<1152x8x128xf32>
    %get3A_368 = arith.constant 3 : index
    %get3A_369 = arith.constant 0 : index
    %get3A_370 = arith.constant 0 : index
    %get3A_371 = vector.load %arg3[%get3A_368, %get3A_369, %get3A_370] : memref<25x8x128xf32, #tpu.memory_space<vmem>>, vector<1x8x128xf32>
    %get3A_372 = vector.shape_cast %get3A_371 : vector<1x8x128xf32> to vector<8x128xf32>
    %broadcast_in_dim3A_373 = vector.shape_cast %get3A_372 : vector<8x128xf32> to vector<1x8x128xf32>
    %mul3A_374 = vector.broadcast %broadcast_in_dim3A_373 : vector<1x8x128xf32> to vector<1152x8x128xf32>
    %mul3A_375 = arith.mulf %convert_element_type3A_367, %mul3A_374 : vector<1152x8x128xf32>
    %add3A_376 = arith.addf %add3A_365, %mul3A_375 : vector<1152x8x128xf32>
    %slice3A_377 = vector.extract_strided_slice %get3A_326 {offsets = [4, 0, 0], sizes = [1152, 8, 128], strides = [1, 1, 1]} : vector<1332x8x128xbf16> to vector<1152x8x128xbf16>
    %convert_element_type3A_378 = arith.extf %slice3A_377 : vector<1152x8x128xbf16> to vector<1152x8x128xf32>
    %get3A_379 = arith.constant 4 : index
    %get3A_380 = arith.constant 0 : index
    %get3A_381 = arith.constant 0 : index
    %get3A_382 = vector.load %arg3[%get3A_379, %get3A_380, %get3A_381] : memref<25x8x128xf32, #tpu.memory_space<vmem>>, vector<1x8x128xf32>
    %get3A_383 = vector.shape_cast %get3A_382 : vector<1x8x128xf32> to vector<8x128xf32>
    %broadcast_in_dim3A_384 = vector.shape_cast %get3A_383 : vector<8x128xf32> to vector<1x8x128xf32>
    %mul3A_385 = vector.broadcast %broadcast_in_dim3A_384 : vector<1x8x128xf32> to vector<1152x8x128xf32>
    %mul3A_386 = arith.mulf %convert_element_type3A_378, %mul3A_385 : vector<1152x8x128xf32>
    %add3A_387 = arith.addf %add3A_376, %mul3A_386 : vector<1152x8x128xf32>
    %slice3A_388 = vector.extract_strided_slice %get3A_326 {offsets = [36, 0, 0], sizes = [1152, 8, 128], strides = [1, 1, 1]} : vector<1332x8x128xbf16> to vector<1152x8x128xbf16>
    %convert_element_type3A_389 = arith.extf %slice3A_388 : vector<1152x8x128xbf16> to vector<1152x8x128xf32>
    %get3A_390 = arith.constant 5 : index
    %get3A_391 = arith.constant 0 : index
    %get3A_392 = arith.constant 0 : index
    %get3A_393 = vector.load %arg3[%get3A_390, %get3A_391, %get3A_392] : memref<25x8x128xf32, #tpu.memory_space<vmem>>, vector<1x8x128xf32>
    %get3A_394 = vector.shape_cast %get3A_393 : vector<1x8x128xf32> to vector<8x128xf32>
    %broadcast_in_dim3A_395 = vector.shape_cast %get3A_394 : vector<8x128xf32> to vector<1x8x128xf32>
    %mul3A_396 = vector.broadcast %broadcast_in_dim3A_395 : vector<1x8x128xf32> to vector<1152x8x128xf32>
    %mul3A_397 = arith.mulf %convert_element_type3A_389, %mul3A_396 : vector<1152x8x128xf32>
    %add3A_398 = arith.addf %add3A_387, %mul3A_397 : vector<1152x8x128xf32>
    %slice3A_399 = vector.extract_strided_slice %get3A_326 {offsets = [37, 0, 0], sizes = [1152, 8, 128], strides = [1, 1, 1]} : vector<1332x8x128xbf16> to vector<1152x8x128xbf16>
    %convert_element_type3A_400 = arith.extf %slice3A_399 : vector<1152x8x128xbf16> to vector<1152x8x128xf32>
    %get3A_401 = arith.constant 6 : index
    %get3A_402 = arith.constant 0 : index
    %get3A_403 = arith.constant 0 : index
    %get3A_404 = vector.load %arg3[%get3A_401, %get3A_402, %get3A_403] : memref<25x8x128xf32, #tpu.memory_space<vmem>>, vector<1x8x128xf32>
    %get3A_405 = vector.shape_cast %get3A_404 : vector<1x8x128xf32> to vector<8x128xf32>
    %broadcast_in_dim3A_406 = vector.shape_cast %get3A_405 : vector<8x128xf32> to vector<1x8x128xf32>
    %mul3A_407 = vector.broadcast %broadcast_in_dim3A_406 : vector<1x8x128xf32> to vector<1152x8x128xf32>
    %mul3A_408 = arith.mulf %convert_element_type3A_400, %mul3A_407 : vector<1152x8x128xf32>
    %add3A_409 = arith.addf %add3A_398, %mul3A_408 : vector<1152x8x128xf32>
    %slice3A_410 = vector.extract_strided_slice %get3A_326 {offsets = [38, 0, 0], sizes = [1152, 8, 128], strides = [1, 1, 1]} : vector<1332x8x128xbf16> to vector<1152x8x128xbf16>
    %convert_element_type3A_411 = arith.extf %slice3A_410 : vector<1152x8x128xbf16> to vector<1152x8x128xf32>
    %get3A_412 = arith.constant 7 : index
    %get3A_413 = arith.constant 0 : index
    %get3A_414 = arith.constant 0 : index
    %get3A_415 = vector.load %arg3[%get3A_412, %get3A_413, %get3A_414] : memref<25x8x128xf32, #tpu.memory_space<vmem>>, vector<1x8x128xf32>
    %get3A_416 = vector.shape_cast %get3A_415 : vector<1x8x128xf32> to vector<8x128xf32>
    %broadcast_in_dim3A_417 = vector.shape_cast %get3A_416 : vector<8x128xf32> to vector<1x8x128xf32>
    %mul3A_418 = vector.broadcast %broadcast_in_dim3A_417 : vector<1x8x128xf32> to vector<1152x8x128xf32>
    %mul3A_419 = arith.mulf %convert_element_type3A_411, %mul3A_418 : vector<1152x8x128xf32>
    %add3A_420 = arith.addf %add3A_409, %mul3A_419 : vector<1152x8x128xf32>
    %slice3A_421 = vector.extract_strided_slice %get3A_326 {offsets = [39, 0, 0], sizes = [1152, 8, 128], strides = [1, 1, 1]} : vector<1332x8x128xbf16> to vector<1152x8x128xbf16>
    %convert_element_type3A_422 = arith.extf %slice3A_421 : vector<1152x8x128xbf16> to vector<1152x8x128xf32>
    %get3A_423 = arith.constant 8 : index
    %get3A_424 = arith.constant 0 : index
    %get3A_425 = arith.constant 0 : index
    %get3A_426 = vector.load %arg3[%get3A_423, %get3A_424, %get3A_425] : memref<25x8x128xf32, #tpu.memory_space<vmem>>, vector<1x8x128xf32>
    %get3A_427 = vector.shape_cast %get3A_426 : vector<1x8x128xf32> to vector<8x128xf32>
    %broadcast_in_dim3A_428 = vector.shape_cast %get3A_427 : vector<8x128xf32> to vector<1x8x128xf32>
    %mul3A_429 = vector.broadcast %broadcast_in_dim3A_428 : vector<1x8x128xf32> to vector<1152x8x128xf32>
    %mul3A_430 = arith.mulf %convert_element_type3A_422, %mul3A_429 : vector<1152x8x128xf32>
    %add3A_431 = arith.addf %add3A_420, %mul3A_430 : vector<1152x8x128xf32>
    %slice3A_432 = vector.extract_strided_slice %get3A_326 {offsets = [40, 0, 0], sizes = [1152, 8, 128], strides = [1, 1, 1]} : vector<1332x8x128xbf16> to vector<1152x8x128xbf16>
    %convert_element_type3A_433 = arith.extf %slice3A_432 : vector<1152x8x128xbf16> to vector<1152x8x128xf32>
    %get3A_434 = arith.constant 9 : index
    %get3A_435 = arith.constant 0 : index
    %get3A_436 = arith.constant 0 : index
    %get3A_437 = vector.load %arg3[%get3A_434, %get3A_435, %get3A_436] : memref<25x8x128xf32, #tpu.memory_space<vmem>>, vector<1x8x128xf32>
    %get3A_438 = vector.shape_cast %get3A_437 : vector<1x8x128xf32> to vector<8x128xf32>
    %broadcast_in_dim3A_439 = vector.shape_cast %get3A_438 : vector<8x128xf32> to vector<1x8x128xf32>
    %mul3A_440 = vector.broadcast %broadcast_in_dim3A_439 : vector<1x8x128xf32> to vector<1152x8x128xf32>
    %mul3A_441 = arith.mulf %convert_element_type3A_433, %mul3A_440 : vector<1152x8x128xf32>
    %add3A_442 = arith.addf %add3A_431, %mul3A_441 : vector<1152x8x128xf32>
    %slice3A_443 = vector.extract_strided_slice %get3A_326 {offsets = [72, 0, 0], sizes = [1152, 8, 128], strides = [1, 1, 1]} : vector<1332x8x128xbf16> to vector<1152x8x128xbf16>
    %convert_element_type3A_444 = arith.extf %slice3A_443 : vector<1152x8x128xbf16> to vector<1152x8x128xf32>
    %get3A_445 = arith.constant 10 : index
    %get3A_446 = arith.constant 0 : index
    %get3A_447 = arith.constant 0 : index
    %get3A_448 = vector.load %arg3[%get3A_445, %get3A_446, %get3A_447] : memref<25x8x128xf32, #tpu.memory_space<vmem>>, vector<1x8x128xf32>
    %get3A_449 = vector.shape_cast %get3A_448 : vector<1x8x128xf32> to vector<8x128xf32>
    %broadcast_in_dim3A_450 = vector.shape_cast %get3A_449 : vector<8x128xf32> to vector<1x8x128xf32>
    %mul3A_451 = vector.broadcast %broadcast_in_dim3A_450 : vector<1x8x128xf32> to vector<1152x8x128xf32>
    %mul3A_452 = arith.mulf %convert_element_type3A_444, %mul3A_451 : vector<1152x8x128xf32>
    %add3A_453 = arith.addf %add3A_442, %mul3A_452 : vector<1152x8x128xf32>
    %slice3A_454 = vector.extract_strided_slice %get3A_326 {offsets = [73, 0, 0], sizes = [1152, 8, 128], strides = [1, 1, 1]} : vector<1332x8x128xbf16> to vector<1152x8x128xbf16>
    %convert_element_type3A_455 = arith.extf %slice3A_454 : vector<1152x8x128xbf16> to vector<1152x8x128xf32>
    %get3A_456 = arith.constant 11 : index
    %get3A_457 = arith.constant 0 : index
    %get3A_458 = arith.constant 0 : index
    %get3A_459 = vector.load %arg3[%get3A_456, %get3A_457, %get3A_458] : memref<25x8x128xf32, #tpu.memory_space<vmem>>, vector<1x8x128xf32>
    %get3A_460 = vector.shape_cast %get3A_459 : vector<1x8x128xf32> to vector<8x128xf32>
    %broadcast_in_dim3A_461 = vector.shape_cast %get3A_460 : vector<8x128xf32> to vector<1x8x128xf32>
    %mul3A_462 = vector.broadcast %broadcast_in_dim3A_461 : vector<1x8x128xf32> to vector<1152x8x128xf32>
    %mul3A_463 = arith.mulf %convert_element_type3A_455, %mul3A_462 : vector<1152x8x128xf32>
    %add3A_464 = arith.addf %add3A_453, %mul3A_463 : vector<1152x8x128xf32>
    %slice3A_465 = vector.extract_strided_slice %get3A_326 {offsets = [74, 0, 0], sizes = [1152, 8, 128], strides = [1, 1, 1]} : vector<1332x8x128xbf16> to vector<1152x8x128xbf16>
    %convert_element_type3A_466 = arith.extf %slice3A_465 : vector<1152x8x128xbf16> to vector<1152x8x128xf32>
    %get3A_467 = arith.constant 12 : index
    %get3A_468 = arith.constant 0 : index
    %get3A_469 = arith.constant 0 : index
    %get3A_470 = vector.load %arg3[%get3A_467, %get3A_468, %get3A_469] : memref<25x8x128xf32, #tpu.memory_space<vmem>>, vector<1x8x128xf32>
    %get3A_471 = vector.shape_cast %get3A_470 : vector<1x8x128xf32> to vector<8x128xf32>
    %broadcast_in_dim3A_472 = vector.shape_cast %get3A_471 : vector<8x128xf32> to vector<1x8x128xf32>
    %mul3A_473 = vector.broadcast %broadcast_in_dim3A_472 : vector<1x8x128xf32> to vector<1152x8x128xf32>
    %mul3A_474 = arith.mulf %convert_element_type3A_466, %mul3A_473 : vector<1152x8x128xf32>
    %add3A_475 = arith.addf %add3A_464, %mul3A_474 : vector<1152x8x128xf32>
    %slice3A_476 = vector.extract_strided_slice %get3A_326 {offsets = [75, 0, 0], sizes = [1152, 8, 128], strides = [1, 1, 1]} : vector<1332x8x128xbf16> to vector<1152x8x128xbf16>
    %convert_element_type3A_477 = arith.extf %slice3A_476 : vector<1152x8x128xbf16> to vector<1152x8x128xf32>
    %get3A_478 = arith.constant 13 : index
    %get3A_479 = arith.constant 0 : index
    %get3A_480 = arith.constant 0 : index
    %get3A_481 = vector.load %arg3[%get3A_478, %get3A_479, %get3A_480] : memref<25x8x128xf32, #tpu.memory_space<vmem>>, vector<1x8x128xf32>
    %get3A_482 = vector.shape_cast %get3A_481 : vector<1x8x128xf32> to vector<8x128xf32>
    %broadcast_in_dim3A_483 = vector.shape_cast %get3A_482 : vector<8x128xf32> to vector<1x8x128xf32>
    %mul3A_484 = vector.broadcast %broadcast_in_dim3A_483 : vector<1x8x128xf32> to vector<1152x8x128xf32>
    %mul3A_485 = arith.mulf %convert_element_type3A_477, %mul3A_484 : vector<1152x8x128xf32>
    %add3A_486 = arith.addf %add3A_475, %mul3A_485 : vector<1152x8x128xf32>
    %slice3A_487 = vector.extract_strided_slice %get3A_326 {offsets = [76, 0, 0], sizes = [1152, 8, 128], strides = [1, 1, 1]} : vector<1332x8x128xbf16> to vector<1152x8x128xbf16>
    %convert_element_type3A_488 = arith.extf %slice3A_487 : vector<1152x8x128xbf16> to vector<1152x8x128xf32>
    %get3A_489 = arith.constant 14 : index
    %get3A_490 = arith.constant 0 : index
    %get3A_491 = arith.constant 0 : index
    %get3A_492 = vector.load %arg3[%get3A_489, %get3A_490, %get3A_491] : memref<25x8x128xf32, #tpu.memory_space<vmem>>, vector<1x8x128xf32>
    %get3A_493 = vector.shape_cast %get3A_492 : vector<1x8x128xf32> to vector<8x128xf32>
    %broadcast_in_dim3A_494 = vector.shape_cast %get3A_493 : vector<8x128xf32> to vector<1x8x128xf32>
    %mul3A_495 = vector.broadcast %broadcast_in_dim3A_494 : vector<1x8x128xf32> to vector<1152x8x128xf32>
    %mul3A_496 = arith.mulf %convert_element_type3A_488, %mul3A_495 : vector<1152x8x128xf32>
    %add3A_497 = arith.addf %add3A_486, %mul3A_496 : vector<1152x8x128xf32>
    %slice3A_498 = vector.extract_strided_slice %get3A_326 {offsets = [108, 0, 0], sizes = [1152, 8, 128], strides = [1, 1, 1]} : vector<1332x8x128xbf16> to vector<1152x8x128xbf16>
    %convert_element_type3A_499 = arith.extf %slice3A_498 : vector<1152x8x128xbf16> to vector<1152x8x128xf32>
    %get3A_500 = arith.constant 15 : index
    %get3A_501 = arith.constant 0 : index
    %get3A_502 = arith.constant 0 : index
    %get3A_503 = vector.load %arg3[%get3A_500, %get3A_501, %get3A_502] : memref<25x8x128xf32, #tpu.memory_space<vmem>>, vector<1x8x128xf32>
    %get3A_504 = vector.shape_cast %get3A_503 : vector<1x8x128xf32> to vector<8x128xf32>
    %broadcast_in_dim3A_505 = vector.shape_cast %get3A_504 : vector<8x128xf32> to vector<1x8x128xf32>
    %mul3A_506 = vector.broadcast %broadcast_in_dim3A_505 : vector<1x8x128xf32> to vector<1152x8x128xf32>
    %mul3A_507 = arith.mulf %convert_element_type3A_499, %mul3A_506 : vector<1152x8x128xf32>
    %add3A_508 = arith.addf %add3A_497, %mul3A_507 : vector<1152x8x128xf32>
    %slice3A_509 = vector.extract_strided_slice %get3A_326 {offsets = [109, 0, 0], sizes = [1152, 8, 128], strides = [1, 1, 1]} : vector<1332x8x128xbf16> to vector<1152x8x128xbf16>
    %convert_element_type3A_510 = arith.extf %slice3A_509 : vector<1152x8x128xbf16> to vector<1152x8x128xf32>
    %get3A_511 = arith.constant 16 : index
    %get3A_512 = arith.constant 0 : index
    %get3A_513 = arith.constant 0 : index
    %get3A_514 = vector.load %arg3[%get3A_511, %get3A_512, %get3A_513] : memref<25x8x128xf32, #tpu.memory_space<vmem>>, vector<1x8x128xf32>
    %get3A_515 = vector.shape_cast %get3A_514 : vector<1x8x128xf32> to vector<8x128xf32>
    %broadcast_in_dim3A_516 = vector.shape_cast %get3A_515 : vector<8x128xf32> to vector<1x8x128xf32>
    %mul3A_517 = vector.broadcast %broadcast_in_dim3A_516 : vector<1x8x128xf32> to vector<1152x8x128xf32>
    %mul3A_518 = arith.mulf %convert_element_type3A_510, %mul3A_517 : vector<1152x8x128xf32>
    %add3A_519 = arith.addf %add3A_508, %mul3A_518 : vector<1152x8x128xf32>
    %slice3A_520 = vector.extract_strided_slice %get3A_326 {offsets = [110, 0, 0], sizes = [1152, 8, 128], strides = [1, 1, 1]} : vector<1332x8x128xbf16> to vector<1152x8x128xbf16>
    %convert_element_type3A_521 = arith.extf %slice3A_520 : vector<1152x8x128xbf16> to vector<1152x8x128xf32>
    %get3A_522 = arith.constant 17 : index
    %get3A_523 = arith.constant 0 : index
    %get3A_524 = arith.constant 0 : index
    %get3A_525 = vector.load %arg3[%get3A_522, %get3A_523, %get3A_524] : memref<25x8x128xf32, #tpu.memory_space<vmem>>, vector<1x8x128xf32>
    %get3A_526 = vector.shape_cast %get3A_525 : vector<1x8x128xf32> to vector<8x128xf32>
    %broadcast_in_dim3A_527 = vector.shape_cast %get3A_526 : vector<8x128xf32> to vector<1x8x128xf32>
    %mul3A_528 = vector.broadcast %broadcast_in_dim3A_527 : vector<1x8x128xf32> to vector<1152x8x128xf32>
    %mul3A_529 = arith.mulf %convert_element_type3A_521, %mul3A_528 : vector<1152x8x128xf32>
    %add3A_530 = arith.addf %add3A_519, %mul3A_529 : vector<1152x8x128xf32>
    %slice3A_531 = vector.extract_strided_slice %get3A_326 {offsets = [111, 0, 0], sizes = [1152, 8, 128], strides = [1, 1, 1]} : vector<1332x8x128xbf16> to vector<1152x8x128xbf16>
    %convert_element_type3A_532 = arith.extf %slice3A_531 : vector<1152x8x128xbf16> to vector<1152x8x128xf32>
    %get3A_533 = arith.constant 18 : index
    %get3A_534 = arith.constant 0 : index
    %get3A_535 = arith.constant 0 : index
    %get3A_536 = vector.load %arg3[%get3A_533, %get3A_534, %get3A_535] : memref<25x8x128xf32, #tpu.memory_space<vmem>>, vector<1x8x128xf32>
    %get3A_537 = vector.shape_cast %get3A_536 : vector<1x8x128xf32> to vector<8x128xf32>
    %broadcast_in_dim3A_538 = vector.shape_cast %get3A_537 : vector<8x128xf32> to vector<1x8x128xf32>
    %mul3A_539 = vector.broadcast %broadcast_in_dim3A_538 : vector<1x8x128xf32> to vector<1152x8x128xf32>
    %mul3A_540 = arith.mulf %convert_element_type3A_532, %mul3A_539 : vector<1152x8x128xf32>
    %add3A_541 = arith.addf %add3A_530, %mul3A_540 : vector<1152x8x128xf32>
    %slice3A_542 = vector.extract_strided_slice %get3A_326 {offsets = [112, 0, 0], sizes = [1152, 8, 128], strides = [1, 1, 1]} : vector<1332x8x128xbf16> to vector<1152x8x128xbf16>
    %convert_element_type3A_543 = arith.extf %slice3A_542 : vector<1152x8x128xbf16> to vector<1152x8x128xf32>
    %get3A_544 = arith.constant 19 : index
    %get3A_545 = arith.constant 0 : index
    %get3A_546 = arith.constant 0 : index
    %get3A_547 = vector.load %arg3[%get3A_544, %get3A_545, %get3A_546] : memref<25x8x128xf32, #tpu.memory_space<vmem>>, vector<1x8x128xf32>
    %get3A_548 = vector.shape_cast %get3A_547 : vector<1x8x128xf32> to vector<8x128xf32>
    %broadcast_in_dim3A_549 = vector.shape_cast %get3A_548 : vector<8x128xf32> to vector<1x8x128xf32>
    %mul3A_550 = vector.broadcast %broadcast_in_dim3A_549 : vector<1x8x128xf32> to vector<1152x8x128xf32>
    %mul3A_551 = arith.mulf %convert_element_type3A_543, %mul3A_550 : vector<1152x8x128xf32>
    %add3A_552 = arith.addf %add3A_541, %mul3A_551 : vector<1152x8x128xf32>
    %slice3A_553 = vector.extract_strided_slice %get3A_326 {offsets = [144, 0, 0], sizes = [1152, 8, 128], strides = [1, 1, 1]} : vector<1332x8x128xbf16> to vector<1152x8x128xbf16>
    %convert_element_type3A_554 = arith.extf %slice3A_553 : vector<1152x8x128xbf16> to vector<1152x8x128xf32>
    %get3A_555 = arith.constant 20 : index
    %get3A_556 = arith.constant 0 : index
    %get3A_557 = arith.constant 0 : index
    %get3A_558 = vector.load %arg3[%get3A_555, %get3A_556, %get3A_557] : memref<25x8x128xf32, #tpu.memory_space<vmem>>, vector<1x8x128xf32>
    %get3A_559 = vector.shape_cast %get3A_558 : vector<1x8x128xf32> to vector<8x128xf32>
    %broadcast_in_dim3A_560 = vector.shape_cast %get3A_559 : vector<8x128xf32> to vector<1x8x128xf32>
    %mul3A_561 = vector.broadcast %broadcast_in_dim3A_560 : vector<1x8x128xf32> to vector<1152x8x128xf32>
    %mul3A_562 = arith.mulf %convert_element_type3A_554, %mul3A_561 : vector<1152x8x128xf32>
    %add3A_563 = arith.addf %add3A_552, %mul3A_562 : vector<1152x8x128xf32>
    %slice3A_564 = vector.extract_strided_slice %get3A_326 {offsets = [145, 0, 0], sizes = [1152, 8, 128], strides = [1, 1, 1]} : vector<1332x8x128xbf16> to vector<1152x8x128xbf16>
    %convert_element_type3A_565 = arith.extf %slice3A_564 : vector<1152x8x128xbf16> to vector<1152x8x128xf32>
    %get3A_566 = arith.constant 21 : index
    %get3A_567 = arith.constant 0 : index
    %get3A_568 = arith.constant 0 : index
    %get3A_569 = vector.load %arg3[%get3A_566, %get3A_567, %get3A_568] : memref<25x8x128xf32, #tpu.memory_space<vmem>>, vector<1x8x128xf32>
    %get3A_570 = vector.shape_cast %get3A_569 : vector<1x8x128xf32> to vector<8x128xf32>
    %broadcast_in_dim3A_571 = vector.shape_cast %get3A_570 : vector<8x128xf32> to vector<1x8x128xf32>
    %mul3A_572 = vector.broadcast %broadcast_in_dim3A_571 : vector<1x8x128xf32> to vector<1152x8x128xf32>
    %mul3A_573 = arith.mulf %convert_element_type3A_565, %mul3A_572 : vector<1152x8x128xf32>
    %add3A_574 = arith.addf %add3A_563, %mul3A_573 : vector<1152x8x128xf32>
    %slice3A_575 = vector.extract_strided_slice %get3A_326 {offsets = [146, 0, 0], sizes = [1152, 8, 128], strides = [1, 1, 1]} : vector<1332x8x128xbf16> to vector<1152x8x128xbf16>
    %convert_element_type3A_576 = arith.extf %slice3A_575 : vector<1152x8x128xbf16> to vector<1152x8x128xf32>
    %get3A_577 = arith.constant 22 : index
    %get3A_578 = arith.constant 0 : index
    %get3A_579 = arith.constant 0 : index
    %get3A_580 = vector.load %arg3[%get3A_577, %get3A_578, %get3A_579] : memref<25x8x128xf32, #tpu.memory_space<vmem>>, vector<1x8x128xf32>
    %get3A_581 = vector.shape_cast %get3A_580 : vector<1x8x128xf32> to vector<8x128xf32>
    %broadcast_in_dim3A_582 = vector.shape_cast %get3A_581 : vector<8x128xf32> to vector<1x8x128xf32>
    %mul3A_583 = vector.broadcast %broadcast_in_dim3A_582 : vector<1x8x128xf32> to vector<1152x8x128xf32>
    %mul3A_584 = arith.mulf %convert_element_type3A_576, %mul3A_583 : vector<1152x8x128xf32>
    %add3A_585 = arith.addf %add3A_574, %mul3A_584 : vector<1152x8x128xf32>
    %slice3A_586 = vector.extract_strided_slice %get3A_326 {offsets = [147, 0, 0], sizes = [1152, 8, 128], strides = [1, 1, 1]} : vector<1332x8x128xbf16> to vector<1152x8x128xbf16>
    %convert_element_type3A_587 = arith.extf %slice3A_586 : vector<1152x8x128xbf16> to vector<1152x8x128xf32>
    %get3A_588 = arith.constant 23 : index
    %get3A_589 = arith.constant 0 : index
    %get3A_590 = arith.constant 0 : index
    %get3A_591 = vector.load %arg3[%get3A_588, %get3A_589, %get3A_590] : memref<25x8x128xf32, #tpu.memory_space<vmem>>, vector<1x8x128xf32>
    %get3A_592 = vector.shape_cast %get3A_591 : vector<1x8x128xf32> to vector<8x128xf32>
    %broadcast_in_dim3A_593 = vector.shape_cast %get3A_592 : vector<8x128xf32> to vector<1x8x128xf32>
    %mul3A_594 = vector.broadcast %broadcast_in_dim3A_593 : vector<1x8x128xf32> to vector<1152x8x128xf32>
    %mul3A_595 = arith.mulf %convert_element_type3A_587, %mul3A_594 : vector<1152x8x128xf32>
    %add3A_596 = arith.addf %add3A_585, %mul3A_595 : vector<1152x8x128xf32>
    %slice3A_597 = vector.extract_strided_slice %get3A_326 {offsets = [148, 0, 0], sizes = [1152, 8, 128], strides = [1, 1, 1]} : vector<1332x8x128xbf16> to vector<1152x8x128xbf16>
    %convert_element_type3A_598 = arith.extf %slice3A_597 : vector<1152x8x128xbf16> to vector<1152x8x128xf32>
    %get3A_599 = arith.constant 24 : index
    %get3A_600 = arith.constant 0 : index
    %get3A_601 = arith.constant 0 : index
    %get3A_602 = vector.load %arg3[%get3A_599, %get3A_600, %get3A_601] : memref<25x8x128xf32, #tpu.memory_space<vmem>>, vector<1x8x128xf32>
    %get3A_603 = vector.shape_cast %get3A_602 : vector<1x8x128xf32> to vector<8x128xf32>
    %broadcast_in_dim3A_604 = vector.shape_cast %get3A_603 : vector<8x128xf32> to vector<1x8x128xf32>
    %mul3A_605 = vector.broadcast %broadcast_in_dim3A_604 : vector<1x8x128xf32> to vector<1152x8x128xf32>
    %mul3A_606 = arith.mulf %convert_element_type3A_598, %mul3A_605 : vector<1152x8x128xf32>
    %add3A_607 = arith.addf %add3A_596, %mul3A_606 : vector<1152x8x128xf32>
    %reshape3A = vector.shape_cast %add3A_607 : vector<1152x8x128xf32> to vector<32x36x8x128xf32>
    %slice3A_608 = vector.extract_strided_slice %reshape3A {offsets = [0, 0, 0, 0], sizes = [32, 32, 8, 128], strides = [1, 1, 1, 1]} : vector<32x36x8x128xf32> to vector<32x32x8x128xf32>
    %reshape3A_609 = vector.shape_cast %slice3A_608 : vector<32x32x8x128xf32> to vector<1024x8x128xf32>
    %get3A_610 = arith.constant 0 : index
    %get3A_611 = arith.constant 0 : index
    %get3A_612 = arith.constant 0 : index
    %get3A_613 = arith.constant 0 : index
    %get3A_614 = vector.load %arg1[%get3A_610, %get3A_611, %get3A_612, %get3A_613] : memref<1x1024x8x128xbf16, #tpu.memory_space<vmem>>, vector<1x1024x8x128xbf16>
    %get3A_615 = vector.shape_cast %get3A_614 : vector<1x1024x8x128xbf16> to vector<1024x8x128xbf16>
    %convert_element_type3A_616 = arith.extf %get3A_615 : vector<1024x8x128xbf16> to vector<1024x8x128xf32>
    %add3A_617 = arith.addf %convert_element_type3A_616, %reshape3A_609 : vector<1024x8x128xf32>
    %convert_element_type3A_618 = arith.truncf %add3A_617 : vector<1024x8x128xf32> to vector<1024x8x128xbf16>
    %reshape3A_619 = vector.shape_cast %convert_element_type3A_618 : vector<1024x8x128xbf16> to vector<1024x1024xbf16>
    %get3A_620 = arith.constant 0 : index
    %get3A_621 = arith.constant 0 : index
    %get3A_622 = vector.load %arg5[%get3A_620, %get3A_621] : memref<1024x768xbf16, #tpu.memory_space<vmem>>, vector<1024x768xbf16>
    %dot_general3A = arith.constant dense<0.000000e+00> : vector<1024x768xf32>
    %dot_general3A_623 = tpu.matmul %reshape3A_619, %get3A_622, %dot_general3A {dimension_numbers = #tpu.dot_dimension_numbers<[1], [0], [0], [1], [0, 0, 1, 1], [], []>, transpose_lhs_hint = false} : vector<1024x1024xbf16>, vector<1024x768xbf16>, vector<1024x768xf32> -> vector<1024x768xf32>
    %get3A_624 = arith.constant 0 : index
    %get3A_625 = arith.constant 0 : index
    %get3A_626 = vector.load %arg6[%get3A_624, %get3A_625] : memref<1x768xf32, #tpu.memory_space<vmem>>, vector<1x768xf32>
    %add3A_627 = vector.broadcast %get3A_626 : vector<1x768xf32> to vector<1024x768xf32>
    %add3A_628 = arith.addf %dot_general3A_623, %add3A_627 : vector<1024x768xf32>
    %swap3A_629 = arith.constant 0 : index
    %swap3A_630 = arith.constant 0 : index
    %swap3A_631 = arith.constant 0 : index
    %swap3A_632 = vector.load %arg7[%swap3A_629, %swap3A_630, %swap3A_631] : memref<1x1024x768xf32, #tpu.memory_space<vmem>>, vector<1x1024x768xf32>
    %swap3A_633 = vector.shape_cast %swap3A_632 : vector<1x1024x768xf32> to vector<1024x768xf32>
    %swap3A_634 = vector.shape_cast %add3A_628 : vector<1024x768xf32> to vector<1x1024x768xf32>
    tpu.vector_store %arg7[%swap3A_629, %swap3A_630, %swap3A_631], %swap3A_634 {strides = array<i32>} : memref<1x1024x768xf32, #tpu.memory_space<vmem>>, vector<1x1024x768xf32>,
    return
  }
  func.func @transform_0(%arg0: i32) -> (i32, i32, i32, i32) {
    %c0_i32 = arith.constant 0 : i32
    %c0_i32_0 = arith.constant 0 : i32
    %c0_i32_1 = arith.constant 0 : i32
    %c0_i32_2 = arith.constant 0 : i32
    return %arg0, %c0_i32, %c0_i32_0, %c0_i32_1 : i32, i32, i32, i32
  }
  func.func @transform_1(%arg0: i32) -> (i32, i32, i32, i32) {
    %c0_i32 = arith.constant 0 : i32
    %c0_i32_0 = arith.constant 0 : i32
    %c0_i32_1 = arith.constant 0 : i32
    %c0_i32_2 = arith.constant 0 : i32
    return %arg0, %c0_i32, %c0_i32_0, %c0_i32_1 : i32, i32, i32, i32
  }
  func.func @transform_2(%arg0: i32) -> (i32, i32, i32) {
    %c0_i32 = arith.constant 0 : i32
    %c0_i32_0 = arith.constant 0 : i32
    %c0_i32_1 = arith.constant 0 : i32
    %c0_i32_2 = arith.constant 0 : i32
    return %c0_i32, %c0_i32_0, %c0_i32_1 : i32, i32, i32
  }
  func.func @transform_3(%arg0: i32) -> (i32, i32, i32) {
    %c0_i32 = arith.constant 0 : i32
    %c0_i32_0 = arith.constant 0 : i32
    %c0_i32_1 = arith.constant 0 : i32
    %c0_i32_2 = arith.constant 0 : i32
    return %c0_i32, %c0_i32_0, %c0_i32_1 : i32, i32, i32
  }
  func.func @transform_4(%arg0: i32) -> (i32, i32) {
    %c0_i32 = arith.constant 0 : i32
    %c0_i32_0 = arith.constant 0 : i32
    %c0_i32_1 = arith.constant 0 : i32
    return %c0_i32, %c0_i32_0 : i32, i32
  }
  func.func @transform_5(%arg0: i32) -> (i32, i32) {
    %c0_i32 = arith.constant 0 : i32
    %c0_i32_0 = arith.constant 0 : i32
    %c0_i32_1 = arith.constant 0 : i32
    return %c0_i32, %c0_i32_0 : i32, i32
  }
  func.func @transform_6(%arg0: i32) -> (i32, i32, i32) {
    %c0_i32 = arith.constant 0 : i32
    %c0_i32_0 = arith.constant 0 : i32
    %c0_i32_1 = arith.constant 0 : i32
    return %arg0, %c0_i32, %c0_i32_0 : i32, i32, i32
  }
}

</mosaic_0001>

<sc_bundles>
// kernel: sparse-core-data-format-call.1.cloned.1.call-start
scs
called_computation.1_lowered:
.L_overlay_start_0:
0x0: {  	s1 =	sld [smem:$0x3FD9]  }
0x1: {  	s2 =	sld [smem:$0x3FFE];
	_ =	sdelay $0x1  }
0x2: {  	s3 =	srdreg.scid  }
0x3: {  	s0 =	sand.u32 $0x1, s3  }
0x4: {  	s17 =	sshll.u32 s0, $0xA;
	s1 =	sadd.s32 s2, s1  }
0x5: {  	s1 =	sadd.s32 s1, s17  }
0x6: {  	[smem:$0x3FC1] =	sst s1  }
0x7: {  	_ = 	snop  }
0x8: {  	(tm) =	ssettm $0x1  }
0x9: {  	s18 =	sld [smem:$0x3FFB];
	_ =	sdelay $0x3  }
0xa: {  	_ =	strace s18  }
0xb: {  	s1 =	sld [smem:$0x3FFC];
	_ =	sdelay $0x3  }
0xc: {  	_ =	strace s1  }
0xd: {  	s1 =	sld [smem:$0x3FFD];
	_ =	sdelay $0x3  }
0xe: {  	_ =	strace s1  }
0xf: {  	_ =	strace $0x8FFFFFFF  }
0x10: {  	s19 =	sld [smem:$0x3FDB];
	_ =	sdelay $0x1  }
0x11: {  	s20 =	simm.s32 $_scs_section_size  }
0x12: {  	s4 =	simm.s32 $_size__tile_overlayer_lowered;
	s5 =	simm.s32 $_tile_overlayer_lowered  }
0x13: {  	s23 =	simm.s32 $0x1BFF;
	s22 =	sshll.u32 s5, $0x1;
	s1 =	sadd.s32 s20, s19  }
0x14: {  	s6 =	simm.s32 $0x0;
	s21 =	sshll.u32 s4, $0x1;
	s4 =	sadd.s32 s22, s1  }
0x15: {  	[timem:s6], [sflag:s23] =	dma.local [hbm:s4], s21  }
0x16: {  	_ =	swait.ge [sflag:s23], s21  }
0x17: {  	s2 =	ssub.s32 $0x0, s21;
	[sflag:s23] =	ssyncset.done $0x0  }
0x18: {  	[sflag:s23] =	ssyncadd.s32 s2;
	_ =	sdelay $0x1  }
0x19: {  	s24 =	simm.s32 $0x1B8B  }
0x1a: {  	_ =	swait.ge [sflag:s24], $0x1  }
0x1b: {  	[sflag:s24] =	ssyncset.done $0x0  }
0x1c: {  	s26 =	simm.s32 $0x1B8E;
	s25 =	sld [smem:$0x3FFE];
	[sflag:s24] =	ssyncadd.s32 $0xFFFFFFFF  }
0x1d: {  	s27 =	simm.s32 $execute0_lowered;
	[smem:$0x3FD2] =	sst s26  }
0x1e: {  	s4 =	sshll.u32 s27, $0x1;
	_ =	strace $0x80000046;
	[dreg:$0x1] =	wrdreg $0xFFFFFFFF  }
0x1f: {  	s28 =	simm.s32 $_size_execute0_lowered;
	s1 =	sadd.s32 s1, s4;
	[dreg:$0x0] =	wrdreg $0x0  }
0x20: {  	s4 =	sshll.u32 s28, $0x1;
	[dreg:$0x2] =	wrdreg s1  }
0x21: {  	[dreg:$0x3] =	wrdreg s4  }
0x22: {  	[dreg:$0x4] =	wrdreg $0xC0  }
0x23: {  	_ =	task [dreg:s6], $0x5FFFF  }
0x24: {  	[dreg:$0x1] =	wrdreg $0xFFFFFFFF  }
0x25: {  	[dreg:$0x0] =	wrdreg $0x60  }
0x26: {  	[dreg:$0x2] =	wrdreg s25  }
0x27: {  	[dreg:$0x3] =	wrdreg $0xA  }
0x28: {  	_ =	task.clear_ibuf [dreg:s6], $0x4FFFF;
	_ =	strace $0x90000046  }
0x29: {  	s29 =	simm.s32 $0xA;
	_ =	strace $0x80000048  }
0x2a: {  	_ =	swait.ge [sflag:s29], $0x1  }
0x2b: {  	[sflag:s29] =	ssyncadd.s32 $0xFFFFFFFF  }
0x2c: {  	_ =	strace $0x90000048  }
0x2d: {  	_ =	sfence  }
0x2e: {  	s30 =	sld [smem:$0x0];
	_ =	sdelay $0x2  }
0x2f: {  	s31 =	sshll.u32 s3, $0xD;
	s3 =	sshrl.u32 s3, $0x2  }
0x30: {  	s2 =	sand.u32 $0x4000, s31;
	s1 =	sadd.s32 s3, s30  }
0x31: {  	s0 =	sor.u32 s2, s0;
	s1 =	sshll.u32 s1, $0x11  }
0x32: {  	s0 =	sor.u32 s1, s0  }
0x33: {  	s0 =	sadd.s32 $0x8F2B, s0  }
0x34: {  	[sflag:s0] =	ssyncadd.remote.s32 $0x1  }
0x35: {  	_ =	sfence.sel $0xFFFF  }
0x36: {  	[dreg:$0x0] =	wrdreg $0xFFFFFFFF;
	(pc) =	sbr.abs _section_cstart, $3  }
0x37: {  	[dreg:$0x1] =	wrdreg $0xFFFFFFFF  }
0x38: {  	_ =	task.clear_ibuf [dreg:s6], $0x2FFFF;
	_ =	strace $0x9FFFFFFF  }
0x39: {  	(tm) =	ssettm $0x7FFFFFFF  }
tec
execute0_lowered:
.L_overlay_start_1:
0x0: {  	(tag) =	ssettag $0x1  }
0x1: {  	s0 =	srdreg.scid  }
0x2: {  	s1 =	sshll.u32 s0, $0x4  }
0x3: {  	s4 =	rddreg [dreg:$0x0];
	s0 =	stileid.u32;
	s1 =	sand.u32 $0x10, s1  }
0x4: {  	s7 =	simm.s32 $0x1;
	s8 =	simm.s32 $0x2;
	s2 =	sor.u32 s0, s1  }
0x5: {  	s9 =	simm.s32 $0x0;
	s12 =	simm.s32 $0x0;
	s2 =	sshll.u32 s2, $0x2  }
0x6: {  	s11 =	simm.s32 $0x0;
	s3 =	sadd.s32 $0x200E00, s4;
	s6 =	ssub.s32 $0x800, s2  }
.Ltmp0:
0x7: {  	s4 =	sadd.s32 $0xE00, s4;
	s5 =	sand.u32 $0x7C, s6;
	(pc) =	sbr.rel .LBB1_1-.Ltmp0, $4  }
0x8: {  	s1 =	rddreg [dreg:$0x1];
	_ =	strace $0x80000047;
	p0 =	sne.s32 s5, $0x0  }
0x9: {  	s6 =	sshrl.u32 s6, $0x7;
	s5 =	simm.s32 $0x1;
	s7 =	simm.s32 @!p0 $0x0  }
0xa: {  	s10 =	smov.u32 s2;
	[sflag:s5] =	ssyncpa.u1 $0x0;
	s6 =	sadd.s32 s7, s6  }
0xb: {  	[sflag:s8] =	ssyncpa.u1 $0x0;
	s8 =	simm.s32 $0x0;
	s7 =	sadd.s32 $0x1, s6  }
.LBB1_9:
0xc: {  	s14 =	sadd.s32 $0x80, s10  }
0xd: {  	p1 =	sgt.s32 s14, $0x7FF  }
0xe: {  	s14 =	smov.u32 @p1 s2;
	p1 =	sne.s32 s11, s7  }
.Ltmp1:
0xf: {  	p0 =	slt.u32 s11, $0x2;
	(pc) =	sbr.rel @!p1 .LBB1_10-.Ltmp1, $4  }
0x10: {  	s13 =	simm.s32 @!p0 $0x2  }
0x11: {  	s15 =	sadd.s32 $0x1, s11;
	_ =	swait.ge @!p0 [sflag:s13], $0x4000  }
0x12: {  	s12 =	smov.u32 s10;
	s9 =	sadd.s32 $0x8000, s9;
	[sflag:s13] =	ssyncset.done @!p0 $0x0  }
0x13: {  	s11 =	smov.u32 s15;
	s10 =	smov.u32 s14;
	[sflag:s13] =	ssyncadd.s32 @!p0 $0xFFFFC000  }
.LBB1_1:
0x14: {  	p0 =	sge.u32 s11, s6  }
0x15: {  	s13 =	sxor.u32 @!p0 $0xFFFFFFFF, s11  }
0x16: {  	s31 =	sadd.s32 $0xFFFFFFFF, s11;
	s14 =	sshll.u32 @!p0 s10, $0x9;
	s13 =	sshll.u32 @!p0 s13, $0xE  }
0x17: {  	s15 =	simm.s32 @!p0 $0x0;
	s14 =	sadd.s32 @!p0 s3, s14;
	s13 =	sand.u32 @!p0 $0x4000, s13  }
0x18: {  	[tilespmem:s13], [sflag:$0x1] =	stream.linear.gather @!p0 [hbm4b:s14+s15], $0x4000, $0x38;
	[tilespmem:$0x10000] =	vst v63  }
0x19: {  	p0 =	sge.u32 s31, s6  }
.Ltmp2:
0x1a: {  	_ = 	snop;
	(pc) =	sbr.rel @p0 .LBB1_9-.Ltmp2, $1  }
0x1b: {  	_ =	sdelay $0x3  }
0x1c: {  	s13 =	sshrl.u32 s9, $0x1;
	_ =	swait.ge [sflag:s5], $0x4000  }
0x1d: {  	s15 =	sshll.u32 s11, $0xE;
	s16 =	simm.s32 $0x0;
	s14 =	sand.u32 $0x4000, s13  }
0x1e: {  	[sflag:s5] =	ssyncset.done $0x0;
	s15 =	sand.u32 $0x4000, s15;
	s13 =	sor.u32 $0x200, s14  }
0x1f: {  	s14 =	sor.u32 $0x8200, s14;
	[sflag:s5] =	ssyncadd.s32 $0xFFFFC000;
	s15 =	sor.u32 $0x8000, s15  }
.LBB1_3:
0x20: {  	s17 =	smov.u32 s14;
	s18 =	smov.u32 s13;
	s19 =	simm.s32 $0x0  }
.LBB1_4:
0x21: {  	v0 =	vld [tilespmem:s18+$0xFFFFFE70]  }
0x22: {  	v1 =	vld [tilespmem:s18+$0x70]  }
0x23: {  	v2 =	vld [tilespmem:s18+$0x0]  }
0x24: {  	v3 =	vld [tilespmem:s18+$0xFFFFFE10]  }
0x25: {  	v4 =	vld [tilespmem:s18+$0x10]  }
0x26: {  	v5 =	vld [tilespmem:s18+$0xFFFFFE20]  }
0x27: {  	v7 =	vld [tilespmem:s18+$0x20]  }
0x28: {  	v11 =	vld [tilespmem:s18+$0x30];
	v6 =	vunpack.i.l.s16.s32 v0;
	v8 =	vunpack.i.u.s16.s32 v0;
	v9 =	vunpack.i.u.s16.s32 v1  }
0x29: {  	v10 =	vunpack.i.l.s16.s32 v1;
	v0 =	vunpack.i.u.s16.s32 v2;
	v1 =	vunpack.i.l.s16.s32 v2;
	v2 =	vld [tilespmem:s18+$0xFFFFFE30]  }
0x2a: {  	v8 =	vpack.i.b32.b16 v9, v8;
	v9 =	vunpack.i.u.s16.s32 v3;
	v3 =	vunpack.i.l.s16.s32 v3  }
0x2b: {  	v12 =	vld [tilespmem:s18+$0xFFFFFE40];
	v6 =	vpack.i.b32.b16 v10, v6;
	[tilespmem:s17+$0x70] =	vst v8;
	v8 =	vunpack.i.u.s16.s32 v4;
	v4 =	vunpack.i.l.s16.s32 v4  }
0x2c: {  	v13 =	vld [tilespmem:s18+$0x40];
	v10 =	vunpack.i.u.s16.s32 v5;
	v5 =	vunpack.i.l.s16.s32 v5;
	[tilespmem:s17+$0xFFFFFE70] =	vst v6;
	v3 =	vpack.i.b32.b16 v4, v3  }
0x2d: {  	v6 =	vunpack.i.l.s16.s32 v7;
	v4 =	vld [tilespmem:s18+$0xFFFFFE50];
	[tilespmem:s17+$0xFFFFFE10] =	vst v3;
	v3 =	vpack.i.b32.b16 v8, v9;
	v8 =	vunpack.i.u.s16.s32 v7  }
0x2e: {  	v7 =	vunpack.i.l.s16.s32 v11;
	[tilespmem:s17+$0x10] =	vst v3;
	v3 =	vpack.i.b32.b16 v6, v5;
	v9 =	vunpack.i.u.s16.s32 v2;
	v6 =	vld [tilespmem:s18+$0x50]  }
0x2f: {  	v5 =	vunpack.i.l.s16.s32 v2;
	v2 =	vld [tilespmem:s18+$0xFFFFFE60];
	[tilespmem:s17+$0xFFFFFE20] =	vst v3;
	v3 =	vpack.i.b32.b16 v8, v10;
	v10 =	vunpack.i.u.s16.s32 v11  }
0x30: {  	s22 =	simm.s32 $0x0;
	v11 =	vpack.i.b32.b16 v7, v5;
	v7 =	vunpack.i.u.s16.s32 v12;
	v8 =	vunpack.i.l.s16.s32 v12;
	[tilespmem:s17+$0x20] =	vst v3;
	v3 =	vld [tilespmem:s18+$0x60]  }
0x31: {  	s23 =	sadd.s32 $0x80, s18;
	s21 =	smov.u32 s17;
	s20 =	smov.u32 s17;
	v5 =	vld [tilespmem:s18+$0xFFFFFE00];
	[tilespmem:s17+$0xFFFFFE30] =	vst v11;
	v10 =	vpack.i.b32.b16 v10, v9;
	v9 =	vunpack.i.u.s16.s32 v13;
	v11 =	vunpack.i.l.s16.s32 v13  }
.LBB1_5:
0x32: {  	v12 =	vld [tilespmem:s23+$0xFFFFFE70];
	[tilespmem:s21+$0x30] =	vst v10;
	v8 =	vpack.i.b32.b16 v11, v8;
	v10 =	vunpack.i.u.s16.s32 v4;
	v4 =	vunpack.i.l.s16.s32 v4  }
0x33: {  	s22 =	sadd.s32 $0x2, s22;
	v7 =	vpack.i.b32.b16 v9, v7;
	v11 =	vld [tilespmem:s23+$0x70];
	[tilespmem:s21+$0xFFFFFE40] =	vst v8;
	v8 =	vunpack.i.u.s16.s32 v6;
	v6 =	vunpack.i.l.s16.s32 v6  }
0x34: {  	p0 =	slt.u32 s22, $0x6;
	v9 =	vld [tilespmem:s23+$0x0];
	[tilespmem:s21+$0x40] =	vst v7;
	v4 =	vpack.i.b32.b16 v6, v4;
	v6 =	vunpack.i.u.s16.s32 v2;
	v2 =	vunpack.i.l.s16.s32 v2  }
0x35: {  	v7 =	vld [tilespmem:s23+$0xFFFFFE10];
	[tilespmem:s21+$0xFFFFFE50] =	vst v4;
	v4 =	vpack.i.b32.b16 v8, v10;
	v8 =	vunpack.i.u.s16.s32 v3;
	v3 =	vunpack.i.l.s16.s32 v3  }
0x36: {  	v10 =	vld [tilespmem:s23+$0x10];
	v13 =	vunpack.i.u.s16.s32 v5;
	v5 =	vunpack.i.l.s16.s32 v5;
	[tilespmem:s21+$0x50] =	vst v4;
	v2 =	vpack.i.b32.b16 v3, v2  }
0x37: {  	v3 =	vld [tilespmem:s23+$0xFFFFFE20];
	v4 =	vunpack.i.l.s16.s32 v12;
	v1 =	vpack.i.b32.b16 v1, v5;
	v5 =	vpack.i.b32.b16 v0, v13;
	[tilespmem:s21+$0xFFFFFE60] =	vst v2  }
0x38: {  	v12 =	vunpack.i.u.s16.s32 v12;
	v2 =	vld [tilespmem:s23+$0x20];
	v13 =	vunpack.i.u.s16.s32 v11;
	v11 =	vunpack.i.l.s16.s32 v11;
	[tilespmem:s21+$0xFFFFFE00] =	vst v1  }
0x39: {  	s21 =	sadd.s32 $0x400, s21;
	v0 =	vunpack.i.u.s16.s32 v9;
	v1 =	vunpack.i.l.s16.s32 v9;
	v9 =	vld [tilespmem:s23+$0xFFFFFE30];
	v12 =	vpack.i.b32.b16 v13, v12;
	[tilespmem:s20+$0x0] =	vst v5  }
0x3a: {  	v6 =	vpack.i.b32.b16 v8, v6;
	v5 =	vunpack.i.u.s16.s32 v7;
	v7 =	vunpack.i.l.s16.s32 v7;
	v13 =	vld [tilespmem:s23+$0x30];
	[tilespmem:s21+$0x70] =	vst v12  }
0x3b: {  	v4 =	vpack.i.b32.b16 v11, v4;
	v8 =	vunpack.i.u.s16.s32 v10;
	v10 =	vunpack.i.l.s16.s32 v10;
	v12 =	vld [tilespmem:s23+$0xFFFFFE40];
	[tilespmem:s20+$0x60] =	vst v6;
	s20 =	smov.u32 s21  }
0x3c: {  	v6 =	vpack.i.b32.b16 v10, v7;
	v7 =	vunpack.i.u.s16.s32 v3;
	v3 =	vunpack.i.l.s16.s32 v3;
	v11 =	vld [tilespmem:s23+$0x40];
	[tilespmem:s21+$0xFFFFFE70] =	vst v4  }
.Ltmp3:
0x3d: {  	v5 =	vpack.i.b32.b16 v8, v5;
	[tilespmem:s21+$0xFFFFFE10] =	vst v6;
	v8 =	vunpack.i.u.s16.s32 v2;
	v2 =	vunpack.i.l.s16.s32 v2;
	v4 =	vld [tilespmem:s23+$0xFFFFFE50];
	(pc) =	sbr.rel @p0 .LBB1_5-.Ltmp3, $4  }
0x3e: {  	[tilespmem:s21+$0x10] =	vst v5;
	v2 =	vpack.i.b32.b16 v2, v3;
	v10 =	vunpack.i.u.s16.s32 v9;
	v3 =	vunpack.i.l.s16.s32 v9;
	v6 =	vld [tilespmem:s23+$0x50]  }
0x3f: {  	v5 =	vpack.i.b32.b16 v8, v7;
	[tilespmem:s21+$0xFFFFFE20] =	vst v2;
	v9 =	vunpack.i.u.s16.s32 v13;
	v7 =	vunpack.i.l.s16.s32 v13;
	v2 =	vld [tilespmem:s23+$0xFFFFFE60]  }
0x40: {  	[tilespmem:s21+$0x20] =	vst v5;
	v13 =	vpack.i.b32.b16 v7, v3;
	v7 =	vunpack.i.u.s16.s32 v12;
	v8 =	vunpack.i.l.s16.s32 v12;
	v3 =	vld [tilespmem:s23+$0x60]  }
0x41: {  	v10 =	vpack.i.b32.b16 v9, v10;
	v5 =	vld [tilespmem:s23+$0xFFFFFE00];
	[tilespmem:s21+$0xFFFFFE30] =	vst v13;
	v9 =	vunpack.i.u.s16.s32 v11;
	v11 =	vunpack.i.l.s16.s32 v11;
	s23 =	sadd.s32 $0x80, s23  }
0x42: {  	[tilespmem:s21+$0x30] =	vst v10;
	v8 =	vpack.i.b32.b16 v11, v8  }
0x43: {  	v51 =	vunpack.i.l.s16.s32 v4;
	v7 =	vpack.i.b32.b16 v9, v7;
	[tilespmem:s21+$0xFFFFFE40] =	vst v8;
	v52 =	vunpack.i.l.s16.s32 v6  }
0x44: {  	v53 =	vunpack.i.u.s16.s32 v4;
	v54 =	vunpack.i.u.s16.s32 v6;
	[tilespmem:s21+$0x40] =	vst v7;
	v55 =	vpack.i.b32.b16 v52, v51  }
0x45: {  	p0 =	slt.u32 s19, $0x6;
	v56 =	vunpack.i.l.s16.s32 v2;
	v4 =	vpack.i.b32.b16 v54, v53;
	[tilespmem:s21+$0xFFFFFE50] =	vst v55;
	v57 =	vunpack.i.l.s16.s32 v3  }
.Ltmp4:
0x46: {  	[tilespmem:s21+$0x50] =	vst v4;
	v58 =	vunpack.i.l.s16.s32 v5;
	v59 =	vpack.i.b32.b16 v57, v56;
	(pc) =	sbr.rel @p0 .LBB1_4-.Ltmp4, $4  }
0x47: {  	v61 =	vunpack.i.u.s16.s32 v2;
	v62 =	vunpack.i.u.s16.s32 v3;
	v1 =	vpack.i.b32.b16 v1, v58;
	[tilespmem:s21+$0xFFFFFE60] =	vst v59  }
0x48: {  	v60 =	vunpack.i.u.s16.s32 v5;
	v63 =	vpack.i.b32.b16 v62, v61;
	[tilespmem:s21+$0xFFFFFE00] =	vst v1  }
0x49: {  	s31 =	sadd.s32 $0x2, s19;
	v0 =	vpack.i.b32.b16 v0, v60;
	[tilespmem:s20+$0x60] =	vst v63  }
0x4a: {  	s18 =	sadd.s32 $0x400, s18;
	s17 =	sadd.s32 $0x80, s17;
	s19 =	smov.u32 s31;
	[tilespmem:s20+$0x0] =	vst v0  }
0x4b: {  	s16 =	sadd.s32 $0x1, s16  }
0x4c: {  	p0 =	sne.s32 s16, $0x4  }
.Ltmp5:
0x4d: {  	_ = 	snop;
	(pc) =	sbr.rel @p0 .LBB1_3-.Ltmp5, $2  }
0x4e: {  	_ =	sdelay $0x2  }
0x4f: {  	s13 =	sadd.s32 $0x1000, s13;
	s14 =	sadd.s32 $0x1000, s14  }
.Ltmp6:
0x50: {  	(pc) =	sbr.rel .LBB1_9-.Ltmp6, $4  }
0x51: {  	_ = 	snop  }
0x52: {  	s12 =	sshll.u32 s12, $0x9  }
0x53: {  	s12 =	sadd.s32 s4, s12  }
0x54: {  	[hbm4b:s12+s8] =	stream.linear.scatter [tilespmem:s15], [sflag:$0x2], $0x4000, $0x38;
	[tilespmem:$0x10000] =	vst v63  }
.LBB1_10:
0x55: {  	_ =	sfence.sel $0x180000  }
0x56: {  	s2 =	simm.s32 $0x1;
	[bflag:$0x0] =	sbarrier.arrive $0xFFFF  }
0x57: {  	s31 =	simm.s32 $0x2;
	[sflag:s2] =	ssyncpa.u1 $0x1  }
0x58: {  	[sflag:s31] =	ssyncpa.u1 $0x1  }
0x59: {  	p0 =	sne.s32 s0, $0x0;
	_ =	strace $0x90000047  }
0x5a: {  	s0 =	sadd.s32 @!p0 $0x100000, s1;
	[bflag:$0x2] =	sbarrier.arrive $0xFFFF  }
0x5b: {  	[sflag:s0] =	ssyncadd.tile.s32 @!p0 $0x1;
	_ =	shalt  }
.Lfunc_end1:
_tile_overlayer_lowered:
.L_overlay_start_2:
0x5c: {  	(tag) =	ssettag $0x2  }
0x5d: {  	s0 =	rddreg [dreg:$0x0];
	s2 =	stileid.u32  }
0x5e: {  	s1 =	rddreg [dreg:$0x1];
	p0 =	sne.s32 s2, $0x0  }
0x5f: {  	s3 =	rddreg [dreg:$0x2];
	[bflag:$0x3] =	sbarrier.arrive $0xFFFF;
	s2 =	simm.s32 @!p0 $0x1C01  }
0x60: {  	[timem:s3], [sflag:s2] =	dma.local @!p0 [hbm:s0], s1  }
0x61: {  	s0 =	simm.s32 @!p0 $0x1  }
0x62: {  	_ =	swait.ge @!p0 [sflag:s0], s1  }
0x63: {  	s1 =	ssub.s32 @!p0 $0x0, s1;
	[sflag:s0] =	ssyncset.done @!p0 $0x0  }
0x64: {  	[sflag:s0] =	ssyncadd.s32 @!p0 s1  }
0x65: {  	[bflag:$0x3] =	sbarrier.arrive $0xFFFF  }
0x66: {  	_ =	shalt  }

// kernel: sparse-core-data-format-call.cloned.1.call-start
scs
called_computation_lowered:
.L_overlay_start_0:
0x0: {  	s2 =	sld [smem:$0x3FD9]  }
0x1: {  	s3 =	sld [smem:$0x3FFE];
	_ =	sdelay $0x1  }
0x2: {  	s1 =	srdreg.scid  }
0x3: {  	s0 =	sand.u32 $0x1, s1  }
0x4: {  	s18 =	sshll.u32 s0, $0xA;
	s2 =	sadd.s32 s3, s2  }
0x5: {  	s2 =	sadd.s32 s2, s18  }
0x6: {  	[smem:$0x3FC1] =	sst s2  }
0x7: {  	_ = 	snop  }
0x8: {  	(tm) =	ssettm $0x1  }
0x9: {  	s19 =	sld [smem:$0x3FFB];
	_ =	sdelay $0x3  }
0xa: {  	_ =	strace s19  }
0xb: {  	s2 =	sld [smem:$0x3FFC];
	_ =	sdelay $0x3  }
0xc: {  	_ =	strace s2  }
0xd: {  	s2 =	sld [smem:$0x3FFD];
	_ =	sdelay $0x3  }
0xe: {  	_ =	strace s2  }
0xf: {  	_ =	strace $0x8FFFFFFF  }
0x10: {  	s20 =	sld [smem:$0x3FDB];
	_ =	sdelay $0x1  }
0x11: {  	s21 =	simm.s32 $_scs_section_size  }
0x12: {  	s4 =	simm.s32 $_size__tile_overlayer_lowered;
	s5 =	simm.s32 $_tile_overlayer_lowered  }
0x13: {  	s6 =	simm.s32 $0x1BFF;
	s22 =	sshll.u32 s5, $0x1;
	s3 =	sadd.s32 s21, s20  }
0x14: {  	s23 =	simm.s32 $0x0;
	s4 =	sshll.u32 s4, $0x1;
	s5 =	sadd.s32 s22, s3  }
0x15: {  	[timem:s23], [sflag:s6] =	dma.local [hbm:s5], s4  }
0x16: {  	_ =	swait.ge [sflag:s6], s4  }
0x17: {  	s4 =	ssub.s32 $0x0, s4;
	[sflag:s6] =	ssyncset.done $0x0  }
0x18: {  	[sflag:s6] =	ssyncadd.s32 s4;
	_ =	sdelay $0x1  }
0x19: {  	s24 =	simm.s32 $0x1B8B  }
0x1a: {  	_ =	swait.ge [sflag:s24], $0x1  }
0x1b: {  	[sflag:s24] =	ssyncset.done $0x0  }
0x1c: {  	[sflag:s24] =	ssyncadd.s32 $0xFFFFFFFF  }
0x1d: {  	s4 =	sld [smem:$0x0]  }
0x1e: {  	s5 =	sand.u32 $0xFFFFFFFE, s1  }
0x1f: {  	p0 =	sne.s32 s1, s5  }
0x20: {  	s5 =	sshll.u32 @p0 s5, $0xE  }
0x21: {  	s5 =	sadd.s32 @p0 $0x11B8D, s5;
	s6 =	sshll.u32 @p0 s4, $0x11  }
0x22: {  	s5 =	sor.u32 @p0 s6, s5  }
0x23: {  	[sflag:s5] =	ssyncadd.remote.s32 @p0 $0x1;
	_ =	sdelay $0x1  }
0x24: {  	s5 =	simm.s32 @p0 $0x1B8D  }
0x25: {  	_ =	swait.eq @p0 [sflag:s5], $0x1  }
0x26: {  	[sflag:s5] =	ssyncadd.s32 @p0 $0xFFFFFFFF  }
0x27: {  	s6 =	sshll.u32 @!p0 s1, $0xE  }
0x28: {  	s6 =	sor.u32 @!p0 $0x4000, s6;
	s5 =	simm.s32 @!p0 $0x1B8D  }
0x29: {  	s4 =	sshll.u32 @!p0 s4, $0x11;
	s6 =	sadd.s32 @!p0 $0x11B8D, s6;
	_ =	swait.eq @!p0 [sflag:s5], $0x1  }
0x2a: {  	s4 =	sor.u32 @!p0 s4, s6;
	[sflag:s5] =	ssyncadd.s32 @!p0 $0xFFFFFFFF  }
0x2b: {  	s26 =	simm.s32 $0x1B8E;
	s25 =	sld [smem:$0x3FFE];
	[sflag:s4] =	ssyncadd.remote.s32 @!p0 $0x1  }
0x2c: {  	s27 =	simm.s32 $execute0_lowered;
	[smem:$0x3FD2] =	sst s26  }
0x2d: {  	s5 =	sshll.u32 s27, $0x1;
	_ =	strace $0x80000049;
	[dreg:$0x1] =	wrdreg $0xFFFFFFFF  }
0x2e: {  	s28 =	simm.s32 $_size_execute0_lowered;
	s3 =	sadd.s32 s3, s5;
	[dreg:$0x0] =	wrdreg $0x0  }
0x2f: {  	s5 =	sshll.u32 s28, $0x1;
	[dreg:$0x2] =	wrdreg s3  }
0x30: {  	[dreg:$0x3] =	wrdreg s5  }
0x31: {  	[dreg:$0x4] =	wrdreg $0xC0  }
0x32: {  	_ =	task [dreg:s23], $0x5FFFF  }
0x33: {  	[dreg:$0x1] =	wrdreg $0xFFFFFFFF  }
0x34: {  	[dreg:$0x0] =	wrdreg $0x60  }
0x35: {  	[dreg:$0x2] =	wrdreg s25  }
0x36: {  	[dreg:$0x3] =	wrdreg $0x9  }
0x37: {  	_ =	task.clear_ibuf [dreg:s23], $0x4FFFF;
	_ =	strace $0x90000049  }
0x38: {  	s29 =	simm.s32 $0x9;
	_ =	strace $0x8000004B  }
0x39: {  	_ =	swait.ge [sflag:s29], $0x1  }
0x3a: {  	[sflag:s29] =	ssyncadd.s32 $0xFFFFFFFF  }
0x3b: {  	_ =	strace $0x9000004B  }
0x3c: {  	_ =	sfence  }
0x3d: {  	s30 =	sld [smem:$0x0];
	_ =	sdelay $0x2  }
0x3e: {  	s31 =	sshll.u32 s1, $0xD;
	s1 =	sshrl.u32 s1, $0x2  }
0x3f: {  	s4 =	sand.u32 $0x4000, s31;
	s1 =	sadd.s32 s1, s30  }
0x40: {  	s0 =	sor.u32 s4, s0;
	s1 =	sshll.u32 s1, $0x11  }
0x41: {  	s0 =	sor.u32 s1, s0  }
0x42: {  	s0 =	sadd.s32 $0x8F2B, s0  }
0x43: {  	[sflag:s0] =	ssyncadd.remote.s32 $0x1  }
0x44: {  	_ =	sfence.sel $0xFFFF  }
0x45: {  	[dreg:$0x0] =	wrdreg $0xFFFFFFFF;
	(pc) =	sbr.abs _section_cstart, $3  }
0x46: {  	[dreg:$0x1] =	wrdreg $0xFFFFFFFF  }
0x47: {  	_ =	task.clear_ibuf [dreg:s23], $0x2FFFF;
	_ =	strace $0x9FFFFFFF  }
0x48: {  	(tm) =	ssettm $0x7FFFFFFF  }
0x49: {  	_ =	shalt  }
tec
execute0_lowered:
.L_overlay_start_1:
0x0: {  	(tag) =	ssettag $0x1  }
0x1: {  	s0 =	srdreg.scid  }
0x2: {  	s1 =	sshll.u32 s0, $0x4  }
0x3: {  	s4 =	rddreg [dreg:$0x0];
	s0 =	stileid.u32;
	s1 =	sand.u32 $0x10, s1  }
0x4: {  	s7 =	simm.s32 $0x1;
	s8 =	simm.s32 $0x2;
	s2 =	sor.u32 s0, s1  }
0x5: {  	s9 =	simm.s32 $0x0;
	s12 =	simm.s32 $0x0;
	s2 =	sshll.u32 s2, $0x2  }
0x6: {  	s11 =	simm.s32 $0x0;
	s3 =	sadd.s32 $0x100E00, s4;
	s6 =	ssub.s32 $0x800, s2  }
.Ltmp0:
0x7: {  	s4 =	sadd.s32 $0x300E00, s4;
	s5 =	sand.u32 $0x7C, s6;
	(pc) =	sbr.rel .LBB1_1-.Ltmp0, $4  }
0x8: {  	s1 =	rddreg [dreg:$0x1];
	_ =	strace $0x8000004A;
	p0 =	sne.s32 s5, $0x0  }
0x9: {  	s6 =	sshrl.u32 s6, $0x7;
	s5 =	simm.s32 $0x1;
	s7 =	simm.s32 @!p0 $0x0  }
0xa: {  	s10 =	smov.u32 s2;
	[sflag:s5] =	ssyncpa.u1 $0x0;
	s6 =	sadd.s32 s7, s6  }
0xb: {  	[sflag:s8] =	ssyncpa.u1 $0x0;
	s8 =	simm.s32 $0x0;
	s7 =	sadd.s32 $0x1, s6  }
.LBB1_9:
0xc: {  	s14 =	sadd.s32 $0x80, s10  }
0xd: {  	p1 =	sgt.s32 s14, $0x7FF  }
0xe: {  	s14 =	smov.u32 @p1 s2;
	p1 =	sne.s32 s11, s7  }
.Ltmp1:
0xf: {  	p0 =	slt.u32 s11, $0x2;
	(pc) =	sbr.rel @!p1 .LBB1_10-.Ltmp1, $4  }
0x10: {  	s13 =	simm.s32 @!p0 $0x2  }
0x11: {  	s15 =	sadd.s32 $0x1, s11;
	_ =	swait.ge @!p0 [sflag:s13], $0x4000  }
0x12: {  	s12 =	smov.u32 s10;
	s9 =	sadd.s32 $0x8000, s9;
	[sflag:s13] =	ssyncset.done @!p0 $0x0  }
0x13: {  	s11 =	smov.u32 s15;
	s10 =	smov.u32 s14;
	[sflag:s13] =	ssyncadd.s32 @!p0 $0xFFFFC000  }
.LBB1_1:
0x14: {  	p0 =	sge.u32 s11, s6  }
0x15: {  	s13 =	sxor.u32 @!p0 $0xFFFFFFFF, s11  }
0x16: {  	s31 =	sadd.s32 $0xFFFFFFFF, s11;
	s14 =	sshll.u32 @!p0 s10, $0x9;
	s13 =	sshll.u32 @!p0 s13, $0xE  }
0x17: {  	s15 =	simm.s32 @!p0 $0x0;
	s14 =	sadd.s32 @!p0 s3, s14;
	s13 =	sand.u32 @!p0 $0x4000, s13  }
0x18: {  	[tilespmem:s13], [sflag:$0x1] =	stream.linear.gather @!p0 [hbm4b:s14+s15], $0x4000, $0x38;
	[tilespmem:$0x10000] =	vst v63  }
0x19: {  	p0 =	sge.u32 s31, s6  }
.Ltmp2:
0x1a: {  	_ = 	snop;
	(pc) =	sbr.rel @p0 .LBB1_9-.Ltmp2, $1  }
0x1b: {  	_ =	sdelay $0x3  }
0x1c: {  	s13 =	sshrl.u32 s9, $0x1;
	_ =	swait.ge [sflag:s5], $0x4000  }
0x1d: {  	s15 =	sshll.u32 s11, $0xE;
	s16 =	simm.s32 $0x0;
	s14 =	sand.u32 $0x4000, s13  }
0x1e: {  	[sflag:s5] =	ssyncset.done $0x0;
	s15 =	sand.u32 $0x4000, s15;
	s13 =	sor.u32 $0x200, s14  }
0x1f: {  	s14 =	sor.u32 $0x8200, s14;
	[sflag:s5] =	ssyncadd.s32 $0xFFFFC000;
	s15 =	sor.u32 $0x8000, s15  }
.LBB1_3:
0x20: {  	s17 =	smov.u32 s14;
	s18 =	smov.u32 s13;
	s19 =	simm.s32 $0x0  }
.LBB1_4:
0x21: {  	v0 =	vld [tilespmem:s18+$0xFFFFFE70]  }
0x22: {  	v1 =	vld [tilespmem:s18+$0x70]  }
0x23: {  	v2 =	vld [tilespmem:s18+$0x0]  }
0x24: {  	v3 =	vld [tilespmem:s18+$0xFFFFFE10]  }
0x25: {  	v4 =	vld [tilespmem:s18+$0x10]  }
0x26: {  	v5 =	vld [tilespmem:s18+$0xFFFFFE20]  }
0x27: {  	v7 =	vld [tilespmem:s18+$0x20]  }
0x28: {  	v11 =	vld [tilespmem:s18+$0x30];
	v6 =	vunpack.i.l.s16.s32 v0;
	v8 =	vunpack.i.u.s16.s32 v0;
	v9 =	vunpack.i.u.s16.s32 v1  }
0x29: {  	v10 =	vunpack.i.l.s16.s32 v1;
	v0 =	vunpack.i.u.s16.s32 v2;
	v1 =	vunpack.i.l.s16.s32 v2;
	v2 =	vld [tilespmem:s18+$0xFFFFFE30]  }
0x2a: {  	v8 =	vpack.i.b32.b16 v9, v8;
	v9 =	vunpack.i.u.s16.s32 v3;
	v3 =	vunpack.i.l.s16.s32 v3  }
0x2b: {  	v12 =	vld [tilespmem:s18+$0xFFFFFE40];
	v6 =	vpack.i.b32.b16 v10, v6;
	[tilespmem:s17+$0x70] =	vst v8;
	v8 =	vunpack.i.u.s16.s32 v4;
	v4 =	vunpack.i.l.s16.s32 v4  }
0x2c: {  	v13 =	vld [tilespmem:s18+$0x40];
	v10 =	vunpack.i.u.s16.s32 v5;
	v5 =	vunpack.i.l.s16.s32 v5;
	[tilespmem:s17+$0xFFFFFE70] =	vst v6;
	v3 =	vpack.i.b32.b16 v4, v3  }
0x2d: {  	v6 =	vunpack.i.l.s16.s32 v7;
	v4 =	vld [tilespmem:s18+$0xFFFFFE50];
	[tilespmem:s17+$0xFFFFFE10] =	vst v3;
	v3 =	vpack.i.b32.b16 v8, v9;
	v8 =	vunpack.i.u.s16.s32 v7  }
0x2e: {  	v7 =	vunpack.i.l.s16.s32 v11;
	[tilespmem:s17+$0x10] =	vst v3;
	v3 =	vpack.i.b32.b16 v6, v5;
	v9 =	vunpack.i.u.s16.s32 v2;
	v6 =	vld [tilespmem:s18+$0x50]  }
0x2f: {  	v5 =	vunpack.i.l.s16.s32 v2;
	v2 =	vld [tilespmem:s18+$0xFFFFFE60];
	[tilespmem:s17+$0xFFFFFE20] =	vst v3;
	v3 =	vpack.i.b32.b16 v8, v10;
	v10 =	vunpack.i.u.s16.s32 v11  }
0x30: {  	s22 =	simm.s32 $0x0;
	v11 =	vpack.i.b32.b16 v7, v5;
	v7 =	vunpack.i.u.s16.s32 v12;
	v8 =	vunpack.i.l.s16.s32 v12;
	[tilespmem:s17+$0x20] =	vst v3;
	v3 =	vld [tilespmem:s18+$0x60]  }
0x31: {  	s23 =	sadd.s32 $0x80, s18;
	s21 =	smov.u32 s17;
	s20 =	smov.u32 s17;
	v5 =	vld [tilespmem:s18+$0xFFFFFE00];
	[tilespmem:s17+$0xFFFFFE30] =	vst v11;
	v10 =	vpack.i.b32.b16 v10, v9;
	v9 =	vunpack.i.u.s16.s32 v13;
	v11 =	vunpack.i.l.s16.s32 v13  }
.LBB1_5:
0x32: {  	v12 =	vld [tilespmem:s23+$0xFFFFFE70];
	[tilespmem:s21+$0x30] =	vst v10;
	v8 =	vpack.i.b32.b16 v11, v8;
	v10 =	vunpack.i.u.s16.s32 v4;
	v4 =	vunpack.i.l.s16.s32 v4  }
0x33: {  	s22 =	sadd.s32 $0x2, s22;
	v7 =	vpack.i.b32.b16 v9, v7;
	v11 =	vld [tilespmem:s23+$0x70];
	[tilespmem:s21+$0xFFFFFE40] =	vst v8;
	v8 =	vunpack.i.u.s16.s32 v6;
	v6 =	vunpack.i.l.s16.s32 v6  }
0x34: {  	p0 =	slt.u32 s22, $0x6;
	v9 =	vld [tilespmem:s23+$0x0];
	[tilespmem:s21+$0x40] =	vst v7;
	v4 =	vpack.i.b32.b16 v6, v4;
	v6 =	vunpack.i.u.s16.s32 v2;
	v2 =	vunpack.i.l.s16.s32 v2  }
0x35: {  	v7 =	vld [tilespmem:s23+$0xFFFFFE10];
	[tilespmem:s21+$0xFFFFFE50] =	vst v4;
	v4 =	vpack.i.b32.b16 v8, v10;
	v8 =	vunpack.i.u.s16.s32 v3;
	v3 =	vunpack.i.l.s16.s32 v3  }
0x36: {  	v10 =	vld [tilespmem:s23+$0x10];
	v13 =	vunpack.i.u.s16.s32 v5;
	v5 =	vunpack.i.l.s16.s32 v5;
	[tilespmem:s21+$0x50] =	vst v4;
	v2 =	vpack.i.b32.b16 v3, v2  }
0x37: {  	v3 =	vld [tilespmem:s23+$0xFFFFFE20];
	v4 =	vunpack.i.l.s16.s32 v12;
	v1 =	vpack.i.b32.b16 v1, v5;
	v5 =	vpack.i.b32.b16 v0, v13;
	[tilespmem:s21+$0xFFFFFE60] =	vst v2  }
0x38: {  	v12 =	vunpack.i.u.s16.s32 v12;
	v2 =	vld [tilespmem:s23+$0x20];
	v13 =	vunpack.i.u.s16.s32 v11;
	v11 =	vunpack.i.l.s16.s32 v11;
	[tilespmem:s21+$0xFFFFFE00] =	vst v1  }
0x39: {  	s21 =	sadd.s32 $0x400, s21;
	v0 =	vunpack.i.u.s16.s32 v9;
	v1 =	vunpack.i.l.s16.s32 v9;
	v9 =	vld [tilespmem:s23+$0xFFFFFE30];
	v12 =	vpack.i.b32.b16 v13, v12;
	[tilespmem:s20+$0x0] =	vst v5  }
0x3a: {  	v6 =	vpack.i.b32.b16 v8, v6;
	v5 =	vunpack.i.u.s16.s32 v7;
	v7 =	vunpack.i.l.s16.s32 v7;
	v13 =	vld [tilespmem:s23+$0x30];
	[tilespmem:s21+$0x70] =	vst v12  }
0x3b: {  	v4 =	vpack.i.b32.b16 v11, v4;
	v8 =	vunpack.i.u.s16.s32 v10;
	v10 =	vunpack.i.l.s16.s32 v10;
	v12 =	vld [tilespmem:s23+$0xFFFFFE40];
	[tilespmem:s20+$0x60] =	vst v6;
	s20 =	smov.u32 s21  }
0x3c: {  	v6 =	vpack.i.b32.b16 v10, v7;
	v7 =	vunpack.i.u.s16.s32 v3;
	v3 =	vunpack.i.l.s16.s32 v3;
	v11 =	vld [tilespmem:s23+$0x40];
	[tilespmem:s21+$0xFFFFFE70] =	vst v4  }
.Ltmp3:
0x3d: {  	v5 =	vpack.i.b32.b16 v8, v5;
	[tilespmem:s21+$0xFFFFFE10] =	vst v6;
	v8 =	vunpack.i.u.s16.s32 v2;
	v2 =	vunpack.i.l.s16.s32 v2;
	v4 =	vld [tilespmem:s23+$0xFFFFFE50];
	(pc) =	sbr.rel @p0 .LBB1_5-.Ltmp3, $4  }
0x3e: {  	[tilespmem:s21+$0x10] =	vst v5;
	v2 =	vpack.i.b32.b16 v2, v3;
	v10 =	vunpack.i.u.s16.s32 v9;
	v3 =	vunpack.i.l.s16.s32 v9;
	v6 =	vld [tilespmem:s23+$0x50]  }
0x3f: {  	v5 =	vpack.i.b32.b16 v8, v7;
	[tilespmem:s21+$0xFFFFFE20] =	vst v2;
	v9 =	vunpack.i.u.s16.s32 v13;
	v7 =	vunpack.i.l.s16.s32 v13;
	v2 =	vld [tilespmem:s23+$0xFFFFFE60]  }
0x40: {  	[tilespmem:s21+$0x20] =	vst v5;
	v13 =	vpack.i.b32.b16 v7, v3;
	v7 =	vunpack.i.u.s16.s32 v12;
	v8 =	vunpack.i.l.s16.s32 v12;
	v3 =	vld [tilespmem:s23+$0x60]  }
0x41: {  	v10 =	vpack.i.b32.b16 v9, v10;
	v5 =	vld [tilespmem:s23+$0xFFFFFE00];
	[tilespmem:s21+$0xFFFFFE30] =	vst v13;
	v9 =	vunpack.i.u.s16.s32 v11;
	v11 =	vunpack.i.l.s16.s32 v11;
	s23 =	sadd.s32 $0x80, s23  }
0x42: {  	[tilespmem:s21+$0x30] =	vst v10;
	v8 =	vpack.i.b32.b16 v11, v8  }
0x43: {  	v51 =	vunpack.i.l.s16.s32 v4;
	v7 =	vpack.i.b32.b16 v9, v7;
	[tilespmem:s21+$0xFFFFFE40] =	vst v8;
	v52 =	vunpack.i.l.s16.s32 v6  }
0x44: {  	v53 =	vunpack.i.u.s16.s32 v4;
	v54 =	vunpack.i.u.s16.s32 v6;
	[tilespmem:s21+$0x40] =	vst v7;
	v55 =	vpack.i.b32.b16 v52, v51  }
0x45: {  	p0 =	slt.u32 s19, $0x6;
	v56 =	vunpack.i.l.s16.s32 v2;
	v4 =	vpack.i.b32.b16 v54, v53;
	[tilespmem:s21+$0xFFFFFE50] =	vst v55;
	v57 =	vunpack.i.l.s16.s32 v3  }
.Ltmp4:
0x46: {  	[tilespmem:s21+$0x50] =	vst v4;
	v58 =	vunpack.i.l.s16.s32 v5;
	v59 =	vpack.i.b32.b16 v57, v56;
	(pc) =	sbr.rel @p0 .LBB1_4-.Ltmp4, $4  }
0x47: {  	v61 =	vunpack.i.u.s16.s32 v2;
	v62 =	vunpack.i.u.s16.s32 v3;
	v1 =	vpack.i.b32.b16 v1, v58;
	[tilespmem:s21+$0xFFFFFE60] =	vst v59  }
0x48: {  	v60 =	vunpack.i.u.s16.s32 v5;
	v63 =	vpack.i.b32.b16 v62, v61;
	[tilespmem:s21+$0xFFFFFE00] =	vst v1  }
0x49: {  	s31 =	sadd.s32 $0x2, s19;
	v0 =	vpack.i.b32.b16 v0, v60;
	[tilespmem:s20+$0x60] =	vst v63  }
0x4a: {  	s18 =	sadd.s32 $0x400, s18;
	s17 =	sadd.s32 $0x80, s17;
	s19 =	smov.u32 s31;
	[tilespmem:s20+$0x0] =	vst v0  }
0x4b: {  	s16 =	sadd.s32 $0x1, s16  }
0x4c: {  	p0 =	sne.s32 s16, $0x4  }
.Ltmp5:
0x4d: {  	_ = 	snop;
	(pc) =	sbr.rel @p0 .LBB1_3-.Ltmp5, $2  }
0x4e: {  	_ =	sdelay $0x2  }
0x4f: {  	s13 =	sadd.s32 $0x1000, s13;
	s14 =	sadd.s32 $0x1000, s14  }
.Ltmp6:
0x50: {  	(pc) =	sbr.rel .LBB1_9-.Ltmp6, $4  }
0x51: {  	_ = 	snop  }
0x52: {  	s12 =	sshll.u32 s12, $0x9  }
0x53: {  	s12 =	sadd.s32 s4, s12  }
0x54: {  	[hbm4b:s12+s8] =	stream.linear.scatter [tilespmem:s15], [sflag:$0x2], $0x4000, $0x38;
	[tilespmem:$0x10000] =	vst v63  }
.LBB1_10:
0x55: {  	_ =	sfence.sel $0x180000  }
0x56: {  	s2 =	simm.s32 $0x1;
	[bflag:$0x0] =	sbarrier.arrive $0xFFFF  }
0x57: {  	s31 =	simm.s32 $0x2;
	[sflag:s2] =	ssyncpa.u1 $0x1  }
0x58: {  	[sflag:s31] =	ssyncpa.u1 $0x1  }
0x59: {  	p0 =	sne.s32 s0, $0x0;
	_ =	strace $0x9000004A  }
0x5a: {  	s0 =	sadd.s32 @!p0 $0x100000, s1;
	[bflag:$0x2] =	sbarrier.arrive $0xFFFF  }
0x5b: {  	[sflag:s0] =	ssyncadd.tile.s32 @!p0 $0x1;
	_ =	shalt  }
.Lfunc_end1:
_tile_overlayer_lowered:
.L_overlay_start_2:
0x5c: {  	(tag) =	ssettag $0x2  }
0x5d: {  	s0 =	rddreg [dreg:$0x0];
	s2 =	stileid.u32  }
0x5e: {  	s1 =	rddreg [dreg:$0x1];
	p0 =	sne.s32 s2, $0x0  }
0x5f: {  	s3 =	rddreg [dreg:$0x2];
	[bflag:$0x3] =	sbarrier.arrive $0xFFFF;
	s2 =	simm.s32 @!p0 $0x1C01  }
0x60: {  	[timem:s3], [sflag:s2] =	dma.local @!p0 [hbm:s0], s1  }
0x61: {  	s0 =	simm.s32 @!p0 $0x1  }
0x62: {  	_ =	swait.ge @!p0 [sflag:s0], s1  }
0x63: {  	s1 =	ssub.s32 @!p0 $0x0, s1;
	[sflag:s0] =	ssyncset.done @!p0 $0x0  }
0x64: {  	[sflag:s0] =	ssyncadd.s32 @!p0 s1  }
0x65: {  	[bflag:$0x3] =	sbarrier.arrive $0xFFFF  }
0x66: {  	_ =	shalt  }

</sc_bundles>
